<compile_context>
chip_gen: v7x
topology: tpu7x:2x2x1
jax: 0.10.2.dev20260603
libtpu: 0.0.44.dev20260713+nightly
codegen_flags: <defaults>
</compile_context>

<pallas_src>
import functools

import jax
import jax.numpy as jnp
from jax import lax
from jax.experimental import pallas as pl
from jax.experimental.pallas import tpu as pltpu
from jax.experimental.pallas import tpu_sc as plsc

EMB = 64
N = 50000
E = 800000
EPAD = 802816
NPAD = 50176
NROWS = EPAD // 128
NW = 32

EPW = EPAD // NW
GB = 512
NGB = EPW // GB
EPT = EPAD // 16
SB = 1024
NSB = EPT // SB
NPT = NPAD // 16
HCH = NPT // 2

RB_N = 2000
RB_E = 2048

_f32 = jnp.float32


def _sc_mesh():
    return plsc.VectorSubcoreMesh(core_axis_name="c", subcore_axis_name="s")


_SC_PARAMS = pltpu.CompilerParams(use_tc_tiling_on_sc=False)



def _sc_gather(a, b, dst1, src1):

    @functools.partial(
        pl.kernel,
        out_type=jax.ShapeDtypeStruct((EPAD, EMB), _f32),
        mesh=_sc_mesh(),
        compiler_params=_SC_PARAMS,
        scratch_types=[
            pltpu.VMEM((GB,), jnp.int32),
            pltpu.VMEM((GB,), jnp.int32),
            pltpu.VMEM((GB, EMB), _f32),
            pltpu.VMEM((GB, EMB), _f32),
            pltpu.SemaphoreType.DMA,
        ],
    )
    def k(a_hbm, b_hbm, d_hbm, s_hbm, o_hbm, di, si, ba, bb, sem):
        c = lax.axis_index("c")
        s = lax.axis_index("s")
        wid = s * 2 + c
        ebase = wid * EPW

        @pl.loop(0, NGB)
        def _(g):
            eb = ebase + g * GB
            pltpu.sync_copy(d_hbm.at[pl.ds(eb, GB)], di)
            pltpu.sync_copy(s_hbm.at[pl.ds(eb, GB)], si)
            cpa = pltpu.async_copy(a_hbm.at[di], ba, sem)
            cpb = pltpu.async_copy(b_hbm.at[si], bb, sem)
            cpa.wait()
            cpb.wait()

            @pl.loop(0, GB)
            def _(r):
                for d in range(EMB // 16):
                    sl = pl.ds(d * 16, 16)
                    ba[r, sl] = ba[r, sl] + bb[r, sl]

            pltpu.sync_copy(ba, o_hbm.at[pl.ds(eb, GB)])

    return k(a, b, dst1, src1)


def _sc_scatter(y2, dst2):

    @functools.partial(
        pl.kernel,
        out_type=jax.ShapeDtypeStruct((2, NPAD, 16), _f32),
        mesh=_sc_mesh(),
        compiler_params=_SC_PARAMS,
        scratch_types=[
            pltpu.VMEM((SB,), jnp.int32),
            pltpu.VMEM((SB, 16), _f32),
            pltpu.VMEM((NPT, 16), _f32),
            pltpu.VMEM_SHARED((NPAD, 16), _f32),
        ],
    )
    def k(y_hbm, d_hbm, o_hbm, di, ub, cb, acc):
        c = lax.axis_index("c")
        s = lax.axis_index("s")

        @pl.loop(0, NPT)
        def _(r):
            cb[r, pl.ds(0, 16)] = jnp.zeros((16,), _f32)

        pltpu.sync_copy(cb, acc.at[pl.ds(s * NPT, NPT)])
        plsc.subcore_barrier()

        ebase = s * EPT

        @pl.loop(0, NSB)
        def _(g):
            pltpu.sync_copy(d_hbm.at[pl.ds(ebase + g * SB, SB)], di)
            pltpu.sync_copy(y_hbm.at[c, pl.ds(ebase + g * SB, SB)], ub)
            pltpu.sync_copy(ub, acc.at[di], add=True)

        plsc.subcore_barrier()
        pltpu.sync_copy(acc.at[pl.ds(s * NPT, NPT)], cb)
        pltpu.sync_copy(cb, o_hbm.at[c, pl.ds(s * NPT, NPT)])

    return k(y2, dst2)



def _full(shape):
    return pl.BlockSpec(shape, lambda i: tuple(0 for _ in shape))


def _dot(a, b):
    return jnp.dot(a, b, preferred_element_type=_f32)


def _ln(x, g, b):
    mu = jnp.mean(x, axis=1, keepdims=True)
    var = jnp.mean((x - mu) ** 2, axis=1, keepdims=True)
    return (x - mu) / jnp.sqrt(var + 1e-5) * g + b


def _tc_proj(x, p):
    f = x.shape[1]

    def body(x_ref, g_ref, b_ref, w1_ref, b1_ref, w2_ref, b2_ref, o_ref):
        xn = _ln(x_ref[...], g_ref[...], b_ref[...])
        h = jnp.maximum(_dot(xn, w1_ref[...]) + b1_ref[...], 0.)
        o_ref[...] = jnp.maximum(_dot(h, w2_ref[...])
                                 + b2_ref[...], 0.)

    return pl.pallas_call(
        body,
        grid=(N // RB_N,),
        in_specs=[pl.BlockSpec((RB_N, f), lambda i: (i, 0)),
                  _full((1, f)), _full((1, f)),
                  _full((f, EMB)), _full((1, EMB)),
                  _full((EMB, EMB)), _full((1, EMB))],
        out_specs=pl.BlockSpec((RB_N, EMB), lambda i: (i, 0)),
        out_shape=jax.ShapeDtypeStruct((N, EMB), _f32),
    )(x, p['ln_g'].reshape(1, f), p['ln_b'].reshape(1, f),
      p['l1']['W'], p['l1']['b'].reshape(1, EMB),
      p['l2']['W'], p['l2']['b'].reshape(1, EMB))


def _tc_pre(right, left, wl, bl, c_e, wr):
    def body(r_ref, l_ref, wl_ref, bl_ref, ce_ref, wr_ref, a_ref, b_ref):
        a_ref[...] = (_dot(r_ref[...], wl_ref[...]) + bl_ref[...]) + ce_ref[...]
        b_ref[...] = _dot(l_ref[...], wr_ref[...])

    return pl.pallas_call(
        body,
        grid=(N // RB_N,),
        in_specs=[pl.BlockSpec((RB_N, EMB), lambda i: (i, 0)),
                  pl.BlockSpec((RB_N, EMB), lambda i: (i, 0)),
                  _full((EMB, EMB)), _full((1, EMB)), _full((1, EMB)),
                  _full((EMB, EMB))],
        out_specs=[pl.BlockSpec((RB_N, EMB), lambda i: (i, 0)),
                   pl.BlockSpec((RB_N, EMB), lambda i: (i, 0))],
        out_shape=[jax.ShapeDtypeStruct((N, EMB), _f32),
                   jax.ShapeDtypeStruct((N, EMB), _f32)],
    )(right, left, wl, bl, c_e, wr)


RB_M = 2048


def _tc_mid(msum_v, g, b, wf, bf):
    nb = (EPAD // 8) // RB_M

    def body(x0_ref, x1_ref, x2_ref, x3_ref,
             g_ref, b_ref, wf_ref, bf_ref, oa_ref, ob_ref):
        for k, x_ref in enumerate((x0_ref, x1_ref, x2_ref, x3_ref)):
            x = x_ref[...]
            for h, xe in enumerate((x[:, :EMB], x[:, EMB:])):
                y = jnp.maximum(_ln(xe, g_ref[...], b_ref[...]), 0.)
                m = _dot(y, wf_ref[...]) + bf_ref[...]
                sl = pl.ds((2 * k + h) * 16, 16)
                oa_ref[0, :, sl] = m[:, 0:16]
                oa_ref[1, :, sl] = m[:, 16:32]
                ob_ref[0, :, sl] = m[:, 32:48]
                ob_ref[1, :, sl] = m[:, 48:64]

    qspec = pl.BlockSpec((2, RB_M, 128), lambda i: (0, i, 0))
    qshape = jax.ShapeDtypeStruct((2, EPAD // 8, 128), _f32)

    def ins(k):
        return pl.BlockSpec((RB_M, 128), lambda i, k=k: (k * nb + i, 0))

    return pl.pallas_call(
        body,
        grid=(nb,),
        in_specs=[ins(0), ins(1), ins(2), ins(3),
                  _full((1, EMB)), _full((1, EMB)),
                  _full((EMB, EMB)), _full((1, EMB))],
        out_specs=[qspec, qspec],
        out_shape=[qshape, qshape],
    )(msum_v, msum_v, msum_v, msum_v,
      g.reshape(1, EMB), b.reshape(1, EMB), wf, bf.reshape(1, EMB))


def _tc_post(s_a, s_b, right, p):
    w1 = p['out1']['W']

    def body(q0_ref, q1_ref, q2_ref, q3_ref, r_ref,
             pg_ref, pb_ref, w1h_ref, w1r_ref, b1_ref, w2_ref, b2_ref, o_ref):
        agg = jnp.concatenate(
            [q0_ref[0], q1_ref[0], q2_ref[0], q3_ref[0]], axis=1)
        h = _ln(agg, pg_ref[...], pb_ref[...])
        z = jnp.maximum(
            _dot(h, w1h_ref[...])
            + _dot(r_ref[...], w1r_ref[...])
            + b1_ref[...], 0.)
        o_ref[...] = _dot(z, w2_ref[...]) + b2_ref[...]

    def qs(q):
        return pl.BlockSpec((1, RB_N, 16), lambda i, q=q: (q, i, 0))

    return pl.pallas_call(
        body,
        grid=(N // RB_N,),
        in_specs=[qs(0), qs(1), qs(0), qs(1),
                  pl.BlockSpec((RB_N, EMB), lambda i: (i, 0)),
                  _full((1, EMB)), _full((1, EMB)),
                  _full((EMB, EMB)), _full((EMB, EMB)), _full((1, EMB)),
                  _full((EMB, EMB)), _full((1, EMB))],
        out_specs=pl.BlockSpec((RB_N, EMB), lambda i: (i, 0)),
        out_shape=jax.ShapeDtypeStruct((N, EMB), _f32),
    )(s_a, s_a, s_b, s_b, right,
      p['post_g'].reshape(1, EMB), p['post_b'].reshape(1, EMB),
      w1[:EMB], w1[EMB:], p['out1']['b'].reshape(1, EMB),
      p['out2']['W'], p['out2']['b'].reshape(1, EMB))


def _tc_head(x, p, softplus):
    def body(x_ref, w1_ref, b1_ref, w2_ref, o_ref):
        h = jnp.maximum(_dot(x_ref[...], w1_ref[...]) + b1_ref[...], 0.)
        y = jnp.sum(h * w2_ref[...], axis=1, keepdims=True)
        if softplus:
            y = jnp.maximum(y, 0.) + jnp.log(1. + jnp.exp(-jnp.abs(y)))
        o_ref[...] = y

    return pl.pallas_call(
        body,
        grid=(N // RB_N,),
        in_specs=[pl.BlockSpec((RB_N, EMB), lambda i: (i, 0)),
                  _full((EMB, EMB)), _full((1, EMB)), _full((1, EMB))],
        out_specs=pl.BlockSpec((RB_N, 1), lambda i: (i, 0)),
        out_shape=jax.ShapeDtypeStruct((N, 1), _f32),
    )(x, p['l1']['W'], p['l1']['b'].reshape(1, EMB),
      p['l2']['W'].reshape(1, EMB))



def _conv(left, right, p, g_dst, g_src, s_dst, c_e, e_row):
    a, b = _tc_pre(right, left, p['left']['W'], p['left']['b'].reshape(1, EMB),
                   c_e, p['right']['W'])
    msum = _sc_gather(a, b, g_dst, g_src)
    m_a, m_b = _tc_mid(msum.reshape(EPAD // 2, 128),
                       p['fin_ln_g'], p['fin_ln_b'],
                       p['fin_l']['W'], p['fin_l']['b'])
    s_a = _sc_scatter(m_a.reshape(2, EPAD, 16), s_dst)
    s_b = _sc_scatter(m_b.reshape(2, EPAD, 16), s_dst)
    return _tc_post(s_a[:, :N], s_b[:, :N], right, p)


def kernel(constraint_features, edge_indices, edge_features, variable_features,
           params):
    del edge_features
    ei = edge_indices.astype(jnp.int32)
    d0, d1 = ei[0], ei[1]

    pad0 = jnp.zeros((EPAD - E,), jnp.int32)
    padn = jnp.full((EPAD - E,), N, jnp.int32)
    g0 = jnp.concatenate([d0, pad0])
    g1 = jnp.concatenate([d1, pad0])

    def sperm(d):
        e = jnp.concatenate([d, padn]).reshape(4, EPAD // 8, 2)
        return e.transpose(1, 0, 2).reshape(EPAD)

    s0 = sperm(d0)
    s1 = sperm(d1)

    ep = params['edge_proj']
    t = ep['ln_b'].reshape(1, 1)
    h1 = jax.nn.relu(_dot(t, ep['l1']['W']) + ep['l1']['b'].reshape(1, EMB))
    e_row = jax.nn.relu(_dot(h1, ep['l2']['W'])
                        + ep['l2']['b'].reshape(1, EMB))

    c = _tc_proj(constraint_features, params['cons_proj'])
    v = _tc_proj(variable_features, params['var_proj'])

    def ce(p):
        return _dot(e_row, p['edge']['W'])

    c = _conv(v, c, params['v_to_c'], g0, g1, s0, ce(params['v_to_c']), e_row)
    v = _conv(c, v, params['c_to_v'], g1, g0, s1, ce(params['c_to_v']), e_row)
    c = _conv(v, c, params['v_to_c2'], g0, g1, s0,
              ce(params['v_to_c2']), e_row)
    v = _conv(c, v, params['c_to_v2'], g1, g0, s1,
              ce(params['c_to_v2']), e_row)

    x_all = _tc_head(v, params['var_head'], softplus=False)[:, 0]
    lam_all = _tc_head(c, params['cons_head'], softplus=True)[:, 0]
    return (x_all, lam_all)

# --- scband reference (transcript-rebuilt; emitter-appended) ---
"""Pipeline reference for scband-gnnpolicy-17154099380396 (READ-ONLY COPY).

The authoritative reference and input builder live on the scoring server;
editing this copy changes nothing except your own understanding.
"""

import jax, jax.numpy as jnp
import numpy as np

EMB = 64
N_CONS = 50000
N_VARS = 50000
N_EDGES = 800000


def _layer_norm(x, g, b, eps=1e-5):
    mu = jnp.mean(x, axis=-1, keepdims=True)
    var = jnp.var(x, axis=-1, keepdims=True)
    return (x - mu) / jnp.sqrt(var + eps) * g + b


def _linear(x, p):
    y = x @ p['W']
    if 'b' in p:
        y = y + p['b']
    return y


def _proj(x, p):
    # torch: LayerNorm(in) -> Linear(in, EMB) -> ReLU -> Linear(EMB, EMB) -> ReLU
    x = _layer_norm(x, p['ln_g'], p['ln_b'])
    x = jax.nn.relu(_linear(x, p['l1']))
    x = jax.nn.relu(_linear(x, p['l2']))
    return x


def _bgconv(left, edge_idx, e, right, p):
    # BipartiteGraphConvolution with 'add' aggregation (PyG source_to_target flow):
    # x_j = left[edge_idx[0]] (source), x_i = right[edge_idx[1]] (target)
    src = edge_idx[0]
    dst = edge_idx[1]
    x_i = jnp.take(right, dst, axis=0)
    x_j = jnp.take(left, src, axis=0)
    m = _linear(x_i, p['left']) + _linear(e, p['edge']) + _linear(x_j, p['right'])
    m = _layer_norm(m, p['fin_ln_g'], p['fin_ln_b'])
    m = jax.nn.relu(m)
    m = _linear(m, p['fin_l'])
    agg = jax.ops.segment_sum(m, dst, num_segments=right.shape[0])
    h = _layer_norm(agg, p['post_g'], p['post_b'])
    z = jnp.concatenate([h, right], axis=-1)
    z = jax.nn.relu(_linear(z, p['out1']))
    return _linear(z, p['out2'])


def _head(x, p):
    return _linear(jax.nn.relu(_linear(x, p['l1'])), p['l2'])


def _forward(cons, edge_idx, ef, var, params):
    rev = jnp.stack([edge_idx[1], edge_idx[0]], axis=0)
    c = _proj(cons, params['cons_proj'])
    v = _proj(var, params['var_proj'])
    e = _proj(ef, params['edge_proj'])
    c = _bgconv(v, rev, e, c, params['v_to_c'])
    v = _bgconv(c, edge_idx, e, v, params['c_to_v'])
    c = _bgconv(v, rev, e, c, params['v_to_c2'])
    v = _bgconv(c, edge_idx, e, v, params['c_to_v2'])
    x_all = jnp.squeeze(_head(v, params['var_head']), -1)
    lam_all = jax.nn.softplus(jnp.squeeze(_head(c, params['cons_head']), -1))
    return (x_all, lam_all)


def make_params(key):
    cnt = [0]

    def nk():
        cnt[0] += 1
        return jax.random.fold_in(key, cnt[0])

    def lin(fin, fout, bias=True):
        p = {'W': jax.random.normal(nk(), (fin, fout), dtype=jnp.float32) / np.sqrt(fin)}
        if bias:
            p['b'] = jnp.zeros((fout,), jnp.float32)
        return p

    def proj(fin):
        return {'ln_g': jnp.ones((fin,), jnp.float32), 'ln_b': jnp.zeros((fin,), jnp.float32),
                'l1': lin(fin, EMB), 'l2': lin(EMB, EMB)}

    def conv():
        return {'left': lin(EMB, EMB), 'edge': lin(EMB, EMB, False), 'right': lin(EMB, EMB, False),
                'fin_ln_g': jnp.ones((EMB,), jnp.float32), 'fin_ln_b': jnp.zeros((EMB,), jnp.float32),
                'fin_l': lin(EMB, EMB),
                'post_g': jnp.ones((EMB,), jnp.float32), 'post_b': jnp.zeros((EMB,), jnp.float32),
                'out1': lin(2 * EMB, EMB), 'out2': lin(EMB, EMB)}

    def head():
        return {'l1': lin(EMB, EMB), 'l2': lin(EMB, 1, False)}

    return {'cons_proj': proj(4), 'var_proj': proj(18), 'edge_proj': proj(1),
            'v_to_c': conv(), 'c_to_v': conv(), 'v_to_c2': conv(), 'c_to_v2': conv(),
            'var_head': head(), 'cons_head': head()}


def setup_inputs(seed: int = 0):
    key = jax.random.key(seed)
    k1, k2, k3, k4, k5 = jax.random.split(key, 5)
    return {
        'constraint_features': jax.random.normal(k1, (N_CONS, 4), dtype=jnp.float32),
        'edge_indices': jax.random.randint(k2, (2, N_EDGES), 0, N_CONS),
        'edge_features': jax.random.normal(k3, (N_EDGES, 1), dtype=jnp.float32),
        'variable_features': jax.random.normal(k4, (N_VARS, 18), dtype=jnp.float32),
        'params': make_params(k5),
    }


def reference(constraint_features, edge_indices, edge_features, variable_features, params):
    return _forward(constraint_features, edge_indices, edge_features, variable_features, params)

if __name__ == "__main__":
    import jax
    _d = setup_inputs()
    print(jax.jit(kernel)(*tuple(_d.values())))

</pallas_src>

<mosaic_0001>
#map = affine_map<(d0, d1) -> (0, 0, 0)>
#map1 = affine_map<(d0, d1) -> (0)>
module attributes {stable_mosaic.version = 14 : i64} {
  func.func @k(%arg0: i32, %arg1: i32, %arg2: memref<2x802816x16xf32, #tpu.memory_space<hbm>>, %arg3: memref<802816xi32, #tpu.memory_space<hbm>>, %arg4: memref<2x50176x16xf32, #tpu.memory_space<hbm>>, %arg5: memref<1024xi32, #tpu.memory_space<vmem>>, %arg6: memref<1024x16xf32, #tpu.memory_space<vmem>>, %arg7: memref<3136x16xf32, #tpu.memory_space<vmem>>, %arg8: memref<50176x16xf32, #tpu.memory_space<vmem_shared>>) attributes {dimension_semantics = [#tpu.dimension_semantics<core_parallel>, #tpu.dimension_semantics<subcore_parallel>], iteration_bounds = array<i64: 2, 16>, scalar_prefetch = 0 : i64, scratch_operands = 4 : i64, tpu.core_type = #tpu.core_type<sc_vector_subcore>, window_params = [{transform_indices = #map}, {transform_indices = #map1}, {transform_indices = #map}]} {
    %scan3A = arith.constant 0 : i32
    %scan3A_0 = arith.constant 3136 : i32
    %scan3A_1 = arith.addi %scan3A, %scan3A_0 : i32
    %scan3A_2 = arith.constant 1 : i32
    scf.for %scan3A_17 = %scan3A to %scan3A_1 step %scan3A_2  : i32 {
      %mul3A_18 = arith.constant 1 : i32
      %mul3A_19 = arith.muli %scan3A_17, %mul3A_18 : i32
      %add3A = arith.constant 0 : i32
      %add3A_20 = arith.addi %add3A, %mul3A_19 : i32
      %broadcast_in_dim3A = arith.constant 0.000000e+00 : f32
      %broadcast_in_dim3A_21 = vector.broadcast %broadcast_in_dim3A : f32 to vector<16xf32>
      %swap3A = arith.index_cast %add3A_20 : i32 to index
      %swap3A_22 = arith.constant 0 : index
      %swap3A_23 = tpu.vector_load %arg7[%swap3A, %swap3A_22] {strides = array<i32>} : memref<3136x16xf32, #tpu.memory_space<vmem>>, vector<1x16xf32>,
      %swap3A_24 = vector.shape_cast %swap3A_23 : vector<1x16xf32> to vector<16xf32>
      %swap3A_25 = vector.shape_cast %broadcast_in_dim3A_21 : vector<16xf32> to vector<1x16xf32>
      tpu.vector_store %arg7[%swap3A, %swap3A_22], %swap3A_25 {strides = array<i32>} : memref<3136x16xf32, #tpu.memory_space<vmem>>, vector<1x16xf32>,
    }
    %scan3A_3 = arith.constant 3136 : i32
    %mul3A = arith.constant 3136 : i32
    %mul3A_4 = arith.muli %arg1, %mul3A : i32
    "tpu.region"() ({
      %run_scoped3A = tpu.sem_alloc : memref<!tpu.dma_semaphore, #tpu.memory_space<semaphore_mem>>
      %dma_start3A = arith.constant 0 : i32
      %dma_start3A_17 = tpu.memref_slice %arg8[%mul3A_4, %dma_start3A] : memref<50176x16xf32, #tpu.memory_space<vmem_shared>> -> memref<3136x16xf32, #tpu.memory_space<vmem_shared>>
      %dma_start3A_18 = arith.constant 0 : i32
      %dma_start3A_19 = tpu.memref_slice %arg8[%mul3A_4, %dma_start3A_18] : memref<50176x16xf32, #tpu.memory_space<vmem_shared>> -> memref<3136x16xf32, #tpu.memory_space<vmem_shared>>
      tpu.enqueue_dma source(%arg7 : memref<3136x16xf32, #tpu.memory_space<vmem>>) target(%dma_start3A_19 : memref<3136x16xf32, #tpu.memory_space<vmem_shared>>) target_semaphore(%run_scoped3A : memref<!tpu.dma_semaphore, #tpu.memory_space<semaphore_mem>>)
      %dma_wait3A = arith.constant 0 : i32
      %dma_wait3A_20 = tpu.memref_slice %arg8[%mul3A_4, %dma_wait3A] : memref<50176x16xf32, #tpu.memory_space<vmem_shared>> -> memref<3136x16xf32, #tpu.memory_space<vmem_shared>>
      %dma_wait3A_21 = arith.constant 0 : i32
      %dma_wait3A_22 = tpu.memref_slice %arg8[%mul3A_4, %dma_wait3A_21] : memref<50176x16xf32, #tpu.memory_space<vmem_shared>> -> memref<3136x16xf32, #tpu.memory_space<vmem_shared>>
      tpu.wait_dma2 semaphore(%run_scoped3A : memref<!tpu.dma_semaphore, #tpu.memory_space<semaphore_mem>>) src(%arg7 : memref<3136x16xf32, #tpu.memory_space<vmem>>) dst(%dma_wait3A_22 : memref<3136x16xf32, #tpu.memory_space<vmem_shared>>)
      tpu.yield
    }) : () -> ()
    %barrier3A = arith.constant 0 : index
    tpu.barrier barrier_id(%barrier3A)
    %mul3A_5 = arith.constant 50176 : i32
    %mul3A_6 = arith.muli %arg1, %mul3A_5 : i32
    %scan3A_7 = arith.constant 0 : i32
    %scan3A_8 = arith.constant 49 : i32
    %scan3A_9 = arith.addi %scan3A_7, %scan3A_8 : i32
    %scan3A_10 = arith.constant 1 : i32
    scf.for %scan3A_17 = %scan3A_7 to %scan3A_9 step %scan3A_10  : i32 {
      %mul3A_18 = arith.constant 1 : i32
      %mul3A_19 = arith.muli %scan3A_17, %mul3A_18 : i32
      %add3A = arith.constant 0 : i32
      %add3A_20 = arith.addi %add3A, %mul3A_19 : i32
      %mul3A_21 = arith.constant 1024 : i32
      %mul3A_22 = arith.muli %add3A_20, %mul3A_21 : i32
      %add3A_23 = arith.addi %mul3A_6, %mul3A_22 : i32
      "tpu.region"() ({
        %run_scoped3A = tpu.sem_alloc : memref<!tpu.dma_semaphore, #tpu.memory_space<semaphore_mem>>
        %dma_start3A = tpu.memref_slice %arg3[%add3A_23] : memref<802816xi32, #tpu.memory_space<hbm>> -> memref<1024xi32, #tpu.memory_space<hbm>>
        %dma_start3A_27 = tpu.memref_slice %arg3[%add3A_23] : memref<802816xi32, #tpu.memory_space<hbm>> -> memref<1024xi32, #tpu.memory_space<hbm>>
        tpu.enqueue_dma source(%dma_start3A_27 : memref<1024xi32, #tpu.memory_space<hbm>>) target(%arg5 : memref<1024xi32, #tpu.memory_space<vmem>>) target_semaphore(%run_scoped3A : memref<!tpu.dma_semaphore, #tpu.memory_space<semaphore_mem>>)
        %dma_wait3A = tpu.memref_slice %arg3[%add3A_23] : memref<802816xi32, #tpu.memory_space<hbm>> -> memref<1024xi32, #tpu.memory_space<hbm>>
        %dma_wait3A_28 = tpu.memref_slice %arg3[%add3A_23] : memref<802816xi32, #tpu.memory_space<hbm>> -> memref<1024xi32, #tpu.memory_space<hbm>>
        tpu.wait_dma2 semaphore(%run_scoped3A : memref<!tpu.dma_semaphore, #tpu.memory_space<semaphore_mem>>) src(%dma_wait3A_28 : memref<1024xi32, #tpu.memory_space<hbm>>) dst(%arg5 : memref<1024xi32, #tpu.memory_space<vmem>>)
        tpu.yield
      }) : () -> ()
      %mul3A_24 = arith.constant 1024 : i32
      %mul3A_25 = arith.muli %add3A_20, %mul3A_24 : i32
      %add3A_26 = arith.addi %mul3A_6, %mul3A_25 : i32
      "tpu.region"() ({
        %run_scoped3A = tpu.sem_alloc : memref<!tpu.dma_semaphore, #tpu.memory_space<semaphore_mem>>
        %dma_start3A = arith.constant 0 : i32
        %dma_start3A_27 = tpu.memref_slice %arg2[%arg0, %add3A_26, %dma_start3A] : memref<2x802816x16xf32, #tpu.memory_space<hbm>> -> memref<1x1024x16xf32, #tpu.memory_space<hbm>>
        %dma_start3A_28 = tpu.memref_squeeze %dma_start3A_27 : memref<1x1024x16xf32, #tpu.memory_space<hbm>> -> memref<1024x16xf32, #tpu.memory_space<hbm>>
        %dma_start3A_29 = arith.constant 0 : i32
        %dma_start3A_30 = tpu.memref_slice %arg2[%arg0, %add3A_26, %dma_start3A_29] : memref<2x802816x16xf32, #tpu.memory_space<hbm>> -> memref<1x1024x16xf32, #tpu.memory_space<hbm>>
        %dma_start3A_31 = tpu.memref_squeeze %dma_start3A_30 : memref<1x1024x16xf32, #tpu.memory_space<hbm>> -> memref<1024x16xf32, #tpu.memory_space<hbm>>
        tpu.enqueue_dma source(%dma_start3A_31 : memref<1024x16xf32, #tpu.memory_space<hbm>>) target(%arg6 : memref<1024x16xf32, #tpu.memory_space<vmem>>) target_semaphore(%run_scoped3A : memref<!tpu.dma_semaphore, #tpu.memory_space<semaphore_mem>>)
        %dma_wait3A = arith.constant 0 : i32
        %dma_wait3A_32 = tpu.memref_slice %arg2[%arg0, %add3A_26, %dma_wait3A] : memref<2x802816x16xf32, #tpu.memory_space<hbm>> -> memref<1x1024x16xf32, #tpu.memory_space<hbm>>
        %dma_wait3A_33 = tpu.memref_squeeze %dma_wait3A_32 : memref<1x1024x16xf32, #tpu.memory_space<hbm>> -> memref<1024x16xf32, #tpu.memory_space<hbm>>
        %dma_wait3A_34 = arith.constant 0 : i32
        %dma_wait3A_35 = tpu.memref_slice %arg2[%arg0, %add3A_26, %dma_wait3A_34] : memref<2x802816x16xf32, #tpu.memory_space<hbm>> -> memref<1x1024x16xf32, #tpu.memory_space<hbm>>
        %dma_wait3A_36 = tpu.memref_squeeze %dma_wait3A_35 : memref<1x1024x16xf32, #tpu.memory_space<hbm>> -> memref<1024x16xf32, #tpu.memory_space<hbm>>
        tpu.wait_dma2 semaphore(%run_scoped3A : memref<!tpu.dma_semaphore, #tpu.memory_space<semaphore_mem>>) src(%dma_wait3A_36 : memref<1024x16xf32, #tpu.memory_space<hbm>>) dst(%arg6 : memref<1024x16xf32, #tpu.memory_space<vmem>>)
        tpu.yield
      }) : () -> ()
      "tpu.region"() ({
        %run_scoped3A = tpu.sem_alloc : memref<!tpu.dma_semaphore, #tpu.memory_space<semaphore_mem>>
        %dma_start3A = arith.constant 0 : i32
        %dma_start3A_27 = arith.constant 0 : i32
        %dma_start3A_28 = tpu.memref_slice %arg8[%dma_start3A, %dma_start3A_27] : memref<50176x16xf32, #tpu.memory_space<vmem_shared>> -> memref<50176x16xf32, #tpu.memory_space<vmem_shared>>
        tpu.enqueue_indirect_dma source(%arg6 : memref<1024x16xf32, #tpu.memory_space<vmem>>) target(%dma_start3A_28 : memref<50176x16xf32, #tpu.memory_space<vmem_shared>>) offsets(%arg5 : memref<1024xi32, #tpu.memory_space<vmem>>) semaphore(%run_scoped3A : memref<!tpu.dma_semaphore, #tpu.memory_space<semaphore_mem>>) {add = true}
        %dma_wait3A = arith.constant 0 : i32
        %dma_wait3A_29 = arith.constant 0 : i32
        %dma_wait3A_30 = tpu.memref_slice %arg8[%dma_wait3A, %dma_wait3A_29] : memref<50176x16xf32, #tpu.memory_space<vmem_shared>> -> memref<50176x16xf32, #tpu.memory_space<vmem_shared>>
        tpu.wait_indirect_dma semaphore(%run_scoped3A : memref<!tpu.dma_semaphore, #tpu.memory_space<semaphore_mem>>) src(%arg6 : memref<1024x16xf32, #tpu.memory_space<vmem>>) dst(%dma_wait3A_30 : memref<50176x16xf32, #tpu.memory_space<vmem_shared>>)
        tpu.yield
      }) : () -> ()
    }
    %scan3A_11 = arith.constant 49 : i32
    %barrier3A_12 = arith.constant 0 : index
    tpu.barrier barrier_id(%barrier3A_12)
    %mul3A_13 = arith.constant 3136 : i32
    %mul3A_14 = arith.muli %arg1, %mul3A_13 : i32
    "tpu.region"() ({
      %run_scoped3A = tpu.sem_alloc : memref<!tpu.dma_semaphore, #tpu.memory_space<semaphore_mem>>
      %dma_start3A = arith.constant 0 : i32
      %dma_start3A_17 = tpu.memref_slice %arg8[%mul3A_14, %dma_start3A] : memref<50176x16xf32, #tpu.memory_space<vmem_shared>> -> memref<3136x16xf32, #tpu.memory_space<vmem_shared>>
      %dma_start3A_18 = arith.constant 0 : i32
      %dma_start3A_19 = tpu.memref_slice %arg8[%mul3A_14, %dma_start3A_18] : memref<50176x16xf32, #tpu.memory_space<vmem_shared>> -> memref<3136x16xf32, #tpu.memory_space<vmem_shared>>
      tpu.enqueue_dma source(%dma_start3A_19 : memref<3136x16xf32, #tpu.memory_space<vmem_shared>>) target(%arg7 : memref<3136x16xf32, #tpu.memory_space<vmem>>) target_semaphore(%run_scoped3A : memref<!tpu.dma_semaphore, #tpu.memory_space<semaphore_mem>>)
      %dma_wait3A = arith.constant 0 : i32
      %dma_wait3A_20 = tpu.memref_slice %arg8[%mul3A_14, %dma_wait3A] : memref<50176x16xf32, #tpu.memory_space<vmem_shared>> -> memref<3136x16xf32, #tpu.memory_space<vmem_shared>>
      %dma_wait3A_21 = arith.constant 0 : i32
      %dma_wait3A_22 = tpu.memref_slice %arg8[%mul3A_14, %dma_wait3A_21] : memref<50176x16xf32, #tpu.memory_space<vmem_shared>> -> memref<3136x16xf32, #tpu.memory_space<vmem_shared>>
      tpu.wait_dma2 semaphore(%run_scoped3A : memref<!tpu.dma_semaphore, #tpu.memory_space<semaphore_mem>>) src(%dma_wait3A_22 : memref<3136x16xf32, #tpu.memory_space<vmem_shared>>) dst(%arg7 : memref<3136x16xf32, #tpu.memory_space<vmem>>)
      tpu.yield
    }) : () -> ()
    %mul3A_15 = arith.constant 3136 : i32
    %mul3A_16 = arith.muli %arg1, %mul3A_15 : i32
    "tpu.region"() ({
      %run_scoped3A = tpu.sem_alloc : memref<!tpu.dma_semaphore, #tpu.memory_space<semaphore_mem>>
      %dma_start3A = arith.constant 0 : i32
      %dma_start3A_17 = tpu.memref_slice %arg4[%arg0, %mul3A_16, %dma_start3A] : memref<2x50176x16xf32, #tpu.memory_space<hbm>> -> memref<1x3136x16xf32, #tpu.memory_space<hbm>>
      %dma_start3A_18 = tpu.memref_squeeze %dma_start3A_17 : memref<1x3136x16xf32, #tpu.memory_space<hbm>> -> memref<3136x16xf32, #tpu.memory_space<hbm>>
      %dma_start3A_19 = arith.constant 0 : i32
      %dma_start3A_20 = tpu.memref_slice %arg4[%arg0, %mul3A_16, %dma_start3A_19] : memref<2x50176x16xf32, #tpu.memory_space<hbm>> -> memref<1x3136x16xf32, #tpu.memory_space<hbm>>
      %dma_start3A_21 = tpu.memref_squeeze %dma_start3A_20 : memref<1x3136x16xf32, #tpu.memory_space<hbm>> -> memref<3136x16xf32, #tpu.memory_space<hbm>>
      tpu.enqueue_dma source(%arg7 : memref<3136x16xf32, #tpu.memory_space<vmem>>) target(%dma_start3A_21 : memref<3136x16xf32, #tpu.memory_space<hbm>>) target_semaphore(%run_scoped3A : memref<!tpu.dma_semaphore, #tpu.memory_space<semaphore_mem>>)
      %dma_wait3A = arith.constant 0 : i32
      %dma_wait3A_22 = tpu.memref_slice %arg4[%arg0, %mul3A_16, %dma_wait3A] : memref<2x50176x16xf32, #tpu.memory_space<hbm>> -> memref<1x3136x16xf32, #tpu.memory_space<hbm>>
      %dma_wait3A_23 = tpu.memref_squeeze %dma_wait3A_22 : memref<1x3136x16xf32, #tpu.memory_space<hbm>> -> memref<3136x16xf32, #tpu.memory_space<hbm>>
      %dma_wait3A_24 = arith.constant 0 : i32
      %dma_wait3A_25 = tpu.memref_slice %arg4[%arg0, %mul3A_16, %dma_wait3A_24] : memref<2x50176x16xf32, #tpu.memory_space<hbm>> -> memref<1x3136x16xf32, #tpu.memory_space<hbm>>
      %dma_wait3A_26 = tpu.memref_squeeze %dma_wait3A_25 : memref<1x3136x16xf32, #tpu.memory_space<hbm>> -> memref<3136x16xf32, #tpu.memory_space<hbm>>
      tpu.wait_dma2 semaphore(%run_scoped3A : memref<!tpu.dma_semaphore, #tpu.memory_space<semaphore_mem>>) src(%arg7 : memref<3136x16xf32, #tpu.memory_space<vmem>>) dst(%dma_wait3A_26 : memref<3136x16xf32, #tpu.memory_space<hbm>>)
      tpu.yield
    }) : () -> ()
    return
  }
}

#map = affine_map<(d0, d1) -> (0, 0)>
#map1 = affine_map<(d0, d1) -> (0)>
module attributes {stable_mosaic.version = 14 : i64} {
  func.func @k(%arg0: i32, %arg1: i32, %arg2: memref<50000x64xf32, #tpu.memory_space<hbm>>, %arg3: memref<50000x64xf32, #tpu.memory_space<hbm>>, %arg4: memref<802816xi32, #tpu.memory_space<hbm>>, %arg5: memref<802816xi32, #tpu.memory_space<hbm>>, %arg6: memref<802816x64xf32, #tpu.memory_space<hbm>>, %arg7: memref<512xi32, #tpu.memory_space<vmem>>, %arg8: memref<512xi32, #tpu.memory_space<vmem>>, %arg9: memref<512x64xf32, #tpu.memory_space<vmem>>, %arg10: memref<512x64xf32, #tpu.memory_space<vmem>>, %arg11: memref<!tpu.dma_semaphore, #tpu.memory_space<semaphore_mem>>) attributes {dimension_semantics = [#tpu.dimension_semantics<core_parallel>, #tpu.dimension_semantics<subcore_parallel>], iteration_bounds = array<i64: 2, 16>, scalar_prefetch = 0 : i64, scratch_operands = 5 : i64, tpu.core_type = #tpu.core_type<sc_vector_subcore>, window_params = [{transform_indices = #map}, {transform_indices = #map}, {transform_indices = #map1}, {transform_indices = #map1}, {transform_indices = #map}]} {
    %mul3A = arith.constant 2 : i32
    %mul3A_0 = arith.muli %arg1, %mul3A : i32
    %add3A = arith.addi %mul3A_0, %arg0 : i32
    %mul3A_1 = arith.constant 25088 : i32
    %mul3A_2 = arith.muli %add3A, %mul3A_1 : i32
    %scan3A = arith.constant 0 : i32
    %scan3A_3 = arith.constant 49 : i32
    %scan3A_4 = arith.addi %scan3A, %scan3A_3 : i32
    %scan3A_5 = arith.constant 1 : i32
    scf.for %scan3A_7 = %scan3A to %scan3A_4 step %scan3A_5  : i32 {
      %mul3A_8 = arith.constant 1 : i32
      %mul3A_9 = arith.muli %scan3A_7, %mul3A_8 : i32
      %add3A_10 = arith.constant 0 : i32
      %add3A_11 = arith.addi %add3A_10, %mul3A_9 : i32
      %mul3A_12 = arith.constant 512 : i32
      %mul3A_13 = arith.muli %add3A_11, %mul3A_12 : i32
      %add3A_14 = arith.addi %mul3A_2, %mul3A_13 : i32
      "tpu.region"() ({
        %run_scoped3A = tpu.sem_alloc : memref<!tpu.dma_semaphore, #tpu.memory_space<semaphore_mem>>
        %dma_start3A_30 = tpu.memref_slice %arg4[%add3A_14] : memref<802816xi32, #tpu.memory_space<hbm>> -> memref<512xi32, #tpu.memory_space<hbm>>
        %dma_start3A_31 = tpu.memref_slice %arg4[%add3A_14] : memref<802816xi32, #tpu.memory_space<hbm>> -> memref<512xi32, #tpu.memory_space<hbm>>
        tpu.enqueue_dma source(%dma_start3A_31 : memref<512xi32, #tpu.memory_space<hbm>>) target(%arg7 : memref<512xi32, #tpu.memory_space<vmem>>) target_semaphore(%run_scoped3A : memref<!tpu.dma_semaphore, #tpu.memory_space<semaphore_mem>>)
        %dma_wait3A_32 = tpu.memref_slice %arg4[%add3A_14] : memref<802816xi32, #tpu.memory_space<hbm>> -> memref<512xi32, #tpu.memory_space<hbm>>
        %dma_wait3A_33 = tpu.memref_slice %arg4[%add3A_14] : memref<802816xi32, #tpu.memory_space<hbm>> -> memref<512xi32, #tpu.memory_space<hbm>>
        tpu.wait_dma2 semaphore(%run_scoped3A : memref<!tpu.dma_semaphore, #tpu.memory_space<semaphore_mem>>) src(%dma_wait3A_33 : memref<512xi32, #tpu.memory_space<hbm>>) dst(%arg7 : memref<512xi32, #tpu.memory_space<vmem>>)
        tpu.yield
      }) : () -> ()
      "tpu.region"() ({
        %run_scoped3A = tpu.sem_alloc : memref<!tpu.dma_semaphore, #tpu.memory_space<semaphore_mem>>
        %dma_start3A_30 = tpu.memref_slice %arg5[%add3A_14] : memref<802816xi32, #tpu.memory_space<hbm>> -> memref<512xi32, #tpu.memory_space<hbm>>
        %dma_start3A_31 = tpu.memref_slice %arg5[%add3A_14] : memref<802816xi32, #tpu.memory_space<hbm>> -> memref<512xi32, #tpu.memory_space<hbm>>
        tpu.enqueue_dma source(%dma_start3A_31 : memref<512xi32, #tpu.memory_space<hbm>>) target(%arg8 : memref<512xi32, #tpu.memory_space<vmem>>) target_semaphore(%run_scoped3A : memref<!tpu.dma_semaphore, #tpu.memory_space<semaphore_mem>>)
        %dma_wait3A_32 = tpu.memref_slice %arg5[%add3A_14] : memref<802816xi32, #tpu.memory_space<hbm>> -> memref<512xi32, #tpu.memory_space<hbm>>
        %dma_wait3A_33 = tpu.memref_slice %arg5[%add3A_14] : memref<802816xi32, #tpu.memory_space<hbm>> -> memref<512xi32, #tpu.memory_space<hbm>>
        tpu.wait_dma2 semaphore(%run_scoped3A : memref<!tpu.dma_semaphore, #tpu.memory_space<semaphore_mem>>) src(%dma_wait3A_33 : memref<512xi32, #tpu.memory_space<hbm>>) dst(%arg8 : memref<512xi32, #tpu.memory_space<vmem>>)
        tpu.yield
      }) : () -> ()
      %dma_start3A = arith.constant 0 : i32
      %dma_start3A_15 = arith.constant 0 : i32
      %dma_start3A_16 = tpu.memref_slice %arg2[%dma_start3A, %dma_start3A_15] : memref<50000x64xf32, #tpu.memory_space<hbm>> -> memref<50000x64xf32, #tpu.memory_space<hbm>>
      tpu.enqueue_indirect_dma source(%dma_start3A_16 : memref<50000x64xf32, #tpu.memory_space<hbm>>) target(%arg9 : memref<512x64xf32, #tpu.memory_space<vmem>>) offsets(%arg7 : memref<512xi32, #tpu.memory_space<vmem>>) semaphore(%arg11 : memref<!tpu.dma_semaphore, #tpu.memory_space<semaphore_mem>>)
      %dma_start3A_17 = arith.constant 0 : i32
      %dma_start3A_18 = arith.constant 0 : i32
      %dma_start3A_19 = tpu.memref_slice %arg3[%dma_start3A_17, %dma_start3A_18] : memref<50000x64xf32, #tpu.memory_space<hbm>> -> memref<50000x64xf32, #tpu.memory_space<hbm>>
      tpu.enqueue_indirect_dma source(%dma_start3A_19 : memref<50000x64xf32, #tpu.memory_space<hbm>>) target(%arg10 : memref<512x64xf32, #tpu.memory_space<vmem>>) offsets(%arg8 : memref<512xi32, #tpu.memory_space<vmem>>) semaphore(%arg11 : memref<!tpu.dma_semaphore, #tpu.memory_space<semaphore_mem>>)
      %dma_wait3A = arith.constant 0 : i32
      %dma_wait3A_20 = arith.constant 0 : i32
      %dma_wait3A_21 = tpu.memref_slice %arg2[%dma_wait3A, %dma_wait3A_20] : memref<50000x64xf32, #tpu.memory_space<hbm>> -> memref<50000x64xf32, #tpu.memory_space<hbm>>
      tpu.wait_indirect_dma semaphore(%arg11 : memref<!tpu.dma_semaphore, #tpu.memory_space<semaphore_mem>>) src(%dma_wait3A_21 : memref<50000x64xf32, #tpu.memory_space<hbm>>) dst(%arg9 : memref<512x64xf32, #tpu.memory_space<vmem>>)
      %dma_wait3A_22 = arith.constant 0 : i32
      %dma_wait3A_23 = arith.constant 0 : i32
      %dma_wait3A_24 = tpu.memref_slice %arg3[%dma_wait3A_22, %dma_wait3A_23] : memref<50000x64xf32, #tpu.memory_space<hbm>> -> memref<50000x64xf32, #tpu.memory_space<hbm>>
      tpu.wait_indirect_dma semaphore(%arg11 : memref<!tpu.dma_semaphore, #tpu.memory_space<semaphore_mem>>) src(%dma_wait3A_24 : memref<50000x64xf32, #tpu.memory_space<hbm>>) dst(%arg10 : memref<512x64xf32, #tpu.memory_space<vmem>>)
      %scan3A_25 = arith.constant 0 : i32
      %scan3A_26 = arith.constant 512 : i32
      %scan3A_27 = arith.addi %scan3A_25, %scan3A_26 : i32
      %scan3A_28 = arith.constant 1 : i32
      scf.for %scan3A_30 = %scan3A_25 to %scan3A_27 step %scan3A_28  : i32 {
        %mul3A_31 = arith.constant 1 : i32
        %mul3A_32 = arith.muli %scan3A_30, %mul3A_31 : i32
        %add3A_33 = arith.constant 0 : i32
        %add3A_34 = arith.addi %add3A_33, %mul3A_32 : i32
        %get3A = arith.index_cast %add3A_34 : i32 to index
        %get3A_35 = arith.constant 0 : index
        %get3A_36 = tpu.vector_load %arg9[%get3A, %get3A_35] {strides = array<i32>} : memref<512x64xf32, #tpu.memory_space<vmem>>, vector<1x16xf32>,
        %get3A_37 = vector.shape_cast %get3A_36 : vector<1x16xf32> to vector<16xf32>
        %get3A_38 = arith.index_cast %add3A_34 : i32 to index
        %get3A_39 = arith.constant 0 : index
        %get3A_40 = tpu.vector_load %arg10[%get3A_38, %get3A_39] {strides = array<i32>} : memref<512x64xf32, #tpu.memory_space<vmem>>, vector<1x16xf32>,
        %get3A_41 = vector.shape_cast %get3A_40 : vector<1x16xf32> to vector<16xf32>
        %add3A_42 = arith.addf %get3A_37, %get3A_41 : vector<16xf32>
        %swap3A = arith.index_cast %add3A_34 : i32 to index
        %swap3A_43 = arith.constant 0 : index
        %swap3A_44 = tpu.vector_load %arg9[%swap3A, %swap3A_43] {strides = array<i32>} : memref<512x64xf32, #tpu.memory_space<vmem>>, vector<1x16xf32>,
        %swap3A_45 = vector.shape_cast %swap3A_44 : vector<1x16xf32> to vector<16xf32>
        %swap3A_46 = vector.shape_cast %add3A_42 : vector<16xf32> to vector<1x16xf32>
        tpu.vector_store %arg9[%swap3A, %swap3A_43], %swap3A_46 {strides = array<i32>} : memref<512x64xf32, #tpu.memory_space<vmem>>, vector<1x16xf32>,
        %get3A_47 = arith.index_cast %add3A_34 : i32 to index
        %get3A_48 = arith.constant 16 : index
        %get3A_49 = tpu.vector_load %arg9[%get3A_47, %get3A_48] {strides = array<i32>} : memref<512x64xf32, #tpu.memory_space<vmem>>, vector<1x16xf32>,
        %get3A_50 = vector.shape_cast %get3A_49 : vector<1x16xf32> to vector<16xf32>
        %get3A_51 = arith.index_cast %add3A_34 : i32 to index
        %get3A_52 = arith.constant 16 : index
        %get3A_53 = tpu.vector_load %arg10[%get3A_51, %get3A_52] {strides = array<i32>} : memref<512x64xf32, #tpu.memory_space<vmem>>, vector<1x16xf32>,
        %get3A_54 = vector.shape_cast %get3A_53 : vector<1x16xf32> to vector<16xf32>
        %add3A_55 = arith.addf %get3A_50, %get3A_54 : vector<16xf32>
        %swap3A_56 = arith.index_cast %add3A_34 : i32 to index
        %swap3A_57 = arith.constant 16 : index
        %swap3A_58 = tpu.vector_load %arg9[%swap3A_56, %swap3A_57] {strides = array<i32>} : memref<512x64xf32, #tpu.memory_space<vmem>>, vector<1x16xf32>,
        %swap3A_59 = vector.shape_cast %swap3A_58 : vector<1x16xf32> to vector<16xf32>
        %swap3A_60 = vector.shape_cast %add3A_55 : vector<16xf32> to vector<1x16xf32>
        tpu.vector_store %arg9[%swap3A_56, %swap3A_57], %swap3A_60 {strides = array<i32>} : memref<512x64xf32, #tpu.memory_space<vmem>>, vector<1x16xf32>,
        %get3A_61 = arith.index_cast %add3A_34 : i32 to index
        %get3A_62 = arith.constant 32 : index
        %get3A_63 = tpu.vector_load %arg9[%get3A_61, %get3A_62] {strides = array<i32>} : memref<512x64xf32, #tpu.memory_space<vmem>>, vector<1x16xf32>,
        %get3A_64 = vector.shape_cast %get3A_63 : vector<1x16xf32> to vector<16xf32>
        %get3A_65 = arith.index_cast %add3A_34 : i32 to index
        %get3A_66 = arith.constant 32 : index
        %get3A_67 = tpu.vector_load %arg10[%get3A_65, %get3A_66] {strides = array<i32>} : memref<512x64xf32, #tpu.memory_space<vmem>>, vector<1x16xf32>,
        %get3A_68 = vector.shape_cast %get3A_67 : vector<1x16xf32> to vector<16xf32>
        %add3A_69 = arith.addf %get3A_64, %get3A_68 : vector<16xf32>
        %swap3A_70 = arith.index_cast %add3A_34 : i32 to index
        %swap3A_71 = arith.constant 32 : index
        %swap3A_72 = tpu.vector_load %arg9[%swap3A_70, %swap3A_71] {strides = array<i32>} : memref<512x64xf32, #tpu.memory_space<vmem>>, vector<1x16xf32>,
        %swap3A_73 = vector.shape_cast %swap3A_72 : vector<1x16xf32> to vector<16xf32>
        %swap3A_74 = vector.shape_cast %add3A_69 : vector<16xf32> to vector<1x16xf32>
        tpu.vector_store %arg9[%swap3A_70, %swap3A_71], %swap3A_74 {strides = array<i32>} : memref<512x64xf32, #tpu.memory_space<vmem>>, vector<1x16xf32>,
        %get3A_75 = arith.index_cast %add3A_34 : i32 to index
        %get3A_76 = arith.constant 48 : index
        %get3A_77 = tpu.vector_load %arg9[%get3A_75, %get3A_76] {strides = array<i32>} : memref<512x64xf32, #tpu.memory_space<vmem>>, vector<1x16xf32>,
        %get3A_78 = vector.shape_cast %get3A_77 : vector<1x16xf32> to vector<16xf32>
        %get3A_79 = arith.index_cast %add3A_34 : i32 to index
        %get3A_80 = arith.constant 48 : index
        %get3A_81 = tpu.vector_load %arg10[%get3A_79, %get3A_80] {strides = array<i32>} : memref<512x64xf32, #tpu.memory_space<vmem>>, vector<1x16xf32>,
        %get3A_82 = vector.shape_cast %get3A_81 : vector<1x16xf32> to vector<16xf32>
        %add3A_83 = arith.addf %get3A_78, %get3A_82 : vector<16xf32>
        %swap3A_84 = arith.index_cast %add3A_34 : i32 to index
        %swap3A_85 = arith.constant 48 : index
        %swap3A_86 = tpu.vector_load %arg9[%swap3A_84, %swap3A_85] {strides = array<i32>} : memref<512x64xf32, #tpu.memory_space<vmem>>, vector<1x16xf32>,
        %swap3A_87 = vector.shape_cast %swap3A_86 : vector<1x16xf32> to vector<16xf32>
        %swap3A_88 = vector.shape_cast %add3A_83 : vector<16xf32> to vector<1x16xf32>
        tpu.vector_store %arg9[%swap3A_84, %swap3A_85], %swap3A_88 {strides = array<i32>} : memref<512x64xf32, #tpu.memory_space<vmem>>, vector<1x16xf32>,
      }
      %scan3A_29 = arith.constant 512 : i32
      "tpu.region"() ({
        %run_scoped3A = tpu.sem_alloc : memref<!tpu.dma_semaphore, #tpu.memory_space<semaphore_mem>>
        %dma_start3A_30 = arith.constant 0 : i32
        %dma_start3A_31 = tpu.memref_slice %arg6[%add3A_14, %dma_start3A_30] : memref<802816x64xf32, #tpu.memory_space<hbm>> -> memref<512x64xf32, #tpu.memory_space<hbm>>
        %dma_start3A_32 = arith.constant 0 : i32
        %dma_start3A_33 = tpu.memref_slice %arg6[%add3A_14, %dma_start3A_32] : memref<802816x64xf32, #tpu.memory_space<hbm>> -> memref<512x64xf32, #tpu.memory_space<hbm>>
        tpu.enqueue_dma source(%arg9 : memref<512x64xf32, #tpu.memory_space<vmem>>) target(%dma_start3A_33 : memref<512x64xf32, #tpu.memory_space<hbm>>) target_semaphore(%run_scoped3A : memref<!tpu.dma_semaphore, #tpu.memory_space<semaphore_mem>>)
        %dma_wait3A_34 = arith.constant 0 : i32
        %dma_wait3A_35 = tpu.memref_slice %arg6[%add3A_14, %dma_wait3A_34] : memref<802816x64xf32, #tpu.memory_space<hbm>> -> memref<512x64xf32, #tpu.memory_space<hbm>>
        %dma_wait3A_36 = arith.constant 0 : i32
        %dma_wait3A_37 = tpu.memref_slice %arg6[%add3A_14, %dma_wait3A_36] : memref<802816x64xf32, #tpu.memory_space<hbm>> -> memref<512x64xf32, #tpu.memory_space<hbm>>
        tpu.wait_dma2 semaphore(%run_scoped3A : memref<!tpu.dma_semaphore, #tpu.memory_space<semaphore_mem>>) src(%arg9 : memref<512x64xf32, #tpu.memory_space<vmem>>) dst(%dma_wait3A_37 : memref<512x64xf32, #tpu.memory_space<hbm>>)
        tpu.yield
      }) : () -> ()
    }
    %scan3A_6 = arith.constant 49 : i32
    return
  }
}

#map = affine_map<(d0, d1) -> (0, 0)>
#map1 = affine_map<(d0, d1) -> (0)>
module attributes {stable_mosaic.version = 14 : i64} {
  func.func @k(%arg0: i32, %arg1: i32, %arg2: memref<50000x64xf32, #tpu.memory_space<hbm>>, %arg3: memref<50000x64xf32, #tpu.memory_space<hbm>>, %arg4: memref<802816xi32, #tpu.memory_space<hbm>>, %arg5: memref<802816xi32, #tpu.memory_space<hbm>>, %arg6: memref<802816x64xf32, #tpu.memory_space<hbm>>, %arg7: memref<512xi32, #tpu.memory_space<vmem>>, %arg8: memref<512xi32, #tpu.memory_space<vmem>>, %arg9: memref<512x64xf32, #tpu.memory_space<vmem>>, %arg10: memref<512x64xf32, #tpu.memory_space<vmem>>, %arg11: memref<!tpu.dma_semaphore, #tpu.memory_space<semaphore_mem>>) attributes {dimension_semantics = [#tpu.dimension_semantics<core_parallel>, #tpu.dimension_semantics<subcore_parallel>], iteration_bounds = array<i64: 2, 16>, scalar_prefetch = 0 : i64, scratch_operands = 5 : i64, tpu.core_type = #tpu.core_type<sc_vector_subcore>, window_params = [{transform_indices = #map}, {transform_indices = #map}, {transform_indices = #map1}, {transform_indices = #map1}, {transform_indices = #map}]} {
    %mul3A = arith.constant 2 : i32
    %mul3A_0 = arith.muli %arg1, %mul3A : i32
    %add3A = arith.addi %mul3A_0, %arg0 : i32
    %mul3A_1 = arith.constant 25088 : i32
    %mul3A_2 = arith.muli %add3A, %mul3A_1 : i32
    %scan3A = arith.constant 0 : i32
    %scan3A_3 = arith.constant 49 : i32
    %scan3A_4 = arith.addi %scan3A, %scan3A_3 : i32
    %scan3A_5 = arith.constant 1 : i32
    scf.for %scan3A_7 = %scan3A to %scan3A_4 step %scan3A_5  : i32 {
      %mul3A_8 = arith.constant 1 : i32
      %mul3A_9 = arith.muli %scan3A_7, %mul3A_8 : i32
      %add3A_10 = arith.constant 0 : i32
      %add3A_11 = arith.addi %add3A_10, %mul3A_9 : i32
      %mul3A_12 = arith.constant 512 : i32
      %mul3A_13 = arith.muli %add3A_11, %mul3A_12 : i32
      %add3A_14 = arith.addi %mul3A_2, %mul3A_13 : i32
      "tpu.region"() ({
        %run_scoped3A = tpu.sem_alloc : memref<!tpu.dma_semaphore, #tpu.memory_space<semaphore_mem>>
        %dma_start3A_30 = tpu.memref_slice %arg4[%add3A_14] : memref<802816xi32, #tpu.memory_space<hbm>> -> memref<512xi32, #tpu.memory_space<hbm>>
        %dma_start3A_31 = tpu.memref_slice %arg4[%add3A_14] : memref<802816xi32, #tpu.memory_space<hbm>> -> memref<512xi32, #tpu.memory_space<hbm>>
        tpu.enqueue_dma source(%dma_start3A_31 : memref<512xi32, #tpu.memory_space<hbm>>) target(%arg7 : memref<512xi32, #tpu.memory_space<vmem>>) target_semaphore(%run_scoped3A : memref<!tpu.dma_semaphore, #tpu.memory_space<semaphore_mem>>)
        %dma_wait3A_32 = tpu.memref_slice %arg4[%add3A_14] : memref<802816xi32, #tpu.memory_space<hbm>> -> memref<512xi32, #tpu.memory_space<hbm>>
        %dma_wait3A_33 = tpu.memref_slice %arg4[%add3A_14] : memref<802816xi32, #tpu.memory_space<hbm>> -> memref<512xi32, #tpu.memory_space<hbm>>
        tpu.wait_dma2 semaphore(%run_scoped3A : memref<!tpu.dma_semaphore, #tpu.memory_space<semaphore_mem>>) src(%dma_wait3A_33 : memref<512xi32, #tpu.memory_space<hbm>>) dst(%arg7 : memref<512xi32, #tpu.memory_space<vmem>>)
        tpu.yield
      }) : () -> ()
      "tpu.region"() ({
        %run_scoped3A = tpu.sem_alloc : memref<!tpu.dma_semaphore, #tpu.memory_space<semaphore_mem>>
        %dma_start3A_30 = tpu.memref_slice %arg5[%add3A_14] : memref<802816xi32, #tpu.memory_space<hbm>> -> memref<512xi32, #tpu.memory_space<hbm>>
        %dma_start3A_31 = tpu.memref_slice %arg5[%add3A_14] : memref<802816xi32, #tpu.memory_space<hbm>> -> memref<512xi32, #tpu.memory_space<hbm>>
        tpu.enqueue_dma source(%dma_start3A_31 : memref<512xi32, #tpu.memory_space<hbm>>) target(%arg8 : memref<512xi32, #tpu.memory_space<vmem>>) target_semaphore(%run_scoped3A : memref<!tpu.dma_semaphore, #tpu.memory_space<semaphore_mem>>)
        %dma_wait3A_32 = tpu.memref_slice %arg5[%add3A_14] : memref<802816xi32, #tpu.memory_space<hbm>> -> memref<512xi32, #tpu.memory_space<hbm>>
        %dma_wait3A_33 = tpu.memref_slice %arg5[%add3A_14] : memref<802816xi32, #tpu.memory_space<hbm>> -> memref<512xi32, #tpu.memory_space<hbm>>
        tpu.wait_dma2 semaphore(%run_scoped3A : memref<!tpu.dma_semaphore, #tpu.memory_space<semaphore_mem>>) src(%dma_wait3A_33 : memref<512xi32, #tpu.memory_space<hbm>>) dst(%arg8 : memref<512xi32, #tpu.memory_space<vmem>>)
        tpu.yield
      }) : () -> ()
      %dma_start3A = arith.constant 0 : i32
      %dma_start3A_15 = arith.constant 0 : i32
      %dma_start3A_16 = tpu.memref_slice %arg2[%dma_start3A, %dma_start3A_15] : memref<50000x64xf32, #tpu.memory_space<hbm>> -> memref<50000x64xf32, #tpu.memory_space<hbm>>
      tpu.enqueue_indirect_dma source(%dma_start3A_16 : memref<50000x64xf32, #tpu.memory_space<hbm>>) target(%arg9 : memref<512x64xf32, #tpu.memory_space<vmem>>) offsets(%arg7 : memref<512xi32, #tpu.memory_space<vmem>>) semaphore(%arg11 : memref<!tpu.dma_semaphore, #tpu.memory_space<semaphore_mem>>)
      %dma_start3A_17 = arith.constant 0 : i32
      %dma_start3A_18 = arith.constant 0 : i32
      %dma_start3A_19 = tpu.memref_slice %arg3[%dma_start3A_17, %dma_start3A_18] : memref<50000x64xf32, #tpu.memory_space<hbm>> -> memref<50000x64xf32, #tpu.memory_space<hbm>>
      tpu.enqueue_indirect_dma source(%dma_start3A_19 : memref<50000x64xf32, #tpu.memory_space<hbm>>) target(%arg10 : memref<512x64xf32, #tpu.memory_space<vmem>>) offsets(%arg8 : memref<512xi32, #tpu.memory_space<vmem>>) semaphore(%arg11 : memref<!tpu.dma_semaphore, #tpu.memory_space<semaphore_mem>>)
      %dma_wait3A = arith.constant 0 : i32
      %dma_wait3A_20 = arith.constant 0 : i32
      %dma_wait3A_21 = tpu.memref_slice %arg2[%dma_wait3A, %dma_wait3A_20] : memref<50000x64xf32, #tpu.memory_space<hbm>> -> memref<50000x64xf32, #tpu.memory_space<hbm>>
      tpu.wait_indirect_dma semaphore(%arg11 : memref<!tpu.dma_semaphore, #tpu.memory_space<semaphore_mem>>) src(%dma_wait3A_21 : memref<50000x64xf32, #tpu.memory_space<hbm>>) dst(%arg9 : memref<512x64xf32, #tpu.memory_space<vmem>>)
      %dma_wait3A_22 = arith.constant 0 : i32
      %dma_wait3A_23 = arith.constant 0 : i32
      %dma_wait3A_24 = tpu.memref_slice %arg3[%dma_wait3A_22, %dma_wait3A_23] : memref<50000x64xf32, #tpu.memory_space<hbm>> -> memref<50000x64xf32, #tpu.memory_space<hbm>>
      tpu.wait_indirect_dma semaphore(%arg11 : memref<!tpu.dma_semaphore, #tpu.memory_space<semaphore_mem>>) src(%dma_wait3A_24 : memref<50000x64xf32, #tpu.memory_space<hbm>>) dst(%arg10 : memref<512x64xf32, #tpu.memory_space<vmem>>)
      %scan3A_25 = arith.constant 0 : i32
      %scan3A_26 = arith.constant 512 : i32
      %scan3A_27 = arith.addi %scan3A_25, %scan3A_26 : i32
      %scan3A_28 = arith.constant 1 : i32
      scf.for %scan3A_30 = %scan3A_25 to %scan3A_27 step %scan3A_28  : i32 {
        %mul3A_31 = arith.constant 1 : i32
        %mul3A_32 = arith.muli %scan3A_30, %mul3A_31 : i32
        %add3A_33 = arith.constant 0 : i32
        %add3A_34 = arith.addi %add3A_33, %mul3A_32 : i32
        %get3A = arith.index_cast %add3A_34 : i32 to index
        %get3A_35 = arith.constant 0 : index
        %get3A_36 = tpu.vector_load %arg9[%get3A, %get3A_35] {strides = array<i32>} : memref<512x64xf32, #tpu.memory_space<vmem>>, vector<1x16xf32>,
        %get3A_37 = vector.shape_cast %get3A_36 : vector<1x16xf32> to vector<16xf32>
        %get3A_38 = arith.index_cast %add3A_34 : i32 to index
        %get3A_39 = arith.constant 0 : index
        %get3A_40 = tpu.vector_load %arg10[%get3A_38, %get3A_39] {strides = array<i32>} : memref<512x64xf32, #tpu.memory_space<vmem>>, vector<1x16xf32>,
        %get3A_41 = vector.shape_cast %get3A_40 : vector<1x16xf32> to vector<16xf32>
        %add3A_42 = arith.addf %get3A_37, %get3A_41 : vector<16xf32>
        %swap3A = arith.index_cast %add3A_34 : i32 to index
        %swap3A_43 = arith.constant 0 : index
        %swap3A_44 = tpu.vector_load %arg9[%swap3A, %swap3A_43] {strides = array<i32>} : memref<512x64xf32, #tpu.memory_space<vmem>>, vector<1x16xf32>,
        %swap3A_45 = vector.shape_cast %swap3A_44 : vector<1x16xf32> to vector<16xf32>
        %swap3A_46 = vector.shape_cast %add3A_42 : vector<16xf32> to vector<1x16xf32>
        tpu.vector_store %arg9[%swap3A, %swap3A_43], %swap3A_46 {strides = array<i32>} : memref<512x64xf32, #tpu.memory_space<vmem>>, vector<1x16xf32>,
        %get3A_47 = arith.index_cast %add3A_34 : i32 to index
        %get3A_48 = arith.constant 16 : index
        %get3A_49 = tpu.vector_load %arg9[%get3A_47, %get3A_48] {strides = array<i32>} : memref<512x64xf32, #tpu.memory_space<vmem>>, vector<1x16xf32>,
        %get3A_50 = vector.shape_cast %get3A_49 : vector<1x16xf32> to vector<16xf32>
        %get3A_51 = arith.index_cast %add3A_34 : i32 to index
        %get3A_52 = arith.constant 16 : index
        %get3A_53 = tpu.vector_load %arg10[%get3A_51, %get3A_52] {strides = array<i32>} : memref<512x64xf32, #tpu.memory_space<vmem>>, vector<1x16xf32>,
        %get3A_54 = vector.shape_cast %get3A_53 : vector<1x16xf32> to vector<16xf32>
        %add3A_55 = arith.addf %get3A_50, %get3A_54 : vector<16xf32>
        %swap3A_56 = arith.index_cast %add3A_34 : i32 to index
        %swap3A_57 = arith.constant 16 : index
        %swap3A_58 = tpu.vector_load %arg9[%swap3A_56, %swap3A_57] {strides = array<i32>} : memref<512x64xf32, #tpu.memory_space<vmem>>, vector<1x16xf32>,
        %swap3A_59 = vector.shape_cast %swap3A_58 : vector<1x16xf32> to vector<16xf32>
        %swap3A_60 = vector.shape_cast %add3A_55 : vector<16xf32> to vector<1x16xf32>
        tpu.vector_store %arg9[%swap3A_56, %swap3A_57], %swap3A_60 {strides = array<i32>} : memref<512x64xf32, #tpu.memory_space<vmem>>, vector<1x16xf32>,
        %get3A_61 = arith.index_cast %add3A_34 : i32 to index
        %get3A_62 = arith.constant 32 : index
        %get3A_63 = tpu.vector_load %arg9[%get3A_61, %get3A_62] {strides = array<i32>} : memref<512x64xf32, #tpu.memory_space<vmem>>, vector<1x16xf32>,
        %get3A_64 = vector.shape_cast %get3A_63 : vector<1x16xf32> to vector<16xf32>
        %get3A_65 = arith.index_cast %add3A_34 : i32 to index
        %get3A_66 = arith.constant 32 : index
        %get3A_67 = tpu.vector_load %arg10[%get3A_65, %get3A_66] {strides = array<i32>} : memref<512x64xf32, #tpu.memory_space<vmem>>, vector<1x16xf32>,
        %get3A_68 = vector.shape_cast %get3A_67 : vector<1x16xf32> to vector<16xf32>
        %add3A_69 = arith.addf %get3A_64, %get3A_68 : vector<16xf32>
        %swap3A_70 = arith.index_cast %add3A_34 : i32 to index
        %swap3A_71 = arith.constant 32 : index
        %swap3A_72 = tpu.vector_load %arg9[%swap3A_70, %swap3A_71] {strides = array<i32>} : memref<512x64xf32, #tpu.memory_space<vmem>>, vector<1x16xf32>,
        %swap3A_73 = vector.shape_cast %swap3A_72 : vector<1x16xf32> to vector<16xf32>
        %swap3A_74 = vector.shape_cast %add3A_69 : vector<16xf32> to vector<1x16xf32>
        tpu.vector_store %arg9[%swap3A_70, %swap3A_71], %swap3A_74 {strides = array<i32>} : memref<512x64xf32, #tpu.memory_space<vmem>>, vector<1x16xf32>,
        %get3A_75 = arith.index_cast %add3A_34 : i32 to index
        %get3A_76 = arith.constant 48 : index
        %get3A_77 = tpu.vector_load %arg9[%get3A_75, %get3A_76] {strides = array<i32>} : memref<512x64xf32, #tpu.memory_space<vmem>>, vector<1x16xf32>,
        %get3A_78 = vector.shape_cast %get3A_77 : vector<1x16xf32> to vector<16xf32>
        %get3A_79 = arith.index_cast %add3A_34 : i32 to index
        %get3A_80 = arith.constant 48 : index
        %get3A_81 = tpu.vector_load %arg10[%get3A_79, %get3A_80] {strides = array<i32>} : memref<512x64xf32, #tpu.memory_space<vmem>>, vector<1x16xf32>,
        %get3A_82 = vector.shape_cast %get3A_81 : vector<1x16xf32> to vector<16xf32>
        %add3A_83 = arith.addf %get3A_78, %get3A_82 : vector<16xf32>
        %swap3A_84 = arith.index_cast %add3A_34 : i32 to index
        %swap3A_85 = arith.constant 48 : index
        %swap3A_86 = tpu.vector_load %arg9[%swap3A_84, %swap3A_85] {strides = array<i32>} : memref<512x64xf32, #tpu.memory_space<vmem>>, vector<1x16xf32>,
        %swap3A_87 = vector.shape_cast %swap3A_86 : vector<1x16xf32> to vector<16xf32>
        %swap3A_88 = vector.shape_cast %add3A_83 : vector<16xf32> to vector<1x16xf32>
        tpu.vector_store %arg9[%swap3A_84, %swap3A_85], %swap3A_88 {strides = array<i32>} : memref<512x64xf32, #tpu.memory_space<vmem>>, vector<1x16xf32>,
      }
      %scan3A_29 = arith.constant 512 : i32
      "tpu.region"() ({
        %run_scoped3A = tpu.sem_alloc : memref<!tpu.dma_semaphore, #tpu.memory_space<semaphore_mem>>
        %dma_start3A_30 = arith.constant 0 : i32
        %dma_start3A_31 = tpu.memref_slice %arg6[%add3A_14, %dma_start3A_30] : memref<802816x64xf32, #tpu.memory_space<hbm>> -> memref<512x64xf32, #tpu.memory_space<hbm>>
        %dma_start3A_32 = arith.constant 0 : i32
        %dma_start3A_33 = tpu.memref_slice %arg6[%add3A_14, %dma_start3A_32] : memref<802816x64xf32, #tpu.memory_space<hbm>> -> memref<512x64xf32, #tpu.memory_space<hbm>>
        tpu.enqueue_dma source(%arg9 : memref<512x64xf32, #tpu.memory_space<vmem>>) target(%dma_start3A_33 : memref<512x64xf32, #tpu.memory_space<hbm>>) target_semaphore(%run_scoped3A : memref<!tpu.dma_semaphore, #tpu.memory_space<semaphore_mem>>)
        %dma_wait3A_34 = arith.constant 0 : i32
        %dma_wait3A_35 = tpu.memref_slice %arg6[%add3A_14, %dma_wait3A_34] : memref<802816x64xf32, #tpu.memory_space<hbm>> -> memref<512x64xf32, #tpu.memory_space<hbm>>
        %dma_wait3A_36 = arith.constant 0 : i32
        %dma_wait3A_37 = tpu.memref_slice %arg6[%add3A_14, %dma_wait3A_36] : memref<802816x64xf32, #tpu.memory_space<hbm>> -> memref<512x64xf32, #tpu.memory_space<hbm>>
        tpu.wait_dma2 semaphore(%run_scoped3A : memref<!tpu.dma_semaphore, #tpu.memory_space<semaphore_mem>>) src(%arg9 : memref<512x64xf32, #tpu.memory_space<vmem>>) dst(%dma_wait3A_37 : memref<512x64xf32, #tpu.memory_space<hbm>>)
        tpu.yield
      }) : () -> ()
    }
    %scan3A_6 = arith.constant 49 : i32
    return
  }
}

#map = affine_map<(d0, d1) -> (0, 0, 0)>
#map1 = affine_map<(d0, d1) -> (0)>
module attributes {stable_mosaic.version = 14 : i64} {
  func.func @k(%arg0: i32, %arg1: i32, %arg2: memref<2x802816x16xf32, #tpu.memory_space<hbm>>, %arg3: memref<802816xi32, #tpu.memory_space<hbm>>, %arg4: memref<2x50176x16xf32, #tpu.memory_space<hbm>>, %arg5: memref<1024xi32, #tpu.memory_space<vmem>>, %arg6: memref<1024x16xf32, #tpu.memory_space<vmem>>, %arg7: memref<3136x16xf32, #tpu.memory_space<vmem>>, %arg8: memref<50176x16xf32, #tpu.memory_space<vmem_shared>>) attributes {dimension_semantics = [#tpu.dimension_semantics<core_parallel>, #tpu.dimension_semantics<subcore_parallel>], iteration_bounds = array<i64: 2, 16>, scalar_prefetch = 0 : i64, scratch_operands = 4 : i64, tpu.core_type = #tpu.core_type<sc_vector_subcore>, window_params = [{transform_indices = #map}, {transform_indices = #map1}, {transform_indices = #map}]} {
    %scan3A = arith.constant 0 : i32
    %scan3A_0 = arith.constant 3136 : i32
    %scan3A_1 = arith.addi %scan3A, %scan3A_0 : i32
    %scan3A_2 = arith.constant 1 : i32
    scf.for %scan3A_17 = %scan3A to %scan3A_1 step %scan3A_2  : i32 {
      %mul3A_18 = arith.constant 1 : i32
      %mul3A_19 = arith.muli %scan3A_17, %mul3A_18 : i32
      %add3A = arith.constant 0 : i32
      %add3A_20 = arith.addi %add3A, %mul3A_19 : i32
      %broadcast_in_dim3A = arith.constant 0.000000e+00 : f32
      %broadcast_in_dim3A_21 = vector.broadcast %broadcast_in_dim3A : f32 to vector<16xf32>
      %swap3A = arith.index_cast %add3A_20 : i32 to index
      %swap3A_22 = arith.constant 0 : index
      %swap3A_23 = tpu.vector_load %arg7[%swap3A, %swap3A_22] {strides = array<i32>} : memref<3136x16xf32, #tpu.memory_space<vmem>>, vector<1x16xf32>,
      %swap3A_24 = vector.shape_cast %swap3A_23 : vector<1x16xf32> to vector<16xf32>
      %swap3A_25 = vector.shape_cast %broadcast_in_dim3A_21 : vector<16xf32> to vector<1x16xf32>
      tpu.vector_store %arg7[%swap3A, %swap3A_22], %swap3A_25 {strides = array<i32>} : memref<3136x16xf32, #tpu.memory_space<vmem>>, vector<1x16xf32>,
    }
    %scan3A_3 = arith.constant 3136 : i32
    %mul3A = arith.constant 3136 : i32
    %mul3A_4 = arith.muli %arg1, %mul3A : i32
    "tpu.region"() ({
      %run_scoped3A = tpu.sem_alloc : memref<!tpu.dma_semaphore, #tpu.memory_space<semaphore_mem>>
      %dma_start3A = arith.constant 0 : i32
      %dma_start3A_17 = tpu.memref_slice %arg8[%mul3A_4, %dma_start3A] : memref<50176x16xf32, #tpu.memory_space<vmem_shared>> -> memref<3136x16xf32, #tpu.memory_space<vmem_shared>>
      %dma_start3A_18 = arith.constant 0 : i32
      %dma_start3A_19 = tpu.memref_slice %arg8[%mul3A_4, %dma_start3A_18] : memref<50176x16xf32, #tpu.memory_space<vmem_shared>> -> memref<3136x16xf32, #tpu.memory_space<vmem_shared>>
      tpu.enqueue_dma source(%arg7 : memref<3136x16xf32, #tpu.memory_space<vmem>>) target(%dma_start3A_19 : memref<3136x16xf32, #tpu.memory_space<vmem_shared>>) target_semaphore(%run_scoped3A : memref<!tpu.dma_semaphore, #tpu.memory_space<semaphore_mem>>)
      %dma_wait3A = arith.constant 0 : i32
      %dma_wait3A_20 = tpu.memref_slice %arg8[%mul3A_4, %dma_wait3A] : memref<50176x16xf32, #tpu.memory_space<vmem_shared>> -> memref<3136x16xf32, #tpu.memory_space<vmem_shared>>
      %dma_wait3A_21 = arith.constant 0 : i32
      %dma_wait3A_22 = tpu.memref_slice %arg8[%mul3A_4, %dma_wait3A_21] : memref<50176x16xf32, #tpu.memory_space<vmem_shared>> -> memref<3136x16xf32, #tpu.memory_space<vmem_shared>>
      tpu.wait_dma2 semaphore(%run_scoped3A : memref<!tpu.dma_semaphore, #tpu.memory_space<semaphore_mem>>) src(%arg7 : memref<3136x16xf32, #tpu.memory_space<vmem>>) dst(%dma_wait3A_22 : memref<3136x16xf32, #tpu.memory_space<vmem_shared>>)
      tpu.yield
    }) : () -> ()
    %barrier3A = arith.constant 0 : index
    tpu.barrier barrier_id(%barrier3A)
    %mul3A_5 = arith.constant 50176 : i32
    %mul3A_6 = arith.muli %arg1, %mul3A_5 : i32
    %scan3A_7 = arith.constant 0 : i32
    %scan3A_8 = arith.constant 49 : i32
    %scan3A_9 = arith.addi %scan3A_7, %scan3A_8 : i32
    %scan3A_10 = arith.constant 1 : i32
    scf.for %scan3A_17 = %scan3A_7 to %scan3A_9 step %scan3A_10  : i32 {
      %mul3A_18 = arith.constant 1 : i32
      %mul3A_19 = arith.muli %scan3A_17, %mul3A_18 : i32
      %add3A = arith.constant 0 : i32
      %add3A_20 = arith.addi %add3A, %mul3A_19 : i32
      %mul3A_21 = arith.constant 1024 : i32
      %mul3A_22 = arith.muli %add3A_20, %mul3A_21 : i32
      %add3A_23 = arith.addi %mul3A_6, %mul3A_22 : i32
      "tpu.region"() ({
        %run_scoped3A = tpu.sem_alloc : memref<!tpu.dma_semaphore, #tpu.memory_space<semaphore_mem>>
        %dma_start3A = tpu.memref_slice %arg3[%add3A_23] : memref<802816xi32, #tpu.memory_space<hbm>> -> memref<1024xi32, #tpu.memory_space<hbm>>
        %dma_start3A_27 = tpu.memref_slice %arg3[%add3A_23] : memref<802816xi32, #tpu.memory_space<hbm>> -> memref<1024xi32, #tpu.memory_space<hbm>>
        tpu.enqueue_dma source(%dma_start3A_27 : memref<1024xi32, #tpu.memory_space<hbm>>) target(%arg5 : memref<1024xi32, #tpu.memory_space<vmem>>) target_semaphore(%run_scoped3A : memref<!tpu.dma_semaphore, #tpu.memory_space<semaphore_mem>>)
        %dma_wait3A = tpu.memref_slice %arg3[%add3A_23] : memref<802816xi32, #tpu.memory_space<hbm>> -> memref<1024xi32, #tpu.memory_space<hbm>>
        %dma_wait3A_28 = tpu.memref_slice %arg3[%add3A_23] : memref<802816xi32, #tpu.memory_space<hbm>> -> memref<1024xi32, #tpu.memory_space<hbm>>
        tpu.wait_dma2 semaphore(%run_scoped3A : memref<!tpu.dma_semaphore, #tpu.memory_space<semaphore_mem>>) src(%dma_wait3A_28 : memref<1024xi32, #tpu.memory_space<hbm>>) dst(%arg5 : memref<1024xi32, #tpu.memory_space<vmem>>)
        tpu.yield
      }) : () -> ()
      %mul3A_24 = arith.constant 1024 : i32
      %mul3A_25 = arith.muli %add3A_20, %mul3A_24 : i32
      %add3A_26 = arith.addi %mul3A_6, %mul3A_25 : i32
      "tpu.region"() ({
        %run_scoped3A = tpu.sem_alloc : memref<!tpu.dma_semaphore, #tpu.memory_space<semaphore_mem>>
        %dma_start3A = arith.constant 0 : i32
        %dma_start3A_27 = tpu.memref_slice %arg2[%arg0, %add3A_26, %dma_start3A] : memref<2x802816x16xf32, #tpu.memory_space<hbm>> -> memref<1x1024x16xf32, #tpu.memory_space<hbm>>
        %dma_start3A_28 = tpu.memref_squeeze %dma_start3A_27 : memref<1x1024x16xf32, #tpu.memory_space<hbm>> -> memref<1024x16xf32, #tpu.memory_space<hbm>>
        %dma_start3A_29 = arith.constant 0 : i32
        %dma_start3A_30 = tpu.memref_slice %arg2[%arg0, %add3A_26, %dma_start3A_29] : memref<2x802816x16xf32, #tpu.memory_space<hbm>> -> memref<1x1024x16xf32, #tpu.memory_space<hbm>>
        %dma_start3A_31 = tpu.memref_squeeze %dma_start3A_30 : memref<1x1024x16xf32, #tpu.memory_space<hbm>> -> memref<1024x16xf32, #tpu.memory_space<hbm>>
        tpu.enqueue_dma source(%dma_start3A_31 : memref<1024x16xf32, #tpu.memory_space<hbm>>) target(%arg6 : memref<1024x16xf32, #tpu.memory_space<vmem>>) target_semaphore(%run_scoped3A : memref<!tpu.dma_semaphore, #tpu.memory_space<semaphore_mem>>)
        %dma_wait3A = arith.constant 0 : i32
        %dma_wait3A_32 = tpu.memref_slice %arg2[%arg0, %add3A_26, %dma_wait3A] : memref<2x802816x16xf32, #tpu.memory_space<hbm>> -> memref<1x1024x16xf32, #tpu.memory_space<hbm>>
        %dma_wait3A_33 = tpu.memref_squeeze %dma_wait3A_32 : memref<1x1024x16xf32, #tpu.memory_space<hbm>> -> memref<1024x16xf32, #tpu.memory_space<hbm>>
        %dma_wait3A_34 = arith.constant 0 : i32
        %dma_wait3A_35 = tpu.memref_slice %arg2[%arg0, %add3A_26, %dma_wait3A_34] : memref<2x802816x16xf32, #tpu.memory_space<hbm>> -> memref<1x1024x16xf32, #tpu.memory_space<hbm>>
        %dma_wait3A_36 = tpu.memref_squeeze %dma_wait3A_35 : memref<1x1024x16xf32, #tpu.memory_space<hbm>> -> memref<1024x16xf32, #tpu.memory_space<hbm>>
        tpu.wait_dma2 semaphore(%run_scoped3A : memref<!tpu.dma_semaphore, #tpu.memory_space<semaphore_mem>>) src(%dma_wait3A_36 : memref<1024x16xf32, #tpu.memory_space<hbm>>) dst(%arg6 : memref<1024x16xf32, #tpu.memory_space<vmem>>)
        tpu.yield
      }) : () -> ()
      "tpu.region"() ({
        %run_scoped3A = tpu.sem_alloc : memref<!tpu.dma_semaphore, #tpu.memory_space<semaphore_mem>>
        %dma_start3A = arith.constant 0 : i32
        %dma_start3A_27 = arith.constant 0 : i32
        %dma_start3A_28 = tpu.memref_slice %arg8[%dma_start3A, %dma_start3A_27] : memref<50176x16xf32, #tpu.memory_space<vmem_shared>> -> memref<50176x16xf32, #tpu.memory_space<vmem_shared>>
        tpu.enqueue_indirect_dma source(%arg6 : memref<1024x16xf32, #tpu.memory_space<vmem>>) target(%dma_start3A_28 : memref<50176x16xf32, #tpu.memory_space<vmem_shared>>) offsets(%arg5 : memref<1024xi32, #tpu.memory_space<vmem>>) semaphore(%run_scoped3A : memref<!tpu.dma_semaphore, #tpu.memory_space<semaphore_mem>>) {add = true}
        %dma_wait3A = arith.constant 0 : i32
        %dma_wait3A_29 = arith.constant 0 : i32
        %dma_wait3A_30 = tpu.memref_slice %arg8[%dma_wait3A, %dma_wait3A_29] : memref<50176x16xf32, #tpu.memory_space<vmem_shared>> -> memref<50176x16xf32, #tpu.memory_space<vmem_shared>>
        tpu.wait_indirect_dma semaphore(%run_scoped3A : memref<!tpu.dma_semaphore, #tpu.memory_space<semaphore_mem>>) src(%arg6 : memref<1024x16xf32, #tpu.memory_space<vmem>>) dst(%dma_wait3A_30 : memref<50176x16xf32, #tpu.memory_space<vmem_shared>>)
        tpu.yield
      }) : () -> ()
    }
    %scan3A_11 = arith.constant 49 : i32
    %barrier3A_12 = arith.constant 0 : index
    tpu.barrier barrier_id(%barrier3A_12)
    %mul3A_13 = arith.constant 3136 : i32
    %mul3A_14 = arith.muli %arg1, %mul3A_13 : i32
    "tpu.region"() ({
      %run_scoped3A = tpu.sem_alloc : memref<!tpu.dma_semaphore, #tpu.memory_space<semaphore_mem>>
      %dma_start3A = arith.constant 0 : i32
      %dma_start3A_17 = tpu.memref_slice %arg8[%mul3A_14, %dma_start3A] : memref<50176x16xf32, #tpu.memory_space<vmem_shared>> -> memref<3136x16xf32, #tpu.memory_space<vmem_shared>>
      %dma_start3A_18 = arith.constant 0 : i32
      %dma_start3A_19 = tpu.memref_slice %arg8[%mul3A_14, %dma_start3A_18] : memref<50176x16xf32, #tpu.memory_space<vmem_shared>> -> memref<3136x16xf32, #tpu.memory_space<vmem_shared>>
      tpu.enqueue_dma source(%dma_start3A_19 : memref<3136x16xf32, #tpu.memory_space<vmem_shared>>) target(%arg7 : memref<3136x16xf32, #tpu.memory_space<vmem>>) target_semaphore(%run_scoped3A : memref<!tpu.dma_semaphore, #tpu.memory_space<semaphore_mem>>)
      %dma_wait3A = arith.constant 0 : i32
      %dma_wait3A_20 = tpu.memref_slice %arg8[%mul3A_14, %dma_wait3A] : memref<50176x16xf32, #tpu.memory_space<vmem_shared>> -> memref<3136x16xf32, #tpu.memory_space<vmem_shared>>
      %dma_wait3A_21 = arith.constant 0 : i32
      %dma_wait3A_22 = tpu.memref_slice %arg8[%mul3A_14, %dma_wait3A_21] : memref<50176x16xf32, #tpu.memory_space<vmem_shared>> -> memref<3136x16xf32, #tpu.memory_space<vmem_shared>>
      tpu.wait_dma2 semaphore(%run_scoped3A : memref<!tpu.dma_semaphore, #tpu.memory_space<semaphore_mem>>) src(%dma_wait3A_22 : memref<3136x16xf32, #tpu.memory_space<vmem_shared>>) dst(%arg7 : memref<3136x16xf32, #tpu.memory_space<vmem>>)
      tpu.yield
    }) : () -> ()
    %mul3A_15 = arith.constant 3136 : i32
    %mul3A_16 = arith.muli %arg1, %mul3A_15 : i32
    "tpu.region"() ({
      %run_scoped3A = tpu.sem_alloc : memref<!tpu.dma_semaphore, #tpu.memory_space<semaphore_mem>>
      %dma_start3A = arith.constant 0 : i32
      %dma_start3A_17 = tpu.memref_slice %arg4[%arg0, %mul3A_16, %dma_start3A] : memref<2x50176x16xf32, #tpu.memory_space<hbm>> -> memref<1x3136x16xf32, #tpu.memory_space<hbm>>
      %dma_start3A_18 = tpu.memref_squeeze %dma_start3A_17 : memref<1x3136x16xf32, #tpu.memory_space<hbm>> -> memref<3136x16xf32, #tpu.memory_space<hbm>>
      %dma_start3A_19 = arith.constant 0 : i32
      %dma_start3A_20 = tpu.memref_slice %arg4[%arg0, %mul3A_16, %dma_start3A_19] : memref<2x50176x16xf32, #tpu.memory_space<hbm>> -> memref<1x3136x16xf32, #tpu.memory_space<hbm>>
      %dma_start3A_21 = tpu.memref_squeeze %dma_start3A_20 : memref<1x3136x16xf32, #tpu.memory_space<hbm>> -> memref<3136x16xf32, #tpu.memory_space<hbm>>
      tpu.enqueue_dma source(%arg7 : memref<3136x16xf32, #tpu.memory_space<vmem>>) target(%dma_start3A_21 : memref<3136x16xf32, #tpu.memory_space<hbm>>) target_semaphore(%run_scoped3A : memref<!tpu.dma_semaphore, #tpu.memory_space<semaphore_mem>>)
      %dma_wait3A = arith.constant 0 : i32
      %dma_wait3A_22 = tpu.memref_slice %arg4[%arg0, %mul3A_16, %dma_wait3A] : memref<2x50176x16xf32, #tpu.memory_space<hbm>> -> memref<1x3136x16xf32, #tpu.memory_space<hbm>>
      %dma_wait3A_23 = tpu.memref_squeeze %dma_wait3A_22 : memref<1x3136x16xf32, #tpu.memory_space<hbm>> -> memref<3136x16xf32, #tpu.memory_space<hbm>>
      %dma_wait3A_24 = arith.constant 0 : i32
      %dma_wait3A_25 = tpu.memref_slice %arg4[%arg0, %mul3A_16, %dma_wait3A_24] : memref<2x50176x16xf32, #tpu.memory_space<hbm>> -> memref<1x3136x16xf32, #tpu.memory_space<hbm>>
      %dma_wait3A_26 = tpu.memref_squeeze %dma_wait3A_25 : memref<1x3136x16xf32, #tpu.memory_space<hbm>> -> memref<3136x16xf32, #tpu.memory_space<hbm>>
      tpu.wait_dma2 semaphore(%run_scoped3A : memref<!tpu.dma_semaphore, #tpu.memory_space<semaphore_mem>>) src(%arg7 : memref<3136x16xf32, #tpu.memory_space<vmem>>) dst(%dma_wait3A_26 : memref<3136x16xf32, #tpu.memory_space<hbm>>)
      tpu.yield
    }) : () -> ()
    return
  }
}

#map = affine_map<(d0, d1) -> (0, 0, 0)>
#map1 = affine_map<(d0, d1) -> (0)>
module attributes {stable_mosaic.version = 14 : i64} {
  func.func @k(%arg0: i32, %arg1: i32, %arg2: memref<2x802816x16xf32, #tpu.memory_space<hbm>>, %arg3: memref<802816xi32, #tpu.memory_space<hbm>>, %arg4: memref<2x50176x16xf32, #tpu.memory_space<hbm>>, %arg5: memref<1024xi32, #tpu.memory_space<vmem>>, %arg6: memref<1024x16xf32, #tpu.memory_space<vmem>>, %arg7: memref<3136x16xf32, #tpu.memory_space<vmem>>, %arg8: memref<50176x16xf32, #tpu.memory_space<vmem_shared>>) attributes {dimension_semantics = [#tpu.dimension_semantics<core_parallel>, #tpu.dimension_semantics<subcore_parallel>], iteration_bounds = array<i64: 2, 16>, scalar_prefetch = 0 : i64, scratch_operands = 4 : i64, tpu.core_type = #tpu.core_type<sc_vector_subcore>, window_params = [{transform_indices = #map}, {transform_indices = #map1}, {transform_indices = #map}]} {
    %scan3A = arith.constant 0 : i32
    %scan3A_0 = arith.constant 3136 : i32
    %scan3A_1 = arith.addi %scan3A, %scan3A_0 : i32
    %scan3A_2 = arith.constant 1 : i32
    scf.for %scan3A_17 = %scan3A to %scan3A_1 step %scan3A_2  : i32 {
      %mul3A_18 = arith.constant 1 : i32
      %mul3A_19 = arith.muli %scan3A_17, %mul3A_18 : i32
      %add3A = arith.constant 0 : i32
      %add3A_20 = arith.addi %add3A, %mul3A_19 : i32
      %broadcast_in_dim3A = arith.constant 0.000000e+00 : f32
      %broadcast_in_dim3A_21 = vector.broadcast %broadcast_in_dim3A : f32 to vector<16xf32>
      %swap3A = arith.index_cast %add3A_20 : i32 to index
      %swap3A_22 = arith.constant 0 : index
      %swap3A_23 = tpu.vector_load %arg7[%swap3A, %swap3A_22] {strides = array<i32>} : memref<3136x16xf32, #tpu.memory_space<vmem>>, vector<1x16xf32>,
      %swap3A_24 = vector.shape_cast %swap3A_23 : vector<1x16xf32> to vector<16xf32>
      %swap3A_25 = vector.shape_cast %broadcast_in_dim3A_21 : vector<16xf32> to vector<1x16xf32>
      tpu.vector_store %arg7[%swap3A, %swap3A_22], %swap3A_25 {strides = array<i32>} : memref<3136x16xf32, #tpu.memory_space<vmem>>, vector<1x16xf32>,
    }
    %scan3A_3 = arith.constant 3136 : i32
    %mul3A = arith.constant 3136 : i32
    %mul3A_4 = arith.muli %arg1, %mul3A : i32
    "tpu.region"() ({
      %run_scoped3A = tpu.sem_alloc : memref<!tpu.dma_semaphore, #tpu.memory_space<semaphore_mem>>
      %dma_start3A = arith.constant 0 : i32
      %dma_start3A_17 = tpu.memref_slice %arg8[%mul3A_4, %dma_start3A] : memref<50176x16xf32, #tpu.memory_space<vmem_shared>> -> memref<3136x16xf32, #tpu.memory_space<vmem_shared>>
      %dma_start3A_18 = arith.constant 0 : i32
      %dma_start3A_19 = tpu.memref_slice %arg8[%mul3A_4, %dma_start3A_18] : memref<50176x16xf32, #tpu.memory_space<vmem_shared>> -> memref<3136x16xf32, #tpu.memory_space<vmem_shared>>
      tpu.enqueue_dma source(%arg7 : memref<3136x16xf32, #tpu.memory_space<vmem>>) target(%dma_start3A_19 : memref<3136x16xf32, #tpu.memory_space<vmem_shared>>) target_semaphore(%run_scoped3A : memref<!tpu.dma_semaphore, #tpu.memory_space<semaphore_mem>>)
      %dma_wait3A = arith.constant 0 : i32
      %dma_wait3A_20 = tpu.memref_slice %arg8[%mul3A_4, %dma_wait3A] : memref<50176x16xf32, #tpu.memory_space<vmem_shared>> -> memref<3136x16xf32, #tpu.memory_space<vmem_shared>>
      %dma_wait3A_21 = arith.constant 0 : i32
      %dma_wait3A_22 = tpu.memref_slice %arg8[%mul3A_4, %dma_wait3A_21] : memref<50176x16xf32, #tpu.memory_space<vmem_shared>> -> memref<3136x16xf32, #tpu.memory_space<vmem_shared>>
      tpu.wait_dma2 semaphore(%run_scoped3A : memref<!tpu.dma_semaphore, #tpu.memory_space<semaphore_mem>>) src(%arg7 : memref<3136x16xf32, #tpu.memory_space<vmem>>) dst(%dma_wait3A_22 : memref<3136x16xf32, #tpu.memory_space<vmem_shared>>)
      tpu.yield
    }) : () -> ()
    %barrier3A = arith.constant 0 : index
    tpu.barrier barrier_id(%barrier3A)
    %mul3A_5 = arith.constant 50176 : i32
    %mul3A_6 = arith.muli %arg1, %mul3A_5 : i32
    %scan3A_7 = arith.constant 0 : i32
    %scan3A_8 = arith.constant 49 : i32
    %scan3A_9 = arith.addi %scan3A_7, %scan3A_8 : i32
    %scan3A_10 = arith.constant 1 : i32
    scf.for %scan3A_17 = %scan3A_7 to %scan3A_9 step %scan3A_10  : i32 {
      %mul3A_18 = arith.constant 1 : i32
      %mul3A_19 = arith.muli %scan3A_17, %mul3A_18 : i32
      %add3A = arith.constant 0 : i32
      %add3A_20 = arith.addi %add3A, %mul3A_19 : i32
      %mul3A_21 = arith.constant 1024 : i32
      %mul3A_22 = arith.muli %add3A_20, %mul3A_21 : i32
      %add3A_23 = arith.addi %mul3A_6, %mul3A_22 : i32
      "tpu.region"() ({
        %run_scoped3A = tpu.sem_alloc : memref<!tpu.dma_semaphore, #tpu.memory_space<semaphore_mem>>
        %dma_start3A = tpu.memref_slice %arg3[%add3A_23] : memref<802816xi32, #tpu.memory_space<hbm>> -> memref<1024xi32, #tpu.memory_space<hbm>>
        %dma_start3A_27 = tpu.memref_slice %arg3[%add3A_23] : memref<802816xi32, #tpu.memory_space<hbm>> -> memref<1024xi32, #tpu.memory_space<hbm>>
        tpu.enqueue_dma source(%dma_start3A_27 : memref<1024xi32, #tpu.memory_space<hbm>>) target(%arg5 : memref<1024xi32, #tpu.memory_space<vmem>>) target_semaphore(%run_scoped3A : memref<!tpu.dma_semaphore, #tpu.memory_space<semaphore_mem>>)
        %dma_wait3A = tpu.memref_slice %arg3[%add3A_23] : memref<802816xi32, #tpu.memory_space<hbm>> -> memref<1024xi32, #tpu.memory_space<hbm>>
        %dma_wait3A_28 = tpu.memref_slice %arg3[%add3A_23] : memref<802816xi32, #tpu.memory_space<hbm>> -> memref<1024xi32, #tpu.memory_space<hbm>>
        tpu.wait_dma2 semaphore(%run_scoped3A : memref<!tpu.dma_semaphore, #tpu.memory_space<semaphore_mem>>) src(%dma_wait3A_28 : memref<1024xi32, #tpu.memory_space<hbm>>) dst(%arg5 : memref<1024xi32, #tpu.memory_space<vmem>>)
        tpu.yield
      }) : () -> ()
      %mul3A_24 = arith.constant 1024 : i32
      %mul3A_25 = arith.muli %add3A_20, %mul3A_24 : i32
      %add3A_26 = arith.addi %mul3A_6, %mul3A_25 : i32
      "tpu.region"() ({
        %run_scoped3A = tpu.sem_alloc : memref<!tpu.dma_semaphore, #tpu.memory_space<semaphore_mem>>
        %dma_start3A = arith.constant 0 : i32
        %dma_start3A_27 = tpu.memref_slice %arg2[%arg0, %add3A_26, %dma_start3A] : memref<2x802816x16xf32, #tpu.memory_space<hbm>> -> memref<1x1024x16xf32, #tpu.memory_space<hbm>>
        %dma_start3A_28 = tpu.memref_squeeze %dma_start3A_27 : memref<1x1024x16xf32, #tpu.memory_space<hbm>> -> memref<1024x16xf32, #tpu.memory_space<hbm>>
        %dma_start3A_29 = arith.constant 0 : i32
        %dma_start3A_30 = tpu.memref_slice %arg2[%arg0, %add3A_26, %dma_start3A_29] : memref<2x802816x16xf32, #tpu.memory_space<hbm>> -> memref<1x1024x16xf32, #tpu.memory_space<hbm>>
        %dma_start3A_31 = tpu.memref_squeeze %dma_start3A_30 : memref<1x1024x16xf32, #tpu.memory_space<hbm>> -> memref<1024x16xf32, #tpu.memory_space<hbm>>
        tpu.enqueue_dma source(%dma_start3A_31 : memref<1024x16xf32, #tpu.memory_space<hbm>>) target(%arg6 : memref<1024x16xf32, #tpu.memory_space<vmem>>) target_semaphore(%run_scoped3A : memref<!tpu.dma_semaphore, #tpu.memory_space<semaphore_mem>>)
        %dma_wait3A = arith.constant 0 : i32
        %dma_wait3A_32 = tpu.memref_slice %arg2[%arg0, %add3A_26, %dma_wait3A] : memref<2x802816x16xf32, #tpu.memory_space<hbm>> -> memref<1x1024x16xf32, #tpu.memory_space<hbm>>
        %dma_wait3A_33 = tpu.memref_squeeze %dma_wait3A_32 : memref<1x1024x16xf32, #tpu.memory_space<hbm>> -> memref<1024x16xf32, #tpu.memory_space<hbm>>
        %dma_wait3A_34 = arith.constant 0 : i32
        %dma_wait3A_35 = tpu.memref_slice %arg2[%arg0, %add3A_26, %dma_wait3A_34] : memref<2x802816x16xf32, #tpu.memory_space<hbm>> -> memref<1x1024x16xf32, #tpu.memory_space<hbm>>
        %dma_wait3A_36 = tpu.memref_squeeze %dma_wait3A_35 : memref<1x1024x16xf32, #tpu.memory_space<hbm>> -> memref<1024x16xf32, #tpu.memory_space<hbm>>
        tpu.wait_dma2 semaphore(%run_scoped3A : memref<!tpu.dma_semaphore, #tpu.memory_space<semaphore_mem>>) src(%dma_wait3A_36 : memref<1024x16xf32, #tpu.memory_space<hbm>>) dst(%arg6 : memref<1024x16xf32, #tpu.memory_space<vmem>>)
        tpu.yield
      }) : () -> ()
      "tpu.region"() ({
        %run_scoped3A = tpu.sem_alloc : memref<!tpu.dma_semaphore, #tpu.memory_space<semaphore_mem>>
        %dma_start3A = arith.constant 0 : i32
        %dma_start3A_27 = arith.constant 0 : i32
        %dma_start3A_28 = tpu.memref_slice %arg8[%dma_start3A, %dma_start3A_27] : memref<50176x16xf32, #tpu.memory_space<vmem_shared>> -> memref<50176x16xf32, #tpu.memory_space<vmem_shared>>
        tpu.enqueue_indirect_dma source(%arg6 : memref<1024x16xf32, #tpu.memory_space<vmem>>) target(%dma_start3A_28 : memref<50176x16xf32, #tpu.memory_space<vmem_shared>>) offsets(%arg5 : memref<1024xi32, #tpu.memory_space<vmem>>) semaphore(%run_scoped3A : memref<!tpu.dma_semaphore, #tpu.memory_space<semaphore_mem>>) {add = true}
        %dma_wait3A = arith.constant 0 : i32
        %dma_wait3A_29 = arith.constant 0 : i32
        %dma_wait3A_30 = tpu.memref_slice %arg8[%dma_wait3A, %dma_wait3A_29] : memref<50176x16xf32, #tpu.memory_space<vmem_shared>> -> memref<50176x16xf32, #tpu.memory_space<vmem_shared>>
        tpu.wait_indirect_dma semaphore(%run_scoped3A : memref<!tpu.dma_semaphore, #tpu.memory_space<semaphore_mem>>) src(%arg6 : memref<1024x16xf32, #tpu.memory_space<vmem>>) dst(%dma_wait3A_30 : memref<50176x16xf32, #tpu.memory_space<vmem_shared>>)
        tpu.yield
      }) : () -> ()
    }
    %scan3A_11 = arith.constant 49 : i32
    %barrier3A_12 = arith.constant 0 : index
    tpu.barrier barrier_id(%barrier3A_12)
    %mul3A_13 = arith.constant 3136 : i32
    %mul3A_14 = arith.muli %arg1, %mul3A_13 : i32
    "tpu.region"() ({
      %run_scoped3A = tpu.sem_alloc : memref<!tpu.dma_semaphore, #tpu.memory_space<semaphore_mem>>
      %dma_start3A = arith.constant 0 : i32
      %dma_start3A_17 = tpu.memref_slice %arg8[%mul3A_14, %dma_start3A] : memref<50176x16xf32, #tpu.memory_space<vmem_shared>> -> memref<3136x16xf32, #tpu.memory_space<vmem_shared>>
      %dma_start3A_18 = arith.constant 0 : i32
      %dma_start3A_19 = tpu.memref_slice %arg8[%mul3A_14, %dma_start3A_18] : memref<50176x16xf32, #tpu.memory_space<vmem_shared>> -> memref<3136x16xf32, #tpu.memory_space<vmem_shared>>
      tpu.enqueue_dma source(%dma_start3A_19 : memref<3136x16xf32, #tpu.memory_space<vmem_shared>>) target(%arg7 : memref<3136x16xf32, #tpu.memory_space<vmem>>) target_semaphore(%run_scoped3A : memref<!tpu.dma_semaphore, #tpu.memory_space<semaphore_mem>>)
      %dma_wait3A = arith.constant 0 : i32
      %dma_wait3A_20 = tpu.memref_slice %arg8[%mul3A_14, %dma_wait3A] : memref<50176x16xf32, #tpu.memory_space<vmem_shared>> -> memref<3136x16xf32, #tpu.memory_space<vmem_shared>>
      %dma_wait3A_21 = arith.constant 0 : i32
      %dma_wait3A_22 = tpu.memref_slice %arg8[%mul3A_14, %dma_wait3A_21] : memref<50176x16xf32, #tpu.memory_space<vmem_shared>> -> memref<3136x16xf32, #tpu.memory_space<vmem_shared>>
      tpu.wait_dma2 semaphore(%run_scoped3A : memref<!tpu.dma_semaphore, #tpu.memory_space<semaphore_mem>>) src(%dma_wait3A_22 : memref<3136x16xf32, #tpu.memory_space<vmem_shared>>) dst(%arg7 : memref<3136x16xf32, #tpu.memory_space<vmem>>)
      tpu.yield
    }) : () -> ()
    %mul3A_15 = arith.constant 3136 : i32
    %mul3A_16 = arith.muli %arg1, %mul3A_15 : i32
    "tpu.region"() ({
      %run_scoped3A = tpu.sem_alloc : memref<!tpu.dma_semaphore, #tpu.memory_space<semaphore_mem>>
      %dma_start3A = arith.constant 0 : i32
      %dma_start3A_17 = tpu.memref_slice %arg4[%arg0, %mul3A_16, %dma_start3A] : memref<2x50176x16xf32, #tpu.memory_space<hbm>> -> memref<1x3136x16xf32, #tpu.memory_space<hbm>>
      %dma_start3A_18 = tpu.memref_squeeze %dma_start3A_17 : memref<1x3136x16xf32, #tpu.memory_space<hbm>> -> memref<3136x16xf32, #tpu.memory_space<hbm>>
      %dma_start3A_19 = arith.constant 0 : i32
      %dma_start3A_20 = tpu.memref_slice %arg4[%arg0, %mul3A_16, %dma_start3A_19] : memref<2x50176x16xf32, #tpu.memory_space<hbm>> -> memref<1x3136x16xf32, #tpu.memory_space<hbm>>
      %dma_start3A_21 = tpu.memref_squeeze %dma_start3A_20 : memref<1x3136x16xf32, #tpu.memory_space<hbm>> -> memref<3136x16xf32, #tpu.memory_space<hbm>>
      tpu.enqueue_dma source(%arg7 : memref<3136x16xf32, #tpu.memory_space<vmem>>) target(%dma_start3A_21 : memref<3136x16xf32, #tpu.memory_space<hbm>>) target_semaphore(%run_scoped3A : memref<!tpu.dma_semaphore, #tpu.memory_space<semaphore_mem>>)
      %dma_wait3A = arith.constant 0 : i32
      %dma_wait3A_22 = tpu.memref_slice %arg4[%arg0, %mul3A_16, %dma_wait3A] : memref<2x50176x16xf32, #tpu.memory_space<hbm>> -> memref<1x3136x16xf32, #tpu.memory_space<hbm>>
      %dma_wait3A_23 = tpu.memref_squeeze %dma_wait3A_22 : memref<1x3136x16xf32, #tpu.memory_space<hbm>> -> memref<3136x16xf32, #tpu.memory_space<hbm>>
      %dma_wait3A_24 = arith.constant 0 : i32
      %dma_wait3A_25 = tpu.memref_slice %arg4[%arg0, %mul3A_16, %dma_wait3A_24] : memref<2x50176x16xf32, #tpu.memory_space<hbm>> -> memref<1x3136x16xf32, #tpu.memory_space<hbm>>
      %dma_wait3A_26 = tpu.memref_squeeze %dma_wait3A_25 : memref<1x3136x16xf32, #tpu.memory_space<hbm>> -> memref<3136x16xf32, #tpu.memory_space<hbm>>
      tpu.wait_dma2 semaphore(%run_scoped3A : memref<!tpu.dma_semaphore, #tpu.memory_space<semaphore_mem>>) src(%arg7 : memref<3136x16xf32, #tpu.memory_space<vmem>>) dst(%dma_wait3A_26 : memref<3136x16xf32, #tpu.memory_space<hbm>>)
      tpu.yield
    }) : () -> ()
    return
  }
}

#map = affine_map<(d0, d1) -> (0, 0, 0)>
#map1 = affine_map<(d0, d1) -> (0)>
module attributes {stable_mosaic.version = 14 : i64} {
  func.func @k(%arg0: i32, %arg1: i32, %arg2: memref<2x802816x16xf32, #tpu.memory_space<hbm>>, %arg3: memref<802816xi32, #tpu.memory_space<hbm>>, %arg4: memref<2x50176x16xf32, #tpu.memory_space<hbm>>, %arg5: memref<1024xi32, #tpu.memory_space<vmem>>, %arg6: memref<1024x16xf32, #tpu.memory_space<vmem>>, %arg7: memref<3136x16xf32, #tpu.memory_space<vmem>>, %arg8: memref<50176x16xf32, #tpu.memory_space<vmem_shared>>) attributes {dimension_semantics = [#tpu.dimension_semantics<core_parallel>, #tpu.dimension_semantics<subcore_parallel>], iteration_bounds = array<i64: 2, 16>, scalar_prefetch = 0 : i64, scratch_operands = 4 : i64, tpu.core_type = #tpu.core_type<sc_vector_subcore>, window_params = [{transform_indices = #map}, {transform_indices = #map1}, {transform_indices = #map}]} {
    %scan3A = arith.constant 0 : i32
    %scan3A_0 = arith.constant 3136 : i32
    %scan3A_1 = arith.addi %scan3A, %scan3A_0 : i32
    %scan3A_2 = arith.constant 1 : i32
    scf.for %scan3A_17 = %scan3A to %scan3A_1 step %scan3A_2  : i32 {
      %mul3A_18 = arith.constant 1 : i32
      %mul3A_19 = arith.muli %scan3A_17, %mul3A_18 : i32
      %add3A = arith.constant 0 : i32
      %add3A_20 = arith.addi %add3A, %mul3A_19 : i32
      %broadcast_in_dim3A = arith.constant 0.000000e+00 : f32
      %broadcast_in_dim3A_21 = vector.broadcast %broadcast_in_dim3A : f32 to vector<16xf32>
      %swap3A = arith.index_cast %add3A_20 : i32 to index
      %swap3A_22 = arith.constant 0 : index
      %swap3A_23 = tpu.vector_load %arg7[%swap3A, %swap3A_22] {strides = array<i32>} : memref<3136x16xf32, #tpu.memory_space<vmem>>, vector<1x16xf32>,
      %swap3A_24 = vector.shape_cast %swap3A_23 : vector<1x16xf32> to vector<16xf32>
      %swap3A_25 = vector.shape_cast %broadcast_in_dim3A_21 : vector<16xf32> to vector<1x16xf32>
      tpu.vector_store %arg7[%swap3A, %swap3A_22], %swap3A_25 {strides = array<i32>} : memref<3136x16xf32, #tpu.memory_space<vmem>>, vector<1x16xf32>,
    }
    %scan3A_3 = arith.constant 3136 : i32
    %mul3A = arith.constant 3136 : i32
    %mul3A_4 = arith.muli %arg1, %mul3A : i32
    "tpu.region"() ({
      %run_scoped3A = tpu.sem_alloc : memref<!tpu.dma_semaphore, #tpu.memory_space<semaphore_mem>>
      %dma_start3A = arith.constant 0 : i32
      %dma_start3A_17 = tpu.memref_slice %arg8[%mul3A_4, %dma_start3A] : memref<50176x16xf32, #tpu.memory_space<vmem_shared>> -> memref<3136x16xf32, #tpu.memory_space<vmem_shared>>
      %dma_start3A_18 = arith.constant 0 : i32
      %dma_start3A_19 = tpu.memref_slice %arg8[%mul3A_4, %dma_start3A_18] : memref<50176x16xf32, #tpu.memory_space<vmem_shared>> -> memref<3136x16xf32, #tpu.memory_space<vmem_shared>>
      tpu.enqueue_dma source(%arg7 : memref<3136x16xf32, #tpu.memory_space<vmem>>) target(%dma_start3A_19 : memref<3136x16xf32, #tpu.memory_space<vmem_shared>>) target_semaphore(%run_scoped3A : memref<!tpu.dma_semaphore, #tpu.memory_space<semaphore_mem>>)
      %dma_wait3A = arith.constant 0 : i32
      %dma_wait3A_20 = tpu.memref_slice %arg8[%mul3A_4, %dma_wait3A] : memref<50176x16xf32, #tpu.memory_space<vmem_shared>> -> memref<3136x16xf32, #tpu.memory_space<vmem_shared>>
      %dma_wait3A_21 = arith.constant 0 : i32
      %dma_wait3A_22 = tpu.memref_slice %arg8[%mul3A_4, %dma_wait3A_21] : memref<50176x16xf32, #tpu.memory_space<vmem_shared>> -> memref<3136x16xf32, #tpu.memory_space<vmem_shared>>
      tpu.wait_dma2 semaphore(%run_scoped3A : memref<!tpu.dma_semaphore, #tpu.memory_space<semaphore_mem>>) src(%arg7 : memref<3136x16xf32, #tpu.memory_space<vmem>>) dst(%dma_wait3A_22 : memref<3136x16xf32, #tpu.memory_space<vmem_shared>>)
      tpu.yield
    }) : () -> ()
    %barrier3A = arith.constant 0 : index
    tpu.barrier barrier_id(%barrier3A)
    %mul3A_5 = arith.constant 50176 : i32
    %mul3A_6 = arith.muli %arg1, %mul3A_5 : i32
    %scan3A_7 = arith.constant 0 : i32
    %scan3A_8 = arith.constant 49 : i32
    %scan3A_9 = arith.addi %scan3A_7, %scan3A_8 : i32
    %scan3A_10 = arith.constant 1 : i32
    scf.for %scan3A_17 = %scan3A_7 to %scan3A_9 step %scan3A_10  : i32 {
      %mul3A_18 = arith.constant 1 : i32
      %mul3A_19 = arith.muli %scan3A_17, %mul3A_18 : i32
      %add3A = arith.constant 0 : i32
      %add3A_20 = arith.addi %add3A, %mul3A_19 : i32
      %mul3A_21 = arith.constant 1024 : i32
      %mul3A_22 = arith.muli %add3A_20, %mul3A_21 : i32
      %add3A_23 = arith.addi %mul3A_6, %mul3A_22 : i32
      "tpu.region"() ({
        %run_scoped3A = tpu.sem_alloc : memref<!tpu.dma_semaphore, #tpu.memory_space<semaphore_mem>>
        %dma_start3A = tpu.memref_slice %arg3[%add3A_23] : memref<802816xi32, #tpu.memory_space<hbm>> -> memref<1024xi32, #tpu.memory_space<hbm>>
        %dma_start3A_27 = tpu.memref_slice %arg3[%add3A_23] : memref<802816xi32, #tpu.memory_space<hbm>> -> memref<1024xi32, #tpu.memory_space<hbm>>
        tpu.enqueue_dma source(%dma_start3A_27 : memref<1024xi32, #tpu.memory_space<hbm>>) target(%arg5 : memref<1024xi32, #tpu.memory_space<vmem>>) target_semaphore(%run_scoped3A : memref<!tpu.dma_semaphore, #tpu.memory_space<semaphore_mem>>)
        %dma_wait3A = tpu.memref_slice %arg3[%add3A_23] : memref<802816xi32, #tpu.memory_space<hbm>> -> memref<1024xi32, #tpu.memory_space<hbm>>
        %dma_wait3A_28 = tpu.memref_slice %arg3[%add3A_23] : memref<802816xi32, #tpu.memory_space<hbm>> -> memref<1024xi32, #tpu.memory_space<hbm>>
        tpu.wait_dma2 semaphore(%run_scoped3A : memref<!tpu.dma_semaphore, #tpu.memory_space<semaphore_mem>>) src(%dma_wait3A_28 : memref<1024xi32, #tpu.memory_space<hbm>>) dst(%arg5 : memref<1024xi32, #tpu.memory_space<vmem>>)
        tpu.yield
      }) : () -> ()
      %mul3A_24 = arith.constant 1024 : i32
      %mul3A_25 = arith.muli %add3A_20, %mul3A_24 : i32
      %add3A_26 = arith.addi %mul3A_6, %mul3A_25 : i32
      "tpu.region"() ({
        %run_scoped3A = tpu.sem_alloc : memref<!tpu.dma_semaphore, #tpu.memory_space<semaphore_mem>>
        %dma_start3A = arith.constant 0 : i32
        %dma_start3A_27 = tpu.memref_slice %arg2[%arg0, %add3A_26, %dma_start3A] : memref<2x802816x16xf32, #tpu.memory_space<hbm>> -> memref<1x1024x16xf32, #tpu.memory_space<hbm>>
        %dma_start3A_28 = tpu.memref_squeeze %dma_start3A_27 : memref<1x1024x16xf32, #tpu.memory_space<hbm>> -> memref<1024x16xf32, #tpu.memory_space<hbm>>
        %dma_start3A_29 = arith.constant 0 : i32
        %dma_start3A_30 = tpu.memref_slice %arg2[%arg0, %add3A_26, %dma_start3A_29] : memref<2x802816x16xf32, #tpu.memory_space<hbm>> -> memref<1x1024x16xf32, #tpu.memory_space<hbm>>
        %dma_start3A_31 = tpu.memref_squeeze %dma_start3A_30 : memref<1x1024x16xf32, #tpu.memory_space<hbm>> -> memref<1024x16xf32, #tpu.memory_space<hbm>>
        tpu.enqueue_dma source(%dma_start3A_31 : memref<1024x16xf32, #tpu.memory_space<hbm>>) target(%arg6 : memref<1024x16xf32, #tpu.memory_space<vmem>>) target_semaphore(%run_scoped3A : memref<!tpu.dma_semaphore, #tpu.memory_space<semaphore_mem>>)
        %dma_wait3A = arith.constant 0 : i32
        %dma_wait3A_32 = tpu.memref_slice %arg2[%arg0, %add3A_26, %dma_wait3A] : memref<2x802816x16xf32, #tpu.memory_space<hbm>> -> memref<1x1024x16xf32, #tpu.memory_space<hbm>>
        %dma_wait3A_33 = tpu.memref_squeeze %dma_wait3A_32 : memref<1x1024x16xf32, #tpu.memory_space<hbm>> -> memref<1024x16xf32, #tpu.memory_space<hbm>>
        %dma_wait3A_34 = arith.constant 0 : i32
        %dma_wait3A_35 = tpu.memref_slice %arg2[%arg0, %add3A_26, %dma_wait3A_34] : memref<2x802816x16xf32, #tpu.memory_space<hbm>> -> memref<1x1024x16xf32, #tpu.memory_space<hbm>>
        %dma_wait3A_36 = tpu.memref_squeeze %dma_wait3A_35 : memref<1x1024x16xf32, #tpu.memory_space<hbm>> -> memref<1024x16xf32, #tpu.memory_space<hbm>>
        tpu.wait_dma2 semaphore(%run_scoped3A : memref<!tpu.dma_semaphore, #tpu.memory_space<semaphore_mem>>) src(%dma_wait3A_36 : memref<1024x16xf32, #tpu.memory_space<hbm>>) dst(%arg6 : memref<1024x16xf32, #tpu.memory_space<vmem>>)
        tpu.yield
      }) : () -> ()
      "tpu.region"() ({
        %run_scoped3A = tpu.sem_alloc : memref<!tpu.dma_semaphore, #tpu.memory_space<semaphore_mem>>
        %dma_start3A = arith.constant 0 : i32
        %dma_start3A_27 = arith.constant 0 : i32
        %dma_start3A_28 = tpu.memref_slice %arg8[%dma_start3A, %dma_start3A_27] : memref<50176x16xf32, #tpu.memory_space<vmem_shared>> -> memref<50176x16xf32, #tpu.memory_space<vmem_shared>>
        tpu.enqueue_indirect_dma source(%arg6 : memref<1024x16xf32, #tpu.memory_space<vmem>>) target(%dma_start3A_28 : memref<50176x16xf32, #tpu.memory_space<vmem_shared>>) offsets(%arg5 : memref<1024xi32, #tpu.memory_space<vmem>>) semaphore(%run_scoped3A : memref<!tpu.dma_semaphore, #tpu.memory_space<semaphore_mem>>) {add = true}
        %dma_wait3A = arith.constant 0 : i32
        %dma_wait3A_29 = arith.constant 0 : i32
        %dma_wait3A_30 = tpu.memref_slice %arg8[%dma_wait3A, %dma_wait3A_29] : memref<50176x16xf32, #tpu.memory_space<vmem_shared>> -> memref<50176x16xf32, #tpu.memory_space<vmem_shared>>
        tpu.wait_indirect_dma semaphore(%run_scoped3A : memref<!tpu.dma_semaphore, #tpu.memory_space<semaphore_mem>>) src(%arg6 : memref<1024x16xf32, #tpu.memory_space<vmem>>) dst(%dma_wait3A_30 : memref<50176x16xf32, #tpu.memory_space<vmem_shared>>)
        tpu.yield
      }) : () -> ()
    }
    %scan3A_11 = arith.constant 49 : i32
    %barrier3A_12 = arith.constant 0 : index
    tpu.barrier barrier_id(%barrier3A_12)
    %mul3A_13 = arith.constant 3136 : i32
    %mul3A_14 = arith.muli %arg1, %mul3A_13 : i32
    "tpu.region"() ({
      %run_scoped3A = tpu.sem_alloc : memref<!tpu.dma_semaphore, #tpu.memory_space<semaphore_mem>>
      %dma_start3A = arith.constant 0 : i32
      %dma_start3A_17 = tpu.memref_slice %arg8[%mul3A_14, %dma_start3A] : memref<50176x16xf32, #tpu.memory_space<vmem_shared>> -> memref<3136x16xf32, #tpu.memory_space<vmem_shared>>
      %dma_start3A_18 = arith.constant 0 : i32
      %dma_start3A_19 = tpu.memref_slice %arg8[%mul3A_14, %dma_start3A_18] : memref<50176x16xf32, #tpu.memory_space<vmem_shared>> -> memref<3136x16xf32, #tpu.memory_space<vmem_shared>>
      tpu.enqueue_dma source(%dma_start3A_19 : memref<3136x16xf32, #tpu.memory_space<vmem_shared>>) target(%arg7 : memref<3136x16xf32, #tpu.memory_space<vmem>>) target_semaphore(%run_scoped3A : memref<!tpu.dma_semaphore, #tpu.memory_space<semaphore_mem>>)
      %dma_wait3A = arith.constant 0 : i32
      %dma_wait3A_20 = tpu.memref_slice %arg8[%mul3A_14, %dma_wait3A] : memref<50176x16xf32, #tpu.memory_space<vmem_shared>> -> memref<3136x16xf32, #tpu.memory_space<vmem_shared>>
      %dma_wait3A_21 = arith.constant 0 : i32
      %dma_wait3A_22 = tpu.memref_slice %arg8[%mul3A_14, %dma_wait3A_21] : memref<50176x16xf32, #tpu.memory_space<vmem_shared>> -> memref<3136x16xf32, #tpu.memory_space<vmem_shared>>
      tpu.wait_dma2 semaphore(%run_scoped3A : memref<!tpu.dma_semaphore, #tpu.memory_space<semaphore_mem>>) src(%dma_wait3A_22 : memref<3136x16xf32, #tpu.memory_space<vmem_shared>>) dst(%arg7 : memref<3136x16xf32, #tpu.memory_space<vmem>>)
      tpu.yield
    }) : () -> ()
    %mul3A_15 = arith.constant 3136 : i32
    %mul3A_16 = arith.muli %arg1, %mul3A_15 : i32
    "tpu.region"() ({
      %run_scoped3A = tpu.sem_alloc : memref<!tpu.dma_semaphore, #tpu.memory_space<semaphore_mem>>
      %dma_start3A = arith.constant 0 : i32
      %dma_start3A_17 = tpu.memref_slice %arg4[%arg0, %mul3A_16, %dma_start3A] : memref<2x50176x16xf32, #tpu.memory_space<hbm>> -> memref<1x3136x16xf32, #tpu.memory_space<hbm>>
      %dma_start3A_18 = tpu.memref_squeeze %dma_start3A_17 : memref<1x3136x16xf32, #tpu.memory_space<hbm>> -> memref<3136x16xf32, #tpu.memory_space<hbm>>
      %dma_start3A_19 = arith.constant 0 : i32
      %dma_start3A_20 = tpu.memref_slice %arg4[%arg0, %mul3A_16, %dma_start3A_19] : memref<2x50176x16xf32, #tpu.memory_space<hbm>> -> memref<1x3136x16xf32, #tpu.memory_space<hbm>>
      %dma_start3A_21 = tpu.memref_squeeze %dma_start3A_20 : memref<1x3136x16xf32, #tpu.memory_space<hbm>> -> memref<3136x16xf32, #tpu.memory_space<hbm>>
      tpu.enqueue_dma source(%arg7 : memref<3136x16xf32, #tpu.memory_space<vmem>>) target(%dma_start3A_21 : memref<3136x16xf32, #tpu.memory_space<hbm>>) target_semaphore(%run_scoped3A : memref<!tpu.dma_semaphore, #tpu.memory_space<semaphore_mem>>)
      %dma_wait3A = arith.constant 0 : i32
      %dma_wait3A_22 = tpu.memref_slice %arg4[%arg0, %mul3A_16, %dma_wait3A] : memref<2x50176x16xf32, #tpu.memory_space<hbm>> -> memref<1x3136x16xf32, #tpu.memory_space<hbm>>
      %dma_wait3A_23 = tpu.memref_squeeze %dma_wait3A_22 : memref<1x3136x16xf32, #tpu.memory_space<hbm>> -> memref<3136x16xf32, #tpu.memory_space<hbm>>
      %dma_wait3A_24 = arith.constant 0 : i32
      %dma_wait3A_25 = tpu.memref_slice %arg4[%arg0, %mul3A_16, %dma_wait3A_24] : memref<2x50176x16xf32, #tpu.memory_space<hbm>> -> memref<1x3136x16xf32, #tpu.memory_space<hbm>>
      %dma_wait3A_26 = tpu.memref_squeeze %dma_wait3A_25 : memref<1x3136x16xf32, #tpu.memory_space<hbm>> -> memref<3136x16xf32, #tpu.memory_space<hbm>>
      tpu.wait_dma2 semaphore(%run_scoped3A : memref<!tpu.dma_semaphore, #tpu.memory_space<semaphore_mem>>) src(%arg7 : memref<3136x16xf32, #tpu.memory_space<vmem>>) dst(%dma_wait3A_26 : memref<3136x16xf32, #tpu.memory_space<hbm>>)
      tpu.yield
    }) : () -> ()
    return
  }
}

#map = affine_map<(d0, d1) -> (0, 0)>
#map1 = affine_map<(d0, d1) -> (0)>
module attributes {stable_mosaic.version = 14 : i64} {
  func.func @k(%arg0: i32, %arg1: i32, %arg2: memref<50000x64xf32, #tpu.memory_space<hbm>>, %arg3: memref<50000x64xf32, #tpu.memory_space<hbm>>, %arg4: memref<802816xi32, #tpu.memory_space<hbm>>, %arg5: memref<802816xi32, #tpu.memory_space<hbm>>, %arg6: memref<802816x64xf32, #tpu.memory_space<hbm>>, %arg7: memref<512xi32, #tpu.memory_space<vmem>>, %arg8: memref<512xi32, #tpu.memory_space<vmem>>, %arg9: memref<512x64xf32, #tpu.memory_space<vmem>>, %arg10: memref<512x64xf32, #tpu.memory_space<vmem>>, %arg11: memref<!tpu.dma_semaphore, #tpu.memory_space<semaphore_mem>>) attributes {dimension_semantics = [#tpu.dimension_semantics<core_parallel>, #tpu.dimension_semantics<subcore_parallel>], iteration_bounds = array<i64: 2, 16>, scalar_prefetch = 0 : i64, scratch_operands = 5 : i64, tpu.core_type = #tpu.core_type<sc_vector_subcore>, window_params = [{transform_indices = #map}, {transform_indices = #map}, {transform_indices = #map1}, {transform_indices = #map1}, {transform_indices = #map}]} {
    %mul3A = arith.constant 2 : i32
    %mul3A_0 = arith.muli %arg1, %mul3A : i32
    %add3A = arith.addi %mul3A_0, %arg0 : i32
    %mul3A_1 = arith.constant 25088 : i32
    %mul3A_2 = arith.muli %add3A, %mul3A_1 : i32
    %scan3A = arith.constant 0 : i32
    %scan3A_3 = arith.constant 49 : i32
    %scan3A_4 = arith.addi %scan3A, %scan3A_3 : i32
    %scan3A_5 = arith.constant 1 : i32
    scf.for %scan3A_7 = %scan3A to %scan3A_4 step %scan3A_5  : i32 {
      %mul3A_8 = arith.constant 1 : i32
      %mul3A_9 = arith.muli %scan3A_7, %mul3A_8 : i32
      %add3A_10 = arith.constant 0 : i32
      %add3A_11 = arith.addi %add3A_10, %mul3A_9 : i32
      %mul3A_12 = arith.constant 512 : i32
      %mul3A_13 = arith.muli %add3A_11, %mul3A_12 : i32
      %add3A_14 = arith.addi %mul3A_2, %mul3A_13 : i32
      "tpu.region"() ({
        %run_scoped3A = tpu.sem_alloc : memref<!tpu.dma_semaphore, #tpu.memory_space<semaphore_mem>>
        %dma_start3A_30 = tpu.memref_slice %arg4[%add3A_14] : memref<802816xi32, #tpu.memory_space<hbm>> -> memref<512xi32, #tpu.memory_space<hbm>>
        %dma_start3A_31 = tpu.memref_slice %arg4[%add3A_14] : memref<802816xi32, #tpu.memory_space<hbm>> -> memref<512xi32, #tpu.memory_space<hbm>>
        tpu.enqueue_dma source(%dma_start3A_31 : memref<512xi32, #tpu.memory_space<hbm>>) target(%arg7 : memref<512xi32, #tpu.memory_space<vmem>>) target_semaphore(%run_scoped3A : memref<!tpu.dma_semaphore, #tpu.memory_space<semaphore_mem>>)
        %dma_wait3A_32 = tpu.memref_slice %arg4[%add3A_14] : memref<802816xi32, #tpu.memory_space<hbm>> -> memref<512xi32, #tpu.memory_space<hbm>>
        %dma_wait3A_33 = tpu.memref_slice %arg4[%add3A_14] : memref<802816xi32, #tpu.memory_space<hbm>> -> memref<512xi32, #tpu.memory_space<hbm>>
        tpu.wait_dma2 semaphore(%run_scoped3A : memref<!tpu.dma_semaphore, #tpu.memory_space<semaphore_mem>>) src(%dma_wait3A_33 : memref<512xi32, #tpu.memory_space<hbm>>) dst(%arg7 : memref<512xi32, #tpu.memory_space<vmem>>)
        tpu.yield
      }) : () -> ()
      "tpu.region"() ({
        %run_scoped3A = tpu.sem_alloc : memref<!tpu.dma_semaphore, #tpu.memory_space<semaphore_mem>>
        %dma_start3A_30 = tpu.memref_slice %arg5[%add3A_14] : memref<802816xi32, #tpu.memory_space<hbm>> -> memref<512xi32, #tpu.memory_space<hbm>>
        %dma_start3A_31 = tpu.memref_slice %arg5[%add3A_14] : memref<802816xi32, #tpu.memory_space<hbm>> -> memref<512xi32, #tpu.memory_space<hbm>>
        tpu.enqueue_dma source(%dma_start3A_31 : memref<512xi32, #tpu.memory_space<hbm>>) target(%arg8 : memref<512xi32, #tpu.memory_space<vmem>>) target_semaphore(%run_scoped3A : memref<!tpu.dma_semaphore, #tpu.memory_space<semaphore_mem>>)
        %dma_wait3A_32 = tpu.memref_slice %arg5[%add3A_14] : memref<802816xi32, #tpu.memory_space<hbm>> -> memref<512xi32, #tpu.memory_space<hbm>>
        %dma_wait3A_33 = tpu.memref_slice %arg5[%add3A_14] : memref<802816xi32, #tpu.memory_space<hbm>> -> memref<512xi32, #tpu.memory_space<hbm>>
        tpu.wait_dma2 semaphore(%run_scoped3A : memref<!tpu.dma_semaphore, #tpu.memory_space<semaphore_mem>>) src(%dma_wait3A_33 : memref<512xi32, #tpu.memory_space<hbm>>) dst(%arg8 : memref<512xi32, #tpu.memory_space<vmem>>)
        tpu.yield
      }) : () -> ()
      %dma_start3A = arith.constant 0 : i32
      %dma_start3A_15 = arith.constant 0 : i32
      %dma_start3A_16 = tpu.memref_slice %arg2[%dma_start3A, %dma_start3A_15] : memref<50000x64xf32, #tpu.memory_space<hbm>> -> memref<50000x64xf32, #tpu.memory_space<hbm>>
      tpu.enqueue_indirect_dma source(%dma_start3A_16 : memref<50000x64xf32, #tpu.memory_space<hbm>>) target(%arg9 : memref<512x64xf32, #tpu.memory_space<vmem>>) offsets(%arg7 : memref<512xi32, #tpu.memory_space<vmem>>) semaphore(%arg11 : memref<!tpu.dma_semaphore, #tpu.memory_space<semaphore_mem>>)
      %dma_start3A_17 = arith.constant 0 : i32
      %dma_start3A_18 = arith.constant 0 : i32
      %dma_start3A_19 = tpu.memref_slice %arg3[%dma_start3A_17, %dma_start3A_18] : memref<50000x64xf32, #tpu.memory_space<hbm>> -> memref<50000x64xf32, #tpu.memory_space<hbm>>
      tpu.enqueue_indirect_dma source(%dma_start3A_19 : memref<50000x64xf32, #tpu.memory_space<hbm>>) target(%arg10 : memref<512x64xf32, #tpu.memory_space<vmem>>) offsets(%arg8 : memref<512xi32, #tpu.memory_space<vmem>>) semaphore(%arg11 : memref<!tpu.dma_semaphore, #tpu.memory_space<semaphore_mem>>)
      %dma_wait3A = arith.constant 0 : i32
      %dma_wait3A_20 = arith.constant 0 : i32
      %dma_wait3A_21 = tpu.memref_slice %arg2[%dma_wait3A, %dma_wait3A_20] : memref<50000x64xf32, #tpu.memory_space<hbm>> -> memref<50000x64xf32, #tpu.memory_space<hbm>>
      tpu.wait_indirect_dma semaphore(%arg11 : memref<!tpu.dma_semaphore, #tpu.memory_space<semaphore_mem>>) src(%dma_wait3A_21 : memref<50000x64xf32, #tpu.memory_space<hbm>>) dst(%arg9 : memref<512x64xf32, #tpu.memory_space<vmem>>)
      %dma_wait3A_22 = arith.constant 0 : i32
      %dma_wait3A_23 = arith.constant 0 : i32
      %dma_wait3A_24 = tpu.memref_slice %arg3[%dma_wait3A_22, %dma_wait3A_23] : memref<50000x64xf32, #tpu.memory_space<hbm>> -> memref<50000x64xf32, #tpu.memory_space<hbm>>
      tpu.wait_indirect_dma semaphore(%arg11 : memref<!tpu.dma_semaphore, #tpu.memory_space<semaphore_mem>>) src(%dma_wait3A_24 : memref<50000x64xf32, #tpu.memory_space<hbm>>) dst(%arg10 : memref<512x64xf32, #tpu.memory_space<vmem>>)
      %scan3A_25 = arith.constant 0 : i32
      %scan3A_26 = arith.constant 512 : i32
      %scan3A_27 = arith.addi %scan3A_25, %scan3A_26 : i32
      %scan3A_28 = arith.constant 1 : i32
      scf.for %scan3A_30 = %scan3A_25 to %scan3A_27 step %scan3A_28  : i32 {
        %mul3A_31 = arith.constant 1 : i32
        %mul3A_32 = arith.muli %scan3A_30, %mul3A_31 : i32
        %add3A_33 = arith.constant 0 : i32
        %add3A_34 = arith.addi %add3A_33, %mul3A_32 : i32
        %get3A = arith.index_cast %add3A_34 : i32 to index
        %get3A_35 = arith.constant 0 : index
        %get3A_36 = tpu.vector_load %arg9[%get3A, %get3A_35] {strides = array<i32>} : memref<512x64xf32, #tpu.memory_space<vmem>>, vector<1x16xf32>,
        %get3A_37 = vector.shape_cast %get3A_36 : vector<1x16xf32> to vector<16xf32>
        %get3A_38 = arith.index_cast %add3A_34 : i32 to index
        %get3A_39 = arith.constant 0 : index
        %get3A_40 = tpu.vector_load %arg10[%get3A_38, %get3A_39] {strides = array<i32>} : memref<512x64xf32, #tpu.memory_space<vmem>>, vector<1x16xf32>,
        %get3A_41 = vector.shape_cast %get3A_40 : vector<1x16xf32> to vector<16xf32>
        %add3A_42 = arith.addf %get3A_37, %get3A_41 : vector<16xf32>
        %swap3A = arith.index_cast %add3A_34 : i32 to index
        %swap3A_43 = arith.constant 0 : index
        %swap3A_44 = tpu.vector_load %arg9[%swap3A, %swap3A_43] {strides = array<i32>} : memref<512x64xf32, #tpu.memory_space<vmem>>, vector<1x16xf32>,
        %swap3A_45 = vector.shape_cast %swap3A_44 : vector<1x16xf32> to vector<16xf32>
        %swap3A_46 = vector.shape_cast %add3A_42 : vector<16xf32> to vector<1x16xf32>
        tpu.vector_store %arg9[%swap3A, %swap3A_43], %swap3A_46 {strides = array<i32>} : memref<512x64xf32, #tpu.memory_space<vmem>>, vector<1x16xf32>,
        %get3A_47 = arith.index_cast %add3A_34 : i32 to index
        %get3A_48 = arith.constant 16 : index
        %get3A_49 = tpu.vector_load %arg9[%get3A_47, %get3A_48] {strides = array<i32>} : memref<512x64xf32, #tpu.memory_space<vmem>>, vector<1x16xf32>,
        %get3A_50 = vector.shape_cast %get3A_49 : vector<1x16xf32> to vector<16xf32>
        %get3A_51 = arith.index_cast %add3A_34 : i32 to index
        %get3A_52 = arith.constant 16 : index
        %get3A_53 = tpu.vector_load %arg10[%get3A_51, %get3A_52] {strides = array<i32>} : memref<512x64xf32, #tpu.memory_space<vmem>>, vector<1x16xf32>,
        %get3A_54 = vector.shape_cast %get3A_53 : vector<1x16xf32> to vector<16xf32>
        %add3A_55 = arith.addf %get3A_50, %get3A_54 : vector<16xf32>
        %swap3A_56 = arith.index_cast %add3A_34 : i32 to index
        %swap3A_57 = arith.constant 16 : index
        %swap3A_58 = tpu.vector_load %arg9[%swap3A_56, %swap3A_57] {strides = array<i32>} : memref<512x64xf32, #tpu.memory_space<vmem>>, vector<1x16xf32>,
        %swap3A_59 = vector.shape_cast %swap3A_58 : vector<1x16xf32> to vector<16xf32>
        %swap3A_60 = vector.shape_cast %add3A_55 : vector<16xf32> to vector<1x16xf32>
        tpu.vector_store %arg9[%swap3A_56, %swap3A_57], %swap3A_60 {strides = array<i32>} : memref<512x64xf32, #tpu.memory_space<vmem>>, vector<1x16xf32>,
        %get3A_61 = arith.index_cast %add3A_34 : i32 to index
        %get3A_62 = arith.constant 32 : index
        %get3A_63 = tpu.vector_load %arg9[%get3A_61, %get3A_62] {strides = array<i32>} : memref<512x64xf32, #tpu.memory_space<vmem>>, vector<1x16xf32>,
        %get3A_64 = vector.shape_cast %get3A_63 : vector<1x16xf32> to vector<16xf32>
        %get3A_65 = arith.index_cast %add3A_34 : i32 to index
        %get3A_66 = arith.constant 32 : index
        %get3A_67 = tpu.vector_load %arg10[%get3A_65, %get3A_66] {strides = array<i32>} : memref<512x64xf32, #tpu.memory_space<vmem>>, vector<1x16xf32>,
        %get3A_68 = vector.shape_cast %get3A_67 : vector<1x16xf32> to vector<16xf32>
        %add3A_69 = arith.addf %get3A_64, %get3A_68 : vector<16xf32>
        %swap3A_70 = arith.index_cast %add3A_34 : i32 to index
        %swap3A_71 = arith.constant 32 : index
        %swap3A_72 = tpu.vector_load %arg9[%swap3A_70, %swap3A_71] {strides = array<i32>} : memref<512x64xf32, #tpu.memory_space<vmem>>, vector<1x16xf32>,
        %swap3A_73 = vector.shape_cast %swap3A_72 : vector<1x16xf32> to vector<16xf32>
        %swap3A_74 = vector.shape_cast %add3A_69 : vector<16xf32> to vector<1x16xf32>
        tpu.vector_store %arg9[%swap3A_70, %swap3A_71], %swap3A_74 {strides = array<i32>} : memref<512x64xf32, #tpu.memory_space<vmem>>, vector<1x16xf32>,
        %get3A_75 = arith.index_cast %add3A_34 : i32 to index
        %get3A_76 = arith.constant 48 : index
        %get3A_77 = tpu.vector_load %arg9[%get3A_75, %get3A_76] {strides = array<i32>} : memref<512x64xf32, #tpu.memory_space<vmem>>, vector<1x16xf32>,
        %get3A_78 = vector.shape_cast %get3A_77 : vector<1x16xf32> to vector<16xf32>
        %get3A_79 = arith.index_cast %add3A_34 : i32 to index
        %get3A_80 = arith.constant 48 : index
        %get3A_81 = tpu.vector_load %arg10[%get3A_79, %get3A_80] {strides = array<i32>} : memref<512x64xf32, #tpu.memory_space<vmem>>, vector<1x16xf32>,
        %get3A_82 = vector.shape_cast %get3A_81 : vector<1x16xf32> to vector<16xf32>
        %add3A_83 = arith.addf %get3A_78, %get3A_82 : vector<16xf32>
        %swap3A_84 = arith.index_cast %add3A_34 : i32 to index
        %swap3A_85 = arith.constant 48 : index
        %swap3A_86 = tpu.vector_load %arg9[%swap3A_84, %swap3A_85] {strides = array<i32>} : memref<512x64xf32, #tpu.memory_space<vmem>>, vector<1x16xf32>,
        %swap3A_87 = vector.shape_cast %swap3A_86 : vector<1x16xf32> to vector<16xf32>
        %swap3A_88 = vector.shape_cast %add3A_83 : vector<16xf32> to vector<1x16xf32>
        tpu.vector_store %arg9[%swap3A_84, %swap3A_85], %swap3A_88 {strides = array<i32>} : memref<512x64xf32, #tpu.memory_space<vmem>>, vector<1x16xf32>,
      }
      %scan3A_29 = arith.constant 512 : i32
      "tpu.region"() ({
        %run_scoped3A = tpu.sem_alloc : memref<!tpu.dma_semaphore, #tpu.memory_space<semaphore_mem>>
        %dma_start3A_30 = arith.constant 0 : i32
        %dma_start3A_31 = tpu.memref_slice %arg6[%add3A_14, %dma_start3A_30] : memref<802816x64xf32, #tpu.memory_space<hbm>> -> memref<512x64xf32, #tpu.memory_space<hbm>>
        %dma_start3A_32 = arith.constant 0 : i32
        %dma_start3A_33 = tpu.memref_slice %arg6[%add3A_14, %dma_start3A_32] : memref<802816x64xf32, #tpu.memory_space<hbm>> -> memref<512x64xf32, #tpu.memory_space<hbm>>
        tpu.enqueue_dma source(%arg9 : memref<512x64xf32, #tpu.memory_space<vmem>>) target(%dma_start3A_33 : memref<512x64xf32, #tpu.memory_space<hbm>>) target_semaphore(%run_scoped3A : memref<!tpu.dma_semaphore, #tpu.memory_space<semaphore_mem>>)
        %dma_wait3A_34 = arith.constant 0 : i32
        %dma_wait3A_35 = tpu.memref_slice %arg6[%add3A_14, %dma_wait3A_34] : memref<802816x64xf32, #tpu.memory_space<hbm>> -> memref<512x64xf32, #tpu.memory_space<hbm>>
        %dma_wait3A_36 = arith.constant 0 : i32
        %dma_wait3A_37 = tpu.memref_slice %arg6[%add3A_14, %dma_wait3A_36] : memref<802816x64xf32, #tpu.memory_space<hbm>> -> memref<512x64xf32, #tpu.memory_space<hbm>>
        tpu.wait_dma2 semaphore(%run_scoped3A : memref<!tpu.dma_semaphore, #tpu.memory_space<semaphore_mem>>) src(%arg9 : memref<512x64xf32, #tpu.memory_space<vmem>>) dst(%dma_wait3A_37 : memref<512x64xf32, #tpu.memory_space<hbm>>)
        tpu.yield
      }) : () -> ()
    }
    %scan3A_6 = arith.constant 49 : i32
    return
  }
}

#map = affine_map<(d0, d1) -> (0, 0, 0)>
#map1 = affine_map<(d0, d1) -> (0)>
module attributes {stable_mosaic.version = 14 : i64} {
  func.func @k(%arg0: i32, %arg1: i32, %arg2: memref<2x802816x16xf32, #tpu.memory_space<hbm>>, %arg3: memref<802816xi32, #tpu.memory_space<hbm>>, %arg4: memref<2x50176x16xf32, #tpu.memory_space<hbm>>, %arg5: memref<1024xi32, #tpu.memory_space<vmem>>, %arg6: memref<1024x16xf32, #tpu.memory_space<vmem>>, %arg7: memref<3136x16xf32, #tpu.memory_space<vmem>>, %arg8: memref<50176x16xf32, #tpu.memory_space<vmem_shared>>) attributes {dimension_semantics = [#tpu.dimension_semantics<core_parallel>, #tpu.dimension_semantics<subcore_parallel>], iteration_bounds = array<i64: 2, 16>, scalar_prefetch = 0 : i64, scratch_operands = 4 : i64, tpu.core_type = #tpu.core_type<sc_vector_subcore>, window_params = [{transform_indices = #map}, {transform_indices = #map1}, {transform_indices = #map}]} {
    %scan3A = arith.constant 0 : i32
    %scan3A_0 = arith.constant 3136 : i32
    %scan3A_1 = arith.addi %scan3A, %scan3A_0 : i32
    %scan3A_2 = arith.constant 1 : i32
    scf.for %scan3A_17 = %scan3A to %scan3A_1 step %scan3A_2  : i32 {
      %mul3A_18 = arith.constant 1 : i32
      %mul3A_19 = arith.muli %scan3A_17, %mul3A_18 : i32
      %add3A = arith.constant 0 : i32
      %add3A_20 = arith.addi %add3A, %mul3A_19 : i32
      %broadcast_in_dim3A = arith.constant 0.000000e+00 : f32
      %broadcast_in_dim3A_21 = vector.broadcast %broadcast_in_dim3A : f32 to vector<16xf32>
      %swap3A = arith.index_cast %add3A_20 : i32 to index
      %swap3A_22 = arith.constant 0 : index
      %swap3A_23 = tpu.vector_load %arg7[%swap3A, %swap3A_22] {strides = array<i32>} : memref<3136x16xf32, #tpu.memory_space<vmem>>, vector<1x16xf32>,
      %swap3A_24 = vector.shape_cast %swap3A_23 : vector<1x16xf32> to vector<16xf32>
      %swap3A_25 = vector.shape_cast %broadcast_in_dim3A_21 : vector<16xf32> to vector<1x16xf32>
      tpu.vector_store %arg7[%swap3A, %swap3A_22], %swap3A_25 {strides = array<i32>} : memref<3136x16xf32, #tpu.memory_space<vmem>>, vector<1x16xf32>,
    }
    %scan3A_3 = arith.constant 3136 : i32
    %mul3A = arith.constant 3136 : i32
    %mul3A_4 = arith.muli %arg1, %mul3A : i32
    "tpu.region"() ({
      %run_scoped3A = tpu.sem_alloc : memref<!tpu.dma_semaphore, #tpu.memory_space<semaphore_mem>>
      %dma_start3A = arith.constant 0 : i32
      %dma_start3A_17 = tpu.memref_slice %arg8[%mul3A_4, %dma_start3A] : memref<50176x16xf32, #tpu.memory_space<vmem_shared>> -> memref<3136x16xf32, #tpu.memory_space<vmem_shared>>
      %dma_start3A_18 = arith.constant 0 : i32
      %dma_start3A_19 = tpu.memref_slice %arg8[%mul3A_4, %dma_start3A_18] : memref<50176x16xf32, #tpu.memory_space<vmem_shared>> -> memref<3136x16xf32, #tpu.memory_space<vmem_shared>>
      tpu.enqueue_dma source(%arg7 : memref<3136x16xf32, #tpu.memory_space<vmem>>) target(%dma_start3A_19 : memref<3136x16xf32, #tpu.memory_space<vmem_shared>>) target_semaphore(%run_scoped3A : memref<!tpu.dma_semaphore, #tpu.memory_space<semaphore_mem>>)
      %dma_wait3A = arith.constant 0 : i32
      %dma_wait3A_20 = tpu.memref_slice %arg8[%mul3A_4, %dma_wait3A] : memref<50176x16xf32, #tpu.memory_space<vmem_shared>> -> memref<3136x16xf32, #tpu.memory_space<vmem_shared>>
      %dma_wait3A_21 = arith.constant 0 : i32
      %dma_wait3A_22 = tpu.memref_slice %arg8[%mul3A_4, %dma_wait3A_21] : memref<50176x16xf32, #tpu.memory_space<vmem_shared>> -> memref<3136x16xf32, #tpu.memory_space<vmem_shared>>
      tpu.wait_dma2 semaphore(%run_scoped3A : memref<!tpu.dma_semaphore, #tpu.memory_space<semaphore_mem>>) src(%arg7 : memref<3136x16xf32, #tpu.memory_space<vmem>>) dst(%dma_wait3A_22 : memref<3136x16xf32, #tpu.memory_space<vmem_shared>>)
      tpu.yield
    }) : () -> ()
    %barrier3A = arith.constant 0 : index
    tpu.barrier barrier_id(%barrier3A)
    %mul3A_5 = arith.constant 50176 : i32
    %mul3A_6 = arith.muli %arg1, %mul3A_5 : i32
    %scan3A_7 = arith.constant 0 : i32
    %scan3A_8 = arith.constant 49 : i32
    %scan3A_9 = arith.addi %scan3A_7, %scan3A_8 : i32
    %scan3A_10 = arith.constant 1 : i32
    scf.for %scan3A_17 = %scan3A_7 to %scan3A_9 step %scan3A_10  : i32 {
      %mul3A_18 = arith.constant 1 : i32
      %mul3A_19 = arith.muli %scan3A_17, %mul3A_18 : i32
      %add3A = arith.constant 0 : i32
      %add3A_20 = arith.addi %add3A, %mul3A_19 : i32
      %mul3A_21 = arith.constant 1024 : i32
      %mul3A_22 = arith.muli %add3A_20, %mul3A_21 : i32
      %add3A_23 = arith.addi %mul3A_6, %mul3A_22 : i32
      "tpu.region"() ({
        %run_scoped3A = tpu.sem_alloc : memref<!tpu.dma_semaphore, #tpu.memory_space<semaphore_mem>>
        %dma_start3A = tpu.memref_slice %arg3[%add3A_23] : memref<802816xi32, #tpu.memory_space<hbm>> -> memref<1024xi32, #tpu.memory_space<hbm>>
        %dma_start3A_27 = tpu.memref_slice %arg3[%add3A_23] : memref<802816xi32, #tpu.memory_space<hbm>> -> memref<1024xi32, #tpu.memory_space<hbm>>
        tpu.enqueue_dma source(%dma_start3A_27 : memref<1024xi32, #tpu.memory_space<hbm>>) target(%arg5 : memref<1024xi32, #tpu.memory_space<vmem>>) target_semaphore(%run_scoped3A : memref<!tpu.dma_semaphore, #tpu.memory_space<semaphore_mem>>)
        %dma_wait3A = tpu.memref_slice %arg3[%add3A_23] : memref<802816xi32, #tpu.memory_space<hbm>> -> memref<1024xi32, #tpu.memory_space<hbm>>
        %dma_wait3A_28 = tpu.memref_slice %arg3[%add3A_23] : memref<802816xi32, #tpu.memory_space<hbm>> -> memref<1024xi32, #tpu.memory_space<hbm>>
        tpu.wait_dma2 semaphore(%run_scoped3A : memref<!tpu.dma_semaphore, #tpu.memory_space<semaphore_mem>>) src(%dma_wait3A_28 : memref<1024xi32, #tpu.memory_space<hbm>>) dst(%arg5 : memref<1024xi32, #tpu.memory_space<vmem>>)
        tpu.yield
      }) : () -> ()
      %mul3A_24 = arith.constant 1024 : i32
      %mul3A_25 = arith.muli %add3A_20, %mul3A_24 : i32
      %add3A_26 = arith.addi %mul3A_6, %mul3A_25 : i32
      "tpu.region"() ({
        %run_scoped3A = tpu.sem_alloc : memref<!tpu.dma_semaphore, #tpu.memory_space<semaphore_mem>>
        %dma_start3A = arith.constant 0 : i32
        %dma_start3A_27 = tpu.memref_slice %arg2[%arg0, %add3A_26, %dma_start3A] : memref<2x802816x16xf32, #tpu.memory_space<hbm>> -> memref<1x1024x16xf32, #tpu.memory_space<hbm>>
        %dma_start3A_28 = tpu.memref_squeeze %dma_start3A_27 : memref<1x1024x16xf32, #tpu.memory_space<hbm>> -> memref<1024x16xf32, #tpu.memory_space<hbm>>
        %dma_start3A_29 = arith.constant 0 : i32
        %dma_start3A_30 = tpu.memref_slice %arg2[%arg0, %add3A_26, %dma_start3A_29] : memref<2x802816x16xf32, #tpu.memory_space<hbm>> -> memref<1x1024x16xf32, #tpu.memory_space<hbm>>
        %dma_start3A_31 = tpu.memref_squeeze %dma_start3A_30 : memref<1x1024x16xf32, #tpu.memory_space<hbm>> -> memref<1024x16xf32, #tpu.memory_space<hbm>>
        tpu.enqueue_dma source(%dma_start3A_31 : memref<1024x16xf32, #tpu.memory_space<hbm>>) target(%arg6 : memref<1024x16xf32, #tpu.memory_space<vmem>>) target_semaphore(%run_scoped3A : memref<!tpu.dma_semaphore, #tpu.memory_space<semaphore_mem>>)
        %dma_wait3A = arith.constant 0 : i32
        %dma_wait3A_32 = tpu.memref_slice %arg2[%arg0, %add3A_26, %dma_wait3A] : memref<2x802816x16xf32, #tpu.memory_space<hbm>> -> memref<1x1024x16xf32, #tpu.memory_space<hbm>>
        %dma_wait3A_33 = tpu.memref_squeeze %dma_wait3A_32 : memref<1x1024x16xf32, #tpu.memory_space<hbm>> -> memref<1024x16xf32, #tpu.memory_space<hbm>>
        %dma_wait3A_34 = arith.constant 0 : i32
        %dma_wait3A_35 = tpu.memref_slice %arg2[%arg0, %add3A_26, %dma_wait3A_34] : memref<2x802816x16xf32, #tpu.memory_space<hbm>> -> memref<1x1024x16xf32, #tpu.memory_space<hbm>>
        %dma_wait3A_36 = tpu.memref_squeeze %dma_wait3A_35 : memref<1x1024x16xf32, #tpu.memory_space<hbm>> -> memref<1024x16xf32, #tpu.memory_space<hbm>>
        tpu.wait_dma2 semaphore(%run_scoped3A : memref<!tpu.dma_semaphore, #tpu.memory_space<semaphore_mem>>) src(%dma_wait3A_36 : memref<1024x16xf32, #tpu.memory_space<hbm>>) dst(%arg6 : memref<1024x16xf32, #tpu.memory_space<vmem>>)
        tpu.yield
      }) : () -> ()
      "tpu.region"() ({
        %run_scoped3A = tpu.sem_alloc : memref<!tpu.dma_semaphore, #tpu.memory_space<semaphore_mem>>
        %dma_start3A = arith.constant 0 : i32
        %dma_start3A_27 = arith.constant 0 : i32
        %dma_start3A_28 = tpu.memref_slice %arg8[%dma_start3A, %dma_start3A_27] : memref<50176x16xf32, #tpu.memory_space<vmem_shared>> -> memref<50176x16xf32, #tpu.memory_space<vmem_shared>>
        tpu.enqueue_indirect_dma source(%arg6 : memref<1024x16xf32, #tpu.memory_space<vmem>>) target(%dma_start3A_28 : memref<50176x16xf32, #tpu.memory_space<vmem_shared>>) offsets(%arg5 : memref<1024xi32, #tpu.memory_space<vmem>>) semaphore(%run_scoped3A : memref<!tpu.dma_semaphore, #tpu.memory_space<semaphore_mem>>) {add = true}
        %dma_wait3A = arith.constant 0 : i32
        %dma_wait3A_29 = arith.constant 0 : i32
        %dma_wait3A_30 = tpu.memref_slice %arg8[%dma_wait3A, %dma_wait3A_29] : memref<50176x16xf32, #tpu.memory_space<vmem_shared>> -> memref<50176x16xf32, #tpu.memory_space<vmem_shared>>
        tpu.wait_indirect_dma semaphore(%run_scoped3A : memref<!tpu.dma_semaphore, #tpu.memory_space<semaphore_mem>>) src(%arg6 : memref<1024x16xf32, #tpu.memory_space<vmem>>) dst(%dma_wait3A_30 : memref<50176x16xf32, #tpu.memory_space<vmem_shared>>)
        tpu.yield
      }) : () -> ()
    }
    %scan3A_11 = arith.constant 49 : i32
    %barrier3A_12 = arith.constant 0 : index
    tpu.barrier barrier_id(%barrier3A_12)
    %mul3A_13 = arith.constant 3136 : i32
    %mul3A_14 = arith.muli %arg1, %mul3A_13 : i32
    "tpu.region"() ({
      %run_scoped3A = tpu.sem_alloc : memref<!tpu.dma_semaphore, #tpu.memory_space<semaphore_mem>>
      %dma_start3A = arith.constant 0 : i32
      %dma_start3A_17 = tpu.memref_slice %arg8[%mul3A_14, %dma_start3A] : memref<50176x16xf32, #tpu.memory_space<vmem_shared>> -> memref<3136x16xf32, #tpu.memory_space<vmem_shared>>
      %dma_start3A_18 = arith.constant 0 : i32
      %dma_start3A_19 = tpu.memref_slice %arg8[%mul3A_14, %dma_start3A_18] : memref<50176x16xf32, #tpu.memory_space<vmem_shared>> -> memref<3136x16xf32, #tpu.memory_space<vmem_shared>>
      tpu.enqueue_dma source(%dma_start3A_19 : memref<3136x16xf32, #tpu.memory_space<vmem_shared>>) target(%arg7 : memref<3136x16xf32, #tpu.memory_space<vmem>>) target_semaphore(%run_scoped3A : memref<!tpu.dma_semaphore, #tpu.memory_space<semaphore_mem>>)
      %dma_wait3A = arith.constant 0 : i32
      %dma_wait3A_20 = tpu.memref_slice %arg8[%mul3A_14, %dma_wait3A] : memref<50176x16xf32, #tpu.memory_space<vmem_shared>> -> memref<3136x16xf32, #tpu.memory_space<vmem_shared>>
      %dma_wait3A_21 = arith.constant 0 : i32
      %dma_wait3A_22 = tpu.memref_slice %arg8[%mul3A_14, %dma_wait3A_21] : memref<50176x16xf32, #tpu.memory_space<vmem_shared>> -> memref<3136x16xf32, #tpu.memory_space<vmem_shared>>
      tpu.wait_dma2 semaphore(%run_scoped3A : memref<!tpu.dma_semaphore, #tpu.memory_space<semaphore_mem>>) src(%dma_wait3A_22 : memref<3136x16xf32, #tpu.memory_space<vmem_shared>>) dst(%arg7 : memref<3136x16xf32, #tpu.memory_space<vmem>>)
      tpu.yield
    }) : () -> ()
    %mul3A_15 = arith.constant 3136 : i32
    %mul3A_16 = arith.muli %arg1, %mul3A_15 : i32
    "tpu.region"() ({
      %run_scoped3A = tpu.sem_alloc : memref<!tpu.dma_semaphore, #tpu.memory_space<semaphore_mem>>
      %dma_start3A = arith.constant 0 : i32
      %dma_start3A_17 = tpu.memref_slice %arg4[%arg0, %mul3A_16, %dma_start3A] : memref<2x50176x16xf32, #tpu.memory_space<hbm>> -> memref<1x3136x16xf32, #tpu.memory_space<hbm>>
      %dma_start3A_18 = tpu.memref_squeeze %dma_start3A_17 : memref<1x3136x16xf32, #tpu.memory_space<hbm>> -> memref<3136x16xf32, #tpu.memory_space<hbm>>
      %dma_start3A_19 = arith.constant 0 : i32
      %dma_start3A_20 = tpu.memref_slice %arg4[%arg0, %mul3A_16, %dma_start3A_19] : memref<2x50176x16xf32, #tpu.memory_space<hbm>> -> memref<1x3136x16xf32, #tpu.memory_space<hbm>>
      %dma_start3A_21 = tpu.memref_squeeze %dma_start3A_20 : memref<1x3136x16xf32, #tpu.memory_space<hbm>> -> memref<3136x16xf32, #tpu.memory_space<hbm>>
      tpu.enqueue_dma source(%arg7 : memref<3136x16xf32, #tpu.memory_space<vmem>>) target(%dma_start3A_21 : memref<3136x16xf32, #tpu.memory_space<hbm>>) target_semaphore(%run_scoped3A : memref<!tpu.dma_semaphore, #tpu.memory_space<semaphore_mem>>)
      %dma_wait3A = arith.constant 0 : i32
      %dma_wait3A_22 = tpu.memref_slice %arg4[%arg0, %mul3A_16, %dma_wait3A] : memref<2x50176x16xf32, #tpu.memory_space<hbm>> -> memref<1x3136x16xf32, #tpu.memory_space<hbm>>
      %dma_wait3A_23 = tpu.memref_squeeze %dma_wait3A_22 : memref<1x3136x16xf32, #tpu.memory_space<hbm>> -> memref<3136x16xf32, #tpu.memory_space<hbm>>
      %dma_wait3A_24 = arith.constant 0 : i32
      %dma_wait3A_25 = tpu.memref_slice %arg4[%arg0, %mul3A_16, %dma_wait3A_24] : memref<2x50176x16xf32, #tpu.memory_space<hbm>> -> memref<1x3136x16xf32, #tpu.memory_space<hbm>>
      %dma_wait3A_26 = tpu.memref_squeeze %dma_wait3A_25 : memref<1x3136x16xf32, #tpu.memory_space<hbm>> -> memref<3136x16xf32, #tpu.memory_space<hbm>>
      tpu.wait_dma2 semaphore(%run_scoped3A : memref<!tpu.dma_semaphore, #tpu.memory_space<semaphore_mem>>) src(%arg7 : memref<3136x16xf32, #tpu.memory_space<vmem>>) dst(%dma_wait3A_26 : memref<3136x16xf32, #tpu.memory_space<hbm>>)
      tpu.yield
    }) : () -> ()
    return
  }
}

#map = affine_map<(d0, d1) -> (0, 0, 0)>
#map1 = affine_map<(d0, d1) -> (0)>
module attributes {stable_mosaic.version = 14 : i64} {
  func.func @k(%arg0: i32, %arg1: i32, %arg2: memref<2x802816x16xf32, #tpu.memory_space<hbm>>, %arg3: memref<802816xi32, #tpu.memory_space<hbm>>, %arg4: memref<2x50176x16xf32, #tpu.memory_space<hbm>>, %arg5: memref<1024xi32, #tpu.memory_space<vmem>>, %arg6: memref<1024x16xf32, #tpu.memory_space<vmem>>, %arg7: memref<3136x16xf32, #tpu.memory_space<vmem>>, %arg8: memref<50176x16xf32, #tpu.memory_space<vmem_shared>>) attributes {dimension_semantics = [#tpu.dimension_semantics<core_parallel>, #tpu.dimension_semantics<subcore_parallel>], iteration_bounds = array<i64: 2, 16>, scalar_prefetch = 0 : i64, scratch_operands = 4 : i64, tpu.core_type = #tpu.core_type<sc_vector_subcore>, window_params = [{transform_indices = #map}, {transform_indices = #map1}, {transform_indices = #map}]} {
    %scan3A = arith.constant 0 : i32
    %scan3A_0 = arith.constant 3136 : i32
    %scan3A_1 = arith.addi %scan3A, %scan3A_0 : i32
    %scan3A_2 = arith.constant 1 : i32
    scf.for %scan3A_17 = %scan3A to %scan3A_1 step %scan3A_2  : i32 {
      %mul3A_18 = arith.constant 1 : i32
      %mul3A_19 = arith.muli %scan3A_17, %mul3A_18 : i32
      %add3A = arith.constant 0 : i32
      %add3A_20 = arith.addi %add3A, %mul3A_19 : i32
      %broadcast_in_dim3A = arith.constant 0.000000e+00 : f32
      %broadcast_in_dim3A_21 = vector.broadcast %broadcast_in_dim3A : f32 to vector<16xf32>
      %swap3A = arith.index_cast %add3A_20 : i32 to index
      %swap3A_22 = arith.constant 0 : index
      %swap3A_23 = tpu.vector_load %arg7[%swap3A, %swap3A_22] {strides = array<i32>} : memref<3136x16xf32, #tpu.memory_space<vmem>>, vector<1x16xf32>,
      %swap3A_24 = vector.shape_cast %swap3A_23 : vector<1x16xf32> to vector<16xf32>
      %swap3A_25 = vector.shape_cast %broadcast_in_dim3A_21 : vector<16xf32> to vector<1x16xf32>
      tpu.vector_store %arg7[%swap3A, %swap3A_22], %swap3A_25 {strides = array<i32>} : memref<3136x16xf32, #tpu.memory_space<vmem>>, vector<1x16xf32>,
    }
    %scan3A_3 = arith.constant 3136 : i32
    %mul3A = arith.constant 3136 : i32
    %mul3A_4 = arith.muli %arg1, %mul3A : i32
    "tpu.region"() ({
      %run_scoped3A = tpu.sem_alloc : memref<!tpu.dma_semaphore, #tpu.memory_space<semaphore_mem>>
      %dma_start3A = arith.constant 0 : i32
      %dma_start3A_17 = tpu.memref_slice %arg8[%mul3A_4, %dma_start3A] : memref<50176x16xf32, #tpu.memory_space<vmem_shared>> -> memref<3136x16xf32, #tpu.memory_space<vmem_shared>>
      %dma_start3A_18 = arith.constant 0 : i32
      %dma_start3A_19 = tpu.memref_slice %arg8[%mul3A_4, %dma_start3A_18] : memref<50176x16xf32, #tpu.memory_space<vmem_shared>> -> memref<3136x16xf32, #tpu.memory_space<vmem_shared>>
      tpu.enqueue_dma source(%arg7 : memref<3136x16xf32, #tpu.memory_space<vmem>>) target(%dma_start3A_19 : memref<3136x16xf32, #tpu.memory_space<vmem_shared>>) target_semaphore(%run_scoped3A : memref<!tpu.dma_semaphore, #tpu.memory_space<semaphore_mem>>)
      %dma_wait3A = arith.constant 0 : i32
      %dma_wait3A_20 = tpu.memref_slice %arg8[%mul3A_4, %dma_wait3A] : memref<50176x16xf32, #tpu.memory_space<vmem_shared>> -> memref<3136x16xf32, #tpu.memory_space<vmem_shared>>
      %dma_wait3A_21 = arith.constant 0 : i32
      %dma_wait3A_22 = tpu.memref_slice %arg8[%mul3A_4, %dma_wait3A_21] : memref<50176x16xf32, #tpu.memory_space<vmem_shared>> -> memref<3136x16xf32, #tpu.memory_space<vmem_shared>>
      tpu.wait_dma2 semaphore(%run_scoped3A : memref<!tpu.dma_semaphore, #tpu.memory_space<semaphore_mem>>) src(%arg7 : memref<3136x16xf32, #tpu.memory_space<vmem>>) dst(%dma_wait3A_22 : memref<3136x16xf32, #tpu.memory_space<vmem_shared>>)
      tpu.yield
    }) : () -> ()
    %barrier3A = arith.constant 0 : index
    tpu.barrier barrier_id(%barrier3A)
    %mul3A_5 = arith.constant 50176 : i32
    %mul3A_6 = arith.muli %arg1, %mul3A_5 : i32
    %scan3A_7 = arith.constant 0 : i32
    %scan3A_8 = arith.constant 49 : i32
    %scan3A_9 = arith.addi %scan3A_7, %scan3A_8 : i32
    %scan3A_10 = arith.constant 1 : i32
    scf.for %scan3A_17 = %scan3A_7 to %scan3A_9 step %scan3A_10  : i32 {
      %mul3A_18 = arith.constant 1 : i32
      %mul3A_19 = arith.muli %scan3A_17, %mul3A_18 : i32
      %add3A = arith.constant 0 : i32
      %add3A_20 = arith.addi %add3A, %mul3A_19 : i32
      %mul3A_21 = arith.constant 1024 : i32
      %mul3A_22 = arith.muli %add3A_20, %mul3A_21 : i32
      %add3A_23 = arith.addi %mul3A_6, %mul3A_22 : i32
      "tpu.region"() ({
        %run_scoped3A = tpu.sem_alloc : memref<!tpu.dma_semaphore, #tpu.memory_space<semaphore_mem>>
        %dma_start3A = tpu.memref_slice %arg3[%add3A_23] : memref<802816xi32, #tpu.memory_space<hbm>> -> memref<1024xi32, #tpu.memory_space<hbm>>
        %dma_start3A_27 = tpu.memref_slice %arg3[%add3A_23] : memref<802816xi32, #tpu.memory_space<hbm>> -> memref<1024xi32, #tpu.memory_space<hbm>>
        tpu.enqueue_dma source(%dma_start3A_27 : memref<1024xi32, #tpu.memory_space<hbm>>) target(%arg5 : memref<1024xi32, #tpu.memory_space<vmem>>) target_semaphore(%run_scoped3A : memref<!tpu.dma_semaphore, #tpu.memory_space<semaphore_mem>>)
        %dma_wait3A = tpu.memref_slice %arg3[%add3A_23] : memref<802816xi32, #tpu.memory_space<hbm>> -> memref<1024xi32, #tpu.memory_space<hbm>>
        %dma_wait3A_28 = tpu.memref_slice %arg3[%add3A_23] : memref<802816xi32, #tpu.memory_space<hbm>> -> memref<1024xi32, #tpu.memory_space<hbm>>
        tpu.wait_dma2 semaphore(%run_scoped3A : memref<!tpu.dma_semaphore, #tpu.memory_space<semaphore_mem>>) src(%dma_wait3A_28 : memref<1024xi32, #tpu.memory_space<hbm>>) dst(%arg5 : memref<1024xi32, #tpu.memory_space<vmem>>)
        tpu.yield
      }) : () -> ()
      %mul3A_24 = arith.constant 1024 : i32
      %mul3A_25 = arith.muli %add3A_20, %mul3A_24 : i32
      %add3A_26 = arith.addi %mul3A_6, %mul3A_25 : i32
      "tpu.region"() ({
        %run_scoped3A = tpu.sem_alloc : memref<!tpu.dma_semaphore, #tpu.memory_space<semaphore_mem>>
        %dma_start3A = arith.constant 0 : i32
        %dma_start3A_27 = tpu.memref_slice %arg2[%arg0, %add3A_26, %dma_start3A] : memref<2x802816x16xf32, #tpu.memory_space<hbm>> -> memref<1x1024x16xf32, #tpu.memory_space<hbm>>
        %dma_start3A_28 = tpu.memref_squeeze %dma_start3A_27 : memref<1x1024x16xf32, #tpu.memory_space<hbm>> -> memref<1024x16xf32, #tpu.memory_space<hbm>>
        %dma_start3A_29 = arith.constant 0 : i32
        %dma_start3A_30 = tpu.memref_slice %arg2[%arg0, %add3A_26, %dma_start3A_29] : memref<2x802816x16xf32, #tpu.memory_space<hbm>> -> memref<1x1024x16xf32, #tpu.memory_space<hbm>>
        %dma_start3A_31 = tpu.memref_squeeze %dma_start3A_30 : memref<1x1024x16xf32, #tpu.memory_space<hbm>> -> memref<1024x16xf32, #tpu.memory_space<hbm>>
        tpu.enqueue_dma source(%dma_start3A_31 : memref<1024x16xf32, #tpu.memory_space<hbm>>) target(%arg6 : memref<1024x16xf32, #tpu.memory_space<vmem>>) target_semaphore(%run_scoped3A : memref<!tpu.dma_semaphore, #tpu.memory_space<semaphore_mem>>)
        %dma_wait3A = arith.constant 0 : i32
        %dma_wait3A_32 = tpu.memref_slice %arg2[%arg0, %add3A_26, %dma_wait3A] : memref<2x802816x16xf32, #tpu.memory_space<hbm>> -> memref<1x1024x16xf32, #tpu.memory_space<hbm>>
        %dma_wait3A_33 = tpu.memref_squeeze %dma_wait3A_32 : memref<1x1024x16xf32, #tpu.memory_space<hbm>> -> memref<1024x16xf32, #tpu.memory_space<hbm>>
        %dma_wait3A_34 = arith.constant 0 : i32
        %dma_wait3A_35 = tpu.memref_slice %arg2[%arg0, %add3A_26, %dma_wait3A_34] : memref<2x802816x16xf32, #tpu.memory_space<hbm>> -> memref<1x1024x16xf32, #tpu.memory_space<hbm>>
        %dma_wait3A_36 = tpu.memref_squeeze %dma_wait3A_35 : memref<1x1024x16xf32, #tpu.memory_space<hbm>> -> memref<1024x16xf32, #tpu.memory_space<hbm>>
        tpu.wait_dma2 semaphore(%run_scoped3A : memref<!tpu.dma_semaphore, #tpu.memory_space<semaphore_mem>>) src(%dma_wait3A_36 : memref<1024x16xf32, #tpu.memory_space<hbm>>) dst(%arg6 : memref<1024x16xf32, #tpu.memory_space<vmem>>)
        tpu.yield
      }) : () -> ()
      "tpu.region"() ({
        %run_scoped3A = tpu.sem_alloc : memref<!tpu.dma_semaphore, #tpu.memory_space<semaphore_mem>>
        %dma_start3A = arith.constant 0 : i32
        %dma_start3A_27 = arith.constant 0 : i32
        %dma_start3A_28 = tpu.memref_slice %arg8[%dma_start3A, %dma_start3A_27] : memref<50176x16xf32, #tpu.memory_space<vmem_shared>> -> memref<50176x16xf32, #tpu.memory_space<vmem_shared>>
        tpu.enqueue_indirect_dma source(%arg6 : memref<1024x16xf32, #tpu.memory_space<vmem>>) target(%dma_start3A_28 : memref<50176x16xf32, #tpu.memory_space<vmem_shared>>) offsets(%arg5 : memref<1024xi32, #tpu.memory_space<vmem>>) semaphore(%run_scoped3A : memref<!tpu.dma_semaphore, #tpu.memory_space<semaphore_mem>>) {add = true}
        %dma_wait3A = arith.constant 0 : i32
        %dma_wait3A_29 = arith.constant 0 : i32
        %dma_wait3A_30 = tpu.memref_slice %arg8[%dma_wait3A, %dma_wait3A_29] : memref<50176x16xf32, #tpu.memory_space<vmem_shared>> -> memref<50176x16xf32, #tpu.memory_space<vmem_shared>>
        tpu.wait_indirect_dma semaphore(%run_scoped3A : memref<!tpu.dma_semaphore, #tpu.memory_space<semaphore_mem>>) src(%arg6 : memref<1024x16xf32, #tpu.memory_space<vmem>>) dst(%dma_wait3A_30 : memref<50176x16xf32, #tpu.memory_space<vmem_shared>>)
        tpu.yield
      }) : () -> ()
    }
    %scan3A_11 = arith.constant 49 : i32
    %barrier3A_12 = arith.constant 0 : index
    tpu.barrier barrier_id(%barrier3A_12)
    %mul3A_13 = arith.constant 3136 : i32
    %mul3A_14 = arith.muli %arg1, %mul3A_13 : i32
    "tpu.region"() ({
      %run_scoped3A = tpu.sem_alloc : memref<!tpu.dma_semaphore, #tpu.memory_space<semaphore_mem>>
      %dma_start3A = arith.constant 0 : i32
      %dma_start3A_17 = tpu.memref_slice %arg8[%mul3A_14, %dma_start3A] : memref<50176x16xf32, #tpu.memory_space<vmem_shared>> -> memref<3136x16xf32, #tpu.memory_space<vmem_shared>>
      %dma_start3A_18 = arith.constant 0 : i32
      %dma_start3A_19 = tpu.memref_slice %arg8[%mul3A_14, %dma_start3A_18] : memref<50176x16xf32, #tpu.memory_space<vmem_shared>> -> memref<3136x16xf32, #tpu.memory_space<vmem_shared>>
      tpu.enqueue_dma source(%dma_start3A_19 : memref<3136x16xf32, #tpu.memory_space<vmem_shared>>) target(%arg7 : memref<3136x16xf32, #tpu.memory_space<vmem>>) target_semaphore(%run_scoped3A : memref<!tpu.dma_semaphore, #tpu.memory_space<semaphore_mem>>)
      %dma_wait3A = arith.constant 0 : i32
      %dma_wait3A_20 = tpu.memref_slice %arg8[%mul3A_14, %dma_wait3A] : memref<50176x16xf32, #tpu.memory_space<vmem_shared>> -> memref<3136x16xf32, #tpu.memory_space<vmem_shared>>
      %dma_wait3A_21 = arith.constant 0 : i32
      %dma_wait3A_22 = tpu.memref_slice %arg8[%mul3A_14, %dma_wait3A_21] : memref<50176x16xf32, #tpu.memory_space<vmem_shared>> -> memref<3136x16xf32, #tpu.memory_space<vmem_shared>>
      tpu.wait_dma2 semaphore(%run_scoped3A : memref<!tpu.dma_semaphore, #tpu.memory_space<semaphore_mem>>) src(%dma_wait3A_22 : memref<3136x16xf32, #tpu.memory_space<vmem_shared>>) dst(%arg7 : memref<3136x16xf32, #tpu.memory_space<vmem>>)
      tpu.yield
    }) : () -> ()
    %mul3A_15 = arith.constant 3136 : i32
    %mul3A_16 = arith.muli %arg1, %mul3A_15 : i32
    "tpu.region"() ({
      %run_scoped3A = tpu.sem_alloc : memref<!tpu.dma_semaphore, #tpu.memory_space<semaphore_mem>>
      %dma_start3A = arith.constant 0 : i32
      %dma_start3A_17 = tpu.memref_slice %arg4[%arg0, %mul3A_16, %dma_start3A] : memref<2x50176x16xf32, #tpu.memory_space<hbm>> -> memref<1x3136x16xf32, #tpu.memory_space<hbm>>
      %dma_start3A_18 = tpu.memref_squeeze %dma_start3A_17 : memref<1x3136x16xf32, #tpu.memory_space<hbm>> -> memref<3136x16xf32, #tpu.memory_space<hbm>>
      %dma_start3A_19 = arith.constant 0 : i32
      %dma_start3A_20 = tpu.memref_slice %arg4[%arg0, %mul3A_16, %dma_start3A_19] : memref<2x50176x16xf32, #tpu.memory_space<hbm>> -> memref<1x3136x16xf32, #tpu.memory_space<hbm>>
      %dma_start3A_21 = tpu.memref_squeeze %dma_start3A_20 : memref<1x3136x16xf32, #tpu.memory_space<hbm>> -> memref<3136x16xf32, #tpu.memory_space<hbm>>
      tpu.enqueue_dma source(%arg7 : memref<3136x16xf32, #tpu.memory_space<vmem>>) target(%dma_start3A_21 : memref<3136x16xf32, #tpu.memory_space<hbm>>) target_semaphore(%run_scoped3A : memref<!tpu.dma_semaphore, #tpu.memory_space<semaphore_mem>>)
      %dma_wait3A = arith.constant 0 : i32
      %dma_wait3A_22 = tpu.memref_slice %arg4[%arg0, %mul3A_16, %dma_wait3A] : memref<2x50176x16xf32, #tpu.memory_space<hbm>> -> memref<1x3136x16xf32, #tpu.memory_space<hbm>>
      %dma_wait3A_23 = tpu.memref_squeeze %dma_wait3A_22 : memref<1x3136x16xf32, #tpu.memory_space<hbm>> -> memref<3136x16xf32, #tpu.memory_space<hbm>>
      %dma_wait3A_24 = arith.constant 0 : i32
      %dma_wait3A_25 = tpu.memref_slice %arg4[%arg0, %mul3A_16, %dma_wait3A_24] : memref<2x50176x16xf32, #tpu.memory_space<hbm>> -> memref<1x3136x16xf32, #tpu.memory_space<hbm>>
      %dma_wait3A_26 = tpu.memref_squeeze %dma_wait3A_25 : memref<1x3136x16xf32, #tpu.memory_space<hbm>> -> memref<3136x16xf32, #tpu.memory_space<hbm>>
      tpu.wait_dma2 semaphore(%run_scoped3A : memref<!tpu.dma_semaphore, #tpu.memory_space<semaphore_mem>>) src(%arg7 : memref<3136x16xf32, #tpu.memory_space<vmem>>) dst(%dma_wait3A_26 : memref<3136x16xf32, #tpu.memory_space<hbm>>)
      tpu.yield
    }) : () -> ()
    return
  }
}

#map = affine_map<(d0, d1) -> (0, 0, 0)>
#map1 = affine_map<(d0, d1) -> (0)>
module attributes {stable_mosaic.version = 14 : i64} {
  func.func @k(%arg0: i32, %arg1: i32, %arg2: memref<2x802816x16xf32, #tpu.memory_space<hbm>>, %arg3: memref<802816xi32, #tpu.memory_space<hbm>>, %arg4: memref<2x50176x16xf32, #tpu.memory_space<hbm>>, %arg5: memref<1024xi32, #tpu.memory_space<vmem>>, %arg6: memref<1024x16xf32, #tpu.memory_space<vmem>>, %arg7: memref<3136x16xf32, #tpu.memory_space<vmem>>, %arg8: memref<50176x16xf32, #tpu.memory_space<vmem_shared>>) attributes {dimension_semantics = [#tpu.dimension_semantics<core_parallel>, #tpu.dimension_semantics<subcore_parallel>], iteration_bounds = array<i64: 2, 16>, scalar_prefetch = 0 : i64, scratch_operands = 4 : i64, tpu.core_type = #tpu.core_type<sc_vector_subcore>, window_params = [{transform_indices = #map}, {transform_indices = #map1}, {transform_indices = #map}]} {
    %scan3A = arith.constant 0 : i32
    %scan3A_0 = arith.constant 3136 : i32
    %scan3A_1 = arith.addi %scan3A, %scan3A_0 : i32
    %scan3A_2 = arith.constant 1 : i32
    scf.for %scan3A_17 = %scan3A to %scan3A_1 step %scan3A_2  : i32 {
      %mul3A_18 = arith.constant 1 : i32
      %mul3A_19 = arith.muli %scan3A_17, %mul3A_18 : i32
      %add3A = arith.constant 0 : i32
      %add3A_20 = arith.addi %add3A, %mul3A_19 : i32
      %broadcast_in_dim3A = arith.constant 0.000000e+00 : f32
      %broadcast_in_dim3A_21 = vector.broadcast %broadcast_in_dim3A : f32 to vector<16xf32>
      %swap3A = arith.index_cast %add3A_20 : i32 to index
      %swap3A_22 = arith.constant 0 : index
      %swap3A_23 = tpu.vector_load %arg7[%swap3A, %swap3A_22] {strides = array<i32>} : memref<3136x16xf32, #tpu.memory_space<vmem>>, vector<1x16xf32>,
      %swap3A_24 = vector.shape_cast %swap3A_23 : vector<1x16xf32> to vector<16xf32>
      %swap3A_25 = vector.shape_cast %broadcast_in_dim3A_21 : vector<16xf32> to vector<1x16xf32>
      tpu.vector_store %arg7[%swap3A, %swap3A_22], %swap3A_25 {strides = array<i32>} : memref<3136x16xf32, #tpu.memory_space<vmem>>, vector<1x16xf32>,
    }
    %scan3A_3 = arith.constant 3136 : i32
    %mul3A = arith.constant 3136 : i32
    %mul3A_4 = arith.muli %arg1, %mul3A : i32
    "tpu.region"() ({
      %run_scoped3A = tpu.sem_alloc : memref<!tpu.dma_semaphore, #tpu.memory_space<semaphore_mem>>
      %dma_start3A = arith.constant 0 : i32
      %dma_start3A_17 = tpu.memref_slice %arg8[%mul3A_4, %dma_start3A] : memref<50176x16xf32, #tpu.memory_space<vmem_shared>> -> memref<3136x16xf32, #tpu.memory_space<vmem_shared>>
      %dma_start3A_18 = arith.constant 0 : i32
      %dma_start3A_19 = tpu.memref_slice %arg8[%mul3A_4, %dma_start3A_18] : memref<50176x16xf32, #tpu.memory_space<vmem_shared>> -> memref<3136x16xf32, #tpu.memory_space<vmem_shared>>
      tpu.enqueue_dma source(%arg7 : memref<3136x16xf32, #tpu.memory_space<vmem>>) target(%dma_start3A_19 : memref<3136x16xf32, #tpu.memory_space<vmem_shared>>) target_semaphore(%run_scoped3A : memref<!tpu.dma_semaphore, #tpu.memory_space<semaphore_mem>>)
      %dma_wait3A = arith.constant 0 : i32
      %dma_wait3A_20 = tpu.memref_slice %arg8[%mul3A_4, %dma_wait3A] : memref<50176x16xf32, #tpu.memory_space<vmem_shared>> -> memref<3136x16xf32, #tpu.memory_space<vmem_shared>>
      %dma_wait3A_21 = arith.constant 0 : i32
      %dma_wait3A_22 = tpu.memref_slice %arg8[%mul3A_4, %dma_wait3A_21] : memref<50176x16xf32, #tpu.memory_space<vmem_shared>> -> memref<3136x16xf32, #tpu.memory_space<vmem_shared>>
      tpu.wait_dma2 semaphore(%run_scoped3A : memref<!tpu.dma_semaphore, #tpu.memory_space<semaphore_mem>>) src(%arg7 : memref<3136x16xf32, #tpu.memory_space<vmem>>) dst(%dma_wait3A_22 : memref<3136x16xf32, #tpu.memory_space<vmem_shared>>)
      tpu.yield
    }) : () -> ()
    %barrier3A = arith.constant 0 : index
    tpu.barrier barrier_id(%barrier3A)
    %mul3A_5 = arith.constant 50176 : i32
    %mul3A_6 = arith.muli %arg1, %mul3A_5 : i32
    %scan3A_7 = arith.constant 0 : i32
    %scan3A_8 = arith.constant 49 : i32
    %scan3A_9 = arith.addi %scan3A_7, %scan3A_8 : i32
    %scan3A_10 = arith.constant 1 : i32
    scf.for %scan3A_17 = %scan3A_7 to %scan3A_9 step %scan3A_10  : i32 {
      %mul3A_18 = arith.constant 1 : i32
      %mul3A_19 = arith.muli %scan3A_17, %mul3A_18 : i32
      %add3A = arith.constant 0 : i32
      %add3A_20 = arith.addi %add3A, %mul3A_19 : i32
      %mul3A_21 = arith.constant 1024 : i32
      %mul3A_22 = arith.muli %add3A_20, %mul3A_21 : i32
      %add3A_23 = arith.addi %mul3A_6, %mul3A_22 : i32
      "tpu.region"() ({
        %run_scoped3A = tpu.sem_alloc : memref<!tpu.dma_semaphore, #tpu.memory_space<semaphore_mem>>
        %dma_start3A = tpu.memref_slice %arg3[%add3A_23] : memref<802816xi32, #tpu.memory_space<hbm>> -> memref<1024xi32, #tpu.memory_space<hbm>>
        %dma_start3A_27 = tpu.memref_slice %arg3[%add3A_23] : memref<802816xi32, #tpu.memory_space<hbm>> -> memref<1024xi32, #tpu.memory_space<hbm>>
        tpu.enqueue_dma source(%dma_start3A_27 : memref<1024xi32, #tpu.memory_space<hbm>>) target(%arg5 : memref<1024xi32, #tpu.memory_space<vmem>>) target_semaphore(%run_scoped3A : memref<!tpu.dma_semaphore, #tpu.memory_space<semaphore_mem>>)
        %dma_wait3A = tpu.memref_slice %arg3[%add3A_23] : memref<802816xi32, #tpu.memory_space<hbm>> -> memref<1024xi32, #tpu.memory_space<hbm>>
        %dma_wait3A_28 = tpu.memref_slice %arg3[%add3A_23] : memref<802816xi32, #tpu.memory_space<hbm>> -> memref<1024xi32, #tpu.memory_space<hbm>>
        tpu.wait_dma2 semaphore(%run_scoped3A : memref<!tpu.dma_semaphore, #tpu.memory_space<semaphore_mem>>) src(%dma_wait3A_28 : memref<1024xi32, #tpu.memory_space<hbm>>) dst(%arg5 : memref<1024xi32, #tpu.memory_space<vmem>>)
        tpu.yield
      }) : () -> ()
      %mul3A_24 = arith.constant 1024 : i32
      %mul3A_25 = arith.muli %add3A_20, %mul3A_24 : i32
      %add3A_26 = arith.addi %mul3A_6, %mul3A_25 : i32
      "tpu.region"() ({
        %run_scoped3A = tpu.sem_alloc : memref<!tpu.dma_semaphore, #tpu.memory_space<semaphore_mem>>
        %dma_start3A = arith.constant 0 : i32
        %dma_start3A_27 = tpu.memref_slice %arg2[%arg0, %add3A_26, %dma_start3A] : memref<2x802816x16xf32, #tpu.memory_space<hbm>> -> memref<1x1024x16xf32, #tpu.memory_space<hbm>>
        %dma_start3A_28 = tpu.memref_squeeze %dma_start3A_27 : memref<1x1024x16xf32, #tpu.memory_space<hbm>> -> memref<1024x16xf32, #tpu.memory_space<hbm>>
        %dma_start3A_29 = arith.constant 0 : i32
        %dma_start3A_30 = tpu.memref_slice %arg2[%arg0, %add3A_26, %dma_start3A_29] : memref<2x802816x16xf32, #tpu.memory_space<hbm>> -> memref<1x1024x16xf32, #tpu.memory_space<hbm>>
        %dma_start3A_31 = tpu.memref_squeeze %dma_start3A_30 : memref<1x1024x16xf32, #tpu.memory_space<hbm>> -> memref<1024x16xf32, #tpu.memory_space<hbm>>
        tpu.enqueue_dma source(%dma_start3A_31 : memref<1024x16xf32, #tpu.memory_space<hbm>>) target(%arg6 : memref<1024x16xf32, #tpu.memory_space<vmem>>) target_semaphore(%run_scoped3A : memref<!tpu.dma_semaphore, #tpu.memory_space<semaphore_mem>>)
        %dma_wait3A = arith.constant 0 : i32
        %dma_wait3A_32 = tpu.memref_slice %arg2[%arg0, %add3A_26, %dma_wait3A] : memref<2x802816x16xf32, #tpu.memory_space<hbm>> -> memref<1x1024x16xf32, #tpu.memory_space<hbm>>
        %dma_wait3A_33 = tpu.memref_squeeze %dma_wait3A_32 : memref<1x1024x16xf32, #tpu.memory_space<hbm>> -> memref<1024x16xf32, #tpu.memory_space<hbm>>
        %dma_wait3A_34 = arith.constant 0 : i32
        %dma_wait3A_35 = tpu.memref_slice %arg2[%arg0, %add3A_26, %dma_wait3A_34] : memref<2x802816x16xf32, #tpu.memory_space<hbm>> -> memref<1x1024x16xf32, #tpu.memory_space<hbm>>
        %dma_wait3A_36 = tpu.memref_squeeze %dma_wait3A_35 : memref<1x1024x16xf32, #tpu.memory_space<hbm>> -> memref<1024x16xf32, #tpu.memory_space<hbm>>
        tpu.wait_dma2 semaphore(%run_scoped3A : memref<!tpu.dma_semaphore, #tpu.memory_space<semaphore_mem>>) src(%dma_wait3A_36 : memref<1024x16xf32, #tpu.memory_space<hbm>>) dst(%arg6 : memref<1024x16xf32, #tpu.memory_space<vmem>>)
        tpu.yield
      }) : () -> ()
      "tpu.region"() ({
        %run_scoped3A = tpu.sem_alloc : memref<!tpu.dma_semaphore, #tpu.memory_space<semaphore_mem>>
        %dma_start3A = arith.constant 0 : i32
        %dma_start3A_27 = arith.constant 0 : i32
        %dma_start3A_28 = tpu.memref_slice %arg8[%dma_start3A, %dma_start3A_27] : memref<50176x16xf32, #tpu.memory_space<vmem_shared>> -> memref<50176x16xf32, #tpu.memory_space<vmem_shared>>
        tpu.enqueue_indirect_dma source(%arg6 : memref<1024x16xf32, #tpu.memory_space<vmem>>) target(%dma_start3A_28 : memref<50176x16xf32, #tpu.memory_space<vmem_shared>>) offsets(%arg5 : memref<1024xi32, #tpu.memory_space<vmem>>) semaphore(%run_scoped3A : memref<!tpu.dma_semaphore, #tpu.memory_space<semaphore_mem>>) {add = true}
        %dma_wait3A = arith.constant 0 : i32
        %dma_wait3A_29 = arith.constant 0 : i32
        %dma_wait3A_30 = tpu.memref_slice %arg8[%dma_wait3A, %dma_wait3A_29] : memref<50176x16xf32, #tpu.memory_space<vmem_shared>> -> memref<50176x16xf32, #tpu.memory_space<vmem_shared>>
        tpu.wait_indirect_dma semaphore(%run_scoped3A : memref<!tpu.dma_semaphore, #tpu.memory_space<semaphore_mem>>) src(%arg6 : memref<1024x16xf32, #tpu.memory_space<vmem>>) dst(%dma_wait3A_30 : memref<50176x16xf32, #tpu.memory_space<vmem_shared>>)
        tpu.yield
      }) : () -> ()
    }
    %scan3A_11 = arith.constant 49 : i32
    %barrier3A_12 = arith.constant 0 : index
    tpu.barrier barrier_id(%barrier3A_12)
    %mul3A_13 = arith.constant 3136 : i32
    %mul3A_14 = arith.muli %arg1, %mul3A_13 : i32
    "tpu.region"() ({
      %run_scoped3A = tpu.sem_alloc : memref<!tpu.dma_semaphore, #tpu.memory_space<semaphore_mem>>
      %dma_start3A = arith.constant 0 : i32
      %dma_start3A_17 = tpu.memref_slice %arg8[%mul3A_14, %dma_start3A] : memref<50176x16xf32, #tpu.memory_space<vmem_shared>> -> memref<3136x16xf32, #tpu.memory_space<vmem_shared>>
      %dma_start3A_18 = arith.constant 0 : i32
      %dma_start3A_19 = tpu.memref_slice %arg8[%mul3A_14, %dma_start3A_18] : memref<50176x16xf32, #tpu.memory_space<vmem_shared>> -> memref<3136x16xf32, #tpu.memory_space<vmem_shared>>
      tpu.enqueue_dma source(%dma_start3A_19 : memref<3136x16xf32, #tpu.memory_space<vmem_shared>>) target(%arg7 : memref<3136x16xf32, #tpu.memory_space<vmem>>) target_semaphore(%run_scoped3A : memref<!tpu.dma_semaphore, #tpu.memory_space<semaphore_mem>>)
      %dma_wait3A = arith.constant 0 : i32
      %dma_wait3A_20 = tpu.memref_slice %arg8[%mul3A_14, %dma_wait3A] : memref<50176x16xf32, #tpu.memory_space<vmem_shared>> -> memref<3136x16xf32, #tpu.memory_space<vmem_shared>>
      %dma_wait3A_21 = arith.constant 0 : i32
      %dma_wait3A_22 = tpu.memref_slice %arg8[%mul3A_14, %dma_wait3A_21] : memref<50176x16xf32, #tpu.memory_space<vmem_shared>> -> memref<3136x16xf32, #tpu.memory_space<vmem_shared>>
      tpu.wait_dma2 semaphore(%run_scoped3A : memref<!tpu.dma_semaphore, #tpu.memory_space<semaphore_mem>>) src(%dma_wait3A_22 : memref<3136x16xf32, #tpu.memory_space<vmem_shared>>) dst(%arg7 : memref<3136x16xf32, #tpu.memory_space<vmem>>)
      tpu.yield
    }) : () -> ()
    %mul3A_15 = arith.constant 3136 : i32
    %mul3A_16 = arith.muli %arg1, %mul3A_15 : i32
    "tpu.region"() ({
      %run_scoped3A = tpu.sem_alloc : memref<!tpu.dma_semaphore, #tpu.memory_space<semaphore_mem>>
      %dma_start3A = arith.constant 0 : i32
      %dma_start3A_17 = tpu.memref_slice %arg4[%arg0, %mul3A_16, %dma_start3A] : memref<2x50176x16xf32, #tpu.memory_space<hbm>> -> memref<1x3136x16xf32, #tpu.memory_space<hbm>>
      %dma_start3A_18 = tpu.memref_squeeze %dma_start3A_17 : memref<1x3136x16xf32, #tpu.memory_space<hbm>> -> memref<3136x16xf32, #tpu.memory_space<hbm>>
      %dma_start3A_19 = arith.constant 0 : i32
      %dma_start3A_20 = tpu.memref_slice %arg4[%arg0, %mul3A_16, %dma_start3A_19] : memref<2x50176x16xf32, #tpu.memory_space<hbm>> -> memref<1x3136x16xf32, #tpu.memory_space<hbm>>
      %dma_start3A_21 = tpu.memref_squeeze %dma_start3A_20 : memref<1x3136x16xf32, #tpu.memory_space<hbm>> -> memref<3136x16xf32, #tpu.memory_space<hbm>>
      tpu.enqueue_dma source(%arg7 : memref<3136x16xf32, #tpu.memory_space<vmem>>) target(%dma_start3A_21 : memref<3136x16xf32, #tpu.memory_space<hbm>>) target_semaphore(%run_scoped3A : memref<!tpu.dma_semaphore, #tpu.memory_space<semaphore_mem>>)
      %dma_wait3A = arith.constant 0 : i32
      %dma_wait3A_22 = tpu.memref_slice %arg4[%arg0, %mul3A_16, %dma_wait3A] : memref<2x50176x16xf32, #tpu.memory_space<hbm>> -> memref<1x3136x16xf32, #tpu.memory_space<hbm>>
      %dma_wait3A_23 = tpu.memref_squeeze %dma_wait3A_22 : memref<1x3136x16xf32, #tpu.memory_space<hbm>> -> memref<3136x16xf32, #tpu.memory_space<hbm>>
      %dma_wait3A_24 = arith.constant 0 : i32
      %dma_wait3A_25 = tpu.memref_slice %arg4[%arg0, %mul3A_16, %dma_wait3A_24] : memref<2x50176x16xf32, #tpu.memory_space<hbm>> -> memref<1x3136x16xf32, #tpu.memory_space<hbm>>
      %dma_wait3A_26 = tpu.memref_squeeze %dma_wait3A_25 : memref<1x3136x16xf32, #tpu.memory_space<hbm>> -> memref<3136x16xf32, #tpu.memory_space<hbm>>
      tpu.wait_dma2 semaphore(%run_scoped3A : memref<!tpu.dma_semaphore, #tpu.memory_space<semaphore_mem>>) src(%arg7 : memref<3136x16xf32, #tpu.memory_space<vmem>>) dst(%dma_wait3A_26 : memref<3136x16xf32, #tpu.memory_space<hbm>>)
      tpu.yield
    }) : () -> ()
    return
  }
}

#map = affine_map<(d0, d1) -> (0, 0, 0)>
#map1 = affine_map<(d0, d1) -> (0)>
module attributes {stable_mosaic.version = 14 : i64} {
  func.func @k(%arg0: i32, %arg1: i32, %arg2: memref<2x802816x16xf32, #tpu.memory_space<hbm>>, %arg3: memref<802816xi32, #tpu.memory_space<hbm>>, %arg4: memref<2x50176x16xf32, #tpu.memory_space<hbm>>, %arg5: memref<1024xi32, #tpu.memory_space<vmem>>, %arg6: memref<1024x16xf32, #tpu.memory_space<vmem>>, %arg7: memref<3136x16xf32, #tpu.memory_space<vmem>>, %arg8: memref<50176x16xf32, #tpu.memory_space<vmem_shared>>) attributes {dimension_semantics = [#tpu.dimension_semantics<core_parallel>, #tpu.dimension_semantics<subcore_parallel>], iteration_bounds = array<i64: 2, 16>, scalar_prefetch = 0 : i64, scratch_operands = 4 : i64, tpu.core_type = #tpu.core_type<sc_vector_subcore>, window_params = [{transform_indices = #map}, {transform_indices = #map1}, {transform_indices = #map}]} {
    %scan3A = arith.constant 0 : i32
    %scan3A_0 = arith.constant 3136 : i32
    %scan3A_1 = arith.addi %scan3A, %scan3A_0 : i32
    %scan3A_2 = arith.constant 1 : i32
    scf.for %scan3A_17 = %scan3A to %scan3A_1 step %scan3A_2  : i32 {
      %mul3A_18 = arith.constant 1 : i32
      %mul3A_19 = arith.muli %scan3A_17, %mul3A_18 : i32
      %add3A = arith.constant 0 : i32
      %add3A_20 = arith.addi %add3A, %mul3A_19 : i32
      %broadcast_in_dim3A = arith.constant 0.000000e+00 : f32
      %broadcast_in_dim3A_21 = vector.broadcast %broadcast_in_dim3A : f32 to vector<16xf32>
      %swap3A = arith.index_cast %add3A_20 : i32 to index
      %swap3A_22 = arith.constant 0 : index
      %swap3A_23 = tpu.vector_load %arg7[%swap3A, %swap3A_22] {strides = array<i32>} : memref<3136x16xf32, #tpu.memory_space<vmem>>, vector<1x16xf32>,
      %swap3A_24 = vector.shape_cast %swap3A_23 : vector<1x16xf32> to vector<16xf32>
      %swap3A_25 = vector.shape_cast %broadcast_in_dim3A_21 : vector<16xf32> to vector<1x16xf32>
      tpu.vector_store %arg7[%swap3A, %swap3A_22], %swap3A_25 {strides = array<i32>} : memref<3136x16xf32, #tpu.memory_space<vmem>>, vector<1x16xf32>,
    }
    %scan3A_3 = arith.constant 3136 : i32
    %mul3A = arith.constant 3136 : i32
    %mul3A_4 = arith.muli %arg1, %mul3A : i32
    "tpu.region"() ({
      %run_scoped3A = tpu.sem_alloc : memref<!tpu.dma_semaphore, #tpu.memory_space<semaphore_mem>>
      %dma_start3A = arith.constant 0 : i32
      %dma_start3A_17 = tpu.memref_slice %arg8[%mul3A_4, %dma_start3A] : memref<50176x16xf32, #tpu.memory_space<vmem_shared>> -> memref<3136x16xf32, #tpu.memory_space<vmem_shared>>
      %dma_start3A_18 = arith.constant 0 : i32
      %dma_start3A_19 = tpu.memref_slice %arg8[%mul3A_4, %dma_start3A_18] : memref<50176x16xf32, #tpu.memory_space<vmem_shared>> -> memref<3136x16xf32, #tpu.memory_space<vmem_shared>>
      tpu.enqueue_dma source(%arg7 : memref<3136x16xf32, #tpu.memory_space<vmem>>) target(%dma_start3A_19 : memref<3136x16xf32, #tpu.memory_space<vmem_shared>>) target_semaphore(%run_scoped3A : memref<!tpu.dma_semaphore, #tpu.memory_space<semaphore_mem>>)
      %dma_wait3A = arith.constant 0 : i32
      %dma_wait3A_20 = tpu.memref_slice %arg8[%mul3A_4, %dma_wait3A] : memref<50176x16xf32, #tpu.memory_space<vmem_shared>> -> memref<3136x16xf32, #tpu.memory_space<vmem_shared>>
      %dma_wait3A_21 = arith.constant 0 : i32
      %dma_wait3A_22 = tpu.memref_slice %arg8[%mul3A_4, %dma_wait3A_21] : memref<50176x16xf32, #tpu.memory_space<vmem_shared>> -> memref<3136x16xf32, #tpu.memory_space<vmem_shared>>
      tpu.wait_dma2 semaphore(%run_scoped3A : memref<!tpu.dma_semaphore, #tpu.memory_space<semaphore_mem>>) src(%arg7 : memref<3136x16xf32, #tpu.memory_space<vmem>>) dst(%dma_wait3A_22 : memref<3136x16xf32, #tpu.memory_space<vmem_shared>>)
      tpu.yield
    }) : () -> ()
    %barrier3A = arith.constant 0 : index
    tpu.barrier barrier_id(%barrier3A)
    %mul3A_5 = arith.constant 50176 : i32
    %mul3A_6 = arith.muli %arg1, %mul3A_5 : i32
    %scan3A_7 = arith.constant 0 : i32
    %scan3A_8 = arith.constant 49 : i32
    %scan3A_9 = arith.addi %scan3A_7, %scan3A_8 : i32
    %scan3A_10 = arith.constant 1 : i32
    scf.for %scan3A_17 = %scan3A_7 to %scan3A_9 step %scan3A_10  : i32 {
      %mul3A_18 = arith.constant 1 : i32
      %mul3A_19 = arith.muli %scan3A_17, %mul3A_18 : i32
      %add3A = arith.constant 0 : i32
      %add3A_20 = arith.addi %add3A, %mul3A_19 : i32
      %mul3A_21 = arith.constant 1024 : i32
      %mul3A_22 = arith.muli %add3A_20, %mul3A_21 : i32
      %add3A_23 = arith.addi %mul3A_6, %mul3A_22 : i32
      "tpu.region"() ({
        %run_scoped3A = tpu.sem_alloc : memref<!tpu.dma_semaphore, #tpu.memory_space<semaphore_mem>>
        %dma_start3A = tpu.memref_slice %arg3[%add3A_23] : memref<802816xi32, #tpu.memory_space<hbm>> -> memref<1024xi32, #tpu.memory_space<hbm>>
        %dma_start3A_27 = tpu.memref_slice %arg3[%add3A_23] : memref<802816xi32, #tpu.memory_space<hbm>> -> memref<1024xi32, #tpu.memory_space<hbm>>
        tpu.enqueue_dma source(%dma_start3A_27 : memref<1024xi32, #tpu.memory_space<hbm>>) target(%arg5 : memref<1024xi32, #tpu.memory_space<vmem>>) target_semaphore(%run_scoped3A : memref<!tpu.dma_semaphore, #tpu.memory_space<semaphore_mem>>)
        %dma_wait3A = tpu.memref_slice %arg3[%add3A_23] : memref<802816xi32, #tpu.memory_space<hbm>> -> memref<1024xi32, #tpu.memory_space<hbm>>
        %dma_wait3A_28 = tpu.memref_slice %arg3[%add3A_23] : memref<802816xi32, #tpu.memory_space<hbm>> -> memref<1024xi32, #tpu.memory_space<hbm>>
        tpu.wait_dma2 semaphore(%run_scoped3A : memref<!tpu.dma_semaphore, #tpu.memory_space<semaphore_mem>>) src(%dma_wait3A_28 : memref<1024xi32, #tpu.memory_space<hbm>>) dst(%arg5 : memref<1024xi32, #tpu.memory_space<vmem>>)
        tpu.yield
      }) : () -> ()
      %mul3A_24 = arith.constant 1024 : i32
      %mul3A_25 = arith.muli %add3A_20, %mul3A_24 : i32
      %add3A_26 = arith.addi %mul3A_6, %mul3A_25 : i32
      "tpu.region"() ({
        %run_scoped3A = tpu.sem_alloc : memref<!tpu.dma_semaphore, #tpu.memory_space<semaphore_mem>>
        %dma_start3A = arith.constant 0 : i32
        %dma_start3A_27 = tpu.memref_slice %arg2[%arg0, %add3A_26, %dma_start3A] : memref<2x802816x16xf32, #tpu.memory_space<hbm>> -> memref<1x1024x16xf32, #tpu.memory_space<hbm>>
        %dma_start3A_28 = tpu.memref_squeeze %dma_start3A_27 : memref<1x1024x16xf32, #tpu.memory_space<hbm>> -> memref<1024x16xf32, #tpu.memory_space<hbm>>
        %dma_start3A_29 = arith.constant 0 : i32
        %dma_start3A_30 = tpu.memref_slice %arg2[%arg0, %add3A_26, %dma_start3A_29] : memref<2x802816x16xf32, #tpu.memory_space<hbm>> -> memref<1x1024x16xf32, #tpu.memory_space<hbm>>
        %dma_start3A_31 = tpu.memref_squeeze %dma_start3A_30 : memref<1x1024x16xf32, #tpu.memory_space<hbm>> -> memref<1024x16xf32, #tpu.memory_space<hbm>>
        tpu.enqueue_dma source(%dma_start3A_31 : memref<1024x16xf32, #tpu.memory_space<hbm>>) target(%arg6 : memref<1024x16xf32, #tpu.memory_space<vmem>>) target_semaphore(%run_scoped3A : memref<!tpu.dma_semaphore, #tpu.memory_space<semaphore_mem>>)
        %dma_wait3A = arith.constant 0 : i32
        %dma_wait3A_32 = tpu.memref_slice %arg2[%arg0, %add3A_26, %dma_wait3A] : memref<2x802816x16xf32, #tpu.memory_space<hbm>> -> memref<1x1024x16xf32, #tpu.memory_space<hbm>>
        %dma_wait3A_33 = tpu.memref_squeeze %dma_wait3A_32 : memref<1x1024x16xf32, #tpu.memory_space<hbm>> -> memref<1024x16xf32, #tpu.memory_space<hbm>>
        %dma_wait3A_34 = arith.constant 0 : i32
        %dma_wait3A_35 = tpu.memref_slice %arg2[%arg0, %add3A_26, %dma_wait3A_34] : memref<2x802816x16xf32, #tpu.memory_space<hbm>> -> memref<1x1024x16xf32, #tpu.memory_space<hbm>>
        %dma_wait3A_36 = tpu.memref_squeeze %dma_wait3A_35 : memref<1x1024x16xf32, #tpu.memory_space<hbm>> -> memref<1024x16xf32, #tpu.memory_space<hbm>>
        tpu.wait_dma2 semaphore(%run_scoped3A : memref<!tpu.dma_semaphore, #tpu.memory_space<semaphore_mem>>) src(%dma_wait3A_36 : memref<1024x16xf32, #tpu.memory_space<hbm>>) dst(%arg6 : memref<1024x16xf32, #tpu.memory_space<vmem>>)
        tpu.yield
      }) : () -> ()
      "tpu.region"() ({
        %run_scoped3A = tpu.sem_alloc : memref<!tpu.dma_semaphore, #tpu.memory_space<semaphore_mem>>
        %dma_start3A = arith.constant 0 : i32
        %dma_start3A_27 = arith.constant 0 : i32
        %dma_start3A_28 = tpu.memref_slice %arg8[%dma_start3A, %dma_start3A_27] : memref<50176x16xf32, #tpu.memory_space<vmem_shared>> -> memref<50176x16xf32, #tpu.memory_space<vmem_shared>>
        tpu.enqueue_indirect_dma source(%arg6 : memref<1024x16xf32, #tpu.memory_space<vmem>>) target(%dma_start3A_28 : memref<50176x16xf32, #tpu.memory_space<vmem_shared>>) offsets(%arg5 : memref<1024xi32, #tpu.memory_space<vmem>>) semaphore(%run_scoped3A : memref<!tpu.dma_semaphore, #tpu.memory_space<semaphore_mem>>) {add = true}
        %dma_wait3A = arith.constant 0 : i32
        %dma_wait3A_29 = arith.constant 0 : i32
        %dma_wait3A_30 = tpu.memref_slice %arg8[%dma_wait3A, %dma_wait3A_29] : memref<50176x16xf32, #tpu.memory_space<vmem_shared>> -> memref<50176x16xf32, #tpu.memory_space<vmem_shared>>
        tpu.wait_indirect_dma semaphore(%run_scoped3A : memref<!tpu.dma_semaphore, #tpu.memory_space<semaphore_mem>>) src(%arg6 : memref<1024x16xf32, #tpu.memory_space<vmem>>) dst(%dma_wait3A_30 : memref<50176x16xf32, #tpu.memory_space<vmem_shared>>)
        tpu.yield
      }) : () -> ()
    }
    %scan3A_11 = arith.constant 49 : i32
    %barrier3A_12 = arith.constant 0 : index
    tpu.barrier barrier_id(%barrier3A_12)
    %mul3A_13 = arith.constant 3136 : i32
    %mul3A_14 = arith.muli %arg1, %mul3A_13 : i32
    "tpu.region"() ({
      %run_scoped3A = tpu.sem_alloc : memref<!tpu.dma_semaphore, #tpu.memory_space<semaphore_mem>>
      %dma_start3A = arith.constant 0 : i32
      %dma_start3A_17 = tpu.memref_slice %arg8[%mul3A_14, %dma_start3A] : memref<50176x16xf32, #tpu.memory_space<vmem_shared>> -> memref<3136x16xf32, #tpu.memory_space<vmem_shared>>
      %dma_start3A_18 = arith.constant 0 : i32
      %dma_start3A_19 = tpu.memref_slice %arg8[%mul3A_14, %dma_start3A_18] : memref<50176x16xf32, #tpu.memory_space<vmem_shared>> -> memref<3136x16xf32, #tpu.memory_space<vmem_shared>>
      tpu.enqueue_dma source(%dma_start3A_19 : memref<3136x16xf32, #tpu.memory_space<vmem_shared>>) target(%arg7 : memref<3136x16xf32, #tpu.memory_space<vmem>>) target_semaphore(%run_scoped3A : memref<!tpu.dma_semaphore, #tpu.memory_space<semaphore_mem>>)
      %dma_wait3A = arith.constant 0 : i32
      %dma_wait3A_20 = tpu.memref_slice %arg8[%mul3A_14, %dma_wait3A] : memref<50176x16xf32, #tpu.memory_space<vmem_shared>> -> memref<3136x16xf32, #tpu.memory_space<vmem_shared>>
      %dma_wait3A_21 = arith.constant 0 : i32
      %dma_wait3A_22 = tpu.memref_slice %arg8[%mul3A_14, %dma_wait3A_21] : memref<50176x16xf32, #tpu.memory_space<vmem_shared>> -> memref<3136x16xf32, #tpu.memory_space<vmem_shared>>
      tpu.wait_dma2 semaphore(%run_scoped3A : memref<!tpu.dma_semaphore, #tpu.memory_space<semaphore_mem>>) src(%dma_wait3A_22 : memref<3136x16xf32, #tpu.memory_space<vmem_shared>>) dst(%arg7 : memref<3136x16xf32, #tpu.memory_space<vmem>>)
      tpu.yield
    }) : () -> ()
    %mul3A_15 = arith.constant 3136 : i32
    %mul3A_16 = arith.muli %arg1, %mul3A_15 : i32
    "tpu.region"() ({
      %run_scoped3A = tpu.sem_alloc : memref<!tpu.dma_semaphore, #tpu.memory_space<semaphore_mem>>
      %dma_start3A = arith.constant 0 : i32
      %dma_start3A_17 = tpu.memref_slice %arg4[%arg0, %mul3A_16, %dma_start3A] : memref<2x50176x16xf32, #tpu.memory_space<hbm>> -> memref<1x3136x16xf32, #tpu.memory_space<hbm>>
      %dma_start3A_18 = tpu.memref_squeeze %dma_start3A_17 : memref<1x3136x16xf32, #tpu.memory_space<hbm>> -> memref<3136x16xf32, #tpu.memory_space<hbm>>
      %dma_start3A_19 = arith.constant 0 : i32
      %dma_start3A_20 = tpu.memref_slice %arg4[%arg0, %mul3A_16, %dma_start3A_19] : memref<2x50176x16xf32, #tpu.memory_space<hbm>> -> memref<1x3136x16xf32, #tpu.memory_space<hbm>>
      %dma_start3A_21 = tpu.memref_squeeze %dma_start3A_20 : memref<1x3136x16xf32, #tpu.memory_space<hbm>> -> memref<3136x16xf32, #tpu.memory_space<hbm>>
      tpu.enqueue_dma source(%arg7 : memref<3136x16xf32, #tpu.memory_space<vmem>>) target(%dma_start3A_21 : memref<3136x16xf32, #tpu.memory_space<hbm>>) target_semaphore(%run_scoped3A : memref<!tpu.dma_semaphore, #tpu.memory_space<semaphore_mem>>)
      %dma_wait3A = arith.constant 0 : i32
      %dma_wait3A_22 = tpu.memref_slice %arg4[%arg0, %mul3A_16, %dma_wait3A] : memref<2x50176x16xf32, #tpu.memory_space<hbm>> -> memref<1x3136x16xf32, #tpu.memory_space<hbm>>
      %dma_wait3A_23 = tpu.memref_squeeze %dma_wait3A_22 : memref<1x3136x16xf32, #tpu.memory_space<hbm>> -> memref<3136x16xf32, #tpu.memory_space<hbm>>
      %dma_wait3A_24 = arith.constant 0 : i32
      %dma_wait3A_25 = tpu.memref_slice %arg4[%arg0, %mul3A_16, %dma_wait3A_24] : memref<2x50176x16xf32, #tpu.memory_space<hbm>> -> memref<1x3136x16xf32, #tpu.memory_space<hbm>>
      %dma_wait3A_26 = tpu.memref_squeeze %dma_wait3A_25 : memref<1x3136x16xf32, #tpu.memory_space<hbm>> -> memref<3136x16xf32, #tpu.memory_space<hbm>>
      tpu.wait_dma2 semaphore(%run_scoped3A : memref<!tpu.dma_semaphore, #tpu.memory_space<semaphore_mem>>) src(%arg7 : memref<3136x16xf32, #tpu.memory_space<vmem>>) dst(%dma_wait3A_26 : memref<3136x16xf32, #tpu.memory_space<hbm>>)
      tpu.yield
    }) : () -> ()
    return
  }
}

#map = affine_map<(d0, d1) -> (0, 0)>
#map1 = affine_map<(d0, d1) -> (0)>
module attributes {stable_mosaic.version = 14 : i64} {
  func.func @k(%arg0: i32, %arg1: i32, %arg2: memref<50000x64xf32, #tpu.memory_space<hbm>>, %arg3: memref<50000x64xf32, #tpu.memory_space<hbm>>, %arg4: memref<802816xi32, #tpu.memory_space<hbm>>, %arg5: memref<802816xi32, #tpu.memory_space<hbm>>, %arg6: memref<802816x64xf32, #tpu.memory_space<hbm>>, %arg7: memref<512xi32, #tpu.memory_space<vmem>>, %arg8: memref<512xi32, #tpu.memory_space<vmem>>, %arg9: memref<512x64xf32, #tpu.memory_space<vmem>>, %arg10: memref<512x64xf32, #tpu.memory_space<vmem>>, %arg11: memref<!tpu.dma_semaphore, #tpu.memory_space<semaphore_mem>>) attributes {dimension_semantics = [#tpu.dimension_semantics<core_parallel>, #tpu.dimension_semantics<subcore_parallel>], iteration_bounds = array<i64: 2, 16>, scalar_prefetch = 0 : i64, scratch_operands = 5 : i64, tpu.core_type = #tpu.core_type<sc_vector_subcore>, window_params = [{transform_indices = #map}, {transform_indices = #map}, {transform_indices = #map1}, {transform_indices = #map1}, {transform_indices = #map}]} {
    %mul3A = arith.constant 2 : i32
    %mul3A_0 = arith.muli %arg1, %mul3A : i32
    %add3A = arith.addi %mul3A_0, %arg0 : i32
    %mul3A_1 = arith.constant 25088 : i32
    %mul3A_2 = arith.muli %add3A, %mul3A_1 : i32
    %scan3A = arith.constant 0 : i32
    %scan3A_3 = arith.constant 49 : i32
    %scan3A_4 = arith.addi %scan3A, %scan3A_3 : i32
    %scan3A_5 = arith.constant 1 : i32
    scf.for %scan3A_7 = %scan3A to %scan3A_4 step %scan3A_5  : i32 {
      %mul3A_8 = arith.constant 1 : i32
      %mul3A_9 = arith.muli %scan3A_7, %mul3A_8 : i32
      %add3A_10 = arith.constant 0 : i32
      %add3A_11 = arith.addi %add3A_10, %mul3A_9 : i32
      %mul3A_12 = arith.constant 512 : i32
      %mul3A_13 = arith.muli %add3A_11, %mul3A_12 : i32
      %add3A_14 = arith.addi %mul3A_2, %mul3A_13 : i32
      "tpu.region"() ({
        %run_scoped3A = tpu.sem_alloc : memref<!tpu.dma_semaphore, #tpu.memory_space<semaphore_mem>>
        %dma_start3A_30 = tpu.memref_slice %arg4[%add3A_14] : memref<802816xi32, #tpu.memory_space<hbm>> -> memref<512xi32, #tpu.memory_space<hbm>>
        %dma_start3A_31 = tpu.memref_slice %arg4[%add3A_14] : memref<802816xi32, #tpu.memory_space<hbm>> -> memref<512xi32, #tpu.memory_space<hbm>>
        tpu.enqueue_dma source(%dma_start3A_31 : memref<512xi32, #tpu.memory_space<hbm>>) target(%arg7 : memref<512xi32, #tpu.memory_space<vmem>>) target_semaphore(%run_scoped3A : memref<!tpu.dma_semaphore, #tpu.memory_space<semaphore_mem>>)
        %dma_wait3A_32 = tpu.memref_slice %arg4[%add3A_14] : memref<802816xi32, #tpu.memory_space<hbm>> -> memref<512xi32, #tpu.memory_space<hbm>>
        %dma_wait3A_33 = tpu.memref_slice %arg4[%add3A_14] : memref<802816xi32, #tpu.memory_space<hbm>> -> memref<512xi32, #tpu.memory_space<hbm>>
        tpu.wait_dma2 semaphore(%run_scoped3A : memref<!tpu.dma_semaphore, #tpu.memory_space<semaphore_mem>>) src(%dma_wait3A_33 : memref<512xi32, #tpu.memory_space<hbm>>) dst(%arg7 : memref<512xi32, #tpu.memory_space<vmem>>)
        tpu.yield
      }) : () -> ()
      "tpu.region"() ({
        %run_scoped3A = tpu.sem_alloc : memref<!tpu.dma_semaphore, #tpu.memory_space<semaphore_mem>>
        %dma_start3A_30 = tpu.memref_slice %arg5[%add3A_14] : memref<802816xi32, #tpu.memory_space<hbm>> -> memref<512xi32, #tpu.memory_space<hbm>>
        %dma_start3A_31 = tpu.memref_slice %arg5[%add3A_14] : memref<802816xi32, #tpu.memory_space<hbm>> -> memref<512xi32, #tpu.memory_space<hbm>>
        tpu.enqueue_dma source(%dma_start3A_31 : memref<512xi32, #tpu.memory_space<hbm>>) target(%arg8 : memref<512xi32, #tpu.memory_space<vmem>>) target_semaphore(%run_scoped3A : memref<!tpu.dma_semaphore, #tpu.memory_space<semaphore_mem>>)
        %dma_wait3A_32 = tpu.memref_slice %arg5[%add3A_14] : memref<802816xi32, #tpu.memory_space<hbm>> -> memref<512xi32, #tpu.memory_space<hbm>>
        %dma_wait3A_33 = tpu.memref_slice %arg5[%add3A_14] : memref<802816xi32, #tpu.memory_space<hbm>> -> memref<512xi32, #tpu.memory_space<hbm>>
        tpu.wait_dma2 semaphore(%run_scoped3A : memref<!tpu.dma_semaphore, #tpu.memory_space<semaphore_mem>>) src(%dma_wait3A_33 : memref<512xi32, #tpu.memory_space<hbm>>) dst(%arg8 : memref<512xi32, #tpu.memory_space<vmem>>)
        tpu.yield
      }) : () -> ()
      %dma_start3A = arith.constant 0 : i32
      %dma_start3A_15 = arith.constant 0 : i32
      %dma_start3A_16 = tpu.memref_slice %arg2[%dma_start3A, %dma_start3A_15] : memref<50000x64xf32, #tpu.memory_space<hbm>> -> memref<50000x64xf32, #tpu.memory_space<hbm>>
      tpu.enqueue_indirect_dma source(%dma_start3A_16 : memref<50000x64xf32, #tpu.memory_space<hbm>>) target(%arg9 : memref<512x64xf32, #tpu.memory_space<vmem>>) offsets(%arg7 : memref<512xi32, #tpu.memory_space<vmem>>) semaphore(%arg11 : memref<!tpu.dma_semaphore, #tpu.memory_space<semaphore_mem>>)
      %dma_start3A_17 = arith.constant 0 : i32
      %dma_start3A_18 = arith.constant 0 : i32
      %dma_start3A_19 = tpu.memref_slice %arg3[%dma_start3A_17, %dma_start3A_18] : memref<50000x64xf32, #tpu.memory_space<hbm>> -> memref<50000x64xf32, #tpu.memory_space<hbm>>
      tpu.enqueue_indirect_dma source(%dma_start3A_19 : memref<50000x64xf32, #tpu.memory_space<hbm>>) target(%arg10 : memref<512x64xf32, #tpu.memory_space<vmem>>) offsets(%arg8 : memref<512xi32, #tpu.memory_space<vmem>>) semaphore(%arg11 : memref<!tpu.dma_semaphore, #tpu.memory_space<semaphore_mem>>)
      %dma_wait3A = arith.constant 0 : i32
      %dma_wait3A_20 = arith.constant 0 : i32
      %dma_wait3A_21 = tpu.memref_slice %arg2[%dma_wait3A, %dma_wait3A_20] : memref<50000x64xf32, #tpu.memory_space<hbm>> -> memref<50000x64xf32, #tpu.memory_space<hbm>>
      tpu.wait_indirect_dma semaphore(%arg11 : memref<!tpu.dma_semaphore, #tpu.memory_space<semaphore_mem>>) src(%dma_wait3A_21 : memref<50000x64xf32, #tpu.memory_space<hbm>>) dst(%arg9 : memref<512x64xf32, #tpu.memory_space<vmem>>)
      %dma_wait3A_22 = arith.constant 0 : i32
      %dma_wait3A_23 = arith.constant 0 : i32
      %dma_wait3A_24 = tpu.memref_slice %arg3[%dma_wait3A_22, %dma_wait3A_23] : memref<50000x64xf32, #tpu.memory_space<hbm>> -> memref<50000x64xf32, #tpu.memory_space<hbm>>
      tpu.wait_indirect_dma semaphore(%arg11 : memref<!tpu.dma_semaphore, #tpu.memory_space<semaphore_mem>>) src(%dma_wait3A_24 : memref<50000x64xf32, #tpu.memory_space<hbm>>) dst(%arg10 : memref<512x64xf32, #tpu.memory_space<vmem>>)
      %scan3A_25 = arith.constant 0 : i32
      %scan3A_26 = arith.constant 512 : i32
      %scan3A_27 = arith.addi %scan3A_25, %scan3A_26 : i32
      %scan3A_28 = arith.constant 1 : i32
      scf.for %scan3A_30 = %scan3A_25 to %scan3A_27 step %scan3A_28  : i32 {
        %mul3A_31 = arith.constant 1 : i32
        %mul3A_32 = arith.muli %scan3A_30, %mul3A_31 : i32
        %add3A_33 = arith.constant 0 : i32
        %add3A_34 = arith.addi %add3A_33, %mul3A_32 : i32
        %get3A = arith.index_cast %add3A_34 : i32 to index
        %get3A_35 = arith.constant 0 : index
        %get3A_36 = tpu.vector_load %arg9[%get3A, %get3A_35] {strides = array<i32>} : memref<512x64xf32, #tpu.memory_space<vmem>>, vector<1x16xf32>,
        %get3A_37 = vector.shape_cast %get3A_36 : vector<1x16xf32> to vector<16xf32>
        %get3A_38 = arith.index_cast %add3A_34 : i32 to index
        %get3A_39 = arith.constant 0 : index
        %get3A_40 = tpu.vector_load %arg10[%get3A_38, %get3A_39] {strides = array<i32>} : memref<512x64xf32, #tpu.memory_space<vmem>>, vector<1x16xf32>,
        %get3A_41 = vector.shape_cast %get3A_40 : vector<1x16xf32> to vector<16xf32>
        %add3A_42 = arith.addf %get3A_37, %get3A_41 : vector<16xf32>
        %swap3A = arith.index_cast %add3A_34 : i32 to index
        %swap3A_43 = arith.constant 0 : index
        %swap3A_44 = tpu.vector_load %arg9[%swap3A, %swap3A_43] {strides = array<i32>} : memref<512x64xf32, #tpu.memory_space<vmem>>, vector<1x16xf32>,
        %swap3A_45 = vector.shape_cast %swap3A_44 : vector<1x16xf32> to vector<16xf32>
        %swap3A_46 = vector.shape_cast %add3A_42 : vector<16xf32> to vector<1x16xf32>
        tpu.vector_store %arg9[%swap3A, %swap3A_43], %swap3A_46 {strides = array<i32>} : memref<512x64xf32, #tpu.memory_space<vmem>>, vector<1x16xf32>,
        %get3A_47 = arith.index_cast %add3A_34 : i32 to index
        %get3A_48 = arith.constant 16 : index
        %get3A_49 = tpu.vector_load %arg9[%get3A_47, %get3A_48] {strides = array<i32>} : memref<512x64xf32, #tpu.memory_space<vmem>>, vector<1x16xf32>,
        %get3A_50 = vector.shape_cast %get3A_49 : vector<1x16xf32> to vector<16xf32>
        %get3A_51 = arith.index_cast %add3A_34 : i32 to index
        %get3A_52 = arith.constant 16 : index
        %get3A_53 = tpu.vector_load %arg10[%get3A_51, %get3A_52] {strides = array<i32>} : memref<512x64xf32, #tpu.memory_space<vmem>>, vector<1x16xf32>,
        %get3A_54 = vector.shape_cast %get3A_53 : vector<1x16xf32> to vector<16xf32>
        %add3A_55 = arith.addf %get3A_50, %get3A_54 : vector<16xf32>
        %swap3A_56 = arith.index_cast %add3A_34 : i32 to index
        %swap3A_57 = arith.constant 16 : index
        %swap3A_58 = tpu.vector_load %arg9[%swap3A_56, %swap3A_57] {strides = array<i32>} : memref<512x64xf32, #tpu.memory_space<vmem>>, vector<1x16xf32>,
        %swap3A_59 = vector.shape_cast %swap3A_58 : vector<1x16xf32> to vector<16xf32>
        %swap3A_60 = vector.shape_cast %add3A_55 : vector<16xf32> to vector<1x16xf32>
        tpu.vector_store %arg9[%swap3A_56, %swap3A_57], %swap3A_60 {strides = array<i32>} : memref<512x64xf32, #tpu.memory_space<vmem>>, vector<1x16xf32>,
        %get3A_61 = arith.index_cast %add3A_34 : i32 to index
        %get3A_62 = arith.constant 32 : index
        %get3A_63 = tpu.vector_load %arg9[%get3A_61, %get3A_62] {strides = array<i32>} : memref<512x64xf32, #tpu.memory_space<vmem>>, vector<1x16xf32>,
        %get3A_64 = vector.shape_cast %get3A_63 : vector<1x16xf32> to vector<16xf32>
        %get3A_65 = arith.index_cast %add3A_34 : i32 to index
        %get3A_66 = arith.constant 32 : index
        %get3A_67 = tpu.vector_load %arg10[%get3A_65, %get3A_66] {strides = array<i32>} : memref<512x64xf32, #tpu.memory_space<vmem>>, vector<1x16xf32>,
        %get3A_68 = vector.shape_cast %get3A_67 : vector<1x16xf32> to vector<16xf32>
        %add3A_69 = arith.addf %get3A_64, %get3A_68 : vector<16xf32>
        %swap3A_70 = arith.index_cast %add3A_34 : i32 to index
        %swap3A_71 = arith.constant 32 : index
        %swap3A_72 = tpu.vector_load %arg9[%swap3A_70, %swap3A_71] {strides = array<i32>} : memref<512x64xf32, #tpu.memory_space<vmem>>, vector<1x16xf32>,
        %swap3A_73 = vector.shape_cast %swap3A_72 : vector<1x16xf32> to vector<16xf32>
        %swap3A_74 = vector.shape_cast %add3A_69 : vector<16xf32> to vector<1x16xf32>
        tpu.vector_store %arg9[%swap3A_70, %swap3A_71], %swap3A_74 {strides = array<i32>} : memref<512x64xf32, #tpu.memory_space<vmem>>, vector<1x16xf32>,
        %get3A_75 = arith.index_cast %add3A_34 : i32 to index
        %get3A_76 = arith.constant 48 : index
        %get3A_77 = tpu.vector_load %arg9[%get3A_75, %get3A_76] {strides = array<i32>} : memref<512x64xf32, #tpu.memory_space<vmem>>, vector<1x16xf32>,
        %get3A_78 = vector.shape_cast %get3A_77 : vector<1x16xf32> to vector<16xf32>
        %get3A_79 = arith.index_cast %add3A_34 : i32 to index
        %get3A_80 = arith.constant 48 : index
        %get3A_81 = tpu.vector_load %arg10[%get3A_79, %get3A_80] {strides = array<i32>} : memref<512x64xf32, #tpu.memory_space<vmem>>, vector<1x16xf32>,
        %get3A_82 = vector.shape_cast %get3A_81 : vector<1x16xf32> to vector<16xf32>
        %add3A_83 = arith.addf %get3A_78, %get3A_82 : vector<16xf32>
        %swap3A_84 = arith.index_cast %add3A_34 : i32 to index
        %swap3A_85 = arith.constant 48 : index
        %swap3A_86 = tpu.vector_load %arg9[%swap3A_84, %swap3A_85] {strides = array<i32>} : memref<512x64xf32, #tpu.memory_space<vmem>>, vector<1x16xf32>,
        %swap3A_87 = vector.shape_cast %swap3A_86 : vector<1x16xf32> to vector<16xf32>
        %swap3A_88 = vector.shape_cast %add3A_83 : vector<16xf32> to vector<1x16xf32>
        tpu.vector_store %arg9[%swap3A_84, %swap3A_85], %swap3A_88 {strides = array<i32>} : memref<512x64xf32, #tpu.memory_space<vmem>>, vector<1x16xf32>,
      }
      %scan3A_29 = arith.constant 512 : i32
      "tpu.region"() ({
        %run_scoped3A = tpu.sem_alloc : memref<!tpu.dma_semaphore, #tpu.memory_space<semaphore_mem>>
        %dma_start3A_30 = arith.constant 0 : i32
        %dma_start3A_31 = tpu.memref_slice %arg6[%add3A_14, %dma_start3A_30] : memref<802816x64xf32, #tpu.memory_space<hbm>> -> memref<512x64xf32, #tpu.memory_space<hbm>>
        %dma_start3A_32 = arith.constant 0 : i32
        %dma_start3A_33 = tpu.memref_slice %arg6[%add3A_14, %dma_start3A_32] : memref<802816x64xf32, #tpu.memory_space<hbm>> -> memref<512x64xf32, #tpu.memory_space<hbm>>
        tpu.enqueue_dma source(%arg9 : memref<512x64xf32, #tpu.memory_space<vmem>>) target(%dma_start3A_33 : memref<512x64xf32, #tpu.memory_space<hbm>>) target_semaphore(%run_scoped3A : memref<!tpu.dma_semaphore, #tpu.memory_space<semaphore_mem>>)
        %dma_wait3A_34 = arith.constant 0 : i32
        %dma_wait3A_35 = tpu.memref_slice %arg6[%add3A_14, %dma_wait3A_34] : memref<802816x64xf32, #tpu.memory_space<hbm>> -> memref<512x64xf32, #tpu.memory_space<hbm>>
        %dma_wait3A_36 = arith.constant 0 : i32
        %dma_wait3A_37 = tpu.memref_slice %arg6[%add3A_14, %dma_wait3A_36] : memref<802816x64xf32, #tpu.memory_space<hbm>> -> memref<512x64xf32, #tpu.memory_space<hbm>>
        tpu.wait_dma2 semaphore(%run_scoped3A : memref<!tpu.dma_semaphore, #tpu.memory_space<semaphore_mem>>) src(%arg9 : memref<512x64xf32, #tpu.memory_space<vmem>>) dst(%dma_wait3A_37 : memref<512x64xf32, #tpu.memory_space<hbm>>)
        tpu.yield
      }) : () -> ()
    }
    %scan3A_6 = arith.constant 49 : i32
    return
  }
}

module attributes {stable_mosaic.version = 14 : i64} {
  func.func @body(%arg0: i32, %arg1: memref<2000x4xf32, #tpu.memory_space<vmem>>, %arg2: memref<1x4xf32, #tpu.memory_space<vmem>>, %arg3: memref<1x4xf32, #tpu.memory_space<vmem>>, %arg4: memref<4x64xf32, #tpu.memory_space<vmem>>, %arg5: memref<1x64xf32, #tpu.memory_space<vmem>>, %arg6: memref<64x64xf32, #tpu.memory_space<vmem>>, %arg7: memref<1x64xf32, #tpu.memory_space<vmem>>, %arg8: memref<2000x64xf32, #tpu.memory_space<vmem>>) attributes {dimension_semantics = [#tpu.dimension_semantics<arbitrary>], iteration_bounds = array<i64: 25>, scalar_prefetch = 0 : i64, scratch_operands = 0 : i64, tpu.core_type = #tpu.core_type<tc>, window_params = [{transform_indices = @transform_0, window_bounds = array<i64: 2000, 4>}, {pipeline_mode = #tpu.pipeline_mode<synchronous>, transform_indices = @transform_1, window_bounds = array<i64: 1, 4>}, {pipeline_mode = #tpu.pipeline_mode<synchronous>, transform_indices = @transform_2, window_bounds = array<i64: 1, 4>}, {pipeline_mode = #tpu.pipeline_mode<synchronous>, transform_indices = @transform_3, window_bounds = array<i64: 4, 64>}, {pipeline_mode = #tpu.pipeline_mode<synchronous>, transform_indices = @transform_4, window_bounds = array<i64: 1, 64>}, {pipeline_mode = #tpu.pipeline_mode<synchronous>, transform_indices = @transform_5, window_bounds = array<i64: 64, 64>}, {pipeline_mode = #tpu.pipeline_mode<synchronous>, transform_indices = @transform_6, window_bounds = array<i64: 1, 64>}, {transform_indices = @transform_7, window_bounds = array<i64: 2000, 64>}]} {
    %get3A = arith.constant 0 : index
    %get3A_0 = arith.constant 0 : index
    %get3A_1 = vector.load %arg1[%get3A, %get3A_0] : memref<2000x4xf32, #tpu.memory_space<vmem>>, vector<2000x4xf32>
    %get3A_2 = arith.constant 0 : index
    %get3A_3 = arith.constant 0 : index
    %get3A_4 = vector.load %arg2[%get3A_2, %get3A_3] : memref<1x4xf32, #tpu.memory_space<vmem>>, vector<1x4xf32>
    %get3A_5 = arith.constant 0 : index
    %get3A_6 = arith.constant 0 : index
    %get3A_7 = vector.load %arg3[%get3A_5, %get3A_6] : memref<1x4xf32, #tpu.memory_space<vmem>>, vector<1x4xf32>
    %reduce_sum3A = arith.constant dense<0.000000e+00> : vector<2000xf32>
    %reduce_sum3A_8 = vector.multi_reduction <add>, %get3A_1, %reduce_sum3A [1] : vector<2000x4xf32> to vector<2000xf32>
    %broadcast_in_dim3A = vector.shape_cast %reduce_sum3A_8 : vector<2000xf32> to vector<2000x1xf32>
    %div3A = arith.constant 4.000000e+00 : f32
    %div3A_9 = vector.broadcast %div3A : f32 to vector<2000x1xf32>
    %div3A_10 = arith.divf %broadcast_in_dim3A, %div3A_9 : vector<2000x1xf32>
    %sub3A = vector.broadcast %div3A_10 : vector<2000x1xf32> to vector<2000x4xf32>
    %sub3A_11 = arith.subf %get3A_1, %sub3A : vector<2000x4xf32>
    %integer_pow3A = arith.mulf %sub3A_11, %sub3A_11 : vector<2000x4xf32>
    %reduce_sum3A_12 = arith.constant dense<0.000000e+00> : vector<2000xf32>
    %reduce_sum3A_13 = vector.multi_reduction <add>, %integer_pow3A, %reduce_sum3A_12 [1] : vector<2000x4xf32> to vector<2000xf32>
    %broadcast_in_dim3A_14 = vector.shape_cast %reduce_sum3A_13 : vector<2000xf32> to vector<2000x1xf32>
    %div3A_15 = arith.constant 4.000000e+00 : f32
    %div3A_16 = vector.broadcast %div3A_15 : f32 to vector<2000x1xf32>
    %div3A_17 = arith.divf %broadcast_in_dim3A_14, %div3A_16 : vector<2000x1xf32>
    %sub3A_18 = vector.broadcast %div3A_10 : vector<2000x1xf32> to vector<2000x4xf32>
    %sub3A_19 = arith.subf %get3A_1, %sub3A_18 : vector<2000x4xf32>
    %add3A = arith.constant 9.99999974E-6 : f32
    %add3A_20 = vector.broadcast %add3A : f32 to vector<2000x1xf32>
    %add3A_21 = arith.addf %div3A_17, %add3A_20 : vector<2000x1xf32>
    %sqrt3A = math.sqrt %add3A_21 : vector<2000x1xf32>
    %div3A_22 = vector.broadcast %sqrt3A : vector<2000x1xf32> to vector<2000x4xf32>
    %div3A_23 = arith.divf %sub3A_19, %div3A_22 : vector<2000x4xf32>
    %mul3A = vector.broadcast %get3A_4 : vector<1x4xf32> to vector<2000x4xf32>
    %mul3A_24 = arith.mulf %div3A_23, %mul3A : vector<2000x4xf32>
    %add3A_25 = vector.broadcast %get3A_7 : vector<1x4xf32> to vector<2000x4xf32>
    %add3A_26 = arith.addf %mul3A_24, %add3A_25 : vector<2000x4xf32>
    %get3A_27 = arith.constant 0 : index
    %get3A_28 = arith.constant 0 : index
    %get3A_29 = vector.load %arg4[%get3A_27, %get3A_28] : memref<4x64xf32, #tpu.memory_space<vmem>>, vector<4x64xf32>
    %dot_general3A = arith.constant dense<0.000000e+00> : vector<2000x64xf32>
    %dot_general3A_30 = tpu.matmul %add3A_26, %get3A_29, %dot_general3A {dimension_numbers = #tpu.dot_dimension_numbers<[1], [0], [0], [1], [0, 0, 1, 1], [], []>, transpose_lhs_hint = false} : vector<2000x4xf32>, vector<4x64xf32>, vector<2000x64xf32> -> vector<2000x64xf32>
    %get3A_31 = arith.constant 0 : index
    %get3A_32 = arith.constant 0 : index
    %get3A_33 = vector.load %arg5[%get3A_31, %get3A_32] : memref<1x64xf32, #tpu.memory_space<vmem>>, vector<1x64xf32>
    %add3A_34 = vector.broadcast %get3A_33 : vector<1x64xf32> to vector<2000x64xf32>
    %add3A_35 = arith.addf %dot_general3A_30, %add3A_34 : vector<2000x64xf32>
    %max3A = arith.constant 0.000000e+00 : f32
    %max3A_36 = vector.broadcast %max3A : f32 to vector<2000x64xf32>
    %max3A_37 = arith.maximumf %add3A_35, %max3A_36 : vector<2000x64xf32>
    %get3A_38 = arith.constant 0 : index
    %get3A_39 = arith.constant 0 : index
    %get3A_40 = vector.load %arg6[%get3A_38, %get3A_39] : memref<64x64xf32, #tpu.memory_space<vmem>>, vector<64x64xf32>
    %dot_general3A_41 = arith.constant dense<0.000000e+00> : vector<2000x64xf32>
    %dot_general3A_42 = tpu.matmul %max3A_37, %get3A_40, %dot_general3A_41 {dimension_numbers = #tpu.dot_dimension_numbers<[1], [0], [0], [1], [0, 0, 1, 1], [], []>, transpose_lhs_hint = false} : vector<2000x64xf32>, vector<64x64xf32>, vector<2000x64xf32> -> vector<2000x64xf32>
    %get3A_43 = arith.constant 0 : index
    %get3A_44 = arith.constant 0 : index
    %get3A_45 = vector.load %arg7[%get3A_43, %get3A_44] : memref<1x64xf32, #tpu.memory_space<vmem>>, vector<1x64xf32>
    %add3A_46 = vector.broadcast %get3A_45 : vector<1x64xf32> to vector<2000x64xf32>
    %add3A_47 = arith.addf %dot_general3A_42, %add3A_46 : vector<2000x64xf32>
    %max3A_48 = arith.constant 0.000000e+00 : f32
    %max3A_49 = vector.broadcast %max3A_48 : f32 to vector<2000x64xf32>
    %max3A_50 = arith.maximumf %add3A_47, %max3A_49 : vector<2000x64xf32>
    %swap3A = arith.constant 0 : index
    %swap3A_51 = arith.constant 0 : index
    %swap3A_52 = vector.load %arg8[%swap3A, %swap3A_51] : memref<2000x64xf32, #tpu.memory_space<vmem>>, vector<2000x64xf32>
    tpu.vector_store %arg8[%swap3A, %swap3A_51], %max3A_50 {strides = array<i32>} : memref<2000x64xf32, #tpu.memory_space<vmem>>, vector<2000x64xf32>,
    return
  }
  func.func @transform_0(%arg0: i32) -> (i32, i32) {
    %c0_i32 = arith.constant 0 : i32
    %c0_i32_0 = arith.constant 0 : i32
    return %arg0, %c0_i32 : i32, i32
  }
  func.func @transform_1(%arg0: i32) -> (i32, i32) {
    %c0_i32 = arith.constant 0 : i32
    %c0_i32_0 = arith.constant 0 : i32
    %c0_i32_1 = arith.constant 0 : i32
    return %c0_i32, %c0_i32_0 : i32, i32
  }
  func.func @transform_2(%arg0: i32) -> (i32, i32) {
    %c0_i32 = arith.constant 0 : i32
    %c0_i32_0 = arith.constant 0 : i32
    %c0_i32_1 = arith.constant 0 : i32
    return %c0_i32, %c0_i32_0 : i32, i32
  }
  func.func @transform_3(%arg0: i32) -> (i32, i32) {
    %c0_i32 = arith.constant 0 : i32
    %c0_i32_0 = arith.constant 0 : i32
    %c0_i32_1 = arith.constant 0 : i32
    return %c0_i32, %c0_i32_0 : i32, i32
  }
  func.func @transform_4(%arg0: i32) -> (i32, i32) {
    %c0_i32 = arith.constant 0 : i32
    %c0_i32_0 = arith.constant 0 : i32
    %c0_i32_1 = arith.constant 0 : i32
    return %c0_i32, %c0_i32_0 : i32, i32
  }
  func.func @transform_5(%arg0: i32) -> (i32, i32) {
    %c0_i32 = arith.constant 0 : i32
    %c0_i32_0 = arith.constant 0 : i32
    %c0_i32_1 = arith.constant 0 : i32
    return %c0_i32, %c0_i32_0 : i32, i32
  }
  func.func @transform_6(%arg0: i32) -> (i32, i32) {
    %c0_i32 = arith.constant 0 : i32
    %c0_i32_0 = arith.constant 0 : i32
    %c0_i32_1 = arith.constant 0 : i32
    return %c0_i32, %c0_i32_0 : i32, i32
  }
  func.func @transform_7(%arg0: i32) -> (i32, i32) {
    %c0_i32 = arith.constant 0 : i32
    %c0_i32_0 = arith.constant 0 : i32
    return %arg0, %c0_i32 : i32, i32
  }
}

module attributes {stable_mosaic.version = 14 : i64} {
  func.func @body(%arg0: i32, %arg1: memref<2000x64xf32, #tpu.memory_space<vmem>>, %arg2: memref<2000x64xf32, #tpu.memory_space<vmem>>, %arg3: memref<64x64xf32, #tpu.memory_space<vmem>>, %arg4: memref<1x64xf32, #tpu.memory_space<vmem>>, %arg5: memref<1x64xf32, #tpu.memory_space<vmem>>, %arg6: memref<64x64xf32, #tpu.memory_space<vmem>>, %arg7: memref<2000x64xf32, #tpu.memory_space<vmem>>, %arg8: memref<2000x64xf32, #tpu.memory_space<vmem>>) attributes {dimension_semantics = [#tpu.dimension_semantics<arbitrary>], iteration_bounds = array<i64: 25>, scalar_prefetch = 0 : i64, scratch_operands = 0 : i64, tpu.core_type = #tpu.core_type<tc>, window_params = [{transform_indices = @transform_0, window_bounds = array<i64: 2000, 64>}, {transform_indices = @transform_1, window_bounds = array<i64: 2000, 64>}, {pipeline_mode = #tpu.pipeline_mode<synchronous>, transform_indices = @transform_2, window_bounds = array<i64: 64, 64>}, {pipeline_mode = #tpu.pipeline_mode<synchronous>, transform_indices = @transform_3, window_bounds = array<i64: 1, 64>}, {pipeline_mode = #tpu.pipeline_mode<synchronous>, transform_indices = @transform_4, window_bounds = array<i64: 1, 64>}, {pipeline_mode = #tpu.pipeline_mode<synchronous>, transform_indices = @transform_5, window_bounds = array<i64: 64, 64>}, {transform_indices = @transform_6, window_bounds = array<i64: 2000, 64>}, {transform_indices = @transform_7, window_bounds = array<i64: 2000, 64>}]} {
    %get3A = arith.constant 0 : index
    %get3A_0 = arith.constant 0 : index
    %get3A_1 = vector.load %arg1[%get3A, %get3A_0] : memref<2000x64xf32, #tpu.memory_space<vmem>>, vector<2000x64xf32>
    %get3A_2 = arith.constant 0 : index
    %get3A_3 = arith.constant 0 : index
    %get3A_4 = vector.load %arg3[%get3A_2, %get3A_3] : memref<64x64xf32, #tpu.memory_space<vmem>>, vector<64x64xf32>
    %dot_general3A = arith.constant dense<0.000000e+00> : vector<2000x64xf32>
    %dot_general3A_5 = tpu.matmul %get3A_1, %get3A_4, %dot_general3A {dimension_numbers = #tpu.dot_dimension_numbers<[1], [0], [0], [1], [0, 0, 1, 1], [], []>, transpose_lhs_hint = false} : vector<2000x64xf32>, vector<64x64xf32>, vector<2000x64xf32> -> vector<2000x64xf32>
    %get3A_6 = arith.constant 0 : index
    %get3A_7 = arith.constant 0 : index
    %get3A_8 = vector.load %arg4[%get3A_6, %get3A_7] : memref<1x64xf32, #tpu.memory_space<vmem>>, vector<1x64xf32>
    %add3A = vector.broadcast %get3A_8 : vector<1x64xf32> to vector<2000x64xf32>
    %add3A_9 = arith.addf %dot_general3A_5, %add3A : vector<2000x64xf32>
    %get3A_10 = arith.constant 0 : index
    %get3A_11 = arith.constant 0 : index
    %get3A_12 = vector.load %arg5[%get3A_10, %get3A_11] : memref<1x64xf32, #tpu.memory_space<vmem>>, vector<1x64xf32>
    %add3A_13 = vector.broadcast %get3A_12 : vector<1x64xf32> to vector<2000x64xf32>
    %add3A_14 = arith.addf %add3A_9, %add3A_13 : vector<2000x64xf32>
    %swap3A = arith.constant 0 : index
    %swap3A_15 = arith.constant 0 : index
    %swap3A_16 = vector.load %arg7[%swap3A, %swap3A_15] : memref<2000x64xf32, #tpu.memory_space<vmem>>, vector<2000x64xf32>
    tpu.vector_store %arg7[%swap3A, %swap3A_15], %add3A_14 {strides = array<i32>} : memref<2000x64xf32, #tpu.memory_space<vmem>>, vector<2000x64xf32>,
    %get3A_17 = arith.constant 0 : index
    %get3A_18 = arith.constant 0 : index
    %get3A_19 = vector.load %arg2[%get3A_17, %get3A_18] : memref<2000x64xf32, #tpu.memory_space<vmem>>, vector<2000x64xf32>
    %get3A_20 = arith.constant 0 : index
    %get3A_21 = arith.constant 0 : index
    %get3A_22 = vector.load %arg6[%get3A_20, %get3A_21] : memref<64x64xf32, #tpu.memory_space<vmem>>, vector<64x64xf32>
    %dot_general3A_23 = arith.constant dense<0.000000e+00> : vector<2000x64xf32>
    %dot_general3A_24 = tpu.matmul %get3A_19, %get3A_22, %dot_general3A_23 {dimension_numbers = #tpu.dot_dimension_numbers<[1], [0], [0], [1], [0, 0, 1, 1], [], []>, transpose_lhs_hint = false} : vector<2000x64xf32>, vector<64x64xf32>, vector<2000x64xf32> -> vector<2000x64xf32>
    %swap3A_25 = arith.constant 0 : index
    %swap3A_26 = arith.constant 0 : index
    %swap3A_27 = vector.load %arg8[%swap3A_25, %swap3A_26] : memref<2000x64xf32, #tpu.memory_space<vmem>>, vector<2000x64xf32>
    tpu.vector_store %arg8[%swap3A_25, %swap3A_26], %dot_general3A_24 {strides = array<i32>} : memref<2000x64xf32, #tpu.memory_space<vmem>>, vector<2000x64xf32>,
    return
  }
  func.func @transform_0(%arg0: i32) -> (i32, i32) {
    %c0_i32 = arith.constant 0 : i32
    %c0_i32_0 = arith.constant 0 : i32
    return %arg0, %c0_i32 : i32, i32
  }
  func.func @transform_1(%arg0: i32) -> (i32, i32) {
    %c0_i32 = arith.constant 0 : i32
    %c0_i32_0 = arith.constant 0 : i32
    return %arg0, %c0_i32 : i32, i32
  }
  func.func @transform_2(%arg0: i32) -> (i32, i32) {
    %c0_i32 = arith.constant 0 : i32
    %c0_i32_0 = arith.constant 0 : i32
    %c0_i32_1 = arith.constant 0 : i32
    return %c0_i32, %c0_i32_0 : i32, i32
  }
  func.func @transform_3(%arg0: i32) -> (i32, i32) {
    %c0_i32 = arith.constant 0 : i32
    %c0_i32_0 = arith.constant 0 : i32
    %c0_i32_1 = arith.constant 0 : i32
    return %c0_i32, %c0_i32_0 : i32, i32
  }
  func.func @transform_4(%arg0: i32) -> (i32, i32) {
    %c0_i32 = arith.constant 0 : i32
    %c0_i32_0 = arith.constant 0 : i32
    %c0_i32_1 = arith.constant 0 : i32
    return %c0_i32, %c0_i32_0 : i32, i32
  }
  func.func @transform_5(%arg0: i32) -> (i32, i32) {
    %c0_i32 = arith.constant 0 : i32
    %c0_i32_0 = arith.constant 0 : i32
    %c0_i32_1 = arith.constant 0 : i32
    return %c0_i32, %c0_i32_0 : i32, i32
  }
  func.func @transform_6(%arg0: i32) -> (i32, i32) {
    %c0_i32 = arith.constant 0 : i32
    %c0_i32_0 = arith.constant 0 : i32
    return %arg0, %c0_i32 : i32, i32
  }
  func.func @transform_7(%arg0: i32) -> (i32, i32) {
    %c0_i32 = arith.constant 0 : i32
    %c0_i32_0 = arith.constant 0 : i32
    return %arg0, %c0_i32 : i32, i32
  }
}

module attributes {stable_mosaic.version = 14 : i64} {
  func.func @body(%arg0: i32, %arg1: memref<2000x18xf32, #tpu.memory_space<vmem>>, %arg2: memref<1x18xf32, #tpu.memory_space<vmem>>, %arg3: memref<1x18xf32, #tpu.memory_space<vmem>>, %arg4: memref<18x64xf32, #tpu.memory_space<vmem>>, %arg5: memref<1x64xf32, #tpu.memory_space<vmem>>, %arg6: memref<64x64xf32, #tpu.memory_space<vmem>>, %arg7: memref<1x64xf32, #tpu.memory_space<vmem>>, %arg8: memref<2000x64xf32, #tpu.memory_space<vmem>>) attributes {dimension_semantics = [#tpu.dimension_semantics<arbitrary>], iteration_bounds = array<i64: 25>, scalar_prefetch = 0 : i64, scratch_operands = 0 : i64, tpu.core_type = #tpu.core_type<tc>, window_params = [{transform_indices = @transform_0, window_bounds = array<i64: 2000, 18>}, {pipeline_mode = #tpu.pipeline_mode<synchronous>, transform_indices = @transform_1, window_bounds = array<i64: 1, 18>}, {pipeline_mode = #tpu.pipeline_mode<synchronous>, transform_indices = @transform_2, window_bounds = array<i64: 1, 18>}, {pipeline_mode = #tpu.pipeline_mode<synchronous>, transform_indices = @transform_3, window_bounds = array<i64: 18, 64>}, {pipeline_mode = #tpu.pipeline_mode<synchronous>, transform_indices = @transform_4, window_bounds = array<i64: 1, 64>}, {pipeline_mode = #tpu.pipeline_mode<synchronous>, transform_indices = @transform_5, window_bounds = array<i64: 64, 64>}, {pipeline_mode = #tpu.pipeline_mode<synchronous>, transform_indices = @transform_6, window_bounds = array<i64: 1, 64>}, {transform_indices = @transform_7, window_bounds = array<i64: 2000, 64>}]} {
    %get3A = arith.constant 0 : index
    %get3A_0 = arith.constant 0 : index
    %get3A_1 = vector.load %arg1[%get3A, %get3A_0] : memref<2000x18xf32, #tpu.memory_space<vmem>>, vector<2000x18xf32>
    %get3A_2 = arith.constant 0 : index
    %get3A_3 = arith.constant 0 : index
    %get3A_4 = vector.load %arg2[%get3A_2, %get3A_3] : memref<1x18xf32, #tpu.memory_space<vmem>>, vector<1x18xf32>
    %get3A_5 = arith.constant 0 : index
    %get3A_6 = arith.constant 0 : index
    %get3A_7 = vector.load %arg3[%get3A_5, %get3A_6] : memref<1x18xf32, #tpu.memory_space<vmem>>, vector<1x18xf32>
    %reduce_sum3A = arith.constant dense<0.000000e+00> : vector<2000xf32>
    %reduce_sum3A_8 = vector.multi_reduction <add>, %get3A_1, %reduce_sum3A [1] : vector<2000x18xf32> to vector<2000xf32>
    %broadcast_in_dim3A = vector.shape_cast %reduce_sum3A_8 : vector<2000xf32> to vector<2000x1xf32>
    %div3A = arith.constant 1.800000e+01 : f32
    %div3A_9 = vector.broadcast %div3A : f32 to vector<2000x1xf32>
    %div3A_10 = arith.divf %broadcast_in_dim3A, %div3A_9 : vector<2000x1xf32>
    %sub3A = vector.broadcast %div3A_10 : vector<2000x1xf32> to vector<2000x18xf32>
    %sub3A_11 = arith.subf %get3A_1, %sub3A : vector<2000x18xf32>
    %integer_pow3A = arith.mulf %sub3A_11, %sub3A_11 : vector<2000x18xf32>
    %reduce_sum3A_12 = arith.constant dense<0.000000e+00> : vector<2000xf32>
    %reduce_sum3A_13 = vector.multi_reduction <add>, %integer_pow3A, %reduce_sum3A_12 [1] : vector<2000x18xf32> to vector<2000xf32>
    %broadcast_in_dim3A_14 = vector.shape_cast %reduce_sum3A_13 : vector<2000xf32> to vector<2000x1xf32>
    %div3A_15 = arith.constant 1.800000e+01 : f32
    %div3A_16 = vector.broadcast %div3A_15 : f32 to vector<2000x1xf32>
    %div3A_17 = arith.divf %broadcast_in_dim3A_14, %div3A_16 : vector<2000x1xf32>
    %sub3A_18 = vector.broadcast %div3A_10 : vector<2000x1xf32> to vector<2000x18xf32>
    %sub3A_19 = arith.subf %get3A_1, %sub3A_18 : vector<2000x18xf32>
    %add3A = arith.constant 9.99999974E-6 : f32
    %add3A_20 = vector.broadcast %add3A : f32 to vector<2000x1xf32>
    %add3A_21 = arith.addf %div3A_17, %add3A_20 : vector<2000x1xf32>
    %sqrt3A = math.sqrt %add3A_21 : vector<2000x1xf32>
    %div3A_22 = vector.broadcast %sqrt3A : vector<2000x1xf32> to vector<2000x18xf32>
    %div3A_23 = arith.divf %sub3A_19, %div3A_22 : vector<2000x18xf32>
    %mul3A = vector.broadcast %get3A_4 : vector<1x18xf32> to vector<2000x18xf32>
    %mul3A_24 = arith.mulf %div3A_23, %mul3A : vector<2000x18xf32>
    %add3A_25 = vector.broadcast %get3A_7 : vector<1x18xf32> to vector<2000x18xf32>
    %add3A_26 = arith.addf %mul3A_24, %add3A_25 : vector<2000x18xf32>
    %get3A_27 = arith.constant 0 : index
    %get3A_28 = arith.constant 0 : index
    %get3A_29 = vector.load %arg4[%get3A_27, %get3A_28] : memref<18x64xf32, #tpu.memory_space<vmem>>, vector<18x64xf32>
    %dot_general3A = arith.constant dense<0.000000e+00> : vector<2000x64xf32>
    %dot_general3A_30 = tpu.matmul %add3A_26, %get3A_29, %dot_general3A {dimension_numbers = #tpu.dot_dimension_numbers<[1], [0], [0], [1], [0, 0, 1, 1], [], []>, transpose_lhs_hint = false} : vector<2000x18xf32>, vector<18x64xf32>, vector<2000x64xf32> -> vector<2000x64xf32>
    %get3A_31 = arith.constant 0 : index
    %get3A_32 = arith.constant 0 : index
    %get3A_33 = vector.load %arg5[%get3A_31, %get3A_32] : memref<1x64xf32, #tpu.memory_space<vmem>>, vector<1x64xf32>
    %add3A_34 = vector.broadcast %get3A_33 : vector<1x64xf32> to vector<2000x64xf32>
    %add3A_35 = arith.addf %dot_general3A_30, %add3A_34 : vector<2000x64xf32>
    %max3A = arith.constant 0.000000e+00 : f32
    %max3A_36 = vector.broadcast %max3A : f32 to vector<2000x64xf32>
    %max3A_37 = arith.maximumf %add3A_35, %max3A_36 : vector<2000x64xf32>
    %get3A_38 = arith.constant 0 : index
    %get3A_39 = arith.constant 0 : index
    %get3A_40 = vector.load %arg6[%get3A_38, %get3A_39] : memref<64x64xf32, #tpu.memory_space<vmem>>, vector<64x64xf32>
    %dot_general3A_41 = arith.constant dense<0.000000e+00> : vector<2000x64xf32>
    %dot_general3A_42 = tpu.matmul %max3A_37, %get3A_40, %dot_general3A_41 {dimension_numbers = #tpu.dot_dimension_numbers<[1], [0], [0], [1], [0, 0, 1, 1], [], []>, transpose_lhs_hint = false} : vector<2000x64xf32>, vector<64x64xf32>, vector<2000x64xf32> -> vector<2000x64xf32>
    %get3A_43 = arith.constant 0 : index
    %get3A_44 = arith.constant 0 : index
    %get3A_45 = vector.load %arg7[%get3A_43, %get3A_44] : memref<1x64xf32, #tpu.memory_space<vmem>>, vector<1x64xf32>
    %add3A_46 = vector.broadcast %get3A_45 : vector<1x64xf32> to vector<2000x64xf32>
    %add3A_47 = arith.addf %dot_general3A_42, %add3A_46 : vector<2000x64xf32>
    %max3A_48 = arith.constant 0.000000e+00 : f32
    %max3A_49 = vector.broadcast %max3A_48 : f32 to vector<2000x64xf32>
    %max3A_50 = arith.maximumf %add3A_47, %max3A_49 : vector<2000x64xf32>
    %swap3A = arith.constant 0 : index
    %swap3A_51 = arith.constant 0 : index
    %swap3A_52 = vector.load %arg8[%swap3A, %swap3A_51] : memref<2000x64xf32, #tpu.memory_space<vmem>>, vector<2000x64xf32>
    tpu.vector_store %arg8[%swap3A, %swap3A_51], %max3A_50 {strides = array<i32>} : memref<2000x64xf32, #tpu.memory_space<vmem>>, vector<2000x64xf32>,
    return
  }
  func.func @transform_0(%arg0: i32) -> (i32, i32) {
    %c0_i32 = arith.constant 0 : i32
    %c0_i32_0 = arith.constant 0 : i32
    return %arg0, %c0_i32 : i32, i32
  }
  func.func @transform_1(%arg0: i32) -> (i32, i32) {
    %c0_i32 = arith.constant 0 : i32
    %c0_i32_0 = arith.constant 0 : i32
    %c0_i32_1 = arith.constant 0 : i32
    return %c0_i32, %c0_i32_0 : i32, i32
  }
  func.func @transform_2(%arg0: i32) -> (i32, i32) {
    %c0_i32 = arith.constant 0 : i32
    %c0_i32_0 = arith.constant 0 : i32
    %c0_i32_1 = arith.constant 0 : i32
    return %c0_i32, %c0_i32_0 : i32, i32
  }
  func.func @transform_3(%arg0: i32) -> (i32, i32) {
    %c0_i32 = arith.constant 0 : i32
    %c0_i32_0 = arith.constant 0 : i32
    %c0_i32_1 = arith.constant 0 : i32
    return %c0_i32, %c0_i32_0 : i32, i32
  }
  func.func @transform_4(%arg0: i32) -> (i32, i32) {
    %c0_i32 = arith.constant 0 : i32
    %c0_i32_0 = arith.constant 0 : i32
    %c0_i32_1 = arith.constant 0 : i32
    return %c0_i32, %c0_i32_0 : i32, i32
  }
  func.func @transform_5(%arg0: i32) -> (i32, i32) {
    %c0_i32 = arith.constant 0 : i32
    %c0_i32_0 = arith.constant 0 : i32
    %c0_i32_1 = arith.constant 0 : i32
    return %c0_i32, %c0_i32_0 : i32, i32
  }
  func.func @transform_6(%arg0: i32) -> (i32, i32) {
    %c0_i32 = arith.constant 0 : i32
    %c0_i32_0 = arith.constant 0 : i32
    %c0_i32_1 = arith.constant 0 : i32
    return %c0_i32, %c0_i32_0 : i32, i32
  }
  func.func @transform_7(%arg0: i32) -> (i32, i32) {
    %c0_i32 = arith.constant 0 : i32
    %c0_i32_0 = arith.constant 0 : i32
    return %arg0, %c0_i32 : i32, i32
  }
}

module attributes {stable_mosaic.version = 14 : i64} {
  func.func @body(%arg0: i32, %arg1: memref<2048x128xf32, #tpu.memory_space<vmem>>, %arg2: memref<2048x128xf32, #tpu.memory_space<vmem>>, %arg3: memref<2048x128xf32, #tpu.memory_space<vmem>>, %arg4: memref<2048x128xf32, #tpu.memory_space<vmem>>, %arg5: memref<1x64xf32, #tpu.memory_space<vmem>>, %arg6: memref<1x64xf32, #tpu.memory_space<vmem>>, %arg7: memref<64x64xf32, #tpu.memory_space<vmem>>, %arg8: memref<1x64xf32, #tpu.memory_space<vmem>>, %arg9: memref<2x2048x128xf32, #tpu.memory_space<vmem>>, %arg10: memref<2x2048x128xf32, #tpu.memory_space<vmem>>) attributes {dimension_semantics = [#tpu.dimension_semantics<arbitrary>], iteration_bounds = array<i64: 49>, scalar_prefetch = 0 : i64, scratch_operands = 0 : i64, tpu.core_type = #tpu.core_type<tc>, window_params = [{transform_indices = @transform_0, window_bounds = array<i64: 2048, 128>}, {transform_indices = @transform_1, window_bounds = array<i64: 2048, 128>}, {transform_indices = @transform_2, window_bounds = array<i64: 2048, 128>}, {transform_indices = @transform_3, window_bounds = array<i64: 2048, 128>}, {pipeline_mode = #tpu.pipeline_mode<synchronous>, transform_indices = @transform_4, window_bounds = array<i64: 1, 64>}, {pipeline_mode = #tpu.pipeline_mode<synchronous>, transform_indices = @transform_5, window_bounds = array<i64: 1, 64>}, {pipeline_mode = #tpu.pipeline_mode<synchronous>, transform_indices = @transform_6, window_bounds = array<i64: 64, 64>}, {pipeline_mode = #tpu.pipeline_mode<synchronous>, transform_indices = @transform_7, window_bounds = array<i64: 1, 64>}, {transform_indices = @transform_8, window_bounds = array<i64: 2, 2048, 128>}, {transform_indices = @transform_9, window_bounds = array<i64: 2, 2048, 128>}]} {
    %get3A = arith.constant 0 : index
    %get3A_0 = arith.constant 0 : index
    %get3A_1 = vector.load %arg1[%get3A, %get3A_0] : memref<2048x128xf32, #tpu.memory_space<vmem>>, vector<2048x128xf32>
    %slice3A = vector.extract_strided_slice %get3A_1 {offsets = [0, 0], sizes = [2048, 64], strides = [1, 1]} : vector<2048x128xf32> to vector<2048x64xf32>
    %slice3A_2 = vector.extract_strided_slice %get3A_1 {offsets = [0, 64], sizes = [2048, 64], strides = [1, 1]} : vector<2048x128xf32> to vector<2048x64xf32>
    %get3A_3 = arith.constant 0 : index
    %get3A_4 = arith.constant 0 : index
    %get3A_5 = vector.load %arg5[%get3A_3, %get3A_4] : memref<1x64xf32, #tpu.memory_space<vmem>>, vector<1x64xf32>
    %get3A_6 = arith.constant 0 : index
    %get3A_7 = arith.constant 0 : index
    %get3A_8 = vector.load %arg6[%get3A_6, %get3A_7] : memref<1x64xf32, #tpu.memory_space<vmem>>, vector<1x64xf32>
    %reduce_sum3A = arith.constant dense<0.000000e+00> : vector<2048xf32>
    %reduce_sum3A_9 = vector.multi_reduction <add>, %slice3A, %reduce_sum3A [1] : vector<2048x64xf32> to vector<2048xf32>
    %broadcast_in_dim3A = vector.shape_cast %reduce_sum3A_9 : vector<2048xf32> to vector<2048x1xf32>
    %div3A = arith.constant 6.400000e+01 : f32
    %div3A_10 = vector.broadcast %div3A : f32 to vector<2048x1xf32>
    %div3A_11 = arith.divf %broadcast_in_dim3A, %div3A_10 : vector<2048x1xf32>
    %sub3A = vector.broadcast %div3A_11 : vector<2048x1xf32> to vector<2048x64xf32>
    %sub3A_12 = arith.subf %slice3A, %sub3A : vector<2048x64xf32>
    %integer_pow3A = arith.mulf %sub3A_12, %sub3A_12 : vector<2048x64xf32>
    %reduce_sum3A_13 = arith.constant dense<0.000000e+00> : vector<2048xf32>
    %reduce_sum3A_14 = vector.multi_reduction <add>, %integer_pow3A, %reduce_sum3A_13 [1] : vector<2048x64xf32> to vector<2048xf32>
    %broadcast_in_dim3A_15 = vector.shape_cast %reduce_sum3A_14 : vector<2048xf32> to vector<2048x1xf32>
    %div3A_16 = arith.constant 6.400000e+01 : f32
    %div3A_17 = vector.broadcast %div3A_16 : f32 to vector<2048x1xf32>
    %div3A_18 = arith.divf %broadcast_in_dim3A_15, %div3A_17 : vector<2048x1xf32>
    %sub3A_19 = vector.broadcast %div3A_11 : vector<2048x1xf32> to vector<2048x64xf32>
    %sub3A_20 = arith.subf %slice3A, %sub3A_19 : vector<2048x64xf32>
    %add3A = arith.constant 9.99999974E-6 : f32
    %add3A_21 = vector.broadcast %add3A : f32 to vector<2048x1xf32>
    %add3A_22 = arith.addf %div3A_18, %add3A_21 : vector<2048x1xf32>
    %sqrt3A = math.sqrt %add3A_22 : vector<2048x1xf32>
    %div3A_23 = vector.broadcast %sqrt3A : vector<2048x1xf32> to vector<2048x64xf32>
    %div3A_24 = arith.divf %sub3A_20, %div3A_23 : vector<2048x64xf32>
    %mul3A = vector.broadcast %get3A_5 : vector<1x64xf32> to vector<2048x64xf32>
    %mul3A_25 = arith.mulf %div3A_24, %mul3A : vector<2048x64xf32>
    %add3A_26 = vector.broadcast %get3A_8 : vector<1x64xf32> to vector<2048x64xf32>
    %add3A_27 = arith.addf %mul3A_25, %add3A_26 : vector<2048x64xf32>
    %max3A = arith.constant 0.000000e+00 : f32
    %max3A_28 = vector.broadcast %max3A : f32 to vector<2048x64xf32>
    %max3A_29 = arith.maximumf %add3A_27, %max3A_28 : vector<2048x64xf32>
    %get3A_30 = arith.constant 0 : index
    %get3A_31 = arith.constant 0 : index
    %get3A_32 = vector.load %arg7[%get3A_30, %get3A_31] : memref<64x64xf32, #tpu.memory_space<vmem>>, vector<64x64xf32>
    %dot_general3A = arith.constant dense<0.000000e+00> : vector<2048x64xf32>
    %dot_general3A_33 = tpu.matmul %max3A_29, %get3A_32, %dot_general3A {dimension_numbers = #tpu.dot_dimension_numbers<[1], [0], [0], [1], [0, 0, 1, 1], [], []>, transpose_lhs_hint = false} : vector<2048x64xf32>, vector<64x64xf32>, vector<2048x64xf32> -> vector<2048x64xf32>
    %get3A_34 = arith.constant 0 : index
    %get3A_35 = arith.constant 0 : index
    %get3A_36 = vector.load %arg8[%get3A_34, %get3A_35] : memref<1x64xf32, #tpu.memory_space<vmem>>, vector<1x64xf32>
    %add3A_37 = vector.broadcast %get3A_36 : vector<1x64xf32> to vector<2048x64xf32>
    %add3A_38 = arith.addf %dot_general3A_33, %add3A_37 : vector<2048x64xf32>
    %slice3A_39 = vector.extract_strided_slice %add3A_38 {offsets = [0, 0], sizes = [2048, 16], strides = [1, 1]} : vector<2048x64xf32> to vector<2048x16xf32>
    %swap3A = arith.constant 0 : index
    %swap3A_40 = arith.constant 0 : index
    %swap3A_41 = arith.constant 0 : index
    %swap3A_42 = vector.load %arg9[%swap3A, %swap3A_40, %swap3A_41] : memref<2x2048x128xf32, #tpu.memory_space<vmem>>, vector<1x2048x16xf32>
    %swap3A_43 = vector.shape_cast %swap3A_42 : vector<1x2048x16xf32> to vector<2048x16xf32>
    %swap3A_44 = vector.shape_cast %slice3A_39 : vector<2048x16xf32> to vector<1x2048x16xf32>
    tpu.vector_store %arg9[%swap3A, %swap3A_40, %swap3A_41], %swap3A_44 {strides = array<i32>} : memref<2x2048x128xf32, #tpu.memory_space<vmem>>, vector<1x2048x16xf32>,
    %slice3A_45 = vector.extract_strided_slice %add3A_38 {offsets = [0, 16], sizes = [2048, 16], strides = [1, 1]} : vector<2048x64xf32> to vector<2048x16xf32>
    %swap3A_46 = arith.constant 1 : index
    %swap3A_47 = arith.constant 0 : index
    %swap3A_48 = arith.constant 0 : index
    %swap3A_49 = vector.load %arg9[%swap3A_46, %swap3A_47, %swap3A_48] : memref<2x2048x128xf32, #tpu.memory_space<vmem>>, vector<1x2048x16xf32>
    %swap3A_50 = vector.shape_cast %swap3A_49 : vector<1x2048x16xf32> to vector<2048x16xf32>
    %swap3A_51 = vector.shape_cast %slice3A_45 : vector<2048x16xf32> to vector<1x2048x16xf32>
    tpu.vector_store %arg9[%swap3A_46, %swap3A_47, %swap3A_48], %swap3A_51 {strides = array<i32>} : memref<2x2048x128xf32, #tpu.memory_space<vmem>>, vector<1x2048x16xf32>,
    %slice3A_52 = vector.extract_strided_slice %add3A_38 {offsets = [0, 32], sizes = [2048, 16], strides = [1, 1]} : vector<2048x64xf32> to vector<2048x16xf32>
    %swap3A_53 = arith.constant 0 : index
    %swap3A_54 = arith.constant 0 : index
    %swap3A_55 = arith.constant 0 : index
    %swap3A_56 = vector.load %arg10[%swap3A_53, %swap3A_54, %swap3A_55] : memref<2x2048x128xf32, #tpu.memory_space<vmem>>, vector<1x2048x16xf32>
    %swap3A_57 = vector.shape_cast %swap3A_56 : vector<1x2048x16xf32> to vector<2048x16xf32>
    %swap3A_58 = vector.shape_cast %slice3A_52 : vector<2048x16xf32> to vector<1x2048x16xf32>
    tpu.vector_store %arg10[%swap3A_53, %swap3A_54, %swap3A_55], %swap3A_58 {strides = array<i32>} : memref<2x2048x128xf32, #tpu.memory_space<vmem>>, vector<1x2048x16xf32>,
    %slice3A_59 = vector.extract_strided_slice %add3A_38 {offsets = [0, 48], sizes = [2048, 16], strides = [1, 1]} : vector<2048x64xf32> to vector<2048x16xf32>
    %swap3A_60 = arith.constant 1 : index
    %swap3A_61 = arith.constant 0 : index
    %swap3A_62 = arith.constant 0 : index
    %swap3A_63 = vector.load %arg10[%swap3A_60, %swap3A_61, %swap3A_62] : memref<2x2048x128xf32, #tpu.memory_space<vmem>>, vector<1x2048x16xf32>
    %swap3A_64 = vector.shape_cast %swap3A_63 : vector<1x2048x16xf32> to vector<2048x16xf32>
    %swap3A_65 = vector.shape_cast %slice3A_59 : vector<2048x16xf32> to vector<1x2048x16xf32>
    tpu.vector_store %arg10[%swap3A_60, %swap3A_61, %swap3A_62], %swap3A_65 {strides = array<i32>} : memref<2x2048x128xf32, #tpu.memory_space<vmem>>, vector<1x2048x16xf32>,
    %get3A_66 = arith.constant 0 : index
    %get3A_67 = arith.constant 0 : index
    %get3A_68 = vector.load %arg5[%get3A_66, %get3A_67] : memref<1x64xf32, #tpu.memory_space<vmem>>, vector<1x64xf32>
    %get3A_69 = arith.constant 0 : index
    %get3A_70 = arith.constant 0 : index
    %get3A_71 = vector.load %arg6[%get3A_69, %get3A_70] : memref<1x64xf32, #tpu.memory_space<vmem>>, vector<1x64xf32>
    %reduce_sum3A_72 = arith.constant dense<0.000000e+00> : vector<2048xf32>
    %reduce_sum3A_73 = vector.multi_reduction <add>, %slice3A_2, %reduce_sum3A_72 [1] : vector<2048x64xf32> to vector<2048xf32>
    %broadcast_in_dim3A_74 = vector.shape_cast %reduce_sum3A_73 : vector<2048xf32> to vector<2048x1xf32>
    %div3A_75 = arith.constant 6.400000e+01 : f32
    %div3A_76 = vector.broadcast %div3A_75 : f32 to vector<2048x1xf32>
    %div3A_77 = arith.divf %broadcast_in_dim3A_74, %div3A_76 : vector<2048x1xf32>
    %sub3A_78 = vector.broadcast %div3A_77 : vector<2048x1xf32> to vector<2048x64xf32>
    %sub3A_79 = arith.subf %slice3A_2, %sub3A_78 : vector<2048x64xf32>
    %integer_pow3A_80 = arith.mulf %sub3A_79, %sub3A_79 : vector<2048x64xf32>
    %reduce_sum3A_81 = arith.constant dense<0.000000e+00> : vector<2048xf32>
    %reduce_sum3A_82 = vector.multi_reduction <add>, %integer_pow3A_80, %reduce_sum3A_81 [1] : vector<2048x64xf32> to vector<2048xf32>
    %broadcast_in_dim3A_83 = vector.shape_cast %reduce_sum3A_82 : vector<2048xf32> to vector<2048x1xf32>
    %div3A_84 = arith.constant 6.400000e+01 : f32
    %div3A_85 = vector.broadcast %div3A_84 : f32 to vector<2048x1xf32>
    %div3A_86 = arith.divf %broadcast_in_dim3A_83, %div3A_85 : vector<2048x1xf32>
    %sub3A_87 = vector.broadcast %div3A_77 : vector<2048x1xf32> to vector<2048x64xf32>
    %sub3A_88 = arith.subf %slice3A_2, %sub3A_87 : vector<2048x64xf32>
    %add3A_89 = arith.constant 9.99999974E-6 : f32
    %add3A_90 = vector.broadcast %add3A_89 : f32 to vector<2048x1xf32>
    %add3A_91 = arith.addf %div3A_86, %add3A_90 : vector<2048x1xf32>
    %sqrt3A_92 = math.sqrt %add3A_91 : vector<2048x1xf32>
    %div3A_93 = vector.broadcast %sqrt3A_92 : vector<2048x1xf32> to vector<2048x64xf32>
    %div3A_94 = arith.divf %sub3A_88, %div3A_93 : vector<2048x64xf32>
    %mul3A_95 = vector.broadcast %get3A_68 : vector<1x64xf32> to vector<2048x64xf32>
    %mul3A_96 = arith.mulf %div3A_94, %mul3A_95 : vector<2048x64xf32>
    %add3A_97 = vector.broadcast %get3A_71 : vector<1x64xf32> to vector<2048x64xf32>
    %add3A_98 = arith.addf %mul3A_96, %add3A_97 : vector<2048x64xf32>
    %max3A_99 = arith.constant 0.000000e+00 : f32
    %max3A_100 = vector.broadcast %max3A_99 : f32 to vector<2048x64xf32>
    %max3A_101 = arith.maximumf %add3A_98, %max3A_100 : vector<2048x64xf32>
    %get3A_102 = arith.constant 0 : index
    %get3A_103 = arith.constant 0 : index
    %get3A_104 = vector.load %arg7[%get3A_102, %get3A_103] : memref<64x64xf32, #tpu.memory_space<vmem>>, vector<64x64xf32>
    %dot_general3A_105 = arith.constant dense<0.000000e+00> : vector<2048x64xf32>
    %dot_general3A_106 = tpu.matmul %max3A_101, %get3A_104, %dot_general3A_105 {dimension_numbers = #tpu.dot_dimension_numbers<[1], [0], [0], [1], [0, 0, 1, 1], [], []>, transpose_lhs_hint = false} : vector<2048x64xf32>, vector<64x64xf32>, vector<2048x64xf32> -> vector<2048x64xf32>
    %get3A_107 = arith.constant 0 : index
    %get3A_108 = arith.constant 0 : index
    %get3A_109 = vector.load %arg8[%get3A_107, %get3A_108] : memref<1x64xf32, #tpu.memory_space<vmem>>, vector<1x64xf32>
    %add3A_110 = vector.broadcast %get3A_109 : vector<1x64xf32> to vector<2048x64xf32>
    %add3A_111 = arith.addf %dot_general3A_106, %add3A_110 : vector<2048x64xf32>
    %slice3A_112 = vector.extract_strided_slice %add3A_111 {offsets = [0, 0], sizes = [2048, 16], strides = [1, 1]} : vector<2048x64xf32> to vector<2048x16xf32>
    %swap3A_113 = arith.constant 0 : index
    %swap3A_114 = arith.constant 0 : index
    %swap3A_115 = arith.constant 16 : index
    %swap3A_116 = vector.load %arg9[%swap3A_113, %swap3A_114, %swap3A_115] : memref<2x2048x128xf32, #tpu.memory_space<vmem>>, vector<1x2048x16xf32>
    %swap3A_117 = vector.shape_cast %swap3A_116 : vector<1x2048x16xf32> to vector<2048x16xf32>
    %swap3A_118 = vector.shape_cast %slice3A_112 : vector<2048x16xf32> to vector<1x2048x16xf32>
    tpu.vector_store %arg9[%swap3A_113, %swap3A_114, %swap3A_115], %swap3A_118 {strides = array<i32>} : memref<2x2048x128xf32, #tpu.memory_space<vmem>>, vector<1x2048x16xf32>,
    %slice3A_119 = vector.extract_strided_slice %add3A_111 {offsets = [0, 16], sizes = [2048, 16], strides = [1, 1]} : vector<2048x64xf32> to vector<2048x16xf32>
    %swap3A_120 = arith.constant 1 : index
    %swap3A_121 = arith.constant 0 : index
    %swap3A_122 = arith.constant 16 : index
    %swap3A_123 = vector.load %arg9[%swap3A_120, %swap3A_121, %swap3A_122] : memref<2x2048x128xf32, #tpu.memory_space<vmem>>, vector<1x2048x16xf32>
    %swap3A_124 = vector.shape_cast %swap3A_123 : vector<1x2048x16xf32> to vector<2048x16xf32>
    %swap3A_125 = vector.shape_cast %slice3A_119 : vector<2048x16xf32> to vector<1x2048x16xf32>
    tpu.vector_store %arg9[%swap3A_120, %swap3A_121, %swap3A_122], %swap3A_125 {strides = array<i32>} : memref<2x2048x128xf32, #tpu.memory_space<vmem>>, vector<1x2048x16xf32>,
    %slice3A_126 = vector.extract_strided_slice %add3A_111 {offsets = [0, 32], sizes = [2048, 16], strides = [1, 1]} : vector<2048x64xf32> to vector<2048x16xf32>
    %swap3A_127 = arith.constant 0 : index
    %swap3A_128 = arith.constant 0 : index
    %swap3A_129 = arith.constant 16 : index
    %swap3A_130 = vector.load %arg10[%swap3A_127, %swap3A_128, %swap3A_129] : memref<2x2048x128xf32, #tpu.memory_space<vmem>>, vector<1x2048x16xf32>
    %swap3A_131 = vector.shape_cast %swap3A_130 : vector<1x2048x16xf32> to vector<2048x16xf32>
    %swap3A_132 = vector.shape_cast %slice3A_126 : vector<2048x16xf32> to vector<1x2048x16xf32>
    tpu.vector_store %arg10[%swap3A_127, %swap3A_128, %swap3A_129], %swap3A_132 {strides = array<i32>} : memref<2x2048x128xf32, #tpu.memory_space<vmem>>, vector<1x2048x16xf32>,
    %slice3A_133 = vector.extract_strided_slice %add3A_111 {offsets = [0, 48], sizes = [2048, 16], strides = [1, 1]} : vector<2048x64xf32> to vector<2048x16xf32>
    %swap3A_134 = arith.constant 1 : index
    %swap3A_135 = arith.constant 0 : index
    %swap3A_136 = arith.constant 16 : index
    %swap3A_137 = vector.load %arg10[%swap3A_134, %swap3A_135, %swap3A_136] : memref<2x2048x128xf32, #tpu.memory_space<vmem>>, vector<1x2048x16xf32>
    %swap3A_138 = vector.shape_cast %swap3A_137 : vector<1x2048x16xf32> to vector<2048x16xf32>
    %swap3A_139 = vector.shape_cast %slice3A_133 : vector<2048x16xf32> to vector<1x2048x16xf32>
    tpu.vector_store %arg10[%swap3A_134, %swap3A_135, %swap3A_136], %swap3A_139 {strides = array<i32>} : memref<2x2048x128xf32, #tpu.memory_space<vmem>>, vector<1x2048x16xf32>,
    %get3A_140 = arith.constant 0 : index
    %get3A_141 = arith.constant 0 : index
    %get3A_142 = vector.load %arg2[%get3A_140, %get3A_141] : memref<2048x128xf32, #tpu.memory_space<vmem>>, vector<2048x128xf32>
    %slice3A_143 = vector.extract_strided_slice %get3A_142 {offsets = [0, 0], sizes = [2048, 64], strides = [1, 1]} : vector<2048x128xf32> to vector<2048x64xf32>
    %slice3A_144 = vector.extract_strided_slice %get3A_142 {offsets = [0, 64], sizes = [2048, 64], strides = [1, 1]} : vector<2048x128xf32> to vector<2048x64xf32>
    %get3A_145 = arith.constant 0 : index
    %get3A_146 = arith.constant 0 : index
    %get3A_147 = vector.load %arg5[%get3A_145, %get3A_146] : memref<1x64xf32, #tpu.memory_space<vmem>>, vector<1x64xf32>
    %get3A_148 = arith.constant 0 : index
    %get3A_149 = arith.constant 0 : index
    %get3A_150 = vector.load %arg6[%get3A_148, %get3A_149] : memref<1x64xf32, #tpu.memory_space<vmem>>, vector<1x64xf32>
    %reduce_sum3A_151 = arith.constant dense<0.000000e+00> : vector<2048xf32>
    %reduce_sum3A_152 = vector.multi_reduction <add>, %slice3A_143, %reduce_sum3A_151 [1] : vector<2048x64xf32> to vector<2048xf32>
    %broadcast_in_dim3A_153 = vector.shape_cast %reduce_sum3A_152 : vector<2048xf32> to vector<2048x1xf32>
    %div3A_154 = arith.constant 6.400000e+01 : f32
    %div3A_155 = vector.broadcast %div3A_154 : f32 to vector<2048x1xf32>
    %div3A_156 = arith.divf %broadcast_in_dim3A_153, %div3A_155 : vector<2048x1xf32>
    %sub3A_157 = vector.broadcast %div3A_156 : vector<2048x1xf32> to vector<2048x64xf32>
    %sub3A_158 = arith.subf %slice3A_143, %sub3A_157 : vector<2048x64xf32>
    %integer_pow3A_159 = arith.mulf %sub3A_158, %sub3A_158 : vector<2048x64xf32>
    %reduce_sum3A_160 = arith.constant dense<0.000000e+00> : vector<2048xf32>
    %reduce_sum3A_161 = vector.multi_reduction <add>, %integer_pow3A_159, %reduce_sum3A_160 [1] : vector<2048x64xf32> to vector<2048xf32>
    %broadcast_in_dim3A_162 = vector.shape_cast %reduce_sum3A_161 : vector<2048xf32> to vector<2048x1xf32>
    %div3A_163 = arith.constant 6.400000e+01 : f32
    %div3A_164 = vector.broadcast %div3A_163 : f32 to vector<2048x1xf32>
    %div3A_165 = arith.divf %broadcast_in_dim3A_162, %div3A_164 : vector<2048x1xf32>
    %sub3A_166 = vector.broadcast %div3A_156 : vector<2048x1xf32> to vector<2048x64xf32>
    %sub3A_167 = arith.subf %slice3A_143, %sub3A_166 : vector<2048x64xf32>
    %add3A_168 = arith.constant 9.99999974E-6 : f32
    %add3A_169 = vector.broadcast %add3A_168 : f32 to vector<2048x1xf32>
    %add3A_170 = arith.addf %div3A_165, %add3A_169 : vector<2048x1xf32>
    %sqrt3A_171 = math.sqrt %add3A_170 : vector<2048x1xf32>
    %div3A_172 = vector.broadcast %sqrt3A_171 : vector<2048x1xf32> to vector<2048x64xf32>
    %div3A_173 = arith.divf %sub3A_167, %div3A_172 : vector<2048x64xf32>
    %mul3A_174 = vector.broadcast %get3A_147 : vector<1x64xf32> to vector<2048x64xf32>
    %mul3A_175 = arith.mulf %div3A_173, %mul3A_174 : vector<2048x64xf32>
    %add3A_176 = vector.broadcast %get3A_150 : vector<1x64xf32> to vector<2048x64xf32>
    %add3A_177 = arith.addf %mul3A_175, %add3A_176 : vector<2048x64xf32>
    %max3A_178 = arith.constant 0.000000e+00 : f32
    %max3A_179 = vector.broadcast %max3A_178 : f32 to vector<2048x64xf32>
    %max3A_180 = arith.maximumf %add3A_177, %max3A_179 : vector<2048x64xf32>
    %get3A_181 = arith.constant 0 : index
    %get3A_182 = arith.constant 0 : index
    %get3A_183 = vector.load %arg7[%get3A_181, %get3A_182] : memref<64x64xf32, #tpu.memory_space<vmem>>, vector<64x64xf32>
    %dot_general3A_184 = arith.constant dense<0.000000e+00> : vector<2048x64xf32>
    %dot_general3A_185 = tpu.matmul %max3A_180, %get3A_183, %dot_general3A_184 {dimension_numbers = #tpu.dot_dimension_numbers<[1], [0], [0], [1], [0, 0, 1, 1], [], []>, transpose_lhs_hint = false} : vector<2048x64xf32>, vector<64x64xf32>, vector<2048x64xf32> -> vector<2048x64xf32>
    %get3A_186 = arith.constant 0 : index
    %get3A_187 = arith.constant 0 : index
    %get3A_188 = vector.load %arg8[%get3A_186, %get3A_187] : memref<1x64xf32, #tpu.memory_space<vmem>>, vector<1x64xf32>
    %add3A_189 = vector.broadcast %get3A_188 : vector<1x64xf32> to vector<2048x64xf32>
    %add3A_190 = arith.addf %dot_general3A_185, %add3A_189 : vector<2048x64xf32>
    %slice3A_191 = vector.extract_strided_slice %add3A_190 {offsets = [0, 0], sizes = [2048, 16], strides = [1, 1]} : vector<2048x64xf32> to vector<2048x16xf32>
    %swap3A_192 = arith.constant 0 : index
    %swap3A_193 = arith.constant 0 : index
    %swap3A_194 = arith.constant 32 : index
    %swap3A_195 = vector.load %arg9[%swap3A_192, %swap3A_193, %swap3A_194] : memref<2x2048x128xf32, #tpu.memory_space<vmem>>, vector<1x2048x16xf32>
    %swap3A_196 = vector.shape_cast %swap3A_195 : vector<1x2048x16xf32> to vector<2048x16xf32>
    %swap3A_197 = vector.shape_cast %slice3A_191 : vector<2048x16xf32> to vector<1x2048x16xf32>
    tpu.vector_store %arg9[%swap3A_192, %swap3A_193, %swap3A_194], %swap3A_197 {strides = array<i32>} : memref<2x2048x128xf32, #tpu.memory_space<vmem>>, vector<1x2048x16xf32>,
    %slice3A_198 = vector.extract_strided_slice %add3A_190 {offsets = [0, 16], sizes = [2048, 16], strides = [1, 1]} : vector<2048x64xf32> to vector<2048x16xf32>
    %swap3A_199 = arith.constant 1 : index
    %swap3A_200 = arith.constant 0 : index
    %swap3A_201 = arith.constant 32 : index
    %swap3A_202 = vector.load %arg9[%swap3A_199, %swap3A_200, %swap3A_201] : memref<2x2048x128xf32, #tpu.memory_space<vmem>>, vector<1x2048x16xf32>
    %swap3A_203 = vector.shape_cast %swap3A_202 : vector<1x2048x16xf32> to vector<2048x16xf32>
    %swap3A_204 = vector.shape_cast %slice3A_198 : vector<2048x16xf32> to vector<1x2048x16xf32>
    tpu.vector_store %arg9[%swap3A_199, %swap3A_200, %swap3A_201], %swap3A_204 {strides = array<i32>} : memref<2x2048x128xf32, #tpu.memory_space<vmem>>, vector<1x2048x16xf32>,
    %slice3A_205 = vector.extract_strided_slice %add3A_190 {offsets = [0, 32], sizes = [2048, 16], strides = [1, 1]} : vector<2048x64xf32> to vector<2048x16xf32>
    %swap3A_206 = arith.constant 0 : index
    %swap3A_207 = arith.constant 0 : index
    %swap3A_208 = arith.constant 32 : index
    %swap3A_209 = vector.load %arg10[%swap3A_206, %swap3A_207, %swap3A_208] : memref<2x2048x128xf32, #tpu.memory_space<vmem>>, vector<1x2048x16xf32>
    %swap3A_210 = vector.shape_cast %swap3A_209 : vector<1x2048x16xf32> to vector<2048x16xf32>
    %swap3A_211 = vector.shape_cast %slice3A_205 : vector<2048x16xf32> to vector<1x2048x16xf32>
    tpu.vector_store %arg10[%swap3A_206, %swap3A_207, %swap3A_208], %swap3A_211 {strides = array<i32>} : memref<2x2048x128xf32, #tpu.memory_space<vmem>>, vector<1x2048x16xf32>,
    %slice3A_212 = vector.extract_strided_slice %add3A_190 {offsets = [0, 48], sizes = [2048, 16], strides = [1, 1]} : vector<2048x64xf32> to vector<2048x16xf32>
    %swap3A_213 = arith.constant 1 : index
    %swap3A_214 = arith.constant 0 : index
    %swap3A_215 = arith.constant 32 : index
    %swap3A_216 = vector.load %arg10[%swap3A_213, %swap3A_214, %swap3A_215] : memref<2x2048x128xf32, #tpu.memory_space<vmem>>, vector<1x2048x16xf32>
    %swap3A_217 = vector.shape_cast %swap3A_216 : vector<1x2048x16xf32> to vector<2048x16xf32>
    %swap3A_218 = vector.shape_cast %slice3A_212 : vector<2048x16xf32> to vector<1x2048x16xf32>
    tpu.vector_store %arg10[%swap3A_213, %swap3A_214, %swap3A_215], %swap3A_218 {strides = array<i32>} : memref<2x2048x128xf32, #tpu.memory_space<vmem>>, vector<1x2048x16xf32>,
    %get3A_219 = arith.constant 0 : index
    %get3A_220 = arith.constant 0 : index
    %get3A_221 = vector.load %arg5[%get3A_219, %get3A_220] : memref<1x64xf32, #tpu.memory_space<vmem>>, vector<1x64xf32>
    %get3A_222 = arith.constant 0 : index
    %get3A_223 = arith.constant 0 : index
    %get3A_224 = vector.load %arg6[%get3A_222, %get3A_223] : memref<1x64xf32, #tpu.memory_space<vmem>>, vector<1x64xf32>
    %reduce_sum3A_225 = arith.constant dense<0.000000e+00> : vector<2048xf32>
    %reduce_sum3A_226 = vector.multi_reduction <add>, %slice3A_144, %reduce_sum3A_225 [1] : vector<2048x64xf32> to vector<2048xf32>
    %broadcast_in_dim3A_227 = vector.shape_cast %reduce_sum3A_226 : vector<2048xf32> to vector<2048x1xf32>
    %div3A_228 = arith.constant 6.400000e+01 : f32
    %div3A_229 = vector.broadcast %div3A_228 : f32 to vector<2048x1xf32>
    %div3A_230 = arith.divf %broadcast_in_dim3A_227, %div3A_229 : vector<2048x1xf32>
    %sub3A_231 = vector.broadcast %div3A_230 : vector<2048x1xf32> to vector<2048x64xf32>
    %sub3A_232 = arith.subf %slice3A_144, %sub3A_231 : vector<2048x64xf32>
    %integer_pow3A_233 = arith.mulf %sub3A_232, %sub3A_232 : vector<2048x64xf32>
    %reduce_sum3A_234 = arith.constant dense<0.000000e+00> : vector<2048xf32>
    %reduce_sum3A_235 = vector.multi_reduction <add>, %integer_pow3A_233, %reduce_sum3A_234 [1] : vector<2048x64xf32> to vector<2048xf32>
    %broadcast_in_dim3A_236 = vector.shape_cast %reduce_sum3A_235 : vector<2048xf32> to vector<2048x1xf32>
    %div3A_237 = arith.constant 6.400000e+01 : f32
    %div3A_238 = vector.broadcast %div3A_237 : f32 to vector<2048x1xf32>
    %div3A_239 = arith.divf %broadcast_in_dim3A_236, %div3A_238 : vector<2048x1xf32>
    %sub3A_240 = vector.broadcast %div3A_230 : vector<2048x1xf32> to vector<2048x64xf32>
    %sub3A_241 = arith.subf %slice3A_144, %sub3A_240 : vector<2048x64xf32>
    %add3A_242 = arith.constant 9.99999974E-6 : f32
    %add3A_243 = vector.broadcast %add3A_242 : f32 to vector<2048x1xf32>
    %add3A_244 = arith.addf %div3A_239, %add3A_243 : vector<2048x1xf32>
    %sqrt3A_245 = math.sqrt %add3A_244 : vector<2048x1xf32>
    %div3A_246 = vector.broadcast %sqrt3A_245 : vector<2048x1xf32> to vector<2048x64xf32>
    %div3A_247 = arith.divf %sub3A_241, %div3A_246 : vector<2048x64xf32>
    %mul3A_248 = vector.broadcast %get3A_221 : vector<1x64xf32> to vector<2048x64xf32>
    %mul3A_249 = arith.mulf %div3A_247, %mul3A_248 : vector<2048x64xf32>
    %add3A_250 = vector.broadcast %get3A_224 : vector<1x64xf32> to vector<2048x64xf32>
    %add3A_251 = arith.addf %mul3A_249, %add3A_250 : vector<2048x64xf32>
    %max3A_252 = arith.constant 0.000000e+00 : f32
    %max3A_253 = vector.broadcast %max3A_252 : f32 to vector<2048x64xf32>
    %max3A_254 = arith.maximumf %add3A_251, %max3A_253 : vector<2048x64xf32>
    %get3A_255 = arith.constant 0 : index
    %get3A_256 = arith.constant 0 : index
    %get3A_257 = vector.load %arg7[%get3A_255, %get3A_256] : memref<64x64xf32, #tpu.memory_space<vmem>>, vector<64x64xf32>
    %dot_general3A_258 = arith.constant dense<0.000000e+00> : vector<2048x64xf32>
    %dot_general3A_259 = tpu.matmul %max3A_254, %get3A_257, %dot_general3A_258 {dimension_numbers = #tpu.dot_dimension_numbers<[1], [0], [0], [1], [0, 0, 1, 1], [], []>, transpose_lhs_hint = false} : vector<2048x64xf32>, vector<64x64xf32>, vector<2048x64xf32> -> vector<2048x64xf32>
    %get3A_260 = arith.constant 0 : index
    %get3A_261 = arith.constant 0 : index
    %get3A_262 = vector.load %arg8[%get3A_260, %get3A_261] : memref<1x64xf32, #tpu.memory_space<vmem>>, vector<1x64xf32>
    %add3A_263 = vector.broadcast %get3A_262 : vector<1x64xf32> to vector<2048x64xf32>
    %add3A_264 = arith.addf %dot_general3A_259, %add3A_263 : vector<2048x64xf32>
    %slice3A_265 = vector.extract_strided_slice %add3A_264 {offsets = [0, 0], sizes = [2048, 16], strides = [1, 1]} : vector<2048x64xf32> to vector<2048x16xf32>
    %swap3A_266 = arith.constant 0 : index
    %swap3A_267 = arith.constant 0 : index
    %swap3A_268 = arith.constant 48 : index
    %swap3A_269 = vector.load %arg9[%swap3A_266, %swap3A_267, %swap3A_268] : memref<2x2048x128xf32, #tpu.memory_space<vmem>>, vector<1x2048x16xf32>
    %swap3A_270 = vector.shape_cast %swap3A_269 : vector<1x2048x16xf32> to vector<2048x16xf32>
    %swap3A_271 = vector.shape_cast %slice3A_265 : vector<2048x16xf32> to vector<1x2048x16xf32>
    tpu.vector_store %arg9[%swap3A_266, %swap3A_267, %swap3A_268], %swap3A_271 {strides = array<i32>} : memref<2x2048x128xf32, #tpu.memory_space<vmem>>, vector<1x2048x16xf32>,
    %slice3A_272 = vector.extract_strided_slice %add3A_264 {offsets = [0, 16], sizes = [2048, 16], strides = [1, 1]} : vector<2048x64xf32> to vector<2048x16xf32>
    %swap3A_273 = arith.constant 1 : index
    %swap3A_274 = arith.constant 0 : index
    %swap3A_275 = arith.constant 48 : index
    %swap3A_276 = vector.load %arg9[%swap3A_273, %swap3A_274, %swap3A_275] : memref<2x2048x128xf32, #tpu.memory_space<vmem>>, vector<1x2048x16xf32>
    %swap3A_277 = vector.shape_cast %swap3A_276 : vector<1x2048x16xf32> to vector<2048x16xf32>
    %swap3A_278 = vector.shape_cast %slice3A_272 : vector<2048x16xf32> to vector<1x2048x16xf32>
    tpu.vector_store %arg9[%swap3A_273, %swap3A_274, %swap3A_275], %swap3A_278 {strides = array<i32>} : memref<2x2048x128xf32, #tpu.memory_space<vmem>>, vector<1x2048x16xf32>,
    %slice3A_279 = vector.extract_strided_slice %add3A_264 {offsets = [0, 32], sizes = [2048, 16], strides = [1, 1]} : vector<2048x64xf32> to vector<2048x16xf32>
    %swap3A_280 = arith.constant 0 : index
    %swap3A_281 = arith.constant 0 : index
    %swap3A_282 = arith.constant 48 : index
    %swap3A_283 = vector.load %arg10[%swap3A_280, %swap3A_281, %swap3A_282] : memref<2x2048x128xf32, #tpu.memory_space<vmem>>, vector<1x2048x16xf32>
    %swap3A_284 = vector.shape_cast %swap3A_283 : vector<1x2048x16xf32> to vector<2048x16xf32>
    %swap3A_285 = vector.shape_cast %slice3A_279 : vector<2048x16xf32> to vector<1x2048x16xf32>
    tpu.vector_store %arg10[%swap3A_280, %swap3A_281, %swap3A_282], %swap3A_285 {strides = array<i32>} : memref<2x2048x128xf32, #tpu.memory_space<vmem>>, vector<1x2048x16xf32>,
    %slice3A_286 = vector.extract_strided_slice %add3A_264 {offsets = [0, 48], sizes = [2048, 16], strides = [1, 1]} : vector<2048x64xf32> to vector<2048x16xf32>
    %swap3A_287 = arith.constant 1 : index
    %swap3A_288 = arith.constant 0 : index
    %swap3A_289 = arith.constant 48 : index
    %swap3A_290 = vector.load %arg10[%swap3A_287, %swap3A_288, %swap3A_289] : memref<2x2048x128xf32, #tpu.memory_space<vmem>>, vector<1x2048x16xf32>
    %swap3A_291 = vector.shape_cast %swap3A_290 : vector<1x2048x16xf32> to vector<2048x16xf32>
    %swap3A_292 = vector.shape_cast %slice3A_286 : vector<2048x16xf32> to vector<1x2048x16xf32>
    tpu.vector_store %arg10[%swap3A_287, %swap3A_288, %swap3A_289], %swap3A_292 {strides = array<i32>} : memref<2x2048x128xf32, #tpu.memory_space<vmem>>, vector<1x2048x16xf32>,
    %get3A_293 = arith.constant 0 : index
    %get3A_294 = arith.constant 0 : index
    %get3A_295 = vector.load %arg3[%get3A_293, %get3A_294] : memref<2048x128xf32, #tpu.memory_space<vmem>>, vector<2048x128xf32>
    %slice3A_296 = vector.extract_strided_slice %get3A_295 {offsets = [0, 0], sizes = [2048, 64], strides = [1, 1]} : vector<2048x128xf32> to vector<2048x64xf32>
    %slice3A_297 = vector.extract_strided_slice %get3A_295 {offsets = [0, 64], sizes = [2048, 64], strides = [1, 1]} : vector<2048x128xf32> to vector<2048x64xf32>
    %get3A_298 = arith.constant 0 : index
    %get3A_299 = arith.constant 0 : index
    %get3A_300 = vector.load %arg5[%get3A_298, %get3A_299] : memref<1x64xf32, #tpu.memory_space<vmem>>, vector<1x64xf32>
    %get3A_301 = arith.constant 0 : index
    %get3A_302 = arith.constant 0 : index
    %get3A_303 = vector.load %arg6[%get3A_301, %get3A_302] : memref<1x64xf32, #tpu.memory_space<vmem>>, vector<1x64xf32>
    %reduce_sum3A_304 = arith.constant dense<0.000000e+00> : vector<2048xf32>
    %reduce_sum3A_305 = vector.multi_reduction <add>, %slice3A_296, %reduce_sum3A_304 [1] : vector<2048x64xf32> to vector<2048xf32>
    %broadcast_in_dim3A_306 = vector.shape_cast %reduce_sum3A_305 : vector<2048xf32> to vector<2048x1xf32>
    %div3A_307 = arith.constant 6.400000e+01 : f32
    %div3A_308 = vector.broadcast %div3A_307 : f32 to vector<2048x1xf32>
    %div3A_309 = arith.divf %broadcast_in_dim3A_306, %div3A_308 : vector<2048x1xf32>
    %sub3A_310 = vector.broadcast %div3A_309 : vector<2048x1xf32> to vector<2048x64xf32>
    %sub3A_311 = arith.subf %slice3A_296, %sub3A_310 : vector<2048x64xf32>
    %integer_pow3A_312 = arith.mulf %sub3A_311, %sub3A_311 : vector<2048x64xf32>
    %reduce_sum3A_313 = arith.constant dense<0.000000e+00> : vector<2048xf32>
    %reduce_sum3A_314 = vector.multi_reduction <add>, %integer_pow3A_312, %reduce_sum3A_313 [1] : vector<2048x64xf32> to vector<2048xf32>
    %broadcast_in_dim3A_315 = vector.shape_cast %reduce_sum3A_314 : vector<2048xf32> to vector<2048x1xf32>
    %div3A_316 = arith.constant 6.400000e+01 : f32
    %div3A_317 = vector.broadcast %div3A_316 : f32 to vector<2048x1xf32>
    %div3A_318 = arith.divf %broadcast_in_dim3A_315, %div3A_317 : vector<2048x1xf32>
    %sub3A_319 = vector.broadcast %div3A_309 : vector<2048x1xf32> to vector<2048x64xf32>
    %sub3A_320 = arith.subf %slice3A_296, %sub3A_319 : vector<2048x64xf32>
    %add3A_321 = arith.constant 9.99999974E-6 : f32
    %add3A_322 = vector.broadcast %add3A_321 : f32 to vector<2048x1xf32>
    %add3A_323 = arith.addf %div3A_318, %add3A_322 : vector<2048x1xf32>
    %sqrt3A_324 = math.sqrt %add3A_323 : vector<2048x1xf32>
    %div3A_325 = vector.broadcast %sqrt3A_324 : vector<2048x1xf32> to vector<2048x64xf32>
    %div3A_326 = arith.divf %sub3A_320, %div3A_325 : vector<2048x64xf32>
    %mul3A_327 = vector.broadcast %get3A_300 : vector<1x64xf32> to vector<2048x64xf32>
    %mul3A_328 = arith.mulf %div3A_326, %mul3A_327 : vector<2048x64xf32>
    %add3A_329 = vector.broadcast %get3A_303 : vector<1x64xf32> to vector<2048x64xf32>
    %add3A_330 = arith.addf %mul3A_328, %add3A_329 : vector<2048x64xf32>
    %max3A_331 = arith.constant 0.000000e+00 : f32
    %max3A_332 = vector.broadcast %max3A_331 : f32 to vector<2048x64xf32>
    %max3A_333 = arith.maximumf %add3A_330, %max3A_332 : vector<2048x64xf32>
    %get3A_334 = arith.constant 0 : index
    %get3A_335 = arith.constant 0 : index
    %get3A_336 = vector.load %arg7[%get3A_334, %get3A_335] : memref<64x64xf32, #tpu.memory_space<vmem>>, vector<64x64xf32>
    %dot_general3A_337 = arith.constant dense<0.000000e+00> : vector<2048x64xf32>
    %dot_general3A_338 = tpu.matmul %max3A_333, %get3A_336, %dot_general3A_337 {dimension_numbers = #tpu.dot_dimension_numbers<[1], [0], [0], [1], [0, 0, 1, 1], [], []>, transpose_lhs_hint = false} : vector<2048x64xf32>, vector<64x64xf32>, vector<2048x64xf32> -> vector<2048x64xf32>
    %get3A_339 = arith.constant 0 : index
    %get3A_340 = arith.constant 0 : index
    %get3A_341 = vector.load %arg8[%get3A_339, %get3A_340] : memref<1x64xf32, #tpu.memory_space<vmem>>, vector<1x64xf32>
    %add3A_342 = vector.broadcast %get3A_341 : vector<1x64xf32> to vector<2048x64xf32>
    %add3A_343 = arith.addf %dot_general3A_338, %add3A_342 : vector<2048x64xf32>
    %slice3A_344 = vector.extract_strided_slice %add3A_343 {offsets = [0, 0], sizes = [2048, 16], strides = [1, 1]} : vector<2048x64xf32> to vector<2048x16xf32>
    %swap3A_345 = arith.constant 0 : index
    %swap3A_346 = arith.constant 0 : index
    %swap3A_347 = arith.constant 64 : index
    %swap3A_348 = vector.load %arg9[%swap3A_345, %swap3A_346, %swap3A_347] : memref<2x2048x128xf32, #tpu.memory_space<vmem>>, vector<1x2048x16xf32>
    %swap3A_349 = vector.shape_cast %swap3A_348 : vector<1x2048x16xf32> to vector<2048x16xf32>
    %swap3A_350 = vector.shape_cast %slice3A_344 : vector<2048x16xf32> to vector<1x2048x16xf32>
    tpu.vector_store %arg9[%swap3A_345, %swap3A_346, %swap3A_347], %swap3A_350 {strides = array<i32>} : memref<2x2048x128xf32, #tpu.memory_space<vmem>>, vector<1x2048x16xf32>,
    %slice3A_351 = vector.extract_strided_slice %add3A_343 {offsets = [0, 16], sizes = [2048, 16], strides = [1, 1]} : vector<2048x64xf32> to vector<2048x16xf32>
    %swap3A_352 = arith.constant 1 : index
    %swap3A_353 = arith.constant 0 : index
    %swap3A_354 = arith.constant 64 : index
    %swap3A_355 = vector.load %arg9[%swap3A_352, %swap3A_353, %swap3A_354] : memref<2x2048x128xf32, #tpu.memory_space<vmem>>, vector<1x2048x16xf32>
    %swap3A_356 = vector.shape_cast %swap3A_355 : vector<1x2048x16xf32> to vector<2048x16xf32>
    %swap3A_357 = vector.shape_cast %slice3A_351 : vector<2048x16xf32> to vector<1x2048x16xf32>
    tpu.vector_store %arg9[%swap3A_352, %swap3A_353, %swap3A_354], %swap3A_357 {strides = array<i32>} : memref<2x2048x128xf32, #tpu.memory_space<vmem>>, vector<1x2048x16xf32>,
    %slice3A_358 = vector.extract_strided_slice %add3A_343 {offsets = [0, 32], sizes = [2048, 16], strides = [1, 1]} : vector<2048x64xf32> to vector<2048x16xf32>
    %swap3A_359 = arith.constant 0 : index
    %swap3A_360 = arith.constant 0 : index
    %swap3A_361 = arith.constant 64 : index
    %swap3A_362 = vector.load %arg10[%swap3A_359, %swap3A_360, %swap3A_361] : memref<2x2048x128xf32, #tpu.memory_space<vmem>>, vector<1x2048x16xf32>
    %swap3A_363 = vector.shape_cast %swap3A_362 : vector<1x2048x16xf32> to vector<2048x16xf32>
    %swap3A_364 = vector.shape_cast %slice3A_358 : vector<2048x16xf32> to vector<1x2048x16xf32>
    tpu.vector_store %arg10[%swap3A_359, %swap3A_360, %swap3A_361], %swap3A_364 {strides = array<i32>} : memref<2x2048x128xf32, #tpu.memory_space<vmem>>, vector<1x2048x16xf32>,
    %slice3A_365 = vector.extract_strided_slice %add3A_343 {offsets = [0, 48], sizes = [2048, 16], strides = [1, 1]} : vector<2048x64xf32> to vector<2048x16xf32>
    %swap3A_366 = arith.constant 1 : index
    %swap3A_367 = arith.constant 0 : index
    %swap3A_368 = arith.constant 64 : index
    %swap3A_369 = vector.load %arg10[%swap3A_366, %swap3A_367, %swap3A_368] : memref<2x2048x128xf32, #tpu.memory_space<vmem>>, vector<1x2048x16xf32>
    %swap3A_370 = vector.shape_cast %swap3A_369 : vector<1x2048x16xf32> to vector<2048x16xf32>
    %swap3A_371 = vector.shape_cast %slice3A_365 : vector<2048x16xf32> to vector<1x2048x16xf32>
    tpu.vector_store %arg10[%swap3A_366, %swap3A_367, %swap3A_368], %swap3A_371 {strides = array<i32>} : memref<2x2048x128xf32, #tpu.memory_space<vmem>>, vector<1x2048x16xf32>,
    %get3A_372 = arith.constant 0 : index
    %get3A_373 = arith.constant 0 : index
    %get3A_374 = vector.load %arg5[%get3A_372, %get3A_373] : memref<1x64xf32, #tpu.memory_space<vmem>>, vector<1x64xf32>
    %get3A_375 = arith.constant 0 : index
    %get3A_376 = arith.constant 0 : index
    %get3A_377 = vector.load %arg6[%get3A_375, %get3A_376] : memref<1x64xf32, #tpu.memory_space<vmem>>, vector<1x64xf32>
    %reduce_sum3A_378 = arith.constant dense<0.000000e+00> : vector<2048xf32>
    %reduce_sum3A_379 = vector.multi_reduction <add>, %slice3A_297, %reduce_sum3A_378 [1] : vector<2048x64xf32> to vector<2048xf32>
    %broadcast_in_dim3A_380 = vector.shape_cast %reduce_sum3A_379 : vector<2048xf32> to vector<2048x1xf32>
    %div3A_381 = arith.constant 6.400000e+01 : f32
    %div3A_382 = vector.broadcast %div3A_381 : f32 to vector<2048x1xf32>
    %div3A_383 = arith.divf %broadcast_in_dim3A_380, %div3A_382 : vector<2048x1xf32>
    %sub3A_384 = vector.broadcast %div3A_383 : vector<2048x1xf32> to vector<2048x64xf32>
    %sub3A_385 = arith.subf %slice3A_297, %sub3A_384 : vector<2048x64xf32>
    %integer_pow3A_386 = arith.mulf %sub3A_385, %sub3A_385 : vector<2048x64xf32>
    %reduce_sum3A_387 = arith.constant dense<0.000000e+00> : vector<2048xf32>
    %reduce_sum3A_388 = vector.multi_reduction <add>, %integer_pow3A_386, %reduce_sum3A_387 [1] : vector<2048x64xf32> to vector<2048xf32>
    %broadcast_in_dim3A_389 = vector.shape_cast %reduce_sum3A_388 : vector<2048xf32> to vector<2048x1xf32>
    %div3A_390 = arith.constant 6.400000e+01 : f32
    %div3A_391 = vector.broadcast %div3A_390 : f32 to vector<2048x1xf32>
    %div3A_392 = arith.divf %broadcast_in_dim3A_389, %div3A_391 : vector<2048x1xf32>
    %sub3A_393 = vector.broadcast %div3A_383 : vector<2048x1xf32> to vector<2048x64xf32>
    %sub3A_394 = arith.subf %slice3A_297, %sub3A_393 : vector<2048x64xf32>
    %add3A_395 = arith.constant 9.99999974E-6 : f32
    %add3A_396 = vector.broadcast %add3A_395 : f32 to vector<2048x1xf32>
    %add3A_397 = arith.addf %div3A_392, %add3A_396 : vector<2048x1xf32>
    %sqrt3A_398 = math.sqrt %add3A_397 : vector<2048x1xf32>
    %div3A_399 = vector.broadcast %sqrt3A_398 : vector<2048x1xf32> to vector<2048x64xf32>
    %div3A_400 = arith.divf %sub3A_394, %div3A_399 : vector<2048x64xf32>
    %mul3A_401 = vector.broadcast %get3A_374 : vector<1x64xf32> to vector<2048x64xf32>
    %mul3A_402 = arith.mulf %div3A_400, %mul3A_401 : vector<2048x64xf32>
    %add3A_403 = vector.broadcast %get3A_377 : vector<1x64xf32> to vector<2048x64xf32>
    %add3A_404 = arith.addf %mul3A_402, %add3A_403 : vector<2048x64xf32>
    %max3A_405 = arith.constant 0.000000e+00 : f32
    %max3A_406 = vector.broadcast %max3A_405 : f32 to vector<2048x64xf32>
    %max3A_407 = arith.maximumf %add3A_404, %max3A_406 : vector<2048x64xf32>
    %get3A_408 = arith.constant 0 : index
    %get3A_409 = arith.constant 0 : index
    %get3A_410 = vector.load %arg7[%get3A_408, %get3A_409] : memref<64x64xf32, #tpu.memory_space<vmem>>, vector<64x64xf32>
    %dot_general3A_411 = arith.constant dense<0.000000e+00> : vector<2048x64xf32>
    %dot_general3A_412 = tpu.matmul %max3A_407, %get3A_410, %dot_general3A_411 {dimension_numbers = #tpu.dot_dimension_numbers<[1], [0], [0], [1], [0, 0, 1, 1], [], []>, transpose_lhs_hint = false} : vector<2048x64xf32>, vector<64x64xf32>, vector<2048x64xf32> -> vector<2048x64xf32>
    %get3A_413 = arith.constant 0 : index
    %get3A_414 = arith.constant 0 : index
    %get3A_415 = vector.load %arg8[%get3A_413, %get3A_414] : memref<1x64xf32, #tpu.memory_space<vmem>>, vector<1x64xf32>
    %add3A_416 = vector.broadcast %get3A_415 : vector<1x64xf32> to vector<2048x64xf32>
    %add3A_417 = arith.addf %dot_general3A_412, %add3A_416 : vector<2048x64xf32>
    %slice3A_418 = vector.extract_strided_slice %add3A_417 {offsets = [0, 0], sizes = [2048, 16], strides = [1, 1]} : vector<2048x64xf32> to vector<2048x16xf32>
    %swap3A_419 = arith.constant 0 : index
    %swap3A_420 = arith.constant 0 : index
    %swap3A_421 = arith.constant 80 : index
    %swap3A_422 = vector.load %arg9[%swap3A_419, %swap3A_420, %swap3A_421] : memref<2x2048x128xf32, #tpu.memory_space<vmem>>, vector<1x2048x16xf32>
    %swap3A_423 = vector.shape_cast %swap3A_422 : vector<1x2048x16xf32> to vector<2048x16xf32>
    %swap3A_424 = vector.shape_cast %slice3A_418 : vector<2048x16xf32> to vector<1x2048x16xf32>
    tpu.vector_store %arg9[%swap3A_419, %swap3A_420, %swap3A_421], %swap3A_424 {strides = array<i32>} : memref<2x2048x128xf32, #tpu.memory_space<vmem>>, vector<1x2048x16xf32>,
    %slice3A_425 = vector.extract_strided_slice %add3A_417 {offsets = [0, 16], sizes = [2048, 16], strides = [1, 1]} : vector<2048x64xf32> to vector<2048x16xf32>
    %swap3A_426 = arith.constant 1 : index
    %swap3A_427 = arith.constant 0 : index
    %swap3A_428 = arith.constant 80 : index
    %swap3A_429 = vector.load %arg9[%swap3A_426, %swap3A_427, %swap3A_428] : memref<2x2048x128xf32, #tpu.memory_space<vmem>>, vector<1x2048x16xf32>
    %swap3A_430 = vector.shape_cast %swap3A_429 : vector<1x2048x16xf32> to vector<2048x16xf32>
    %swap3A_431 = vector.shape_cast %slice3A_425 : vector<2048x16xf32> to vector<1x2048x16xf32>
    tpu.vector_store %arg9[%swap3A_426, %swap3A_427, %swap3A_428], %swap3A_431 {strides = array<i32>} : memref<2x2048x128xf32, #tpu.memory_space<vmem>>, vector<1x2048x16xf32>,
    %slice3A_432 = vector.extract_strided_slice %add3A_417 {offsets = [0, 32], sizes = [2048, 16], strides = [1, 1]} : vector<2048x64xf32> to vector<2048x16xf32>
    %swap3A_433 = arith.constant 0 : index
    %swap3A_434 = arith.constant 0 : index
    %swap3A_435 = arith.constant 80 : index
    %swap3A_436 = vector.load %arg10[%swap3A_433, %swap3A_434, %swap3A_435] : memref<2x2048x128xf32, #tpu.memory_space<vmem>>, vector<1x2048x16xf32>
    %swap3A_437 = vector.shape_cast %swap3A_436 : vector<1x2048x16xf32> to vector<2048x16xf32>
    %swap3A_438 = vector.shape_cast %slice3A_432 : vector<2048x16xf32> to vector<1x2048x16xf32>
    tpu.vector_store %arg10[%swap3A_433, %swap3A_434, %swap3A_435], %swap3A_438 {strides = array<i32>} : memref<2x2048x128xf32, #tpu.memory_space<vmem>>, vector<1x2048x16xf32>,
    %slice3A_439 = vector.extract_strided_slice %add3A_417 {offsets = [0, 48], sizes = [2048, 16], strides = [1, 1]} : vector<2048x64xf32> to vector<2048x16xf32>
    %swap3A_440 = arith.constant 1 : index
    %swap3A_441 = arith.constant 0 : index
    %swap3A_442 = arith.constant 80 : index
    %swap3A_443 = vector.load %arg10[%swap3A_440, %swap3A_441, %swap3A_442] : memref<2x2048x128xf32, #tpu.memory_space<vmem>>, vector<1x2048x16xf32>
    %swap3A_444 = vector.shape_cast %swap3A_443 : vector<1x2048x16xf32> to vector<2048x16xf32>
    %swap3A_445 = vector.shape_cast %slice3A_439 : vector<2048x16xf32> to vector<1x2048x16xf32>
    tpu.vector_store %arg10[%swap3A_440, %swap3A_441, %swap3A_442], %swap3A_445 {strides = array<i32>} : memref<2x2048x128xf32, #tpu.memory_space<vmem>>, vector<1x2048x16xf32>,
    %get3A_446 = arith.constant 0 : index
    %get3A_447 = arith.constant 0 : index
    %get3A_448 = vector.load %arg4[%get3A_446, %get3A_447] : memref<2048x128xf32, #tpu.memory_space<vmem>>, vector<2048x128xf32>
    %slice3A_449 = vector.extract_strided_slice %get3A_448 {offsets = [0, 0], sizes = [2048, 64], strides = [1, 1]} : vector<2048x128xf32> to vector<2048x64xf32>
    %slice3A_450 = vector.extract_strided_slice %get3A_448 {offsets = [0, 64], sizes = [2048, 64], strides = [1, 1]} : vector<2048x128xf32> to vector<2048x64xf32>
    %get3A_451 = arith.constant 0 : index
    %get3A_452 = arith.constant 0 : index
    %get3A_453 = vector.load %arg5[%get3A_451, %get3A_452] : memref<1x64xf32, #tpu.memory_space<vmem>>, vector<1x64xf32>
    %get3A_454 = arith.constant 0 : index
    %get3A_455 = arith.constant 0 : index
    %get3A_456 = vector.load %arg6[%get3A_454, %get3A_455] : memref<1x64xf32, #tpu.memory_space<vmem>>, vector<1x64xf32>
    %reduce_sum3A_457 = arith.constant dense<0.000000e+00> : vector<2048xf32>
    %reduce_sum3A_458 = vector.multi_reduction <add>, %slice3A_449, %reduce_sum3A_457 [1] : vector<2048x64xf32> to vector<2048xf32>
    %broadcast_in_dim3A_459 = vector.shape_cast %reduce_sum3A_458 : vector<2048xf32> to vector<2048x1xf32>
    %div3A_460 = arith.constant 6.400000e+01 : f32
    %div3A_461 = vector.broadcast %div3A_460 : f32 to vector<2048x1xf32>
    %div3A_462 = arith.divf %broadcast_in_dim3A_459, %div3A_461 : vector<2048x1xf32>
    %sub3A_463 = vector.broadcast %div3A_462 : vector<2048x1xf32> to vector<2048x64xf32>
    %sub3A_464 = arith.subf %slice3A_449, %sub3A_463 : vector<2048x64xf32>
    %integer_pow3A_465 = arith.mulf %sub3A_464, %sub3A_464 : vector<2048x64xf32>
    %reduce_sum3A_466 = arith.constant dense<0.000000e+00> : vector<2048xf32>
    %reduce_sum3A_467 = vector.multi_reduction <add>, %integer_pow3A_465, %reduce_sum3A_466 [1] : vector<2048x64xf32> to vector<2048xf32>
    %broadcast_in_dim3A_468 = vector.shape_cast %reduce_sum3A_467 : vector<2048xf32> to vector<2048x1xf32>
    %div3A_469 = arith.constant 6.400000e+01 : f32
    %div3A_470 = vector.broadcast %div3A_469 : f32 to vector<2048x1xf32>
    %div3A_471 = arith.divf %broadcast_in_dim3A_468, %div3A_470 : vector<2048x1xf32>
    %sub3A_472 = vector.broadcast %div3A_462 : vector<2048x1xf32> to vector<2048x64xf32>
    %sub3A_473 = arith.subf %slice3A_449, %sub3A_472 : vector<2048x64xf32>
    %add3A_474 = arith.constant 9.99999974E-6 : f32
    %add3A_475 = vector.broadcast %add3A_474 : f32 to vector<2048x1xf32>
    %add3A_476 = arith.addf %div3A_471, %add3A_475 : vector<2048x1xf32>
    %sqrt3A_477 = math.sqrt %add3A_476 : vector<2048x1xf32>
    %div3A_478 = vector.broadcast %sqrt3A_477 : vector<2048x1xf32> to vector<2048x64xf32>
    %div3A_479 = arith.divf %sub3A_473, %div3A_478 : vector<2048x64xf32>
    %mul3A_480 = vector.broadcast %get3A_453 : vector<1x64xf32> to vector<2048x64xf32>
    %mul3A_481 = arith.mulf %div3A_479, %mul3A_480 : vector<2048x64xf32>
    %add3A_482 = vector.broadcast %get3A_456 : vector<1x64xf32> to vector<2048x64xf32>
    %add3A_483 = arith.addf %mul3A_481, %add3A_482 : vector<2048x64xf32>
    %max3A_484 = arith.constant 0.000000e+00 : f32
    %max3A_485 = vector.broadcast %max3A_484 : f32 to vector<2048x64xf32>
    %max3A_486 = arith.maximumf %add3A_483, %max3A_485 : vector<2048x64xf32>
    %get3A_487 = arith.constant 0 : index
    %get3A_488 = arith.constant 0 : index
    %get3A_489 = vector.load %arg7[%get3A_487, %get3A_488] : memref<64x64xf32, #tpu.memory_space<vmem>>, vector<64x64xf32>
    %dot_general3A_490 = arith.constant dense<0.000000e+00> : vector<2048x64xf32>
    %dot_general3A_491 = tpu.matmul %max3A_486, %get3A_489, %dot_general3A_490 {dimension_numbers = #tpu.dot_dimension_numbers<[1], [0], [0], [1], [0, 0, 1, 1], [], []>, transpose_lhs_hint = false} : vector<2048x64xf32>, vector<64x64xf32>, vector<2048x64xf32> -> vector<2048x64xf32>
    %get3A_492 = arith.constant 0 : index
    %get3A_493 = arith.constant 0 : index
    %get3A_494 = vector.load %arg8[%get3A_492, %get3A_493] : memref<1x64xf32, #tpu.memory_space<vmem>>, vector<1x64xf32>
    %add3A_495 = vector.broadcast %get3A_494 : vector<1x64xf32> to vector<2048x64xf32>
    %add3A_496 = arith.addf %dot_general3A_491, %add3A_495 : vector<2048x64xf32>
    %slice3A_497 = vector.extract_strided_slice %add3A_496 {offsets = [0, 0], sizes = [2048, 16], strides = [1, 1]} : vector<2048x64xf32> to vector<2048x16xf32>
    %swap3A_498 = arith.constant 0 : index
    %swap3A_499 = arith.constant 0 : index
    %swap3A_500 = arith.constant 96 : index
    %swap3A_501 = vector.load %arg9[%swap3A_498, %swap3A_499, %swap3A_500] : memref<2x2048x128xf32, #tpu.memory_space<vmem>>, vector<1x2048x16xf32>
    %swap3A_502 = vector.shape_cast %swap3A_501 : vector<1x2048x16xf32> to vector<2048x16xf32>
    %swap3A_503 = vector.shape_cast %slice3A_497 : vector<2048x16xf32> to vector<1x2048x16xf32>
    tpu.vector_store %arg9[%swap3A_498, %swap3A_499, %swap3A_500], %swap3A_503 {strides = array<i32>} : memref<2x2048x128xf32, #tpu.memory_space<vmem>>, vector<1x2048x16xf32>,
    %slice3A_504 = vector.extract_strided_slice %add3A_496 {offsets = [0, 16], sizes = [2048, 16], strides = [1, 1]} : vector<2048x64xf32> to vector<2048x16xf32>
    %swap3A_505 = arith.constant 1 : index
    %swap3A_506 = arith.constant 0 : index
    %swap3A_507 = arith.constant 96 : index
    %swap3A_508 = vector.load %arg9[%swap3A_505, %swap3A_506, %swap3A_507] : memref<2x2048x128xf32, #tpu.memory_space<vmem>>, vector<1x2048x16xf32>
    %swap3A_509 = vector.shape_cast %swap3A_508 : vector<1x2048x16xf32> to vector<2048x16xf32>
    %swap3A_510 = vector.shape_cast %slice3A_504 : vector<2048x16xf32> to vector<1x2048x16xf32>
    tpu.vector_store %arg9[%swap3A_505, %swap3A_506, %swap3A_507], %swap3A_510 {strides = array<i32>} : memref<2x2048x128xf32, #tpu.memory_space<vmem>>, vector<1x2048x16xf32>,
    %slice3A_511 = vector.extract_strided_slice %add3A_496 {offsets = [0, 32], sizes = [2048, 16], strides = [1, 1]} : vector<2048x64xf32> to vector<2048x16xf32>
    %swap3A_512 = arith.constant 0 : index
    %swap3A_513 = arith.constant 0 : index
    %swap3A_514 = arith.constant 96 : index
    %swap3A_515 = vector.load %arg10[%swap3A_512, %swap3A_513, %swap3A_514] : memref<2x2048x128xf32, #tpu.memory_space<vmem>>, vector<1x2048x16xf32>
    %swap3A_516 = vector.shape_cast %swap3A_515 : vector<1x2048x16xf32> to vector<2048x16xf32>
    %swap3A_517 = vector.shape_cast %slice3A_511 : vector<2048x16xf32> to vector<1x2048x16xf32>
    tpu.vector_store %arg10[%swap3A_512, %swap3A_513, %swap3A_514], %swap3A_517 {strides = array<i32>} : memref<2x2048x128xf32, #tpu.memory_space<vmem>>, vector<1x2048x16xf32>,
    %slice3A_518 = vector.extract_strided_slice %add3A_496 {offsets = [0, 48], sizes = [2048, 16], strides = [1, 1]} : vector<2048x64xf32> to vector<2048x16xf32>
    %swap3A_519 = arith.constant 1 : index
    %swap3A_520 = arith.constant 0 : index
    %swap3A_521 = arith.constant 96 : index
    %swap3A_522 = vector.load %arg10[%swap3A_519, %swap3A_520, %swap3A_521] : memref<2x2048x128xf32, #tpu.memory_space<vmem>>, vector<1x2048x16xf32>
    %swap3A_523 = vector.shape_cast %swap3A_522 : vector<1x2048x16xf32> to vector<2048x16xf32>
    %swap3A_524 = vector.shape_cast %slice3A_518 : vector<2048x16xf32> to vector<1x2048x16xf32>
    tpu.vector_store %arg10[%swap3A_519, %swap3A_520, %swap3A_521], %swap3A_524 {strides = array<i32>} : memref<2x2048x128xf32, #tpu.memory_space<vmem>>, vector<1x2048x16xf32>,
    %get3A_525 = arith.constant 0 : index
    %get3A_526 = arith.constant 0 : index
    %get3A_527 = vector.load %arg5[%get3A_525, %get3A_526] : memref<1x64xf32, #tpu.memory_space<vmem>>, vector<1x64xf32>
    %get3A_528 = arith.constant 0 : index
    %get3A_529 = arith.constant 0 : index
    %get3A_530 = vector.load %arg6[%get3A_528, %get3A_529] : memref<1x64xf32, #tpu.memory_space<vmem>>, vector<1x64xf32>
    %reduce_sum3A_531 = arith.constant dense<0.000000e+00> : vector<2048xf32>
    %reduce_sum3A_532 = vector.multi_reduction <add>, %slice3A_450, %reduce_sum3A_531 [1] : vector<2048x64xf32> to vector<2048xf32>
    %broadcast_in_dim3A_533 = vector.shape_cast %reduce_sum3A_532 : vector<2048xf32> to vector<2048x1xf32>
    %div3A_534 = arith.constant 6.400000e+01 : f32
    %div3A_535 = vector.broadcast %div3A_534 : f32 to vector<2048x1xf32>
    %div3A_536 = arith.divf %broadcast_in_dim3A_533, %div3A_535 : vector<2048x1xf32>
    %sub3A_537 = vector.broadcast %div3A_536 : vector<2048x1xf32> to vector<2048x64xf32>
    %sub3A_538 = arith.subf %slice3A_450, %sub3A_537 : vector<2048x64xf32>
    %integer_pow3A_539 = arith.mulf %sub3A_538, %sub3A_538 : vector<2048x64xf32>
    %reduce_sum3A_540 = arith.constant dense<0.000000e+00> : vector<2048xf32>
    %reduce_sum3A_541 = vector.multi_reduction <add>, %integer_pow3A_539, %reduce_sum3A_540 [1] : vector<2048x64xf32> to vector<2048xf32>
    %broadcast_in_dim3A_542 = vector.shape_cast %reduce_sum3A_541 : vector<2048xf32> to vector<2048x1xf32>
    %div3A_543 = arith.constant 6.400000e+01 : f32
    %div3A_544 = vector.broadcast %div3A_543 : f32 to vector<2048x1xf32>
    %div3A_545 = arith.divf %broadcast_in_dim3A_542, %div3A_544 : vector<2048x1xf32>
    %sub3A_546 = vector.broadcast %div3A_536 : vector<2048x1xf32> to vector<2048x64xf32>
    %sub3A_547 = arith.subf %slice3A_450, %sub3A_546 : vector<2048x64xf32>
    %add3A_548 = arith.constant 9.99999974E-6 : f32
    %add3A_549 = vector.broadcast %add3A_548 : f32 to vector<2048x1xf32>
    %add3A_550 = arith.addf %div3A_545, %add3A_549 : vector<2048x1xf32>
    %sqrt3A_551 = math.sqrt %add3A_550 : vector<2048x1xf32>
    %div3A_552 = vector.broadcast %sqrt3A_551 : vector<2048x1xf32> to vector<2048x64xf32>
    %div3A_553 = arith.divf %sub3A_547, %div3A_552 : vector<2048x64xf32>
    %mul3A_554 = vector.broadcast %get3A_527 : vector<1x64xf32> to vector<2048x64xf32>
    %mul3A_555 = arith.mulf %div3A_553, %mul3A_554 : vector<2048x64xf32>
    %add3A_556 = vector.broadcast %get3A_530 : vector<1x64xf32> to vector<2048x64xf32>
    %add3A_557 = arith.addf %mul3A_555, %add3A_556 : vector<2048x64xf32>
    %max3A_558 = arith.constant 0.000000e+00 : f32
    %max3A_559 = vector.broadcast %max3A_558 : f32 to vector<2048x64xf32>
    %max3A_560 = arith.maximumf %add3A_557, %max3A_559 : vector<2048x64xf32>
    %get3A_561 = arith.constant 0 : index
    %get3A_562 = arith.constant 0 : index
    %get3A_563 = vector.load %arg7[%get3A_561, %get3A_562] : memref<64x64xf32, #tpu.memory_space<vmem>>, vector<64x64xf32>
    %dot_general3A_564 = arith.constant dense<0.000000e+00> : vector<2048x64xf32>
    %dot_general3A_565 = tpu.matmul %max3A_560, %get3A_563, %dot_general3A_564 {dimension_numbers = #tpu.dot_dimension_numbers<[1], [0], [0], [1], [0, 0, 1, 1], [], []>, transpose_lhs_hint = false} : vector<2048x64xf32>, vector<64x64xf32>, vector<2048x64xf32> -> vector<2048x64xf32>
    %get3A_566 = arith.constant 0 : index
    %get3A_567 = arith.constant 0 : index
    %get3A_568 = vector.load %arg8[%get3A_566, %get3A_567] : memref<1x64xf32, #tpu.memory_space<vmem>>, vector<1x64xf32>
    %add3A_569 = vector.broadcast %get3A_568 : vector<1x64xf32> to vector<2048x64xf32>
    %add3A_570 = arith.addf %dot_general3A_565, %add3A_569 : vector<2048x64xf32>
    %slice3A_571 = vector.extract_strided_slice %add3A_570 {offsets = [0, 0], sizes = [2048, 16], strides = [1, 1]} : vector<2048x64xf32> to vector<2048x16xf32>
    %swap3A_572 = arith.constant 0 : index
    %swap3A_573 = arith.constant 0 : index
    %swap3A_574 = arith.constant 112 : index
    %swap3A_575 = vector.load %arg9[%swap3A_572, %swap3A_573, %swap3A_574] : memref<2x2048x128xf32, #tpu.memory_space<vmem>>, vector<1x2048x16xf32>
    %swap3A_576 = vector.shape_cast %swap3A_575 : vector<1x2048x16xf32> to vector<2048x16xf32>
    %swap3A_577 = vector.shape_cast %slice3A_571 : vector<2048x16xf32> to vector<1x2048x16xf32>
    tpu.vector_store %arg9[%swap3A_572, %swap3A_573, %swap3A_574], %swap3A_577 {strides = array<i32>} : memref<2x2048x128xf32, #tpu.memory_space<vmem>>, vector<1x2048x16xf32>,
    %slice3A_578 = vector.extract_strided_slice %add3A_570 {offsets = [0, 16], sizes = [2048, 16], strides = [1, 1]} : vector<2048x64xf32> to vector<2048x16xf32>
    %swap3A_579 = arith.constant 1 : index
    %swap3A_580 = arith.constant 0 : index
    %swap3A_581 = arith.constant 112 : index
    %swap3A_582 = vector.load %arg9[%swap3A_579, %swap3A_580, %swap3A_581] : memref<2x2048x128xf32, #tpu.memory_space<vmem>>, vector<1x2048x16xf32>
    %swap3A_583 = vector.shape_cast %swap3A_582 : vector<1x2048x16xf32> to vector<2048x16xf32>
    %swap3A_584 = vector.shape_cast %slice3A_578 : vector<2048x16xf32> to vector<1x2048x16xf32>
    tpu.vector_store %arg9[%swap3A_579, %swap3A_580, %swap3A_581], %swap3A_584 {strides = array<i32>} : memref<2x2048x128xf32, #tpu.memory_space<vmem>>, vector<1x2048x16xf32>,
    %slice3A_585 = vector.extract_strided_slice %add3A_570 {offsets = [0, 32], sizes = [2048, 16], strides = [1, 1]} : vector<2048x64xf32> to vector<2048x16xf32>
    %swap3A_586 = arith.constant 0 : index
    %swap3A_587 = arith.constant 0 : index
    %swap3A_588 = arith.constant 112 : index
    %swap3A_589 = vector.load %arg10[%swap3A_586, %swap3A_587, %swap3A_588] : memref<2x2048x128xf32, #tpu.memory_space<vmem>>, vector<1x2048x16xf32>
    %swap3A_590 = vector.shape_cast %swap3A_589 : vector<1x2048x16xf32> to vector<2048x16xf32>
    %swap3A_591 = vector.shape_cast %slice3A_585 : vector<2048x16xf32> to vector<1x2048x16xf32>
    tpu.vector_store %arg10[%swap3A_586, %swap3A_587, %swap3A_588], %swap3A_591 {strides = array<i32>} : memref<2x2048x128xf32, #tpu.memory_space<vmem>>, vector<1x2048x16xf32>,
    %slice3A_592 = vector.extract_strided_slice %add3A_570 {offsets = [0, 48], sizes = [2048, 16], strides = [1, 1]} : vector<2048x64xf32> to vector<2048x16xf32>
    %swap3A_593 = arith.constant 1 : index
    %swap3A_594 = arith.constant 0 : index
    %swap3A_595 = arith.constant 112 : index
    %swap3A_596 = vector.load %arg10[%swap3A_593, %swap3A_594, %swap3A_595] : memref<2x2048x128xf32, #tpu.memory_space<vmem>>, vector<1x2048x16xf32>
    %swap3A_597 = vector.shape_cast %swap3A_596 : vector<1x2048x16xf32> to vector<2048x16xf32>
    %swap3A_598 = vector.shape_cast %slice3A_592 : vector<2048x16xf32> to vector<1x2048x16xf32>
    tpu.vector_store %arg10[%swap3A_593, %swap3A_594, %swap3A_595], %swap3A_598 {strides = array<i32>} : memref<2x2048x128xf32, #tpu.memory_space<vmem>>, vector<1x2048x16xf32>,
    return
  }
  func.func @transform_0(%arg0: i32) -> (i32, i32) {
    %add3A = arith.constant 0 : i32
    %add3A_0 = arith.addi %add3A, %arg0 : i32
    %c0_i32 = arith.constant 0 : i32
    %c0_i32_1 = arith.constant 0 : i32
    return %add3A_0, %c0_i32 : i32, i32
  }
  func.func @transform_1(%arg0: i32) -> (i32, i32) {
    %add3A = arith.constant 49 : i32
    %add3A_0 = arith.addi %add3A, %arg0 : i32
    %c0_i32 = arith.constant 0 : i32
    %c0_i32_1 = arith.constant 0 : i32
    return %add3A_0, %c0_i32 : i32, i32
  }
  func.func @transform_2(%arg0: i32) -> (i32, i32) {
    %add3A = arith.constant 98 : i32
    %add3A_0 = arith.addi %add3A, %arg0 : i32
    %c0_i32 = arith.constant 0 : i32
    %c0_i32_1 = arith.constant 0 : i32
    return %add3A_0, %c0_i32 : i32, i32
  }
  func.func @transform_3(%arg0: i32) -> (i32, i32) {
    %add3A = arith.constant 147 : i32
    %add3A_0 = arith.addi %add3A, %arg0 : i32
    %c0_i32 = arith.constant 0 : i32
    %c0_i32_1 = arith.constant 0 : i32
    return %add3A_0, %c0_i32 : i32, i32
  }
  func.func @transform_4(%arg0: i32) -> (i32, i32) {
    %c0_i32 = arith.constant 0 : i32
    %c0_i32_0 = arith.constant 0 : i32
    %c0_i32_1 = arith.constant 0 : i32
    return %c0_i32, %c0_i32_0 : i32, i32
  }
  func.func @transform_5(%arg0: i32) -> (i32, i32) {
    %c0_i32 = arith.constant 0 : i32
    %c0_i32_0 = arith.constant 0 : i32
    %c0_i32_1 = arith.constant 0 : i32
    return %c0_i32, %c0_i32_0 : i32, i32
  }
  func.func @transform_6(%arg0: i32) -> (i32, i32) {
    %c0_i32 = arith.constant 0 : i32
    %c0_i32_0 = arith.constant 0 : i32
    %c0_i32_1 = arith.constant 0 : i32
    return %c0_i32, %c0_i32_0 : i32, i32
  }
  func.func @transform_7(%arg0: i32) -> (i32, i32) {
    %c0_i32 = arith.constant 0 : i32
    %c0_i32_0 = arith.constant 0 : i32
    %c0_i32_1 = arith.constant 0 : i32
    return %c0_i32, %c0_i32_0 : i32, i32
  }
  func.func @transform_8(%arg0: i32) -> (i32, i32, i32) {
    %c0_i32 = arith.constant 0 : i32
    %c0_i32_0 = arith.constant 0 : i32
    %c0_i32_1 = arith.constant 0 : i32
    return %c0_i32, %arg0, %c0_i32_0 : i32, i32, i32
  }
  func.func @transform_9(%arg0: i32) -> (i32, i32, i32) {
    %c0_i32 = arith.constant 0 : i32
    %c0_i32_0 = arith.constant 0 : i32
    %c0_i32_1 = arith.constant 0 : i32
    return %c0_i32, %arg0, %c0_i32_0 : i32, i32, i32
  }
}

module attributes {stable_mosaic.version = 14 : i64} {
  func.func @body(%arg0: i32, %arg1: memref<1x2000x16xf32, #tpu.memory_space<vmem>>, %arg2: memref<1x2000x16xf32, #tpu.memory_space<vmem>>, %arg3: memref<1x2000x16xf32, #tpu.memory_space<vmem>>, %arg4: memref<1x2000x16xf32, #tpu.memory_space<vmem>>, %arg5: memref<2000x64xf32, #tpu.memory_space<vmem>>, %arg6: memref<1x64xf32, #tpu.memory_space<vmem>>, %arg7: memref<1x64xf32, #tpu.memory_space<vmem>>, %arg8: memref<64x64xf32, #tpu.memory_space<vmem>>, %arg9: memref<64x64xf32, #tpu.memory_space<vmem>>, %arg10: memref<1x64xf32, #tpu.memory_space<vmem>>, %arg11: memref<64x64xf32, #tpu.memory_space<vmem>>, %arg12: memref<1x64xf32, #tpu.memory_space<vmem>>, %arg13: memref<2000x64xf32, #tpu.memory_space<vmem>>) attributes {dimension_semantics = [#tpu.dimension_semantics<arbitrary>], iteration_bounds = array<i64: 25>, scalar_prefetch = 0 : i64, scratch_operands = 0 : i64, tpu.core_type = #tpu.core_type<tc>, window_params = [{transform_indices = @transform_0, window_bounds = array<i64: 1, 2000, 16>}, {transform_indices = @transform_1, window_bounds = array<i64: 1, 2000, 16>}, {transform_indices = @transform_2, window_bounds = array<i64: 1, 2000, 16>}, {transform_indices = @transform_3, window_bounds = array<i64: 1, 2000, 16>}, {transform_indices = @transform_4, window_bounds = array<i64: 2000, 64>}, {pipeline_mode = #tpu.pipeline_mode<synchronous>, transform_indices = @transform_5, window_bounds = array<i64: 1, 64>}, {pipeline_mode = #tpu.pipeline_mode<synchronous>, transform_indices = @transform_6, window_bounds = array<i64: 1, 64>}, {pipeline_mode = #tpu.pipeline_mode<synchronous>, transform_indices = @transform_7, window_bounds = array<i64: 64, 64>}, {pipeline_mode = #tpu.pipeline_mode<synchronous>, transform_indices = @transform_8, window_bounds = array<i64: 64, 64>}, {pipeline_mode = #tpu.pipeline_mode<synchronous>, transform_indices = @transform_9, window_bounds = array<i64: 1, 64>}, {pipeline_mode = #tpu.pipeline_mode<synchronous>, transform_indices = @transform_10, window_bounds = array<i64: 64, 64>}, {pipeline_mode = #tpu.pipeline_mode<synchronous>, transform_indices = @transform_11, window_bounds = array<i64: 1, 64>}, {transform_indices = @transform_12, window_bounds = array<i64: 2000, 64>}]} {
    %get3A = arith.constant 0 : index
    %get3A_0 = arith.constant 0 : index
    %get3A_1 = arith.constant 0 : index
    %get3A_2 = vector.load %arg1[%get3A, %get3A_0, %get3A_1] : memref<1x2000x16xf32, #tpu.memory_space<vmem>>, vector<1x2000x16xf32>
    %get3A_3 = vector.shape_cast %get3A_2 : vector<1x2000x16xf32> to vector<2000x16xf32>
    %get3A_4 = arith.constant 0 : index
    %get3A_5 = arith.constant 0 : index
    %get3A_6 = arith.constant 0 : index
    %get3A_7 = vector.load %arg2[%get3A_4, %get3A_5, %get3A_6] : memref<1x2000x16xf32, #tpu.memory_space<vmem>>, vector<1x2000x16xf32>
    %get3A_8 = vector.shape_cast %get3A_7 : vector<1x2000x16xf32> to vector<2000x16xf32>
    %get3A_9 = arith.constant 0 : index
    %get3A_10 = arith.constant 0 : index
    %get3A_11 = arith.constant 0 : index
    %get3A_12 = vector.load %arg3[%get3A_9, %get3A_10, %get3A_11] : memref<1x2000x16xf32, #tpu.memory_space<vmem>>, vector<1x2000x16xf32>
    %get3A_13 = vector.shape_cast %get3A_12 : vector<1x2000x16xf32> to vector<2000x16xf32>
    %get3A_14 = arith.constant 0 : index
    %get3A_15 = arith.constant 0 : index
    %get3A_16 = arith.constant 0 : index
    %get3A_17 = vector.load %arg4[%get3A_14, %get3A_15, %get3A_16] : memref<1x2000x16xf32, #tpu.memory_space<vmem>>, vector<1x2000x16xf32>
    %get3A_18 = vector.shape_cast %get3A_17 : vector<1x2000x16xf32> to vector<2000x16xf32>
    %concatenate3A = tpu.concatenate %get3A_3, %get3A_8, %get3A_13, %get3A_18 in 1 : vector<2000x16xf32>, vector<2000x16xf32>, vector<2000x16xf32>, vector<2000x16xf32> -> vector<2000x64xf32>
    %get3A_19 = arith.constant 0 : index
    %get3A_20 = arith.constant 0 : index
    %get3A_21 = vector.load %arg6[%get3A_19, %get3A_20] : memref<1x64xf32, #tpu.memory_space<vmem>>, vector<1x64xf32>
    %get3A_22 = arith.constant 0 : index
    %get3A_23 = arith.constant 0 : index
    %get3A_24 = vector.load %arg7[%get3A_22, %get3A_23] : memref<1x64xf32, #tpu.memory_space<vmem>>, vector<1x64xf32>
    %reduce_sum3A = arith.constant dense<0.000000e+00> : vector<2000xf32>
    %reduce_sum3A_25 = vector.multi_reduction <add>, %concatenate3A, %reduce_sum3A [1] : vector<2000x64xf32> to vector<2000xf32>
    %broadcast_in_dim3A = vector.shape_cast %reduce_sum3A_25 : vector<2000xf32> to vector<2000x1xf32>
    %div3A = arith.constant 6.400000e+01 : f32
    %div3A_26 = vector.broadcast %div3A : f32 to vector<2000x1xf32>
    %div3A_27 = arith.divf %broadcast_in_dim3A, %div3A_26 : vector<2000x1xf32>
    %sub3A = vector.broadcast %div3A_27 : vector<2000x1xf32> to vector<2000x64xf32>
    %sub3A_28 = arith.subf %concatenate3A, %sub3A : vector<2000x64xf32>
    %integer_pow3A = arith.mulf %sub3A_28, %sub3A_28 : vector<2000x64xf32>
    %reduce_sum3A_29 = arith.constant dense<0.000000e+00> : vector<2000xf32>
    %reduce_sum3A_30 = vector.multi_reduction <add>, %integer_pow3A, %reduce_sum3A_29 [1] : vector<2000x64xf32> to vector<2000xf32>
    %broadcast_in_dim3A_31 = vector.shape_cast %reduce_sum3A_30 : vector<2000xf32> to vector<2000x1xf32>
    %div3A_32 = arith.constant 6.400000e+01 : f32
    %div3A_33 = vector.broadcast %div3A_32 : f32 to vector<2000x1xf32>
    %div3A_34 = arith.divf %broadcast_in_dim3A_31, %div3A_33 : vector<2000x1xf32>
    %sub3A_35 = vector.broadcast %div3A_27 : vector<2000x1xf32> to vector<2000x64xf32>
    %sub3A_36 = arith.subf %concatenate3A, %sub3A_35 : vector<2000x64xf32>
    %add3A = arith.constant 9.99999974E-6 : f32
    %add3A_37 = vector.broadcast %add3A : f32 to vector<2000x1xf32>
    %add3A_38 = arith.addf %div3A_34, %add3A_37 : vector<2000x1xf32>
    %sqrt3A = math.sqrt %add3A_38 : vector<2000x1xf32>
    %div3A_39 = vector.broadcast %sqrt3A : vector<2000x1xf32> to vector<2000x64xf32>
    %div3A_40 = arith.divf %sub3A_36, %div3A_39 : vector<2000x64xf32>
    %mul3A = vector.broadcast %get3A_21 : vector<1x64xf32> to vector<2000x64xf32>
    %mul3A_41 = arith.mulf %div3A_40, %mul3A : vector<2000x64xf32>
    %add3A_42 = vector.broadcast %get3A_24 : vector<1x64xf32> to vector<2000x64xf32>
    %add3A_43 = arith.addf %mul3A_41, %add3A_42 : vector<2000x64xf32>
    %get3A_44 = arith.constant 0 : index
    %get3A_45 = arith.constant 0 : index
    %get3A_46 = vector.load %arg8[%get3A_44, %get3A_45] : memref<64x64xf32, #tpu.memory_space<vmem>>, vector<64x64xf32>
    %dot_general3A = arith.constant dense<0.000000e+00> : vector<2000x64xf32>
    %dot_general3A_47 = tpu.matmul %add3A_43, %get3A_46, %dot_general3A {dimension_numbers = #tpu.dot_dimension_numbers<[1], [0], [0], [1], [0, 0, 1, 1], [], []>, transpose_lhs_hint = false} : vector<2000x64xf32>, vector<64x64xf32>, vector<2000x64xf32> -> vector<2000x64xf32>
    %get3A_48 = arith.constant 0 : index
    %get3A_49 = arith.constant 0 : index
    %get3A_50 = vector.load %arg5[%get3A_48, %get3A_49] : memref<2000x64xf32, #tpu.memory_space<vmem>>, vector<2000x64xf32>
    %get3A_51 = arith.constant 0 : index
    %get3A_52 = arith.constant 0 : index
    %get3A_53 = vector.load %arg9[%get3A_51, %get3A_52] : memref<64x64xf32, #tpu.memory_space<vmem>>, vector<64x64xf32>
    %dot_general3A_54 = arith.constant dense<0.000000e+00> : vector<2000x64xf32>
    %dot_general3A_55 = tpu.matmul %get3A_50, %get3A_53, %dot_general3A_54 {dimension_numbers = #tpu.dot_dimension_numbers<[1], [0], [0], [1], [0, 0, 1, 1], [], []>, transpose_lhs_hint = false} : vector<2000x64xf32>, vector<64x64xf32>, vector<2000x64xf32> -> vector<2000x64xf32>
    %add3A_56 = arith.addf %dot_general3A_47, %dot_general3A_55 : vector<2000x64xf32>
    %get3A_57 = arith.constant 0 : index
    %get3A_58 = arith.constant 0 : index
    %get3A_59 = vector.load %arg10[%get3A_57, %get3A_58] : memref<1x64xf32, #tpu.memory_space<vmem>>, vector<1x64xf32>
    %add3A_60 = vector.broadcast %get3A_59 : vector<1x64xf32> to vector<2000x64xf32>
    %add3A_61 = arith.addf %add3A_56, %add3A_60 : vector<2000x64xf32>
    %max3A = arith.constant 0.000000e+00 : f32
    %max3A_62 = vector.broadcast %max3A : f32 to vector<2000x64xf32>
    %max3A_63 = arith.maximumf %add3A_61, %max3A_62 : vector<2000x64xf32>
    %get3A_64 = arith.constant 0 : index
    %get3A_65 = arith.constant 0 : index
    %get3A_66 = vector.load %arg11[%get3A_64, %get3A_65] : memref<64x64xf32, #tpu.memory_space<vmem>>, vector<64x64xf32>
    %dot_general3A_67 = arith.constant dense<0.000000e+00> : vector<2000x64xf32>
    %dot_general3A_68 = tpu.matmul %max3A_63, %get3A_66, %dot_general3A_67 {dimension_numbers = #tpu.dot_dimension_numbers<[1], [0], [0], [1], [0, 0, 1, 1], [], []>, transpose_lhs_hint = false} : vector<2000x64xf32>, vector<64x64xf32>, vector<2000x64xf32> -> vector<2000x64xf32>
    %get3A_69 = arith.constant 0 : index
    %get3A_70 = arith.constant 0 : index
    %get3A_71 = vector.load %arg12[%get3A_69, %get3A_70] : memref<1x64xf32, #tpu.memory_space<vmem>>, vector<1x64xf32>
    %add3A_72 = vector.broadcast %get3A_71 : vector<1x64xf32> to vector<2000x64xf32>
    %add3A_73 = arith.addf %dot_general3A_68, %add3A_72 : vector<2000x64xf32>
    %swap3A = arith.constant 0 : index
    %swap3A_74 = arith.constant 0 : index
    %swap3A_75 = vector.load %arg13[%swap3A, %swap3A_74] : memref<2000x64xf32, #tpu.memory_space<vmem>>, vector<2000x64xf32>
    tpu.vector_store %arg13[%swap3A, %swap3A_74], %add3A_73 {strides = array<i32>} : memref<2000x64xf32, #tpu.memory_space<vmem>>, vector<2000x64xf32>,
    return
  }
  func.func @transform_0(%arg0: i32) -> (i32, i32, i32) {
    %c0_i32 = arith.constant 0 : i32
    %c0_i32_0 = arith.constant 0 : i32
    %c0_i32_1 = arith.constant 0 : i32
    return %c0_i32, %arg0, %c0_i32_0 : i32, i32, i32
  }
  func.func @transform_1(%arg0: i32) -> (i32, i32, i32) {
    %c1_i32 = arith.constant 1 : i32
    %c0_i32 = arith.constant 0 : i32
    %c0_i32_0 = arith.constant 0 : i32
    return %c1_i32, %arg0, %c0_i32 : i32, i32, i32
  }
  func.func @transform_2(%arg0: i32) -> (i32, i32, i32) {
    %c0_i32 = arith.constant 0 : i32
    %c0_i32_0 = arith.constant 0 : i32
    %c0_i32_1 = arith.constant 0 : i32
    return %c0_i32, %arg0, %c0_i32_0 : i32, i32, i32
  }
  func.func @transform_3(%arg0: i32) -> (i32, i32, i32) {
    %c1_i32 = arith.constant 1 : i32
    %c0_i32 = arith.constant 0 : i32
    %c0_i32_0 = arith.constant 0 : i32
    return %c1_i32, %arg0, %c0_i32 : i32, i32, i32
  }
  func.func @transform_4(%arg0: i32) -> (i32, i32) {
    %c0_i32 = arith.constant 0 : i32
    %c0_i32_0 = arith.constant 0 : i32
    return %arg0, %c0_i32 : i32, i32
  }
  func.func @transform_5(%arg0: i32) -> (i32, i32) {
    %c0_i32 = arith.constant 0 : i32
    %c0_i32_0 = arith.constant 0 : i32
    %c0_i32_1 = arith.constant 0 : i32
    return %c0_i32, %c0_i32_0 : i32, i32
  }
  func.func @transform_6(%arg0: i32) -> (i32, i32) {
    %c0_i32 = arith.constant 0 : i32
    %c0_i32_0 = arith.constant 0 : i32
    %c0_i32_1 = arith.constant 0 : i32
    return %c0_i32, %c0_i32_0 : i32, i32
  }
  func.func @transform_7(%arg0: i32) -> (i32, i32) {
    %c0_i32 = arith.constant 0 : i32
    %c0_i32_0 = arith.constant 0 : i32
    %c0_i32_1 = arith.constant 0 : i32
    return %c0_i32, %c0_i32_0 : i32, i32
  }
  func.func @transform_8(%arg0: i32) -> (i32, i32) {
    %c0_i32 = arith.constant 0 : i32
    %c0_i32_0 = arith.constant 0 : i32
    %c0_i32_1 = arith.constant 0 : i32
    return %c0_i32, %c0_i32_0 : i32, i32
  }
  func.func @transform_9(%arg0: i32) -> (i32, i32) {
    %c0_i32 = arith.constant 0 : i32
    %c0_i32_0 = arith.constant 0 : i32
    %c0_i32_1 = arith.constant 0 : i32
    return %c0_i32, %c0_i32_0 : i32, i32
  }
  func.func @transform_10(%arg0: i32) -> (i32, i32) {
    %c0_i32 = arith.constant 0 : i32
    %c0_i32_0 = arith.constant 0 : i32
    %c0_i32_1 = arith.constant 0 : i32
    return %c0_i32, %c0_i32_0 : i32, i32
  }
  func.func @transform_11(%arg0: i32) -> (i32, i32) {
    %c0_i32 = arith.constant 0 : i32
    %c0_i32_0 = arith.constant 0 : i32
    %c0_i32_1 = arith.constant 0 : i32
    return %c0_i32, %c0_i32_0 : i32, i32
  }
  func.func @transform_12(%arg0: i32) -> (i32, i32) {
    %c0_i32 = arith.constant 0 : i32
    %c0_i32_0 = arith.constant 0 : i32
    return %arg0, %c0_i32 : i32, i32
  }
}

module attributes {stable_mosaic.version = 14 : i64} {
  func.func @body(%arg0: i32, %arg1: memref<2000x64xf32, #tpu.memory_space<vmem>>, %arg2: memref<64x64xf32, #tpu.memory_space<vmem>>, %arg3: memref<1x64xf32, #tpu.memory_space<vmem>>, %arg4: memref<1x64xf32, #tpu.memory_space<vmem>>, %arg5: memref<2000x1xf32, #tpu.memory_space<vmem>>) attributes {dimension_semantics = [#tpu.dimension_semantics<arbitrary>], iteration_bounds = array<i64: 25>, scalar_prefetch = 0 : i64, scratch_operands = 0 : i64, tpu.core_type = #tpu.core_type<tc>, window_params = [{transform_indices = @transform_0, window_bounds = array<i64: 2000, 64>}, {pipeline_mode = #tpu.pipeline_mode<synchronous>, transform_indices = @transform_1, window_bounds = array<i64: 64, 64>}, {pipeline_mode = #tpu.pipeline_mode<synchronous>, transform_indices = @transform_2, window_bounds = array<i64: 1, 64>}, {pipeline_mode = #tpu.pipeline_mode<synchronous>, transform_indices = @transform_3, window_bounds = array<i64: 1, 64>}, {transform_indices = @transform_4, window_bounds = array<i64: 2000, 1>}]} {
    %get3A = arith.constant 0 : index
    %get3A_0 = arith.constant 0 : index
    %get3A_1 = vector.load %arg1[%get3A, %get3A_0] : memref<2000x64xf32, #tpu.memory_space<vmem>>, vector<2000x64xf32>
    %get3A_2 = arith.constant 0 : index
    %get3A_3 = arith.constant 0 : index
    %get3A_4 = vector.load %arg2[%get3A_2, %get3A_3] : memref<64x64xf32, #tpu.memory_space<vmem>>, vector<64x64xf32>
    %dot_general3A = arith.constant dense<0.000000e+00> : vector<2000x64xf32>
    %dot_general3A_5 = tpu.matmul %get3A_1, %get3A_4, %dot_general3A {dimension_numbers = #tpu.dot_dimension_numbers<[1], [0], [0], [1], [0, 0, 1, 1], [], []>, transpose_lhs_hint = false} : vector<2000x64xf32>, vector<64x64xf32>, vector<2000x64xf32> -> vector<2000x64xf32>
    %get3A_6 = arith.constant 0 : index
    %get3A_7 = arith.constant 0 : index
    %get3A_8 = vector.load %arg3[%get3A_6, %get3A_7] : memref<1x64xf32, #tpu.memory_space<vmem>>, vector<1x64xf32>
    %add3A = vector.broadcast %get3A_8 : vector<1x64xf32> to vector<2000x64xf32>
    %add3A_9 = arith.addf %dot_general3A_5, %add3A : vector<2000x64xf32>
    %max3A = arith.constant 0.000000e+00 : f32
    %max3A_10 = vector.broadcast %max3A : f32 to vector<2000x64xf32>
    %max3A_11 = arith.maximumf %add3A_9, %max3A_10 : vector<2000x64xf32>
    %get3A_12 = arith.constant 0 : index
    %get3A_13 = arith.constant 0 : index
    %get3A_14 = vector.load %arg4[%get3A_12, %get3A_13] : memref<1x64xf32, #tpu.memory_space<vmem>>, vector<1x64xf32>
    %mul3A = vector.broadcast %get3A_14 : vector<1x64xf32> to vector<2000x64xf32>
    %mul3A_15 = arith.mulf %max3A_11, %mul3A : vector<2000x64xf32>
    %reduce_sum3A = arith.constant dense<0.000000e+00> : vector<2000xf32>
    %reduce_sum3A_16 = vector.multi_reduction <add>, %mul3A_15, %reduce_sum3A [1] : vector<2000x64xf32> to vector<2000xf32>
    %broadcast_in_dim3A = vector.shape_cast %reduce_sum3A_16 : vector<2000xf32> to vector<2000x1xf32>
    %max3A_17 = arith.constant 0.000000e+00 : f32
    %max3A_18 = vector.broadcast %max3A_17 : f32 to vector<2000x1xf32>
    %max3A_19 = arith.maximumf %broadcast_in_dim3A, %max3A_18 : vector<2000x1xf32>
    %abs3A = math.absf %broadcast_in_dim3A : vector<2000x1xf32>
    %neg3A = arith.constant 0.000000e+00 : f32
    %neg3A_20 = vector.broadcast %neg3A : f32 to vector<2000x1xf32>
    %neg3A_21 = arith.subf %neg3A_20, %abs3A : vector<2000x1xf32>
    %exp3A = math.exp %neg3A_21 : vector<2000x1xf32>
    %add3A_22 = arith.constant 1.000000e+00 : f32
    %add3A_23 = vector.broadcast %add3A_22 : f32 to vector<2000x1xf32>
    %add3A_24 = arith.addf %add3A_23, %exp3A : vector<2000x1xf32>
    %log3A = math.log %add3A_24 : vector<2000x1xf32>
    %add3A_25 = arith.addf %max3A_19, %log3A : vector<2000x1xf32>
    %swap3A = arith.constant 0 : index
    %swap3A_26 = arith.constant 0 : index
    %swap3A_27 = vector.load %arg5[%swap3A, %swap3A_26] : memref<2000x1xf32, #tpu.memory_space<vmem>>, vector<2000x1xf32>
    tpu.vector_store %arg5[%swap3A, %swap3A_26], %add3A_25 {strides = array<i32>} : memref<2000x1xf32, #tpu.memory_space<vmem>>, vector<2000x1xf32>,
    return
  }
  func.func @transform_0(%arg0: i32) -> (i32, i32) {
    %c0_i32 = arith.constant 0 : i32
    %c0_i32_0 = arith.constant 0 : i32
    return %arg0, %c0_i32 : i32, i32
  }
  func.func @transform_1(%arg0: i32) -> (i32, i32) {
    %c0_i32 = arith.constant 0 : i32
    %c0_i32_0 = arith.constant 0 : i32
    %c0_i32_1 = arith.constant 0 : i32
    return %c0_i32, %c0_i32_0 : i32, i32
  }
  func.func @transform_2(%arg0: i32) -> (i32, i32) {
    %c0_i32 = arith.constant 0 : i32
    %c0_i32_0 = arith.constant 0 : i32
    %c0_i32_1 = arith.constant 0 : i32
    return %c0_i32, %c0_i32_0 : i32, i32
  }
  func.func @transform_3(%arg0: i32) -> (i32, i32) {
    %c0_i32 = arith.constant 0 : i32
    %c0_i32_0 = arith.constant 0 : i32
    %c0_i32_1 = arith.constant 0 : i32
    return %c0_i32, %c0_i32_0 : i32, i32
  }
  func.func @transform_4(%arg0: i32) -> (i32, i32) {
    %c0_i32 = arith.constant 0 : i32
    %c0_i32_0 = arith.constant 0 : i32
    return %arg0, %c0_i32 : i32, i32
  }
}

module attributes {stable_mosaic.version = 14 : i64} {
  func.func @body(%arg0: i32, %arg1: memref<2000x64xf32, #tpu.memory_space<vmem>>, %arg2: memref<64x64xf32, #tpu.memory_space<vmem>>, %arg3: memref<1x64xf32, #tpu.memory_space<vmem>>, %arg4: memref<1x64xf32, #tpu.memory_space<vmem>>, %arg5: memref<2000x1xf32, #tpu.memory_space<vmem>>) attributes {dimension_semantics = [#tpu.dimension_semantics<arbitrary>], iteration_bounds = array<i64: 25>, scalar_prefetch = 0 : i64, scratch_operands = 0 : i64, tpu.core_type = #tpu.core_type<tc>, window_params = [{transform_indices = @transform_0, window_bounds = array<i64: 2000, 64>}, {pipeline_mode = #tpu.pipeline_mode<synchronous>, transform_indices = @transform_1, window_bounds = array<i64: 64, 64>}, {pipeline_mode = #tpu.pipeline_mode<synchronous>, transform_indices = @transform_2, window_bounds = array<i64: 1, 64>}, {pipeline_mode = #tpu.pipeline_mode<synchronous>, transform_indices = @transform_3, window_bounds = array<i64: 1, 64>}, {transform_indices = @transform_4, window_bounds = array<i64: 2000, 1>}]} {
    %get3A = arith.constant 0 : index
    %get3A_0 = arith.constant 0 : index
    %get3A_1 = vector.load %arg1[%get3A, %get3A_0] : memref<2000x64xf32, #tpu.memory_space<vmem>>, vector<2000x64xf32>
    %get3A_2 = arith.constant 0 : index
    %get3A_3 = arith.constant 0 : index
    %get3A_4 = vector.load %arg2[%get3A_2, %get3A_3] : memref<64x64xf32, #tpu.memory_space<vmem>>, vector<64x64xf32>
    %dot_general3A = arith.constant dense<0.000000e+00> : vector<2000x64xf32>
    %dot_general3A_5 = tpu.matmul %get3A_1, %get3A_4, %dot_general3A {dimension_numbers = #tpu.dot_dimension_numbers<[1], [0], [0], [1], [0, 0, 1, 1], [], []>, transpose_lhs_hint = false} : vector<2000x64xf32>, vector<64x64xf32>, vector<2000x64xf32> -> vector<2000x64xf32>
    %get3A_6 = arith.constant 0 : index
    %get3A_7 = arith.constant 0 : index
    %get3A_8 = vector.load %arg3[%get3A_6, %get3A_7] : memref<1x64xf32, #tpu.memory_space<vmem>>, vector<1x64xf32>
    %add3A = vector.broadcast %get3A_8 : vector<1x64xf32> to vector<2000x64xf32>
    %add3A_9 = arith.addf %dot_general3A_5, %add3A : vector<2000x64xf32>
    %max3A = arith.constant 0.000000e+00 : f32
    %max3A_10 = vector.broadcast %max3A : f32 to vector<2000x64xf32>
    %max3A_11 = arith.maximumf %add3A_9, %max3A_10 : vector<2000x64xf32>
    %get3A_12 = arith.constant 0 : index
    %get3A_13 = arith.constant 0 : index
    %get3A_14 = vector.load %arg4[%get3A_12, %get3A_13] : memref<1x64xf32, #tpu.memory_space<vmem>>, vector<1x64xf32>
    %mul3A = vector.broadcast %get3A_14 : vector<1x64xf32> to vector<2000x64xf32>
    %mul3A_15 = arith.mulf %max3A_11, %mul3A : vector<2000x64xf32>
    %reduce_sum3A = arith.constant dense<0.000000e+00> : vector<2000xf32>
    %reduce_sum3A_16 = vector.multi_reduction <add>, %mul3A_15, %reduce_sum3A [1] : vector<2000x64xf32> to vector<2000xf32>
    %broadcast_in_dim3A = vector.shape_cast %reduce_sum3A_16 : vector<2000xf32> to vector<2000x1xf32>
    %swap3A = arith.constant 0 : index
    %swap3A_17 = arith.constant 0 : index
    %swap3A_18 = vector.load %arg5[%swap3A, %swap3A_17] : memref<2000x1xf32, #tpu.memory_space<vmem>>, vector<2000x1xf32>
    tpu.vector_store %arg5[%swap3A, %swap3A_17], %broadcast_in_dim3A {strides = array<i32>} : memref<2000x1xf32, #tpu.memory_space<vmem>>, vector<2000x1xf32>,
    return
  }
  func.func @transform_0(%arg0: i32) -> (i32, i32) {
    %c0_i32 = arith.constant 0 : i32
    %c0_i32_0 = arith.constant 0 : i32
    return %arg0, %c0_i32 : i32, i32
  }
  func.func @transform_1(%arg0: i32) -> (i32, i32) {
    %c0_i32 = arith.constant 0 : i32
    %c0_i32_0 = arith.constant 0 : i32
    %c0_i32_1 = arith.constant 0 : i32
    return %c0_i32, %c0_i32_0 : i32, i32
  }
  func.func @transform_2(%arg0: i32) -> (i32, i32) {
    %c0_i32 = arith.constant 0 : i32
    %c0_i32_0 = arith.constant 0 : i32
    %c0_i32_1 = arith.constant 0 : i32
    return %c0_i32, %c0_i32_0 : i32, i32
  }
  func.func @transform_3(%arg0: i32) -> (i32, i32) {
    %c0_i32 = arith.constant 0 : i32
    %c0_i32_0 = arith.constant 0 : i32
    %c0_i32_1 = arith.constant 0 : i32
    return %c0_i32, %c0_i32_0 : i32, i32
  }
  func.func @transform_4(%arg0: i32) -> (i32, i32) {
    %c0_i32 = arith.constant 0 : i32
    %c0_i32_0 = arith.constant 0 : i32
    return %arg0, %c0_i32 : i32, i32
  }
}

</mosaic_0001>

<sc_bundles>
// kernel: kernel.30.cloned.1.call-start
scs
__scs_entry_jumppad:
0x0: {  	(pc) =	sbr.rel $0x88, $3  }
0x1: {  	(tag) =	ssettag $0x0;
	lr =	simm.s32 $0x1  }
0x2: {  	[smem:$0x3F4F] =	sst lr;
	_ =	strace $0xD0000000  }
0x3: {  	_ = 	snop  }
0x4: {  	_ = 	snop  }
0x5: {  	_ = 	snop  }
0x6: {  	_ = 	snop  }
0x7: {  	_ = 	snop  }
__scs_overlays_trampoline_lowered:
0x8: {  	[smem:$0x3F5E] =	sst s0  }
0x9: {  	[smem:$0x3F5F] =	sst s1  }
0xa: {  	[smem:$0x3F60] =	sst s2  }
0xb: {  	[smem:$0x3F61] =	sst s3  }
0xc: {  	[smem:$0x3F62] =	sst s4  }
0xd: {  	[smem:$0x3F63] =	sst s5  }
0xe: {  	[smem:$0x3F64] =	sst s6  }
0xf: {  	[smem:$0x3F65] =	sst s7  }
0x10: {  	[smem:$0x3F66] =	sst s8  }
0x11: {  	[smem:$0x3F67] =	sst s9;
	s0 =	simm.s32 @!p0 $0x0  }
0x12: {  	s1 =	sld [smem:$0x3F4D];
	s0 =	simm.s32 @p0 $0x1  }
0x13: {  	[smem:$0x3F68] =	sst s0;
	s0 =	simm.s32 @!p1 $0x0  }
0x14: {  	s2 =	sld [smem:$0x3F4C];
	s0 =	simm.s32 @p1 $0x1  }
0x15: {  	[smem:$0x3F69] =	sst s0;
	s0 =	simm.s32 @!p2 $0x0  }
0x16: {  	s3 =	sld [smem:$0x3FDB];
	s0 =	simm.s32 @p2 $0x1  }
0x17: {  	s4 =	simm.s32 $0x1BF5;
	[smem:$0x3F6B] =	sst s0  }
0x18: {  	s0 =	sld [smem:$0x3F4E];
	_ =	swait.ge [sflag:s4], $0x0  }
0x19: {  	s7 =	sld [smem:$0x3F4F]  }
0x1a: {  	s8 =	sadd.s32 $0xFFFFE003, lr  }
0x1b: {  	s9 =	sadd.s32 $0xFFFFFEF7, lr;
	s5 =	simm.s32 $0xFFFFFFFF;
	p2 =	slt.u32 s8, $0xFFFFF086  }
0x1c: {  	p1 =	slt.u32 s9, $0xF7A;
	s5 =	simm.s32 @!p2 $0x0  }
0x1d: {  	s5 =	simm.s32 @p1 $0x1;
	p0 =	seq.s32 s7, s2  }
0x1e: {  	s7 =	smul.u32 @!p0 $0xF7A, s2;
	p2 =	seq.s32 @!p0 s5, $0x0  }
0x1f: {  	s9 =	smul.u32 $0xF7A, s1;
	s8 =	simm.s32 @!p0 $0x1BF5;
	p2 =	por !p2, p0  }
0x20: {  	[sflag:s8] =	ssyncset.s32 @!p0 $0xFFFFF086;
	s6 =	sadd.s32 @!p0 s3, s7;
	s7 =	simm.s32 @!p0 $0x108  }
0x21: {  	s3 =	sadd.s32 s3, s9;
	s6 =	sadd.s32 @!p0 $0x88, s6;
	s7 =	simm.s32 @p2 $0x1082  }
0x22: {  	[simem:s7], [sflag:s8] =	dma.local @!p0 [hbm:s6], $0xF7A  }
0x23: {  	s9 =	sor.u32 $0xD0000000, s2;
	s6 =	simm.s32 $0x108;
	_ =	swait.ge @!p0 [sflag:s8], $0x0  }
0x24: {  	s3 =	sadd.s32 $0x88, s3;
	s6 =	simm.s32 @!p1 $0x1082;
	[sflag:s4] =	ssyncset.s32 $0xFFFFF086  }
0x25: {  	[simem:s6], [sflag:s4] =	dma.local [hbm:s3], $0xF7A  }
0x26: {  	[smem:$0x3F4F] =	sst s1;
	(tag) =	ssettag s2;
	_ =	strace s9  }
0x27: {  	s1 =	sld [smem:$0x3F5F]  }
0x28: {  	s2 =	sld [smem:$0x3F60]  }
0x29: {  	s4 =	sld [smem:$0x3F62]  }
0x2a: {  	p0 =	seq.s32 s5, $0x0;
	s5 =	sld [smem:$0x3F63]  }
0x2b: {  	s6 =	sld [smem:$0x3F64]  }
0x2c: {  	s7 =	sld [smem:$0x3F65]  }
0x2d: {  	s3 =	simm.s32 $0x108;
	s8 =	sld [smem:$0x3F66]  }
0x2e: {  	s3 =	simm.s32 @!p0 $0x1082;
	s9 =	sld [smem:$0x3F67]  }
0x2f: {  	lr =	sadd.s32 s0, s3;
	s0 =	sld [smem:$0x3F5E]  }
0x30: {  	s3 =	sld [smem:$0x3F61]  }
0x31: {  	[smem:$0x3F6A] =	sst s10  }
0x32: {  	s10 =	sld [smem:$0x3F68];
	_ =	sdelay $0x3  }
0x33: {  	p0 =	seq.s32 s10, $0x1;
	s10 =	sld [smem:$0x3F6A];
	_ =	sdelay $0x3  }
0x34: {  	[smem:$0x3F6A] =	sst s10  }
0x35: {  	s10 =	sld [smem:$0x3F69];
	_ =	sdelay $0x3  }
0x36: {  	p1 =	seq.s32 s10, $0x1;
	s10 =	sld [smem:$0x3F6A];
	_ =	sdelay $0x3  }
0x37: {  	[smem:$0x3F6A] =	sst s10  }
0x38: {  	s10 =	sld [smem:$0x3F6B]  }
0x39: {  	_ = 	snop;
	(pc) =	sbr.ind lr, $3  }
0x3a: {  	_ = 	snop  }
0x3b: {  	_ = 	snop  }
0x3c: {  	p2 =	seq.s32 s10, $0x1;
	s10 =	sld [smem:$0x3F6A]  }
0x3d: {  	_ =	shalt  }
0x3e: {  	_ =	shalt  }
0x3f: {  	_ =	shalt  }
0x40: {  	_ =	shalt  }
0x41: {  	_ =	shalt  }
0x42: {  	_ =	shalt  }
0x43: {  	_ =	shalt  }
0x44: {  	_ =	shalt  }
0x45: {  	_ =	shalt  }
0x46: {  	_ =	shalt  }
0x47: {  	_ =	shalt  }
0x48: {  	_ =	shalt  }
0x49: {  	_ =	shalt  }
0x4a: {  	_ =	shalt  }
0x4b: {  	_ =	shalt  }
0x4c: {  	_ =	shalt  }
0x4d: {  	_ =	shalt  }
0x4e: {  	_ =	shalt  }
0x4f: {  	_ =	shalt  }
0x50: {  	_ =	shalt  }
0x51: {  	_ =	shalt  }
0x52: {  	_ =	shalt  }
0x53: {  	_ =	shalt  }
0x54: {  	_ =	shalt  }
0x55: {  	_ =	shalt  }
0x56: {  	_ =	shalt  }
0x57: {  	_ =	shalt  }
0x58: {  	_ =	shalt  }
0x59: {  	_ =	shalt  }
0x5a: {  	_ =	shalt  }
0x5b: {  	_ =	shalt  }
0x5c: {  	_ =	shalt  }
0x5d: {  	_ =	shalt  }
0x5e: {  	_ =	shalt  }
0x5f: {  	_ =	shalt  }
0x60: {  	_ =	shalt  }
0x61: {  	_ =	shalt  }
0x62: {  	_ =	shalt  }
0x63: {  	_ =	shalt  }
0x64: {  	_ =	shalt  }
0x65: {  	_ =	shalt  }
0x66: {  	_ =	shalt  }
0x67: {  	_ =	shalt  }
0x68: {  	_ =	shalt  }
0x69: {  	_ =	shalt  }
0x6a: {  	_ =	shalt  }
0x6b: {  	_ =	shalt  }
0x6c: {  	_ =	shalt  }
0x6d: {  	_ =	shalt  }
0x6e: {  	_ =	shalt  }
0x6f: {  	_ =	shalt  }
0x70: {  	_ =	shalt  }
0x71: {  	_ =	shalt  }
0x72: {  	_ =	shalt  }
0x73: {  	_ =	shalt  }
0x74: {  	_ =	shalt  }
0x75: {  	_ =	shalt  }
0x76: {  	_ =	shalt  }
0x77: {  	_ =	shalt  }
0x78: {  	_ =	shalt  }
0x79: {  	_ =	shalt  }
0x7a: {  	_ =	shalt  }
0x7b: {  	_ =	shalt  }
0x7c: {  	_ =	shalt  }
0x7d: {  	_ =	shalt  }
0x7e: {  	_ =	shalt  }
0x7f: {  	_ =	shalt  }
0x80: {  	_ =	shalt  }
0x81: {  	_ =	shalt  }
0x82: {  	_ =	shalt  }
0x83: {  	_ =	shalt  }
0x84: {  	_ =	shalt  }
0x85: {  	_ =	shalt  }
0x86: {  	_ =	shalt  }
0x87: {  	_ =	shalt  }
.Lfunc_end0:
.L_simem_size_0:
called_computation_lowered:
.L_overlay_start_0:
0x88: {  	s2 =	sld [smem:$0x3FD9]  }
0x89: {  	s3 =	sld [smem:$0x3FFE];
	_ =	sdelay $0x1  }
0x8a: {  	s1 =	srdreg.scid  }
0x8b: {  	s0 =	sand.u32 $0x1, s1  }
0x8c: {  	s16 =	sshll.u32 s0, $0xA;
	s2 =	sadd.s32 s3, s2  }
0x8d: {  	s2 =	sadd.s32 s2, s16  }
0x8e: {  	[smem:$0x3F76] =	sst s2  }
0x8f: {  	_ = 	snop  }
0x90: {  	(tm) =	ssettm $0x1  }
0x91: {  	s17 =	sld [smem:$0x3FFB];
	_ =	sdelay $0x3  }
0x92: {  	_ =	strace s17  }
0x93: {  	s2 =	sld [smem:$0x3FFC];
	_ =	sdelay $0x3  }
0x94: {  	_ =	strace s2  }
0x95: {  	s2 =	sld [smem:$0x3FFD];
	_ =	sdelay $0x3  }
0x96: {  	_ =	strace s2  }
0x97: {  	_ =	strace $0x8FFFFFFF  }
0x98: {  	s18 =	sld [smem:$0x3FDB];
	_ =	sdelay $0x1  }
0x99: {  	s19 =	simm.s32 $_scs_section_size  }
0x9a: {  	s4 =	simm.s32 $_size__tile_overlayer_lowered;
	s5 =	simm.s32 $_tile_overlayer_lowered  }
0x9b: {  	s22 =	simm.s32 $0x1BFF;
	s21 =	sshll.u32 s5, $0x1;
	s2 =	sadd.s32 s19, s18  }
0x9c: {  	s6 =	simm.s32 $0x0;
	s20 =	sshll.u32 s4, $0x1;
	s4 =	sadd.s32 s21, s2  }
0x9d: {  	[timem:s6], [sflag:s22] =	dma.local [hbm:s4], s20  }
0x9e: {  	_ =	swait.ge [sflag:s22], s20  }
0x9f: {  	s3 =	ssub.s32 $0x0, s20;
	[sflag:s22] =	ssyncset.done $0x0  }
0xa0: {  	[sflag:s22] =	ssyncadd.s32 s3;
	_ =	sdelay $0x1  }
0xa1: {  	s23 =	simm.s32 $0x1B8B  }
0xa2: {  	_ =	swait.ge [sflag:s23], $0x1  }
0xa3: {  	[sflag:s23] =	ssyncset.done $0x0  }
0xa4: {  	s25 =	simm.s32 $0x1B8E;
	s24 =	sld [smem:$0x3FFE];
	[sflag:s23] =	ssyncadd.s32 $0xFFFFFFFF  }
0xa5: {  	s26 =	simm.s32 $execute0_lowered;
	[smem:$0x3FD2] =	sst s25  }
0xa6: {  	s4 =	sshll.u32 s26, $0x1;
	_ =	strace $0x80000046;
	[dreg:$0x1] =	wrdreg $0xFFFFFFFF  }
0xa7: {  	s28 =	simm.s32 $_size_execute0_lowered;
	s2 =	sadd.s32 s2, s4;
	[dreg:$0x0] =	wrdreg $0x0  }
0xa8: {  	s4 =	sshll.u32 s28, $0x1;
	[dreg:$0x2] =	wrdreg s2  }
0xa9: {  	[dreg:$0x3] =	wrdreg s4  }
0xaa: {  	[dreg:$0x4] =	wrdreg $0xC0  }
0xab: {  	_ =	task [dreg:s6], $0x5FFFF  }
0xac: {  	[dreg:$0x1] =	wrdreg $0xFFFFFFFF  }
0xad: {  	[dreg:$0x0] =	wrdreg $0x60  }
0xae: {  	[dreg:$0x2] =	wrdreg s24  }
0xaf: {  	[dreg:$0x3] =	wrdreg $0x9  }
0xb0: {  	_ =	task.clear_ibuf [dreg:s6], $0x4FFFF;
	_ =	strace $0x90000046  }
0xb1: {  	s29 =	simm.s32 $0x9;
	_ =	strace $0x80000048  }
0xb2: {  	_ =	swait.ge [sflag:s29], $0x1  }
0xb3: {  	[sflag:s29] =	ssyncadd.s32 $0xFFFFFFFF  }
0xb4: {  	_ =	strace $0x90000048  }
0xb5: {  	_ =	sfence  }
0xb6: {  	s30 =	sld [smem:$0x0];
	_ =	sdelay $0x2  }
0xb7: {  	s31 =	sshll.u32 s1, $0xD;
	s1 =	sshrl.u32 s1, $0x2  }
0xb8: {  	s3 =	sand.u32 $0x4000, s31;
	s1 =	sadd.s32 s1, s30  }
0xb9: {  	s0 =	sor.u32 s3, s0;
	s1 =	sshll.u32 s1, $0x11  }
0xba: {  	s0 =	sor.u32 s1, s0  }
0xbb: {  	s0 =	sadd.s32 $0x8F2B, s0  }
0xbc: {  	[sflag:s0] =	ssyncadd.remote.s32 $0x1  }
0xbd: {  	_ =	sfence.sel $0xFFFF  }
0xbe: {  	[dreg:$0x0] =	wrdreg $0xFFFFFFFF;
	(pc) =	sbr.abs _section_cstart, $3  }
0xbf: {  	[dreg:$0x1] =	wrdreg $0xFFFFFFFF  }
0xc0: {  	_ =	task.clear_ibuf [dreg:s6], $0x2FFFF;
	_ =	strace $0x9FFFFFFF  }
0xc1: {  	(tm) =	ssettm $0x7FFFFFFF  }
tec
execute0_lowered:
.L_overlay_start_1:
0x0: {  	(tag) =	ssettag $0x1  }
0x1: {  	s7 =	rddreg [dreg:$0x0]  }
0x2: {  	s0 =	rddreg [dreg:$0x1]  }
0x3: {  	s1 =	simm.s32 $0x0;
	s2 =	srdreg.scid;
	s12 =	simm.s32 $0x400  }
0x4: {  	s13 =	simm.s32 $0x8400;
	s14 =	simm.s32 $0x1;
	s15 =	simm.s32 $0x0  }
0x5: {  	[smem:$0x7FF] =	sst s1;
	s3 =	sadd.s32 $0x31CE00, s7;
	s8 =	sand.u32 $0x1, s2  }
0x6: {  	s4 =	sadd.s32 $0xD2C00, s7;
	s2 =	stileid.u32;
	s5 =	sadd.s32 $0x259800, s7  }
0x7: {  	s6 =	sadd.s32 $0x165800, s7;
	s7 =	sadd.s32 $0x37EA00, s7;
	s9 =	ssub.s32 $0x2, s8  }
0x8: {  	_ =	strace $0x80000047;
	s11 =	sshll.u32 s2, $0x1;
	s10 =	sshrl.u32 s9, $0x1  }
0x9: {  	s8 =	sor.u32 s8, s11;
	s11 =	simm.s32 $0x200;
	s9 =	ssub.s32 s9, s10  }
0xa: {  	s8 =	smul.u32 $0x6200, s8;
	s10 =	simm.s32 $0x2;
	s9 =	smax.u32 s9, $0x1  }
.LBB2_1:
0xb: {  	s16 =	simm.s32 $0x0  }
.LBB2_2:
0xc: {  	s17 =	sshll.u32 s16, $0x9  }
0xd: {  	s17 =	sadd.s32 s8, s17  }
0xe: {  	s18 =	sshrl.u32 s17, $0x3  }
0xf: {  	s20 =	simm.s32 $0x0;
	s19 =	sadd.s32 s5, s18  }
0x10: {  	[tilespmem:s20], [sflag:$0x2] =	stream.linear.gather [hbm4b:s19+s20], $0x200, $0x38;
	[tilespmem:$0x10400] =	vst v63  }
0x11: {  	_ =	swait.ge [sflag:s10], $0x200  }
0x12: {  	[sflag:s10] =	ssyncset.done $0x0  }
0x13: {  	s18 =	sadd.s32 s6, s18;
	[sflag:s10] =	ssyncadd.s32 $0xFFFFFE00  }
0x14: {  	[tilespmem:s11], [sflag:$0x2] =	stream.linear.gather [hbm4b:s18+s20], $0x200, $0x38;
	[tilespmem:$0x10400] =	vst v63  }
0x15: {  	_ =	swait.ge [sflag:s10], $0x200  }
0x16: {  	[sflag:s10] =	ssyncset.done $0x0  }
0x17: {  	[sflag:s10] =	ssyncadd.s32 $0xFFFFFE00  }
0x18: {  	[tilespmem:s12], [sflag:$0x1] =	stream.indirect.gather [hbm4b:s3+s11], $0x40, s20, s11, $0xb8;
	[tilespmem:$0x10400] =	vst v63  }
0x19: {  	_ = 	snop  }
0x1a: {  	[tilespmem:s13], [sflag:$0x1] =	stream.indirect.gather [hbm4b:s4+s11], $0x40, s11, s11, $0xb8;
	[tilespmem:$0x10400] =	vst v63  }
0x1b: {  	_ =	swait.ge [sflag:s14], $0x8000  }
0x1c: {  	[sflag:s14] =	ssyncset.done $0x0  }
0x1d: {  	[sflag:s14] =	ssyncadd.s32 $0xFFFF8000  }
0x1e: {  	_ =	swait.ge [sflag:s14], $0x8000  }
0x1f: {  	[sflag:s14] =	ssyncset.done $0x0  }
0x20: {  	s18 =	simm.s32 $0x0;
	[sflag:s14] =	ssyncadd.s32 $0xFFFF8000  }
0x21: {  	v5 =	vld [tilespmem:s18+$0x8400]  }
0x22: {  	v6 =	vld [tilespmem:s18+$0x8410]  }
0x23: {  	v1 =	vld [tilespmem:s18+$0x8420]  }
0x24: {  	v0 =	vld [tilespmem:s18+$0x8430]  }
0x25: {  	v2 =	vld [tilespmem:s18+$0x400]  }
0x26: {  	v4 =	vld [tilespmem:s18+$0x410]  }
0x27: {  	s19 =	simm.s32 $0x100;
	v3 =	vld [tilespmem:s18+$0x420]  }
.LBB2_3:
0x28: {  	s20 =	sshra.s32 s19, $0x2;
	p0 =	sne.s32 s19, $0x1FF00;
	v7 =	vld [tilespmem:s18+$0x430];
	v8 =	vmov v1  }
0x29: {  	v9 =	vld [tilespmem:s20+$0x8400];
	v10 =	vmov v0  }
0x2a: {  	v11 =	vld [tilespmem:s20+$0x8410];
	v2 =	vadd.f32 v5, v2  }
.Ltmp0:
0x2b: {  	v1 =	vld [tilespmem:s20+$0x8420];
	v4 =	vadd.f32 v6, v4;
	(pc) =	sbr.rel @p0 .LBB2_3-.Ltmp0, $4  }
0x2c: {  	v0 =	vld [tilespmem:s20+$0x8430];
	[tilespmem:s18+$0x400] =	vst v2;
	v3 =	vadd.f32 v8, v3  }
0x2d: {  	v2 =	vld [tilespmem:s20+$0x400];
	[tilespmem:s18+$0x410] =	vst v4;
	v7 =	vadd.f32 v10, v7  }
0x2e: {  	v4 =	vld [tilespmem:s20+$0x410];
	[tilespmem:s18+$0x420] =	vst v3;
	v5 =	vmov v9  }
0x2f: {  	s19 =	sadd.s32 $0x100, s19;
	v3 =	vld [tilespmem:s20+$0x420];
	[tilespmem:s18+$0x430] =	vst v7;
	v6 =	vmov v11;
	s18 =	smov.u32 s20  }
0x30: {  	v7 =	vld [tilespmem:s18+$0x430];
	_ =	sdelay $0x1  }
0x31: {  	v2 =	vadd.f32 v5, v2  }
0x32: {  	v4 =	vadd.f32 v6, v4  }
0x33: {  	[tilespmem:s18+$0x400] =	vst v2;
	v1 =	vadd.f32 v1, v3  }
0x34: {  	s16 =	sadd.s32 $0x1, s16;
	[tilespmem:s18+$0x410] =	vst v4;
	v0 =	vadd.f32 v0, v7  }
0x35: {  	s17 =	sshll.u32 s17, $0x3;
	p0 =	sne.s32 s16, $0x31;
	[tilespmem:s18+$0x420] =	vst v1  }
.Ltmp1:
0x36: {  	s17 =	sadd.s32 s7, s17;
	[tilespmem:s18+$0x430] =	vst v0;
	(pc) =	sbr.rel @p0 .LBB2_2-.Ltmp1, $4  }
0x37: {  	[hbm4b:s17+s1] =	stream.linear.scatter [tilespmem:s12], [sflag:$0x2], $0x8000, $0x38;
	[tilespmem:$0x10400] =	vst v63  }
0x38: {  	_ =	swait.ge [sflag:s10], $0x8000  }
0x39: {  	[sflag:s10] =	ssyncset.done $0x0  }
0x3a: {  	[sflag:s10] =	ssyncadd.s32 $0xFFFF8000  }
0x3b: {  	s15 =	sadd.s32 $0x1, s15  }
0x3c: {  	p0 =	sne.s32 s15, s9  }
.Ltmp2:
0x3d: {  	_ = 	snop;
	(pc) =	sbr.rel @p0 .LBB2_1-.Ltmp2, $1  }
0x3e: {  	_ =	sdelay $0x3  }
0x3f: {  	_ =	sfence.sel $0x180000  }
0x40: {  	[bflag:$0x0] =	sbarrier.arrive $0xFFFF  }
0x41: {  	p0 =	sne.s32 s2, $0x0;
	_ =	strace $0x90000047  }
0x42: {  	s0 =	sadd.s32 @!p0 $0x100000, s0;
	[bflag:$0x2] =	sbarrier.arrive $0xFFFF  }
0x43: {  	[sflag:s0] =	ssyncadd.tile.s32 @!p0 $0x1;
	_ =	shalt  }
.Lfunc_end2:
_tile_overlayer_lowered:
.L_overlay_start_2:
0x44: {  	(tag) =	ssettag $0x2  }
0x45: {  	s0 =	rddreg [dreg:$0x0];
	s2 =	stileid.u32  }
0x46: {  	s1 =	rddreg [dreg:$0x1];
	p0 =	sne.s32 s2, $0x0  }
0x47: {  	s3 =	rddreg [dreg:$0x2];
	[bflag:$0x3] =	sbarrier.arrive $0xFFFF;
	s2 =	simm.s32 @!p0 $0x1C02  }
0x48: {  	[timem:s3], [sflag:s2] =	dma.local @!p0 [hbm:s0], s1  }
0x49: {  	s0 =	simm.s32 @!p0 $0x2  }
0x4a: {  	_ =	swait.ge @!p0 [sflag:s0], s1  }
0x4b: {  	s1 =	ssub.s32 @!p0 $0x0, s1;
	[sflag:s0] =	ssyncset.done @!p0 $0x0  }
0x4c: {  	[sflag:s0] =	ssyncadd.s32 @!p0 s1  }
0x4d: {  	[bflag:$0x3] =	sbarrier.arrive $0xFFFF  }
0x4e: {  	_ =	shalt  }

// kernel: kernel.33.cloned.1.call-start
scs
__scs_entry_jumppad:
0x0: {  	(pc) =	sbr.rel $0x88, $3  }
0x1: {  	(tag) =	ssettag $0x0;
	lr =	simm.s32 $0x1  }
0x2: {  	[smem:$0x3F4F] =	sst lr;
	_ =	strace $0xD0000000  }
0x3: {  	_ = 	snop  }
0x4: {  	_ = 	snop  }
0x5: {  	_ = 	snop  }
0x6: {  	_ = 	snop  }
0x7: {  	_ = 	snop  }
__scs_overlays_trampoline_lowered:
0x8: {  	[smem:$0x3F5E] =	sst s0  }
0x9: {  	[smem:$0x3F5F] =	sst s1  }
0xa: {  	[smem:$0x3F60] =	sst s2  }
0xb: {  	[smem:$0x3F61] =	sst s3  }
0xc: {  	[smem:$0x3F62] =	sst s4  }
0xd: {  	[smem:$0x3F63] =	sst s5  }
0xe: {  	[smem:$0x3F64] =	sst s6  }
0xf: {  	[smem:$0x3F65] =	sst s7  }
0x10: {  	[smem:$0x3F66] =	sst s8  }
0x11: {  	[smem:$0x3F67] =	sst s9;
	s0 =	simm.s32 @!p0 $0x0  }
0x12: {  	s1 =	sld [smem:$0x3F4D];
	s0 =	simm.s32 @p0 $0x1  }
0x13: {  	[smem:$0x3F68] =	sst s0;
	s0 =	simm.s32 @!p1 $0x0  }
0x14: {  	s2 =	sld [smem:$0x3F4C];
	s0 =	simm.s32 @p1 $0x1  }
0x15: {  	[smem:$0x3F69] =	sst s0;
	s0 =	simm.s32 @!p2 $0x0  }
0x16: {  	s3 =	sld [smem:$0x3FDB];
	s0 =	simm.s32 @p2 $0x1  }
0x17: {  	s4 =	simm.s32 $0x1BF5;
	[smem:$0x3F6B] =	sst s0  }
0x18: {  	s0 =	sld [smem:$0x3F4E];
	_ =	swait.ge [sflag:s4], $0x0  }
0x19: {  	s7 =	sld [smem:$0x3F4F]  }
0x1a: {  	s8 =	sadd.s32 $0xFFFFE003, lr  }
0x1b: {  	s9 =	sadd.s32 $0xFFFFFEF7, lr;
	s5 =	simm.s32 $0xFFFFFFFF;
	p2 =	slt.u32 s8, $0xFFFFF086  }
0x1c: {  	p1 =	slt.u32 s9, $0xF7A;
	s5 =	simm.s32 @!p2 $0x0  }
0x1d: {  	s5 =	simm.s32 @p1 $0x1;
	p0 =	seq.s32 s7, s2  }
0x1e: {  	s7 =	smul.u32 @!p0 $0xF7A, s2;
	p2 =	seq.s32 @!p0 s5, $0x0  }
0x1f: {  	s9 =	smul.u32 $0xF7A, s1;
	s8 =	simm.s32 @!p0 $0x1BF5;
	p2 =	por !p2, p0  }
0x20: {  	[sflag:s8] =	ssyncset.s32 @!p0 $0xFFFFF086;
	s6 =	sadd.s32 @!p0 s3, s7;
	s7 =	simm.s32 @!p0 $0x108  }
0x21: {  	s3 =	sadd.s32 s3, s9;
	s6 =	sadd.s32 @!p0 $0x88, s6;
	s7 =	simm.s32 @p2 $0x1082  }
0x22: {  	[simem:s7], [sflag:s8] =	dma.local @!p0 [hbm:s6], $0xF7A  }
0x23: {  	s9 =	sor.u32 $0xD0000000, s2;
	s6 =	simm.s32 $0x108;
	_ =	swait.ge @!p0 [sflag:s8], $0x0  }
0x24: {  	s3 =	sadd.s32 $0x88, s3;
	s6 =	simm.s32 @!p1 $0x1082;
	[sflag:s4] =	ssyncset.s32 $0xFFFFF086  }
0x25: {  	[simem:s6], [sflag:s4] =	dma.local [hbm:s3], $0xF7A  }
0x26: {  	[smem:$0x3F4F] =	sst s1;
	(tag) =	ssettag s2;
	_ =	strace s9  }
0x27: {  	s1 =	sld [smem:$0x3F5F]  }
0x28: {  	s2 =	sld [smem:$0x3F60]  }
0x29: {  	s4 =	sld [smem:$0x3F62]  }
0x2a: {  	p0 =	seq.s32 s5, $0x0;
	s5 =	sld [smem:$0x3F63]  }
0x2b: {  	s6 =	sld [smem:$0x3F64]  }
0x2c: {  	s7 =	sld [smem:$0x3F65]  }
0x2d: {  	s3 =	simm.s32 $0x108;
	s8 =	sld [smem:$0x3F66]  }
0x2e: {  	s3 =	simm.s32 @!p0 $0x1082;
	s9 =	sld [smem:$0x3F67]  }
0x2f: {  	lr =	sadd.s32 s0, s3;
	s0 =	sld [smem:$0x3F5E]  }
0x30: {  	s3 =	sld [smem:$0x3F61]  }
0x31: {  	[smem:$0x3F6A] =	sst s10  }
0x32: {  	s10 =	sld [smem:$0x3F68];
	_ =	sdelay $0x3  }
0x33: {  	p0 =	seq.s32 s10, $0x1;
	s10 =	sld [smem:$0x3F6A];
	_ =	sdelay $0x3  }
0x34: {  	[smem:$0x3F6A] =	sst s10  }
0x35: {  	s10 =	sld [smem:$0x3F69];
	_ =	sdelay $0x3  }
0x36: {  	p1 =	seq.s32 s10, $0x1;
	s10 =	sld [smem:$0x3F6A];
	_ =	sdelay $0x3  }
0x37: {  	[smem:$0x3F6A] =	sst s10  }
0x38: {  	s10 =	sld [smem:$0x3F6B]  }
0x39: {  	_ = 	snop;
	(pc) =	sbr.ind lr, $3  }
0x3a: {  	_ = 	snop  }
0x3b: {  	_ = 	snop  }
0x3c: {  	p2 =	seq.s32 s10, $0x1;
	s10 =	sld [smem:$0x3F6A]  }
0x3d: {  	_ =	shalt  }
0x3e: {  	_ =	shalt  }
0x3f: {  	_ =	shalt  }
0x40: {  	_ =	shalt  }
0x41: {  	_ =	shalt  }
0x42: {  	_ =	shalt  }
0x43: {  	_ =	shalt  }
0x44: {  	_ =	shalt  }
0x45: {  	_ =	shalt  }
0x46: {  	_ =	shalt  }
0x47: {  	_ =	shalt  }
0x48: {  	_ =	shalt  }
0x49: {  	_ =	shalt  }
0x4a: {  	_ =	shalt  }
0x4b: {  	_ =	shalt  }
0x4c: {  	_ =	shalt  }
0x4d: {  	_ =	shalt  }
0x4e: {  	_ =	shalt  }
0x4f: {  	_ =	shalt  }
0x50: {  	_ =	shalt  }
0x51: {  	_ =	shalt  }
0x52: {  	_ =	shalt  }
0x53: {  	_ =	shalt  }
0x54: {  	_ =	shalt  }
0x55: {  	_ =	shalt  }
0x56: {  	_ =	shalt  }
0x57: {  	_ =	shalt  }
0x58: {  	_ =	shalt  }
0x59: {  	_ =	shalt  }
0x5a: {  	_ =	shalt  }
0x5b: {  	_ =	shalt  }
0x5c: {  	_ =	shalt  }
0x5d: {  	_ =	shalt  }
0x5e: {  	_ =	shalt  }
0x5f: {  	_ =	shalt  }
0x60: {  	_ =	shalt  }
0x61: {  	_ =	shalt  }
0x62: {  	_ =	shalt  }
0x63: {  	_ =	shalt  }
0x64: {  	_ =	shalt  }
0x65: {  	_ =	shalt  }
0x66: {  	_ =	shalt  }
0x67: {  	_ =	shalt  }
0x68: {  	_ =	shalt  }
0x69: {  	_ =	shalt  }
0x6a: {  	_ =	shalt  }
0x6b: {  	_ =	shalt  }
0x6c: {  	_ =	shalt  }
0x6d: {  	_ =	shalt  }
0x6e: {  	_ =	shalt  }
0x6f: {  	_ =	shalt  }
0x70: {  	_ =	shalt  }
0x71: {  	_ =	shalt  }
0x72: {  	_ =	shalt  }
0x73: {  	_ =	shalt  }
0x74: {  	_ =	shalt  }
0x75: {  	_ =	shalt  }
0x76: {  	_ =	shalt  }
0x77: {  	_ =	shalt  }
0x78: {  	_ =	shalt  }
0x79: {  	_ =	shalt  }
0x7a: {  	_ =	shalt  }
0x7b: {  	_ =	shalt  }
0x7c: {  	_ =	shalt  }
0x7d: {  	_ =	shalt  }
0x7e: {  	_ =	shalt  }
0x7f: {  	_ =	shalt  }
0x80: {  	_ =	shalt  }
0x81: {  	_ =	shalt  }
0x82: {  	_ =	shalt  }
0x83: {  	_ =	shalt  }
0x84: {  	_ =	shalt  }
0x85: {  	_ =	shalt  }
0x86: {  	_ =	shalt  }
0x87: {  	_ =	shalt  }
.Lfunc_end0:
.L_simem_size_0:
called_computation.1_lowered:
.L_overlay_start_0:
0x88: {  	s2 =	sld [smem:$0x3FD9]  }
0x89: {  	s3 =	sld [smem:$0x3FFE];
	_ =	sdelay $0x1  }
0x8a: {  	s1 =	srdreg.scid  }
0x8b: {  	s0 =	sand.u32 $0x1, s1  }
0x8c: {  	s16 =	sshll.u32 s0, $0xA;
	s2 =	sadd.s32 s3, s2  }
0x8d: {  	s2 =	sadd.s32 s2, s16  }
0x8e: {  	[smem:$0x3F76] =	sst s2  }
0x8f: {  	_ = 	snop  }
0x90: {  	(tm) =	ssettm $0x1  }
0x91: {  	s17 =	sld [smem:$0x3FFB];
	_ =	sdelay $0x3  }
0x92: {  	_ =	strace s17  }
0x93: {  	s2 =	sld [smem:$0x3FFC];
	_ =	sdelay $0x3  }
0x94: {  	_ =	strace s2  }
0x95: {  	s2 =	sld [smem:$0x3FFD];
	_ =	sdelay $0x3  }
0x96: {  	_ =	strace s2  }
0x97: {  	_ =	strace $0x8FFFFFFF  }
0x98: {  	s18 =	sld [smem:$0x3FDB];
	_ =	sdelay $0x1  }
0x99: {  	s19 =	simm.s32 $_scs_section_size  }
0x9a: {  	s4 =	simm.s32 $_size__tile_overlayer_lowered;
	s5 =	simm.s32 $_tile_overlayer_lowered  }
0x9b: {  	s22 =	simm.s32 $0x1BFF;
	s21 =	sshll.u32 s5, $0x1;
	s2 =	sadd.s32 s19, s18  }
0x9c: {  	s6 =	simm.s32 $0x0;
	s20 =	sshll.u32 s4, $0x1;
	s4 =	sadd.s32 s21, s2  }
0x9d: {  	[timem:s6], [sflag:s22] =	dma.local [hbm:s4], s20  }
0x9e: {  	_ =	swait.ge [sflag:s22], s20  }
0x9f: {  	s3 =	ssub.s32 $0x0, s20;
	[sflag:s22] =	ssyncset.done $0x0  }
0xa0: {  	[sflag:s22] =	ssyncadd.s32 s3;
	_ =	sdelay $0x1  }
0xa1: {  	s23 =	simm.s32 $0x1B8B  }
0xa2: {  	_ =	swait.ge [sflag:s23], $0x1  }
0xa3: {  	[sflag:s23] =	ssyncset.done $0x0  }
0xa4: {  	s25 =	simm.s32 $0x1B8E;
	s24 =	sld [smem:$0x3FFE];
	[sflag:s23] =	ssyncadd.s32 $0xFFFFFFFF  }
0xa5: {  	s26 =	simm.s32 $execute0_lowered;
	[smem:$0x3FD2] =	sst s25  }
0xa6: {  	s4 =	sshll.u32 s26, $0x1;
	_ =	strace $0x80000049;
	[dreg:$0x1] =	wrdreg $0xFFFFFFFF  }
0xa7: {  	s28 =	simm.s32 $_size_execute0_lowered;
	s2 =	sadd.s32 s2, s4;
	[dreg:$0x0] =	wrdreg $0x0  }
0xa8: {  	s4 =	sshll.u32 s28, $0x1;
	[dreg:$0x2] =	wrdreg s2  }
0xa9: {  	[dreg:$0x3] =	wrdreg s4  }
0xaa: {  	[dreg:$0x4] =	wrdreg $0xC0  }
0xab: {  	_ =	task [dreg:s6], $0x5FFFF  }
0xac: {  	[dreg:$0x1] =	wrdreg $0xFFFFFFFF  }
0xad: {  	[dreg:$0x0] =	wrdreg $0x60  }
0xae: {  	[dreg:$0x2] =	wrdreg s24  }
0xaf: {  	[dreg:$0x3] =	wrdreg $0x108000  }
0xb0: {  	[dreg:$0x4] =	wrdreg $0x9  }
0xb1: {  	_ =	task.clear_ibuf [dreg:s6], $0x5FFFF;
	_ =	strace $0x90000049  }
0xb2: {  	s29 =	simm.s32 $0x9;
	_ =	strace $0x8000004B  }
0xb3: {  	_ =	swait.ge [sflag:s29], $0x1  }
0xb4: {  	[sflag:s29] =	ssyncadd.s32 $0xFFFFFFFF  }
0xb5: {  	_ =	strace $0x9000004B  }
0xb6: {  	_ =	sfence  }
0xb7: {  	s30 =	sld [smem:$0x0];
	_ =	sdelay $0x2  }
0xb8: {  	s31 =	sshll.u32 s1, $0xD;
	s1 =	sshrl.u32 s1, $0x2  }
0xb9: {  	s3 =	sand.u32 $0x4000, s31;
	s1 =	sadd.s32 s1, s30  }
0xba: {  	s0 =	sor.u32 s3, s0;
	s1 =	sshll.u32 s1, $0x11  }
0xbb: {  	s0 =	sor.u32 s1, s0  }
0xbc: {  	s0 =	sadd.s32 $0x8F2B, s0  }
0xbd: {  	[sflag:s0] =	ssyncadd.remote.s32 $0x1  }
0xbe: {  	_ =	sfence.sel $0xFFFF  }
0xbf: {  	[dreg:$0x0] =	wrdreg $0xFFFFFFFF;
	(pc) =	sbr.abs _section_cstart, $3  }
0xc0: {  	[dreg:$0x1] =	wrdreg $0xFFFFFFFF  }
0xc1: {  	_ =	task.clear_ibuf [dreg:s6], $0x2FFFF;
	_ =	strace $0x9FFFFFFF  }
0xc2: {  	(tm) =	ssettm $0x7FFFFFFF  }
0xc3: {  	_ =	shalt  }
tec
execute0_lowered:
.L_overlay_start_1:
0x0: {  	(tag) =	ssettag $0x1  }
0x1: {  	s0 =	srdreg.scid  }
0x2: {  	s4 =	rddreg [dreg:$0x0];
	s5 =	sand.u32 $0x1, s0  }
0x3: {  	s0 =	stileid.u32;
	s6 =	smul.u32 $0xC40000, s5  }
0x4: {  	s2 =	rddreg [dreg:$0x1];
	s7 =	smul.u32 $0xC4000, s0  }
0x5: {  	s1 =	rddreg [dreg:$0x2];
	s8 =	smul.u32 $0xC400, s0  }
0x6: {  	s3 =	simm.s32 $0x0;
	s11 =	simm.s32 $0x400;
	s31 =	smul.u32 $0xC4000, s5  }
0x7: {  	[smem:$0x7FF] =	sst s3;
	s9 =	smul.u32 $0x1880, s0;
	s5 =	ssub.s32 $0x2, s5  }
0x8: {  	s12 =	simm.s32 $0x0;
	_ =	strace $0x8000004A;
	s10 =	sshrl.u32 s5, $0x1  }
0x9: {  	s6 =	sadd.s32 s7, s6;
	s7 =	sadd.s32 s8, s31;
	s9 =	sadd.s32 s9, s4  }
0xa: {  	s10 =	ssub.s32 s5, s10;
	s6 =	sshrl.u32 s6, $0x3;
	s7 =	sshrl.u32 s7, $0x3  }
0xb: {  	s6 =	sadd.s32 s6, s4;
	s7 =	sadd.s32 s7, s4;
	s4 =	sadd.s32 s8, s2  }
0xc: {  	s8 =	sadd.s32 $0x134800, s9;
	s9 =	simm.s32 $0x4400;
	s5 =	sadd.s32 $0xD2C00, s7  }
0xd: {  	v0 =	vimm.f32 $0.0e+00;
	s6 =	sadd.s32 $0x99EA00, s6;
	s7 =	smax.u32 s10, $0x1;
	s10 =	simm.s32 $0x1  }
.LBB2_1:
0xe: {  	s13 =	simm.s32 $0x40;
	s14 =	simm.s32 $0x0  }
.LBB2_2:
0xf: {  	p0 =	sne.s32 s13, $0x30FC0;
	[tilespmem:s14+$0x4400] =	vst v0;
	s14 =	smov.u32 s13;
	s13 =	sadd.s32 $0x40, s13  }
.Ltmp0:
0x10: {  	(pc) =	sbr.rel @p0 .LBB2_2-.Ltmp0, $2  }
0x11: {  	_ =	sdelay $0x2  }
0x12: {  	s14 =	sshra.s32 s14, $0x2  }
0x13: {  	[tilespmem:s14+$0x4400] =	vst v0  }
0x14: {  	[spmem:s4] =	stream.linear.scatter [tilespmem:s9], [sflag:$0x1], $0xC400, $0x38;
	[tilespmem:$0x1CC00] =	vst v63  }
0x15: {  	_ =	swait.ge [sflag:s10], $0xC400  }
0x16: {  	[sflag:s10] =	ssyncset.done $0x0  }
0x17: {  	[sflag:s10] =	ssyncadd.s32 $0xFFFF3C00  }
0x18: {  	s13 =	sadd.s32 $0x0, s8;
	[bflag:$0x0] =	sbarrier.arrive $0xFFFF  }
0x19: {  	[tilespmem:s3], [sflag:$0x1] =	stream.linear.gather [hbm4b:s13+s3], $0x400, $0x38;
	[tilespmem:$0x1CC00] =	vst v63  }
0x1a: {  	_ =	swait.ge [sflag:s10], $0x400  }
0x1b: {  	[sflag:s10] =	ssyncset.done $0x0  }
0x1c: {  	[sflag:s10] =	ssyncadd.s32 $0xFFFFFC00  }
0x1d: {  	[tilespmem:s11], [sflag:$0x1] =	stream.linear.gather [hbm4b:s6+s3], $0x4000, $0x38;
	[tilespmem:$0x1CC00] =	vst v63  }
0x1e: {  	_ =	swait.ge [sflag:s10], $0x4000  }
0x1f: {  	[sflag:s10] =	ssyncset.done $0x0  }
0x20: {  	[sflag:s10] =	ssyncadd.s32 $0xFFFFC000  }
0x21: {  	[spmem:s2] =	stream.indirect.scatter.add.f32 [tilespmem:s11], [sflag:$0x1], $0x10, s3, s11, $0xb8;
	[tilespmem:$0x1CC00] =	vst v63  }
0x22: {  	s14 =	simm.s32 $0x80;
	_ =	swait.ge [sflag:s10], $0x4000  }
0x23: {  	s15 =	simm.s32 $0x100;
	s13 =	sadd.s32 $0x800, s6;
	[sflag:s10] =	ssyncset.done $0x0  }
.LBB2_4:
0x24: {  	s16 =	sadd.s32 s14, s8  }
0x25: {  	[sflag:s10] =	ssyncadd.s32 $0xFFFFC000;
	s14 =	smov.u32 s15;
	s17 =	sadd.s32 $0x80, s15  }
0x26: {  	[tilespmem:s3], [sflag:$0x1] =	stream.linear.gather [hbm4b:s16+s3], $0x400, $0x38;
	[tilespmem:$0x1CC00] =	vst v63  }
0x27: {  	p0 =	sne.s32 s15, $0x1800;
	_ =	swait.ge [sflag:s10], $0x400  }
0x28: {  	[sflag:s10] =	ssyncset.done $0x0  }
0x29: {  	[sflag:s10] =	ssyncadd.s32 $0xFFFFFC00  }
0x2a: {  	[tilespmem:s11], [sflag:$0x1] =	stream.linear.gather [hbm4b:s13+s3], $0x4000, $0x38;
	[tilespmem:$0x1CC00] =	vst v63  }
0x2b: {  	_ =	swait.ge [sflag:s10], $0x4000  }
.Ltmp1:
0x2c: {  	[sflag:s10] =	ssyncset.done $0x0;
	(pc) =	sbr.rel @p0 .LBB2_4-.Ltmp1, $4  }
0x2d: {  	[sflag:s10] =	ssyncadd.s32 $0xFFFFC000  }
0x2e: {  	[spmem:s2] =	stream.indirect.scatter.add.f32 [tilespmem:s11], [sflag:$0x1], $0x10, s3, s11, $0xb8;
	[tilespmem:$0x1CC00] =	vst v63  }
0x2f: {  	_ =	swait.ge [sflag:s10], $0x4000  }
0x30: {  	s15 =	smov.u32 s17;
	s13 =	sadd.s32 $0x800, s13;
	[sflag:s10] =	ssyncset.done $0x0  }
0x31: {  	s14 =	sadd.s32 s14, s8;
	[sflag:s10] =	ssyncadd.s32 $0xFFFFC000  }
0x32: {  	[tilespmem:s3], [sflag:$0x1] =	stream.linear.gather [hbm4b:s14+s3], $0x400, $0x38;
	[tilespmem:$0x1CC00] =	vst v63  }
0x33: {  	_ =	swait.ge [sflag:s10], $0x400  }
0x34: {  	[sflag:s10] =	ssyncset.done $0x0  }
0x35: {  	[sflag:s10] =	ssyncadd.s32 $0xFFFFFC00  }
0x36: {  	[tilespmem:s11], [sflag:$0x1] =	stream.linear.gather [hbm4b:s13+s3], $0x4000, $0x38;
	[tilespmem:$0x1CC00] =	vst v63  }
0x37: {  	_ =	swait.ge [sflag:s10], $0x4000  }
0x38: {  	[sflag:s10] =	ssyncset.done $0x0  }
0x39: {  	[sflag:s10] =	ssyncadd.s32 $0xFFFFC000  }
0x3a: {  	[spmem:s2] =	stream.indirect.scatter.add.f32 [tilespmem:s11], [sflag:$0x1], $0x10, s3, s11, $0xb8;
	[tilespmem:$0x1CC00] =	vst v63  }
0x3b: {  	_ =	swait.ge [sflag:s10], $0x4000  }
0x3c: {  	[sflag:s10] =	ssyncset.done $0x0  }
0x3d: {  	[sflag:s10] =	ssyncadd.s32 $0xFFFFC000  }
0x3e: {  	[bflag:$0x0] =	sbarrier.arrive $0xFFFF  }
0x3f: {  	[tilespmem:s9], [sflag:$0x1] =	stream.linear.gather [spmem:s4], $0xC400, $0x38;
	[tilespmem:$0x1CC00] =	vst v63  }
0x40: {  	s12 =	sadd.s32 $0x1, s12;
	_ =	swait.ge [sflag:s10], $0xC400  }
0x41: {  	p0 =	sne.s32 s12, s7;
	[sflag:s10] =	ssyncset.done $0x0  }
.Ltmp2:
0x42: {  	[sflag:s10] =	ssyncadd.s32 $0xFFFF3C00;
	(pc) =	sbr.rel @p0 .LBB2_1-.Ltmp2, $4  }
0x43: {  	[hbm4b:s5+s3] =	stream.linear.scatter [tilespmem:s9], [sflag:$0x1], $0xC400, $0x38;
	[tilespmem:$0x1CC00] =	vst v63  }
0x44: {  	_ =	swait.ge [sflag:s10], $0xC400  }
0x45: {  	[sflag:s10] =	ssyncset.done $0x0  }
0x46: {  	[sflag:s10] =	ssyncadd.s32 $0xFFFF3C00  }
0x47: {  	_ =	sfence.sel $0x180000  }
0x48: {  	[bflag:$0x0] =	sbarrier.arrive $0xFFFF  }
0x49: {  	p0 =	sne.s32 s0, $0x0;
	_ =	strace $0x9000004A  }
0x4a: {  	s0 =	sadd.s32 @!p0 $0x100000, s1;
	[bflag:$0x2] =	sbarrier.arrive $0xFFFF  }
0x4b: {  	[sflag:s0] =	ssyncadd.tile.s32 @!p0 $0x1;
	_ =	shalt  }
.Lfunc_end2:
_tile_overlayer_lowered:
.L_overlay_start_2:
0x4c: {  	(tag) =	ssettag $0x2  }
0x4d: {  	s0 =	rddreg [dreg:$0x0];
	s2 =	stileid.u32  }
0x4e: {  	s1 =	rddreg [dreg:$0x1];
	p0 =	sne.s32 s2, $0x0  }
0x4f: {  	s3 =	rddreg [dreg:$0x2];
	[bflag:$0x3] =	sbarrier.arrive $0xFFFF;
	s2 =	simm.s32 @!p0 $0x1C01  }
0x50: {  	[timem:s3], [sflag:s2] =	dma.local @!p0 [hbm:s0], s1  }
0x51: {  	s0 =	simm.s32 @!p0 $0x1  }
0x52: {  	_ =	swait.ge @!p0 [sflag:s0], s1  }
0x53: {  	s1 =	ssub.s32 @!p0 $0x0, s1;
	[sflag:s0] =	ssyncset.done @!p0 $0x0  }
0x54: {  	[sflag:s0] =	ssyncadd.s32 @!p0 s1  }
0x55: {  	[bflag:$0x3] =	sbarrier.arrive $0xFFFF  }
0x56: {  	_ =	shalt  }

// kernel: kernel.36.cloned.1.call-start
scs
__scs_entry_jumppad:
0x0: {  	(pc) =	sbr.rel $0x88, $3  }
0x1: {  	(tag) =	ssettag $0x0;
	lr =	simm.s32 $0x1  }
0x2: {  	[smem:$0x3F4F] =	sst lr;
	_ =	strace $0xD0000000  }
0x3: {  	_ = 	snop  }
0x4: {  	_ = 	snop  }
0x5: {  	_ = 	snop  }
0x6: {  	_ = 	snop  }
0x7: {  	_ = 	snop  }
__scs_overlays_trampoline_lowered:
0x8: {  	[smem:$0x3F5E] =	sst s0  }
0x9: {  	[smem:$0x3F5F] =	sst s1  }
0xa: {  	[smem:$0x3F60] =	sst s2  }
0xb: {  	[smem:$0x3F61] =	sst s3  }
0xc: {  	[smem:$0x3F62] =	sst s4  }
0xd: {  	[smem:$0x3F63] =	sst s5  }
0xe: {  	[smem:$0x3F64] =	sst s6  }
0xf: {  	[smem:$0x3F65] =	sst s7  }
0x10: {  	[smem:$0x3F66] =	sst s8  }
0x11: {  	[smem:$0x3F67] =	sst s9;
	s0 =	simm.s32 @!p0 $0x0  }
0x12: {  	s1 =	sld [smem:$0x3F4D];
	s0 =	simm.s32 @p0 $0x1  }
0x13: {  	[smem:$0x3F68] =	sst s0;
	s0 =	simm.s32 @!p1 $0x0  }
0x14: {  	s2 =	sld [smem:$0x3F4C];
	s0 =	simm.s32 @p1 $0x1  }
0x15: {  	[smem:$0x3F69] =	sst s0;
	s0 =	simm.s32 @!p2 $0x0  }
0x16: {  	s3 =	sld [smem:$0x3FDB];
	s0 =	simm.s32 @p2 $0x1  }
0x17: {  	s4 =	simm.s32 $0x1BF5;
	[smem:$0x3F6B] =	sst s0  }
0x18: {  	s0 =	sld [smem:$0x3F4E];
	_ =	swait.ge [sflag:s4], $0x0  }
0x19: {  	s7 =	sld [smem:$0x3F4F]  }
0x1a: {  	s8 =	sadd.s32 $0xFFFFE003, lr  }
0x1b: {  	s9 =	sadd.s32 $0xFFFFFEF7, lr;
	s5 =	simm.s32 $0xFFFFFFFF;
	p2 =	slt.u32 s8, $0xFFFFF086  }
0x1c: {  	p1 =	slt.u32 s9, $0xF7A;
	s5 =	simm.s32 @!p2 $0x0  }
0x1d: {  	s5 =	simm.s32 @p1 $0x1;
	p0 =	seq.s32 s7, s2  }
0x1e: {  	s7 =	smul.u32 @!p0 $0xF7A, s2;
	p2 =	seq.s32 @!p0 s5, $0x0  }
0x1f: {  	s9 =	smul.u32 $0xF7A, s1;
	s8 =	simm.s32 @!p0 $0x1BF5;
	p2 =	por !p2, p0  }
0x20: {  	[sflag:s8] =	ssyncset.s32 @!p0 $0xFFFFF086;
	s6 =	sadd.s32 @!p0 s3, s7;
	s7 =	simm.s32 @!p0 $0x108  }
0x21: {  	s3 =	sadd.s32 s3, s9;
	s6 =	sadd.s32 @!p0 $0x88, s6;
	s7 =	simm.s32 @p2 $0x1082  }
0x22: {  	[simem:s7], [sflag:s8] =	dma.local @!p0 [hbm:s6], $0xF7A  }
0x23: {  	s9 =	sor.u32 $0xD0000000, s2;
	s6 =	simm.s32 $0x108;
	_ =	swait.ge @!p0 [sflag:s8], $0x0  }
0x24: {  	s3 =	sadd.s32 $0x88, s3;
	s6 =	simm.s32 @!p1 $0x1082;
	[sflag:s4] =	ssyncset.s32 $0xFFFFF086  }
0x25: {  	[simem:s6], [sflag:s4] =	dma.local [hbm:s3], $0xF7A  }
0x26: {  	[smem:$0x3F4F] =	sst s1;
	(tag) =	ssettag s2;
	_ =	strace s9  }
0x27: {  	s1 =	sld [smem:$0x3F5F]  }
0x28: {  	s2 =	sld [smem:$0x3F60]  }
0x29: {  	s4 =	sld [smem:$0x3F62]  }
0x2a: {  	p0 =	seq.s32 s5, $0x0;
	s5 =	sld [smem:$0x3F63]  }
0x2b: {  	s6 =	sld [smem:$0x3F64]  }
0x2c: {  	s7 =	sld [smem:$0x3F65]  }
0x2d: {  	s3 =	simm.s32 $0x108;
	s8 =	sld [smem:$0x3F66]  }
0x2e: {  	s3 =	simm.s32 @!p0 $0x1082;
	s9 =	sld [smem:$0x3F67]  }
0x2f: {  	lr =	sadd.s32 s0, s3;
	s0 =	sld [smem:$0x3F5E]  }
0x30: {  	s3 =	sld [smem:$0x3F61]  }
0x31: {  	[smem:$0x3F6A] =	sst s10  }
0x32: {  	s10 =	sld [smem:$0x3F68];
	_ =	sdelay $0x3  }
0x33: {  	p0 =	seq.s32 s10, $0x1;
	s10 =	sld [smem:$0x3F6A];
	_ =	sdelay $0x3  }
0x34: {  	[smem:$0x3F6A] =	sst s10  }
0x35: {  	s10 =	sld [smem:$0x3F69];
	_ =	sdelay $0x3  }
0x36: {  	p1 =	seq.s32 s10, $0x1;
	s10 =	sld [smem:$0x3F6A];
	_ =	sdelay $0x3  }
0x37: {  	[smem:$0x3F6A] =	sst s10  }
0x38: {  	s10 =	sld [smem:$0x3F6B]  }
0x39: {  	_ = 	snop;
	(pc) =	sbr.ind lr, $3  }
0x3a: {  	_ = 	snop  }
0x3b: {  	_ = 	snop  }
0x3c: {  	p2 =	seq.s32 s10, $0x1;
	s10 =	sld [smem:$0x3F6A]  }
0x3d: {  	_ =	shalt  }
0x3e: {  	_ =	shalt  }
0x3f: {  	_ =	shalt  }
0x40: {  	_ =	shalt  }
0x41: {  	_ =	shalt  }
0x42: {  	_ =	shalt  }
0x43: {  	_ =	shalt  }
0x44: {  	_ =	shalt  }
0x45: {  	_ =	shalt  }
0x46: {  	_ =	shalt  }
0x47: {  	_ =	shalt  }
0x48: {  	_ =	shalt  }
0x49: {  	_ =	shalt  }
0x4a: {  	_ =	shalt  }
0x4b: {  	_ =	shalt  }
0x4c: {  	_ =	shalt  }
0x4d: {  	_ =	shalt  }
0x4e: {  	_ =	shalt  }
0x4f: {  	_ =	shalt  }
0x50: {  	_ =	shalt  }
0x51: {  	_ =	shalt  }
0x52: {  	_ =	shalt  }
0x53: {  	_ =	shalt  }
0x54: {  	_ =	shalt  }
0x55: {  	_ =	shalt  }
0x56: {  	_ =	shalt  }
0x57: {  	_ =	shalt  }
0x58: {  	_ =	shalt  }
0x59: {  	_ =	shalt  }
0x5a: {  	_ =	shalt  }
0x5b: {  	_ =	shalt  }
0x5c: {  	_ =	shalt  }
0x5d: {  	_ =	shalt  }
0x5e: {  	_ =	shalt  }
0x5f: {  	_ =	shalt  }
0x60: {  	_ =	shalt  }
0x61: {  	_ =	shalt  }
0x62: {  	_ =	shalt  }
0x63: {  	_ =	shalt  }
0x64: {  	_ =	shalt  }
0x65: {  	_ =	shalt  }
0x66: {  	_ =	shalt  }
0x67: {  	_ =	shalt  }
0x68: {  	_ =	shalt  }
0x69: {  	_ =	shalt  }
0x6a: {  	_ =	shalt  }
0x6b: {  	_ =	shalt  }
0x6c: {  	_ =	shalt  }
0x6d: {  	_ =	shalt  }
0x6e: {  	_ =	shalt  }
0x6f: {  	_ =	shalt  }
0x70: {  	_ =	shalt  }
0x71: {  	_ =	shalt  }
0x72: {  	_ =	shalt  }
0x73: {  	_ =	shalt  }
0x74: {  	_ =	shalt  }
0x75: {  	_ =	shalt  }
0x76: {  	_ =	shalt  }
0x77: {  	_ =	shalt  }
0x78: {  	_ =	shalt  }
0x79: {  	_ =	shalt  }
0x7a: {  	_ =	shalt  }
0x7b: {  	_ =	shalt  }
0x7c: {  	_ =	shalt  }
0x7d: {  	_ =	shalt  }
0x7e: {  	_ =	shalt  }
0x7f: {  	_ =	shalt  }
0x80: {  	_ =	shalt  }
0x81: {  	_ =	shalt  }
0x82: {  	_ =	shalt  }
0x83: {  	_ =	shalt  }
0x84: {  	_ =	shalt  }
0x85: {  	_ =	shalt  }
0x86: {  	_ =	shalt  }
0x87: {  	_ =	shalt  }
.Lfunc_end0:
.L_simem_size_0:
called_computation.2_lowered:
.L_overlay_start_0:
0x88: {  	s2 =	sld [smem:$0x3FD9]  }
0x89: {  	s3 =	sld [smem:$0x3FFE];
	_ =	sdelay $0x1  }
0x8a: {  	s1 =	srdreg.scid  }
0x8b: {  	s0 =	sand.u32 $0x1, s1  }
0x8c: {  	s17 =	sshll.u32 s0, $0xA;
	s2 =	sadd.s32 s3, s2  }
0x8d: {  	s2 =	sadd.s32 s2, s17  }
0x8e: {  	[smem:$0x3F76] =	sst s2  }
0x8f: {  	_ = 	snop  }
0x90: {  	(tm) =	ssettm $0x1  }
0x91: {  	s18 =	sld [smem:$0x3FFB];
	_ =	sdelay $0x3  }
0x92: {  	_ =	strace s18  }
0x93: {  	s2 =	sld [smem:$0x3FFC];
	_ =	sdelay $0x3  }
0x94: {  	_ =	strace s2  }
0x95: {  	s2 =	sld [smem:$0x3FFD];
	_ =	sdelay $0x3  }
0x96: {  	_ =	strace s2  }
0x97: {  	_ =	strace $0x8FFFFFFF  }
0x98: {  	s19 =	sld [smem:$0x3FDB];
	_ =	sdelay $0x1  }
0x99: {  	s20 =	simm.s32 $_scs_section_size  }
0x9a: {  	s4 =	simm.s32 $_size__tile_overlayer_lowered;
	s5 =	simm.s32 $_tile_overlayer_lowered  }
0x9b: {  	s6 =	simm.s32 $0x1BFF;
	s21 =	sshll.u32 s5, $0x1;
	s3 =	sadd.s32 s20, s19  }
0x9c: {  	s22 =	simm.s32 $0x0;
	s4 =	sshll.u32 s4, $0x1;
	s5 =	sadd.s32 s21, s3  }
0x9d: {  	[timem:s22], [sflag:s6] =	dma.local [hbm:s5], s4  }
0x9e: {  	_ =	swait.ge [sflag:s6], s4  }
0x9f: {  	s4 =	ssub.s32 $0x0, s4;
	[sflag:s6] =	ssyncset.done $0x0  }
0xa0: {  	[sflag:s6] =	ssyncadd.s32 s4;
	_ =	sdelay $0x1  }
0xa1: {  	s23 =	simm.s32 $0x1B8B  }
0xa2: {  	_ =	swait.ge [sflag:s23], $0x1  }
0xa3: {  	[sflag:s23] =	ssyncset.done $0x0  }
0xa4: {  	[sflag:s23] =	ssyncadd.s32 $0xFFFFFFFF  }
0xa5: {  	s4 =	sld [smem:$0x0]  }
0xa6: {  	s5 =	sand.u32 $0xFFFFFFFE, s1  }
0xa7: {  	p0 =	sne.s32 s1, s5  }
0xa8: {  	s5 =	sshll.u32 @p0 s5, $0xE  }
0xa9: {  	s5 =	sadd.s32 @p0 $0x11B8D, s5;
	s6 =	sshll.u32 @p0 s4, $0x11  }
0xaa: {  	s5 =	sor.u32 @p0 s6, s5  }
0xab: {  	[sflag:s5] =	ssyncadd.remote.s32 @p0 $0x1;
	_ =	sdelay $0x1  }
0xac: {  	s5 =	simm.s32 @p0 $0x1B8D  }
0xad: {  	_ =	swait.eq @p0 [sflag:s5], $0x1  }
0xae: {  	[sflag:s5] =	ssyncadd.s32 @p0 $0xFFFFFFFF  }
0xaf: {  	s6 =	sshll.u32 @!p0 s1, $0xE  }
0xb0: {  	s6 =	sor.u32 @!p0 $0x4000, s6;
	s5 =	simm.s32 @!p0 $0x1B8D  }
0xb1: {  	s4 =	sshll.u32 @!p0 s4, $0x11;
	s6 =	sadd.s32 @!p0 $0x11B8D, s6;
	_ =	swait.eq @!p0 [sflag:s5], $0x1  }
0xb2: {  	s4 =	sor.u32 @!p0 s4, s6;
	[sflag:s5] =	ssyncadd.s32 @!p0 $0xFFFFFFFF  }
0xb3: {  	s25 =	simm.s32 $0x1B8E;
	s24 =	sld [smem:$0x3FFE];
	[sflag:s4] =	ssyncadd.remote.s32 @!p0 $0x1  }
0xb4: {  	s26 =	simm.s32 $execute0_lowered;
	[smem:$0x3FD2] =	sst s25  }
0xb5: {  	s5 =	sshll.u32 s26, $0x1;
	_ =	strace $0x8000004C;
	[dreg:$0x1] =	wrdreg $0xFFFFFFFF  }
0xb6: {  	s28 =	simm.s32 $_size_execute0_lowered;
	s3 =	sadd.s32 s3, s5;
	[dreg:$0x0] =	wrdreg $0x0  }
0xb7: {  	s5 =	sshll.u32 s28, $0x1;
	[dreg:$0x2] =	wrdreg s3  }
0xb8: {  	[dreg:$0x3] =	wrdreg s5  }
0xb9: {  	[dreg:$0x4] =	wrdreg $0xC0  }
0xba: {  	_ =	task [dreg:s22], $0x5FFFF  }
0xbb: {  	[dreg:$0x1] =	wrdreg $0xFFFFFFFF  }
0xbc: {  	[dreg:$0x0] =	wrdreg $0x60  }
0xbd: {  	[dreg:$0x2] =	wrdreg s24  }
0xbe: {  	[dreg:$0x3] =	wrdreg $0x108000  }
0xbf: {  	[dreg:$0x4] =	wrdreg $0xA  }
0xc0: {  	_ =	task.clear_ibuf [dreg:s22], $0x5FFFF;
	_ =	strace $0x9000004C  }
0xc1: {  	s29 =	simm.s32 $0xA;
	_ =	strace $0x8000004E  }
0xc2: {  	_ =	swait.ge [sflag:s29], $0x1  }
0xc3: {  	[sflag:s29] =	ssyncadd.s32 $0xFFFFFFFF  }
0xc4: {  	_ =	strace $0x9000004E  }
0xc5: {  	_ =	sfence  }
0xc6: {  	s30 =	sld [smem:$0x0];
	_ =	sdelay $0x2  }
0xc7: {  	s31 =	sshll.u32 s1, $0xD;
	s1 =	sshrl.u32 s1, $0x2  }
0xc8: {  	s4 =	sand.u32 $0x4000, s31;
	s1 =	sadd.s32 s1, s30  }
0xc9: {  	s0 =	sor.u32 s4, s0;
	s1 =	sshll.u32 s1, $0x11  }
0xca: {  	s0 =	sor.u32 s1, s0  }
0xcb: {  	s0 =	sadd.s32 $0x8F2B, s0  }
0xcc: {  	[sflag:s0] =	ssyncadd.remote.s32 $0x1  }
0xcd: {  	_ =	sfence.sel $0xFFFF  }
0xce: {  	[dreg:$0x0] =	wrdreg $0xFFFFFFFF;
	(pc) =	sbr.abs _section_cstart, $3  }
0xcf: {  	[dreg:$0x1] =	wrdreg $0xFFFFFFFF  }
0xd0: {  	_ =	task.clear_ibuf [dreg:s22], $0x2FFFF;
	_ =	strace $0x9FFFFFFF  }
0xd1: {  	(tm) =	ssettm $0x7FFFFFFF  }
tec
execute0_lowered:
.L_overlay_start_1:
0x0: {  	(tag) =	ssettag $0x1  }
0x1: {  	s0 =	srdreg.scid  }
0x2: {  	s4 =	rddreg [dreg:$0x0];
	s5 =	sand.u32 $0x1, s0  }
0x3: {  	s0 =	stileid.u32;
	s6 =	smul.u32 $0xC40000, s5  }
0x4: {  	s2 =	rddreg [dreg:$0x1];
	s7 =	smul.u32 $0xC4000, s0  }
0x5: {  	s1 =	rddreg [dreg:$0x2];
	s8 =	smul.u32 $0xC400, s0  }
0x6: {  	s3 =	simm.s32 $0x0;
	s11 =	simm.s32 $0x400;
	s31 =	smul.u32 $0xC4000, s5  }
0x7: {  	[smem:$0x7FF] =	sst s3;
	s9 =	smul.u32 $0x1880, s0;
	s5 =	ssub.s32 $0x2, s5  }
0x8: {  	s12 =	simm.s32 $0x0;
	_ =	strace $0x8000004D;
	s10 =	sshrl.u32 s5, $0x1  }
0x9: {  	s6 =	sadd.s32 s7, s6;
	s7 =	sadd.s32 s8, s31;
	s9 =	sadd.s32 s9, s4  }
0xa: {  	s10 =	ssub.s32 s5, s10;
	s6 =	sshrl.u32 s6, $0x3;
	s7 =	sshrl.u32 s7, $0x3  }
0xb: {  	s6 =	sadd.s32 s6, s4;
	s7 =	sadd.s32 s7, s4;
	s4 =	sadd.s32 s8, s2  }
0xc: {  	s8 =	sadd.s32 $0x134800, s9;
	s9 =	simm.s32 $0x4400;
	s5 =	sadd.s32 $0x272000, s7  }
0xd: {  	v0 =	vimm.f32 $0.0e+00;
	s6 =	sadd.s32 $0xCAEA00, s6;
	s7 =	smax.u32 s10, $0x1;
	s10 =	simm.s32 $0x1  }
.LBB2_1:
0xe: {  	s13 =	simm.s32 $0x40;
	s14 =	simm.s32 $0x0  }
.LBB2_2:
0xf: {  	p0 =	sne.s32 s13, $0x30FC0;
	[tilespmem:s14+$0x4400] =	vst v0;
	s14 =	smov.u32 s13;
	s13 =	sadd.s32 $0x40, s13  }
.Ltmp0:
0x10: {  	(pc) =	sbr.rel @p0 .LBB2_2-.Ltmp0, $2  }
0x11: {  	_ =	sdelay $0x2  }
0x12: {  	s14 =	sshra.s32 s14, $0x2  }
0x13: {  	[tilespmem:s14+$0x4400] =	vst v0  }
0x14: {  	[spmem:s4] =	stream.linear.scatter [tilespmem:s9], [sflag:$0x1], $0xC400, $0x38;
	[tilespmem:$0x1CC00] =	vst v63  }
0x15: {  	_ =	swait.ge [sflag:s10], $0xC400  }
0x16: {  	[sflag:s10] =	ssyncset.done $0x0  }
0x17: {  	[sflag:s10] =	ssyncadd.s32 $0xFFFF3C00  }
0x18: {  	s13 =	sadd.s32 $0x0, s8;
	[bflag:$0x0] =	sbarrier.arrive $0xFFFF  }
0x19: {  	[tilespmem:s3], [sflag:$0x1] =	stream.linear.gather [hbm4b:s13+s3], $0x400, $0x38;
	[tilespmem:$0x1CC00] =	vst v63  }
0x1a: {  	_ =	swait.ge [sflag:s10], $0x400  }
0x1b: {  	[sflag:s10] =	ssyncset.done $0x0  }
0x1c: {  	[sflag:s10] =	ssyncadd.s32 $0xFFFFFC00  }
0x1d: {  	[tilespmem:s11], [sflag:$0x1] =	stream.linear.gather [hbm4b:s6+s3], $0x4000, $0x38;
	[tilespmem:$0x1CC00] =	vst v63  }
0x1e: {  	_ =	swait.ge [sflag:s10], $0x4000  }
0x1f: {  	[sflag:s10] =	ssyncset.done $0x0  }
0x20: {  	[sflag:s10] =	ssyncadd.s32 $0xFFFFC000  }
0x21: {  	[spmem:s2] =	stream.indirect.scatter.add.f32 [tilespmem:s11], [sflag:$0x1], $0x10, s3, s11, $0xb8;
	[tilespmem:$0x1CC00] =	vst v63  }
0x22: {  	s14 =	simm.s32 $0x80;
	_ =	swait.ge [sflag:s10], $0x4000  }
0x23: {  	s15 =	simm.s32 $0x100;
	s13 =	sadd.s32 $0x800, s6;
	[sflag:s10] =	ssyncset.done $0x0  }
.LBB2_4:
0x24: {  	s16 =	sadd.s32 s14, s8  }
0x25: {  	[sflag:s10] =	ssyncadd.s32 $0xFFFFC000;
	s14 =	smov.u32 s15;
	s17 =	sadd.s32 $0x80, s15  }
0x26: {  	[tilespmem:s3], [sflag:$0x1] =	stream.linear.gather [hbm4b:s16+s3], $0x400, $0x38;
	[tilespmem:$0x1CC00] =	vst v63  }
0x27: {  	p0 =	sne.s32 s15, $0x1800;
	_ =	swait.ge [sflag:s10], $0x400  }
0x28: {  	[sflag:s10] =	ssyncset.done $0x0  }
0x29: {  	[sflag:s10] =	ssyncadd.s32 $0xFFFFFC00  }
0x2a: {  	[tilespmem:s11], [sflag:$0x1] =	stream.linear.gather [hbm4b:s13+s3], $0x4000, $0x38;
	[tilespmem:$0x1CC00] =	vst v63  }
0x2b: {  	_ =	swait.ge [sflag:s10], $0x4000  }
.Ltmp1:
0x2c: {  	[sflag:s10] =	ssyncset.done $0x0;
	(pc) =	sbr.rel @p0 .LBB2_4-.Ltmp1, $4  }
0x2d: {  	[sflag:s10] =	ssyncadd.s32 $0xFFFFC000  }
0x2e: {  	[spmem:s2] =	stream.indirect.scatter.add.f32 [tilespmem:s11], [sflag:$0x1], $0x10, s3, s11, $0xb8;
	[tilespmem:$0x1CC00] =	vst v63  }
0x2f: {  	_ =	swait.ge [sflag:s10], $0x4000  }
0x30: {  	s15 =	smov.u32 s17;
	s13 =	sadd.s32 $0x800, s13;
	[sflag:s10] =	ssyncset.done $0x0  }
0x31: {  	s14 =	sadd.s32 s14, s8;
	[sflag:s10] =	ssyncadd.s32 $0xFFFFC000  }
0x32: {  	[tilespmem:s3], [sflag:$0x1] =	stream.linear.gather [hbm4b:s14+s3], $0x400, $0x38;
	[tilespmem:$0x1CC00] =	vst v63  }
0x33: {  	_ =	swait.ge [sflag:s10], $0x400  }
0x34: {  	[sflag:s10] =	ssyncset.done $0x0  }
0x35: {  	[sflag:s10] =	ssyncadd.s32 $0xFFFFFC00  }
0x36: {  	[tilespmem:s11], [sflag:$0x1] =	stream.linear.gather [hbm4b:s13+s3], $0x4000, $0x38;
	[tilespmem:$0x1CC00] =	vst v63  }
0x37: {  	_ =	swait.ge [sflag:s10], $0x4000  }
0x38: {  	[sflag:s10] =	ssyncset.done $0x0  }
0x39: {  	[sflag:s10] =	ssyncadd.s32 $0xFFFFC000  }
0x3a: {  	[spmem:s2] =	stream.indirect.scatter.add.f32 [tilespmem:s11], [sflag:$0x1], $0x10, s3, s11, $0xb8;
	[tilespmem:$0x1CC00] =	vst v63  }
0x3b: {  	_ =	swait.ge [sflag:s10], $0x4000  }
0x3c: {  	[sflag:s10] =	ssyncset.done $0x0  }
0x3d: {  	[sflag:s10] =	ssyncadd.s32 $0xFFFFC000  }
0x3e: {  	[bflag:$0x0] =	sbarrier.arrive $0xFFFF  }
0x3f: {  	[tilespmem:s9], [sflag:$0x1] =	stream.linear.gather [spmem:s4], $0xC400, $0x38;
	[tilespmem:$0x1CC00] =	vst v63  }
0x40: {  	s12 =	sadd.s32 $0x1, s12;
	_ =	swait.ge [sflag:s10], $0xC400  }
0x41: {  	p0 =	sne.s32 s12, s7;
	[sflag:s10] =	ssyncset.done $0x0  }
.Ltmp2:
0x42: {  	[sflag:s10] =	ssyncadd.s32 $0xFFFF3C00;
	(pc) =	sbr.rel @p0 .LBB2_1-.Ltmp2, $4  }
0x43: {  	[hbm4b:s5+s3] =	stream.linear.scatter [tilespmem:s9], [sflag:$0x1], $0xC400, $0x38;
	[tilespmem:$0x1CC00] =	vst v63  }
0x44: {  	_ =	swait.ge [sflag:s10], $0xC400  }
0x45: {  	[sflag:s10] =	ssyncset.done $0x0  }
0x46: {  	[sflag:s10] =	ssyncadd.s32 $0xFFFF3C00  }
0x47: {  	_ =	sfence.sel $0x180000  }
0x48: {  	[bflag:$0x0] =	sbarrier.arrive $0xFFFF  }
0x49: {  	p0 =	sne.s32 s0, $0x0;
	_ =	strace $0x9000004D  }
0x4a: {  	s0 =	sadd.s32 @!p0 $0x100000, s1;
	[bflag:$0x2] =	sbarrier.arrive $0xFFFF  }
0x4b: {  	[sflag:s0] =	ssyncadd.tile.s32 @!p0 $0x1;
	_ =	shalt  }
.Lfunc_end2:
_tile_overlayer_lowered:
.L_overlay_start_2:
0x4c: {  	(tag) =	ssettag $0x2  }
0x4d: {  	s0 =	rddreg [dreg:$0x0];
	s2 =	stileid.u32  }
0x4e: {  	s1 =	rddreg [dreg:$0x1];
	p0 =	sne.s32 s2, $0x0  }
0x4f: {  	s3 =	rddreg [dreg:$0x2];
	[bflag:$0x3] =	sbarrier.arrive $0xFFFF;
	s2 =	simm.s32 @!p0 $0x1C01  }
0x50: {  	[timem:s3], [sflag:s2] =	dma.local @!p0 [hbm:s0], s1  }
0x51: {  	s0 =	simm.s32 @!p0 $0x1  }
0x52: {  	_ =	swait.ge @!p0 [sflag:s0], s1  }
0x53: {  	s1 =	ssub.s32 @!p0 $0x0, s1;
	[sflag:s0] =	ssyncset.done @!p0 $0x0  }
0x54: {  	[sflag:s0] =	ssyncadd.s32 @!p0 s1  }
0x55: {  	[bflag:$0x3] =	sbarrier.arrive $0xFFFF  }
0x56: {  	_ =	shalt  }

// kernel: kernel.39.cloned.1.call-start
scs
__scs_entry_jumppad:
0x0: {  	(pc) =	sbr.rel $0x88, $3  }
0x1: {  	(tag) =	ssettag $0x0;
	lr =	simm.s32 $0x1  }
0x2: {  	[smem:$0x3F4F] =	sst lr;
	_ =	strace $0xD0000000  }
0x3: {  	_ = 	snop  }
0x4: {  	_ = 	snop  }
0x5: {  	_ = 	snop  }
0x6: {  	_ = 	snop  }
0x7: {  	_ = 	snop  }
__scs_overlays_trampoline_lowered:
0x8: {  	[smem:$0x3F5E] =	sst s0  }
0x9: {  	[smem:$0x3F5F] =	sst s1  }
0xa: {  	[smem:$0x3F60] =	sst s2  }
0xb: {  	[smem:$0x3F61] =	sst s3  }
0xc: {  	[smem:$0x3F62] =	sst s4  }
0xd: {  	[smem:$0x3F63] =	sst s5  }
0xe: {  	[smem:$0x3F64] =	sst s6  }
0xf: {  	[smem:$0x3F65] =	sst s7  }
0x10: {  	[smem:$0x3F66] =	sst s8  }
0x11: {  	[smem:$0x3F67] =	sst s9;
	s0 =	simm.s32 @!p0 $0x0  }
0x12: {  	s1 =	sld [smem:$0x3F4D];
	s0 =	simm.s32 @p0 $0x1  }
0x13: {  	[smem:$0x3F68] =	sst s0;
	s0 =	simm.s32 @!p1 $0x0  }
0x14: {  	s2 =	sld [smem:$0x3F4C];
	s0 =	simm.s32 @p1 $0x1  }
0x15: {  	[smem:$0x3F69] =	sst s0;
	s0 =	simm.s32 @!p2 $0x0  }
0x16: {  	s3 =	sld [smem:$0x3FDB];
	s0 =	simm.s32 @p2 $0x1  }
0x17: {  	s4 =	simm.s32 $0x1BF5;
	[smem:$0x3F6B] =	sst s0  }
0x18: {  	s0 =	sld [smem:$0x3F4E];
	_ =	swait.ge [sflag:s4], $0x0  }
0x19: {  	s7 =	sld [smem:$0x3F4F]  }
0x1a: {  	s8 =	sadd.s32 $0xFFFFE003, lr  }
0x1b: {  	s9 =	sadd.s32 $0xFFFFFEF7, lr;
	s5 =	simm.s32 $0xFFFFFFFF;
	p2 =	slt.u32 s8, $0xFFFFF086  }
0x1c: {  	p1 =	slt.u32 s9, $0xF7A;
	s5 =	simm.s32 @!p2 $0x0  }
0x1d: {  	s5 =	simm.s32 @p1 $0x1;
	p0 =	seq.s32 s7, s2  }
0x1e: {  	s7 =	smul.u32 @!p0 $0xF7A, s2;
	p2 =	seq.s32 @!p0 s5, $0x0  }
0x1f: {  	s9 =	smul.u32 $0xF7A, s1;
	s8 =	simm.s32 @!p0 $0x1BF5;
	p2 =	por !p2, p0  }
0x20: {  	[sflag:s8] =	ssyncset.s32 @!p0 $0xFFFFF086;
	s6 =	sadd.s32 @!p0 s3, s7;
	s7 =	simm.s32 @!p0 $0x108  }
0x21: {  	s3 =	sadd.s32 s3, s9;
	s6 =	sadd.s32 @!p0 $0x88, s6;
	s7 =	simm.s32 @p2 $0x1082  }
0x22: {  	[simem:s7], [sflag:s8] =	dma.local @!p0 [hbm:s6], $0xF7A  }
0x23: {  	s9 =	sor.u32 $0xD0000000, s2;
	s6 =	simm.s32 $0x108;
	_ =	swait.ge @!p0 [sflag:s8], $0x0  }
0x24: {  	s3 =	sadd.s32 $0x88, s3;
	s6 =	simm.s32 @!p1 $0x1082;
	[sflag:s4] =	ssyncset.s32 $0xFFFFF086  }
0x25: {  	[simem:s6], [sflag:s4] =	dma.local [hbm:s3], $0xF7A  }
0x26: {  	[smem:$0x3F4F] =	sst s1;
	(tag) =	ssettag s2;
	_ =	strace s9  }
0x27: {  	s1 =	sld [smem:$0x3F5F]  }
0x28: {  	s2 =	sld [smem:$0x3F60]  }
0x29: {  	s4 =	sld [smem:$0x3F62]  }
0x2a: {  	p0 =	seq.s32 s5, $0x0;
	s5 =	sld [smem:$0x3F63]  }
0x2b: {  	s6 =	sld [smem:$0x3F64]  }
0x2c: {  	s7 =	sld [smem:$0x3F65]  }
0x2d: {  	s3 =	simm.s32 $0x108;
	s8 =	sld [smem:$0x3F66]  }
0x2e: {  	s3 =	simm.s32 @!p0 $0x1082;
	s9 =	sld [smem:$0x3F67]  }
0x2f: {  	lr =	sadd.s32 s0, s3;
	s0 =	sld [smem:$0x3F5E]  }
0x30: {  	s3 =	sld [smem:$0x3F61]  }
0x31: {  	[smem:$0x3F6A] =	sst s10  }
0x32: {  	s10 =	sld [smem:$0x3F68];
	_ =	sdelay $0x3  }
0x33: {  	p0 =	seq.s32 s10, $0x1;
	s10 =	sld [smem:$0x3F6A];
	_ =	sdelay $0x3  }
0x34: {  	[smem:$0x3F6A] =	sst s10  }
0x35: {  	s10 =	sld [smem:$0x3F69];
	_ =	sdelay $0x3  }
0x36: {  	p1 =	seq.s32 s10, $0x1;
	s10 =	sld [smem:$0x3F6A];
	_ =	sdelay $0x3  }
0x37: {  	[smem:$0x3F6A] =	sst s10  }
0x38: {  	s10 =	sld [smem:$0x3F6B]  }
0x39: {  	_ = 	snop;
	(pc) =	sbr.ind lr, $3  }
0x3a: {  	_ = 	snop  }
0x3b: {  	_ = 	snop  }
0x3c: {  	p2 =	seq.s32 s10, $0x1;
	s10 =	sld [smem:$0x3F6A]  }
0x3d: {  	_ =	shalt  }
0x3e: {  	_ =	shalt  }
0x3f: {  	_ =	shalt  }
0x40: {  	_ =	shalt  }
0x41: {  	_ =	shalt  }
0x42: {  	_ =	shalt  }
0x43: {  	_ =	shalt  }
0x44: {  	_ =	shalt  }
0x45: {  	_ =	shalt  }
0x46: {  	_ =	shalt  }
0x47: {  	_ =	shalt  }
0x48: {  	_ =	shalt  }
0x49: {  	_ =	shalt  }
0x4a: {  	_ =	shalt  }
0x4b: {  	_ =	shalt  }
0x4c: {  	_ =	shalt  }
0x4d: {  	_ =	shalt  }
0x4e: {  	_ =	shalt  }
0x4f: {  	_ =	shalt  }
0x50: {  	_ =	shalt  }
0x51: {  	_ =	shalt  }
0x52: {  	_ =	shalt  }
0x53: {  	_ =	shalt  }
0x54: {  	_ =	shalt  }
0x55: {  	_ =	shalt  }
0x56: {  	_ =	shalt  }
0x57: {  	_ =	shalt  }
0x58: {  	_ =	shalt  }
0x59: {  	_ =	shalt  }
0x5a: {  	_ =	shalt  }
0x5b: {  	_ =	shalt  }
0x5c: {  	_ =	shalt  }
0x5d: {  	_ =	shalt  }
0x5e: {  	_ =	shalt  }
0x5f: {  	_ =	shalt  }
0x60: {  	_ =	shalt  }
0x61: {  	_ =	shalt  }
0x62: {  	_ =	shalt  }
0x63: {  	_ =	shalt  }
0x64: {  	_ =	shalt  }
0x65: {  	_ =	shalt  }
0x66: {  	_ =	shalt  }
0x67: {  	_ =	shalt  }
0x68: {  	_ =	shalt  }
0x69: {  	_ =	shalt  }
0x6a: {  	_ =	shalt  }
0x6b: {  	_ =	shalt  }
0x6c: {  	_ =	shalt  }
0x6d: {  	_ =	shalt  }
0x6e: {  	_ =	shalt  }
0x6f: {  	_ =	shalt  }
0x70: {  	_ =	shalt  }
0x71: {  	_ =	shalt  }
0x72: {  	_ =	shalt  }
0x73: {  	_ =	shalt  }
0x74: {  	_ =	shalt  }
0x75: {  	_ =	shalt  }
0x76: {  	_ =	shalt  }
0x77: {  	_ =	shalt  }
0x78: {  	_ =	shalt  }
0x79: {  	_ =	shalt  }
0x7a: {  	_ =	shalt  }
0x7b: {  	_ =	shalt  }
0x7c: {  	_ =	shalt  }
0x7d: {  	_ =	shalt  }
0x7e: {  	_ =	shalt  }
0x7f: {  	_ =	shalt  }
0x80: {  	_ =	shalt  }
0x81: {  	_ =	shalt  }
0x82: {  	_ =	shalt  }
0x83: {  	_ =	shalt  }
0x84: {  	_ =	shalt  }
0x85: {  	_ =	shalt  }
0x86: {  	_ =	shalt  }
0x87: {  	_ =	shalt  }
.Lfunc_end0:
.L_simem_size_0:
called_computation.3_lowered:
.L_overlay_start_0:
0x88: {  	s2 =	sld [smem:$0x3FD9]  }
0x89: {  	s3 =	sld [smem:$0x3FFE];
	_ =	sdelay $0x1  }
0x8a: {  	s1 =	srdreg.scid  }
0x8b: {  	s0 =	sand.u32 $0x1, s1  }
0x8c: {  	s16 =	sshll.u32 s0, $0xA;
	s2 =	sadd.s32 s3, s2  }
0x8d: {  	s2 =	sadd.s32 s2, s16  }
0x8e: {  	[smem:$0x3F76] =	sst s2  }
0x8f: {  	_ = 	snop  }
0x90: {  	(tm) =	ssettm $0x1  }
0x91: {  	s17 =	sld [smem:$0x3FFB];
	_ =	sdelay $0x3  }
0x92: {  	_ =	strace s17  }
0x93: {  	s2 =	sld [smem:$0x3FFC];
	_ =	sdelay $0x3  }
0x94: {  	_ =	strace s2  }
0x95: {  	s2 =	sld [smem:$0x3FFD];
	_ =	sdelay $0x3  }
0x96: {  	_ =	strace s2  }
0x97: {  	_ =	strace $0x8FFFFFFF  }
0x98: {  	s18 =	sld [smem:$0x3FDB];
	_ =	sdelay $0x1  }
0x99: {  	s19 =	simm.s32 $_scs_section_size  }
0x9a: {  	s4 =	simm.s32 $_size__tile_overlayer_lowered;
	s5 =	simm.s32 $_tile_overlayer_lowered  }
0x9b: {  	s22 =	simm.s32 $0x1BFF;
	s21 =	sshll.u32 s5, $0x1;
	s2 =	sadd.s32 s19, s18  }
0x9c: {  	s6 =	simm.s32 $0x0;
	s20 =	sshll.u32 s4, $0x1;
	s4 =	sadd.s32 s21, s2  }
0x9d: {  	[timem:s6], [sflag:s22] =	dma.local [hbm:s4], s20  }
0x9e: {  	_ =	swait.ge [sflag:s22], s20  }
0x9f: {  	s3 =	ssub.s32 $0x0, s20;
	[sflag:s22] =	ssyncset.done $0x0  }
0xa0: {  	[sflag:s22] =	ssyncadd.s32 s3;
	_ =	sdelay $0x1  }
0xa1: {  	s23 =	simm.s32 $0x1B8B  }
0xa2: {  	_ =	swait.ge [sflag:s23], $0x1  }
0xa3: {  	[sflag:s23] =	ssyncset.done $0x0  }
0xa4: {  	s25 =	simm.s32 $0x1B8E;
	s24 =	sld [smem:$0x3FFE];
	[sflag:s23] =	ssyncadd.s32 $0xFFFFFFFF  }
0xa5: {  	s26 =	simm.s32 $execute0_lowered;
	[smem:$0x3FD2] =	sst s25  }
0xa6: {  	s4 =	sshll.u32 s26, $0x1;
	_ =	strace $0x8000004F;
	[dreg:$0x1] =	wrdreg $0xFFFFFFFF  }
0xa7: {  	s28 =	simm.s32 $_size_execute0_lowered;
	s2 =	sadd.s32 s2, s4;
	[dreg:$0x0] =	wrdreg $0x0  }
0xa8: {  	s4 =	sshll.u32 s28, $0x1;
	[dreg:$0x2] =	wrdreg s2  }
0xa9: {  	[dreg:$0x3] =	wrdreg s4  }
0xaa: {  	[dreg:$0x4] =	wrdreg $0xC0  }
0xab: {  	_ =	task [dreg:s6], $0x5FFFF  }
0xac: {  	[dreg:$0x1] =	wrdreg $0xFFFFFFFF  }
0xad: {  	[dreg:$0x0] =	wrdreg $0x60  }
0xae: {  	[dreg:$0x2] =	wrdreg s24  }
0xaf: {  	[dreg:$0x3] =	wrdreg $0x9  }
0xb0: {  	_ =	task.clear_ibuf [dreg:s6], $0x4FFFF;
	_ =	strace $0x9000004F  }
0xb1: {  	s29 =	simm.s32 $0x9;
	_ =	strace $0x80000051  }
0xb2: {  	_ =	swait.ge [sflag:s29], $0x1  }
0xb3: {  	[sflag:s29] =	ssyncadd.s32 $0xFFFFFFFF  }
0xb4: {  	_ =	strace $0x90000051  }
0xb5: {  	_ =	sfence  }
0xb6: {  	s30 =	sld [smem:$0x0];
	_ =	sdelay $0x2  }
0xb7: {  	s31 =	sshll.u32 s1, $0xD;
	s1 =	sshrl.u32 s1, $0x2  }
0xb8: {  	s3 =	sand.u32 $0x4000, s31;
	s1 =	sadd.s32 s1, s30  }
0xb9: {  	s0 =	sor.u32 s3, s0;
	s1 =	sshll.u32 s1, $0x11  }
0xba: {  	s0 =	sor.u32 s1, s0  }
0xbb: {  	s0 =	sadd.s32 $0x8F2B, s0  }
0xbc: {  	[sflag:s0] =	ssyncadd.remote.s32 $0x1  }
0xbd: {  	_ =	sfence.sel $0xFFFF  }
0xbe: {  	[dreg:$0x0] =	wrdreg $0xFFFFFFFF;
	(pc) =	sbr.abs _section_cstart, $3  }
0xbf: {  	[dreg:$0x1] =	wrdreg $0xFFFFFFFF  }
0xc0: {  	_ =	task.clear_ibuf [dreg:s6], $0x2FFFF;
	_ =	strace $0x9FFFFFFF  }
0xc1: {  	(tm) =	ssettm $0x7FFFFFFF  }
tec
execute0_lowered:
.L_overlay_start_1:
0x0: {  	(tag) =	ssettag $0x1  }
0x1: {  	s7 =	rddreg [dreg:$0x0]  }
0x2: {  	s0 =	rddreg [dreg:$0x1]  }
0x3: {  	s1 =	simm.s32 $0x0;
	s2 =	srdreg.scid;
	s12 =	simm.s32 $0x400  }
0x4: {  	s13 =	simm.s32 $0x8400;
	s14 =	simm.s32 $0x1;
	s15 =	simm.s32 $0x0  }
0x5: {  	[smem:$0x7FF] =	sst s1;
	s3 =	sadd.s32 $0xD2C00, s7;
	s8 =	sand.u32 $0x1, s2  }
0x6: {  	s4 =	sadd.s32 $0x17E000, s7;
	s2 =	stileid.u32;
	s5 =	sadd.s32 $0x165800, s7  }
0x7: {  	s6 =	sadd.s32 $0x259800, s7;
	s7 =	sadd.s32 $0x335600, s7;
	s9 =	ssub.s32 $0x2, s8  }
0x8: {  	_ =	strace $0x80000050;
	s11 =	sshll.u32 s2, $0x1;
	s10 =	sshrl.u32 s9, $0x1  }
0x9: {  	s8 =	sor.u32 s8, s11;
	s11 =	simm.s32 $0x200;
	s9 =	ssub.s32 s9, s10  }
0xa: {  	s8 =	smul.u32 $0x6200, s8;
	s10 =	simm.s32 $0x2;
	s9 =	smax.u32 s9, $0x1  }
.LBB2_1:
0xb: {  	s16 =	simm.s32 $0x0  }
.LBB2_2:
0xc: {  	s17 =	sshll.u32 s16, $0x9  }
0xd: {  	s17 =	sadd.s32 s8, s17  }
0xe: {  	s18 =	sshrl.u32 s17, $0x3  }
0xf: {  	s20 =	simm.s32 $0x0;
	s19 =	sadd.s32 s5, s18  }
0x10: {  	[tilespmem:s20], [sflag:$0x2] =	stream.linear.gather [hbm4b:s19+s20], $0x200, $0x38;
	[tilespmem:$0x10400] =	vst v63  }
0x11: {  	_ =	swait.ge [sflag:s10], $0x200  }
0x12: {  	[sflag:s10] =	ssyncset.done $0x0  }
0x13: {  	s18 =	sadd.s32 s6, s18;
	[sflag:s10] =	ssyncadd.s32 $0xFFFFFE00  }
0x14: {  	[tilespmem:s11], [sflag:$0x2] =	stream.linear.gather [hbm4b:s18+s20], $0x200, $0x38;
	[tilespmem:$0x10400] =	vst v63  }
0x15: {  	_ =	swait.ge [sflag:s10], $0x200  }
0x16: {  	[sflag:s10] =	ssyncset.done $0x0  }
0x17: {  	[sflag:s10] =	ssyncadd.s32 $0xFFFFFE00  }
0x18: {  	[tilespmem:s12], [sflag:$0x1] =	stream.indirect.gather [hbm4b:s3+s11], $0x40, s20, s11, $0xb8;
	[tilespmem:$0x10400] =	vst v63  }
0x19: {  	_ = 	snop  }
0x1a: {  	[tilespmem:s13], [sflag:$0x1] =	stream.indirect.gather [hbm4b:s4+s11], $0x40, s11, s11, $0xb8;
	[tilespmem:$0x10400] =	vst v63  }
0x1b: {  	_ =	swait.ge [sflag:s14], $0x8000  }
0x1c: {  	[sflag:s14] =	ssyncset.done $0x0  }
0x1d: {  	[sflag:s14] =	ssyncadd.s32 $0xFFFF8000  }
0x1e: {  	_ =	swait.ge [sflag:s14], $0x8000  }
0x1f: {  	[sflag:s14] =	ssyncset.done $0x0  }
0x20: {  	s18 =	simm.s32 $0x0;
	[sflag:s14] =	ssyncadd.s32 $0xFFFF8000  }
0x21: {  	v5 =	vld [tilespmem:s18+$0x8400]  }
0x22: {  	v6 =	vld [tilespmem:s18+$0x8410]  }
0x23: {  	v1 =	vld [tilespmem:s18+$0x8420]  }
0x24: {  	v0 =	vld [tilespmem:s18+$0x8430]  }
0x25: {  	v2 =	vld [tilespmem:s18+$0x400]  }
0x26: {  	v4 =	vld [tilespmem:s18+$0x410]  }
0x27: {  	s19 =	simm.s32 $0x100;
	v3 =	vld [tilespmem:s18+$0x420]  }
.LBB2_3:
0x28: {  	s20 =	sshra.s32 s19, $0x2;
	p0 =	sne.s32 s19, $0x1FF00;
	v7 =	vld [tilespmem:s18+$0x430];
	v8 =	vmov v1  }
0x29: {  	v9 =	vld [tilespmem:s20+$0x8400];
	v10 =	vmov v0  }
0x2a: {  	v11 =	vld [tilespmem:s20+$0x8410];
	v2 =	vadd.f32 v5, v2  }
.Ltmp0:
0x2b: {  	v1 =	vld [tilespmem:s20+$0x8420];
	v4 =	vadd.f32 v6, v4;
	(pc) =	sbr.rel @p0 .LBB2_3-.Ltmp0, $4  }
0x2c: {  	v0 =	vld [tilespmem:s20+$0x8430];
	[tilespmem:s18+$0x400] =	vst v2;
	v3 =	vadd.f32 v8, v3  }
0x2d: {  	v2 =	vld [tilespmem:s20+$0x400];
	[tilespmem:s18+$0x410] =	vst v4;
	v7 =	vadd.f32 v10, v7  }
0x2e: {  	v4 =	vld [tilespmem:s20+$0x410];
	[tilespmem:s18+$0x420] =	vst v3;
	v5 =	vmov v9  }
0x2f: {  	s19 =	sadd.s32 $0x100, s19;
	v3 =	vld [tilespmem:s20+$0x420];
	[tilespmem:s18+$0x430] =	vst v7;
	v6 =	vmov v11;
	s18 =	smov.u32 s20  }
0x30: {  	v7 =	vld [tilespmem:s18+$0x430];
	_ =	sdelay $0x1  }
0x31: {  	v2 =	vadd.f32 v5, v2  }
0x32: {  	v4 =	vadd.f32 v6, v4  }
0x33: {  	[tilespmem:s18+$0x400] =	vst v2;
	v1 =	vadd.f32 v1, v3  }
0x34: {  	s16 =	sadd.s32 $0x1, s16;
	[tilespmem:s18+$0x410] =	vst v4;
	v0 =	vadd.f32 v0, v7  }
0x35: {  	s17 =	sshll.u32 s17, $0x3;
	p0 =	sne.s32 s16, $0x31;
	[tilespmem:s18+$0x420] =	vst v1  }
.Ltmp1:
0x36: {  	s17 =	sadd.s32 s7, s17;
	[tilespmem:s18+$0x430] =	vst v0;
	(pc) =	sbr.rel @p0 .LBB2_2-.Ltmp1, $4  }
0x37: {  	[hbm4b:s17+s1] =	stream.linear.scatter [tilespmem:s12], [sflag:$0x2], $0x8000, $0x38;
	[tilespmem:$0x10400] =	vst v63  }
0x38: {  	_ =	swait.ge [sflag:s10], $0x8000  }
0x39: {  	[sflag:s10] =	ssyncset.done $0x0  }
0x3a: {  	[sflag:s10] =	ssyncadd.s32 $0xFFFF8000  }
0x3b: {  	s15 =	sadd.s32 $0x1, s15  }
0x3c: {  	p0 =	sne.s32 s15, s9  }
.Ltmp2:
0x3d: {  	_ = 	snop;
	(pc) =	sbr.rel @p0 .LBB2_1-.Ltmp2, $1  }
0x3e: {  	_ =	sdelay $0x3  }
0x3f: {  	_ =	sfence.sel $0x180000  }
0x40: {  	[bflag:$0x0] =	sbarrier.arrive $0xFFFF  }
0x41: {  	p0 =	sne.s32 s2, $0x0;
	_ =	strace $0x90000050  }
0x42: {  	s0 =	sadd.s32 @!p0 $0x100000, s0;
	[bflag:$0x2] =	sbarrier.arrive $0xFFFF  }
0x43: {  	[sflag:s0] =	ssyncadd.tile.s32 @!p0 $0x1;
	_ =	shalt  }
.Lfunc_end2:
_tile_overlayer_lowered:
.L_overlay_start_2:
0x44: {  	(tag) =	ssettag $0x2  }
0x45: {  	s0 =	rddreg [dreg:$0x0];
	s2 =	stileid.u32  }
0x46: {  	s1 =	rddreg [dreg:$0x1];
	p0 =	sne.s32 s2, $0x0  }
0x47: {  	s3 =	rddreg [dreg:$0x2];
	[bflag:$0x3] =	sbarrier.arrive $0xFFFF;
	s2 =	simm.s32 @!p0 $0x1C02  }
0x48: {  	[timem:s3], [sflag:s2] =	dma.local @!p0 [hbm:s0], s1  }
0x49: {  	s0 =	simm.s32 @!p0 $0x2  }
0x4a: {  	_ =	swait.ge @!p0 [sflag:s0], s1  }
0x4b: {  	s1 =	ssub.s32 @!p0 $0x0, s1;
	[sflag:s0] =	ssyncset.done @!p0 $0x0  }
0x4c: {  	[sflag:s0] =	ssyncadd.s32 @!p0 s1  }
0x4d: {  	[bflag:$0x3] =	sbarrier.arrive $0xFFFF  }
0x4e: {  	_ =	shalt  }

// kernel: kernel.42.cloned.1.call-start
scs
__scs_entry_jumppad:
0x0: {  	(pc) =	sbr.rel $0x88, $3  }
0x1: {  	(tag) =	ssettag $0x0;
	lr =	simm.s32 $0x1  }
0x2: {  	[smem:$0x3F4F] =	sst lr;
	_ =	strace $0xD0000000  }
0x3: {  	_ = 	snop  }
0x4: {  	_ = 	snop  }
0x5: {  	_ = 	snop  }
0x6: {  	_ = 	snop  }
0x7: {  	_ = 	snop  }
__scs_overlays_trampoline_lowered:
0x8: {  	[smem:$0x3F5E] =	sst s0  }
0x9: {  	[smem:$0x3F5F] =	sst s1  }
0xa: {  	[smem:$0x3F60] =	sst s2  }
0xb: {  	[smem:$0x3F61] =	sst s3  }
0xc: {  	[smem:$0x3F62] =	sst s4  }
0xd: {  	[smem:$0x3F63] =	sst s5  }
0xe: {  	[smem:$0x3F64] =	sst s6  }
0xf: {  	[smem:$0x3F65] =	sst s7  }
0x10: {  	[smem:$0x3F66] =	sst s8  }
0x11: {  	[smem:$0x3F67] =	sst s9;
	s0 =	simm.s32 @!p0 $0x0  }
0x12: {  	s1 =	sld [smem:$0x3F4D];
	s0 =	simm.s32 @p0 $0x1  }
0x13: {  	[smem:$0x3F68] =	sst s0;
	s0 =	simm.s32 @!p1 $0x0  }
0x14: {  	s2 =	sld [smem:$0x3F4C];
	s0 =	simm.s32 @p1 $0x1  }
0x15: {  	[smem:$0x3F69] =	sst s0;
	s0 =	simm.s32 @!p2 $0x0  }
0x16: {  	s3 =	sld [smem:$0x3FDB];
	s0 =	simm.s32 @p2 $0x1  }
0x17: {  	s4 =	simm.s32 $0x1BF5;
	[smem:$0x3F6B] =	sst s0  }
0x18: {  	s0 =	sld [smem:$0x3F4E];
	_ =	swait.ge [sflag:s4], $0x0  }
0x19: {  	s7 =	sld [smem:$0x3F4F]  }
0x1a: {  	s8 =	sadd.s32 $0xFFFFE003, lr  }
0x1b: {  	s9 =	sadd.s32 $0xFFFFFEF7, lr;
	s5 =	simm.s32 $0xFFFFFFFF;
	p2 =	slt.u32 s8, $0xFFFFF086  }
0x1c: {  	p1 =	slt.u32 s9, $0xF7A;
	s5 =	simm.s32 @!p2 $0x0  }
0x1d: {  	s5 =	simm.s32 @p1 $0x1;
	p0 =	seq.s32 s7, s2  }
0x1e: {  	s7 =	smul.u32 @!p0 $0xF7A, s2;
	p2 =	seq.s32 @!p0 s5, $0x0  }
0x1f: {  	s9 =	smul.u32 $0xF7A, s1;
	s8 =	simm.s32 @!p0 $0x1BF5;
	p2 =	por !p2, p0  }
0x20: {  	[sflag:s8] =	ssyncset.s32 @!p0 $0xFFFFF086;
	s6 =	sadd.s32 @!p0 s3, s7;
	s7 =	simm.s32 @!p0 $0x108  }
0x21: {  	s3 =	sadd.s32 s3, s9;
	s6 =	sadd.s32 @!p0 $0x88, s6;
	s7 =	simm.s32 @p2 $0x1082  }
0x22: {  	[simem:s7], [sflag:s8] =	dma.local @!p0 [hbm:s6], $0xF7A  }
0x23: {  	s9 =	sor.u32 $0xD0000000, s2;
	s6 =	simm.s32 $0x108;
	_ =	swait.ge @!p0 [sflag:s8], $0x0  }
0x24: {  	s3 =	sadd.s32 $0x88, s3;
	s6 =	simm.s32 @!p1 $0x1082;
	[sflag:s4] =	ssyncset.s32 $0xFFFFF086  }
0x25: {  	[simem:s6], [sflag:s4] =	dma.local [hbm:s3], $0xF7A  }
0x26: {  	[smem:$0x3F4F] =	sst s1;
	(tag) =	ssettag s2;
	_ =	strace s9  }
0x27: {  	s1 =	sld [smem:$0x3F5F]  }
0x28: {  	s2 =	sld [smem:$0x3F60]  }
0x29: {  	s4 =	sld [smem:$0x3F62]  }
0x2a: {  	p0 =	seq.s32 s5, $0x0;
	s5 =	sld [smem:$0x3F63]  }
0x2b: {  	s6 =	sld [smem:$0x3F64]  }
0x2c: {  	s7 =	sld [smem:$0x3F65]  }
0x2d: {  	s3 =	simm.s32 $0x108;
	s8 =	sld [smem:$0x3F66]  }
0x2e: {  	s3 =	simm.s32 @!p0 $0x1082;
	s9 =	sld [smem:$0x3F67]  }
0x2f: {  	lr =	sadd.s32 s0, s3;
	s0 =	sld [smem:$0x3F5E]  }
0x30: {  	s3 =	sld [smem:$0x3F61]  }
0x31: {  	[smem:$0x3F6A] =	sst s10  }
0x32: {  	s10 =	sld [smem:$0x3F68];
	_ =	sdelay $0x3  }
0x33: {  	p0 =	seq.s32 s10, $0x1;
	s10 =	sld [smem:$0x3F6A];
	_ =	sdelay $0x3  }
0x34: {  	[smem:$0x3F6A] =	sst s10  }
0x35: {  	s10 =	sld [smem:$0x3F69];
	_ =	sdelay $0x3  }
0x36: {  	p1 =	seq.s32 s10, $0x1;
	s10 =	sld [smem:$0x3F6A];
	_ =	sdelay $0x3  }
0x37: {  	[smem:$0x3F6A] =	sst s10  }
0x38: {  	s10 =	sld [smem:$0x3F6B]  }
0x39: {  	_ = 	snop;
	(pc) =	sbr.ind lr, $3  }
0x3a: {  	_ = 	snop  }
0x3b: {  	_ = 	snop  }
0x3c: {  	p2 =	seq.s32 s10, $0x1;
	s10 =	sld [smem:$0x3F6A]  }
0x3d: {  	_ =	shalt  }
0x3e: {  	_ =	shalt  }
0x3f: {  	_ =	shalt  }
0x40: {  	_ =	shalt  }
0x41: {  	_ =	shalt  }
0x42: {  	_ =	shalt  }
0x43: {  	_ =	shalt  }
0x44: {  	_ =	shalt  }
0x45: {  	_ =	shalt  }
0x46: {  	_ =	shalt  }
0x47: {  	_ =	shalt  }
0x48: {  	_ =	shalt  }
0x49: {  	_ =	shalt  }
0x4a: {  	_ =	shalt  }
0x4b: {  	_ =	shalt  }
0x4c: {  	_ =	shalt  }
0x4d: {  	_ =	shalt  }
0x4e: {  	_ =	shalt  }
0x4f: {  	_ =	shalt  }
0x50: {  	_ =	shalt  }
0x51: {  	_ =	shalt  }
0x52: {  	_ =	shalt  }
0x53: {  	_ =	shalt  }
0x54: {  	_ =	shalt  }
0x55: {  	_ =	shalt  }
0x56: {  	_ =	shalt  }
0x57: {  	_ =	shalt  }
0x58: {  	_ =	shalt  }
0x59: {  	_ =	shalt  }
0x5a: {  	_ =	shalt  }
0x5b: {  	_ =	shalt  }
0x5c: {  	_ =	shalt  }
0x5d: {  	_ =	shalt  }
0x5e: {  	_ =	shalt  }
0x5f: {  	_ =	shalt  }
0x60: {  	_ =	shalt  }
0x61: {  	_ =	shalt  }
0x62: {  	_ =	shalt  }
0x63: {  	_ =	shalt  }
0x64: {  	_ =	shalt  }
0x65: {  	_ =	shalt  }
0x66: {  	_ =	shalt  }
0x67: {  	_ =	shalt  }
0x68: {  	_ =	shalt  }
0x69: {  	_ =	shalt  }
0x6a: {  	_ =	shalt  }
0x6b: {  	_ =	shalt  }
0x6c: {  	_ =	shalt  }
0x6d: {  	_ =	shalt  }
0x6e: {  	_ =	shalt  }
0x6f: {  	_ =	shalt  }
0x70: {  	_ =	shalt  }
0x71: {  	_ =	shalt  }
0x72: {  	_ =	shalt  }
0x73: {  	_ =	shalt  }
0x74: {  	_ =	shalt  }
0x75: {  	_ =	shalt  }
0x76: {  	_ =	shalt  }
0x77: {  	_ =	shalt  }
0x78: {  	_ =	shalt  }
0x79: {  	_ =	shalt  }
0x7a: {  	_ =	shalt  }
0x7b: {  	_ =	shalt  }
0x7c: {  	_ =	shalt  }
0x7d: {  	_ =	shalt  }
0x7e: {  	_ =	shalt  }
0x7f: {  	_ =	shalt  }
0x80: {  	_ =	shalt  }
0x81: {  	_ =	shalt  }
0x82: {  	_ =	shalt  }
0x83: {  	_ =	shalt  }
0x84: {  	_ =	shalt  }
0x85: {  	_ =	shalt  }
0x86: {  	_ =	shalt  }
0x87: {  	_ =	shalt  }
.Lfunc_end0:
.L_simem_size_0:
called_computation.4_lowered:
.L_overlay_start_0:
0x88: {  	s2 =	sld [smem:$0x3FD9]  }
0x89: {  	s3 =	sld [smem:$0x3FFE];
	_ =	sdelay $0x1  }
0x8a: {  	s1 =	srdreg.scid  }
0x8b: {  	s0 =	sand.u32 $0x1, s1  }
0x8c: {  	s16 =	sshll.u32 s0, $0xA;
	s2 =	sadd.s32 s3, s2  }
0x8d: {  	s2 =	sadd.s32 s2, s16  }
0x8e: {  	[smem:$0x3F76] =	sst s2  }
0x8f: {  	_ = 	snop  }
0x90: {  	(tm) =	ssettm $0x1  }
0x91: {  	s17 =	sld [smem:$0x3FFB];
	_ =	sdelay $0x3  }
0x92: {  	_ =	strace s17  }
0x93: {  	s2 =	sld [smem:$0x3FFC];
	_ =	sdelay $0x3  }
0x94: {  	_ =	strace s2  }
0x95: {  	s2 =	sld [smem:$0x3FFD];
	_ =	sdelay $0x3  }
0x96: {  	_ =	strace s2  }
0x97: {  	_ =	strace $0x8FFFFFFF  }
0x98: {  	s18 =	sld [smem:$0x3FDB];
	_ =	sdelay $0x1  }
0x99: {  	s19 =	simm.s32 $_scs_section_size  }
0x9a: {  	s4 =	simm.s32 $_size__tile_overlayer_lowered;
	s5 =	simm.s32 $_tile_overlayer_lowered  }
0x9b: {  	s22 =	simm.s32 $0x1BFF;
	s21 =	sshll.u32 s5, $0x1;
	s2 =	sadd.s32 s19, s18  }
0x9c: {  	s6 =	simm.s32 $0x0;
	s20 =	sshll.u32 s4, $0x1;
	s4 =	sadd.s32 s21, s2  }
0x9d: {  	[timem:s6], [sflag:s22] =	dma.local [hbm:s4], s20  }
0x9e: {  	_ =	swait.ge [sflag:s22], s20  }
0x9f: {  	s3 =	ssub.s32 $0x0, s20;
	[sflag:s22] =	ssyncset.done $0x0  }
0xa0: {  	[sflag:s22] =	ssyncadd.s32 s3;
	_ =	sdelay $0x1  }
0xa1: {  	s23 =	simm.s32 $0x1B8B  }
0xa2: {  	_ =	swait.ge [sflag:s23], $0x1  }
0xa3: {  	[sflag:s23] =	ssyncset.done $0x0  }
0xa4: {  	s25 =	simm.s32 $0x1B8E;
	s24 =	sld [smem:$0x3FFE];
	[sflag:s23] =	ssyncadd.s32 $0xFFFFFFFF  }
0xa5: {  	s26 =	simm.s32 $execute0_lowered;
	[smem:$0x3FD2] =	sst s25  }
0xa6: {  	s4 =	sshll.u32 s26, $0x1;
	_ =	strace $0x80000052;
	[dreg:$0x1] =	wrdreg $0xFFFFFFFF  }
0xa7: {  	s28 =	simm.s32 $_size_execute0_lowered;
	s2 =	sadd.s32 s2, s4;
	[dreg:$0x0] =	wrdreg $0x0  }
0xa8: {  	s4 =	sshll.u32 s28, $0x1;
	[dreg:$0x2] =	wrdreg s2  }
0xa9: {  	[dreg:$0x3] =	wrdreg s4  }
0xaa: {  	[dreg:$0x4] =	wrdreg $0xC0  }
0xab: {  	_ =	task [dreg:s6], $0x5FFFF  }
0xac: {  	[dreg:$0x1] =	wrdreg $0xFFFFFFFF  }
0xad: {  	[dreg:$0x0] =	wrdreg $0x60  }
0xae: {  	[dreg:$0x2] =	wrdreg s24  }
0xaf: {  	[dreg:$0x3] =	wrdreg $0x108000  }
0xb0: {  	[dreg:$0x4] =	wrdreg $0x9  }
0xb1: {  	_ =	task.clear_ibuf [dreg:s6], $0x5FFFF;
	_ =	strace $0x90000052  }
0xb2: {  	s29 =	simm.s32 $0x9;
	_ =	strace $0x80000054  }
0xb3: {  	_ =	swait.ge [sflag:s29], $0x1  }
0xb4: {  	[sflag:s29] =	ssyncadd.s32 $0xFFFFFFFF  }
0xb5: {  	_ =	strace $0x90000054  }
0xb6: {  	_ =	sfence  }
0xb7: {  	s30 =	sld [smem:$0x0];
	_ =	sdelay $0x2  }
0xb8: {  	s31 =	sshll.u32 s1, $0xD;
	s1 =	sshrl.u32 s1, $0x2  }
0xb9: {  	s3 =	sand.u32 $0x4000, s31;
	s1 =	sadd.s32 s1, s30  }
0xba: {  	s0 =	sor.u32 s3, s0;
	s1 =	sshll.u32 s1, $0x11  }
0xbb: {  	s0 =	sor.u32 s1, s0  }
0xbc: {  	s0 =	sadd.s32 $0x8F2B, s0  }
0xbd: {  	[sflag:s0] =	ssyncadd.remote.s32 $0x1  }
0xbe: {  	_ =	sfence.sel $0xFFFF  }
0xbf: {  	[dreg:$0x0] =	wrdreg $0xFFFFFFFF;
	(pc) =	sbr.abs _section_cstart, $3  }
0xc0: {  	[dreg:$0x1] =	wrdreg $0xFFFFFFFF  }
0xc1: {  	_ =	task.clear_ibuf [dreg:s6], $0x2FFFF;
	_ =	strace $0x9FFFFFFF  }
0xc2: {  	(tm) =	ssettm $0x7FFFFFFF  }
0xc3: {  	_ =	shalt  }
tec
execute0_lowered:
.L_overlay_start_1:
0x0: {  	(tag) =	ssettag $0x1  }
0x1: {  	s0 =	srdreg.scid  }
0x2: {  	s4 =	rddreg [dreg:$0x0];
	s5 =	sand.u32 $0x1, s0  }
0x3: {  	s0 =	stileid.u32;
	s6 =	smul.u32 $0xC40000, s5  }
0x4: {  	s2 =	rddreg [dreg:$0x1];
	s7 =	smul.u32 $0xC4000, s0  }
0x5: {  	s1 =	rddreg [dreg:$0x2];
	s8 =	smul.u32 $0xC400, s0  }
0x6: {  	s3 =	simm.s32 $0x0;
	s11 =	simm.s32 $0x400;
	s29 =	smul.u32 $0xC4000, s5  }
0x7: {  	[smem:$0x7FF] =	sst s3;
	s9 =	smul.u32 $0x1880, s0;
	s5 =	ssub.s32 $0x2, s5  }
0x8: {  	s12 =	simm.s32 $0x0;
	_ =	strace $0x80000053;
	s31 =	sshrl.u32 s5, $0x1  }
0x9: {  	s6 =	sadd.s32 s7, s6;
	s7 =	sadd.s32 s8, s29;
	s9 =	sadd.s32 s9, s4  }
0xa: {  	s6 =	sshrl.u32 s6, $0x3;
	s30 =	sshrl.u32 s7, $0x3;
	s7 =	ssub.s32 s5, s31  }
0xb: {  	s10 =	sadd.s32 s6, s4;
	s6 =	sadd.s32 s30, s4;
	s4 =	sadd.s32 s8, s2  }
0xc: {  	s8 =	sadd.s32 $0x14D000, s9;
	s9 =	simm.s32 $0x4400;
	s5 =	sadd.s32 $0xD2C00, s6  }
0xd: {  	v0 =	vimm.f32 $0.0e+00;
	s6 =	smax.u32 s7, $0x1;
	s7 =	sadd.s32 $0x955600, s10;
	s10 =	simm.s32 $0x1  }
.LBB2_1:
0xe: {  	s13 =	simm.s32 $0x40;
	s14 =	simm.s32 $0x0  }
.LBB2_2:
0xf: {  	p0 =	sne.s32 s13, $0x30FC0;
	[tilespmem:s14+$0x4400] =	vst v0;
	s14 =	smov.u32 s13;
	s13 =	sadd.s32 $0x40, s13  }
.Ltmp0:
0x10: {  	(pc) =	sbr.rel @p0 .LBB2_2-.Ltmp0, $2  }
0x11: {  	_ =	sdelay $0x2  }
0x12: {  	s14 =	sshra.s32 s14, $0x2  }
0x13: {  	[tilespmem:s14+$0x4400] =	vst v0  }
0x14: {  	[spmem:s4] =	stream.linear.scatter [tilespmem:s9], [sflag:$0x1], $0xC400, $0x38;
	[tilespmem:$0x1CC00] =	vst v63  }
0x15: {  	_ =	swait.ge [sflag:s10], $0xC400  }
0x16: {  	[sflag:s10] =	ssyncset.done $0x0  }
0x17: {  	[sflag:s10] =	ssyncadd.s32 $0xFFFF3C00  }
0x18: {  	s13 =	sadd.s32 $0x0, s8;
	[bflag:$0x0] =	sbarrier.arrive $0xFFFF  }
0x19: {  	[tilespmem:s3], [sflag:$0x1] =	stream.linear.gather [hbm4b:s13+s3], $0x400, $0x38;
	[tilespmem:$0x1CC00] =	vst v63  }
0x1a: {  	_ =	swait.ge [sflag:s10], $0x400  }
0x1b: {  	[sflag:s10] =	ssyncset.done $0x0  }
0x1c: {  	[sflag:s10] =	ssyncadd.s32 $0xFFFFFC00  }
0x1d: {  	[tilespmem:s11], [sflag:$0x1] =	stream.linear.gather [hbm4b:s7+s3], $0x4000, $0x38;
	[tilespmem:$0x1CC00] =	vst v63  }
0x1e: {  	_ =	swait.ge [sflag:s10], $0x4000  }
0x1f: {  	[sflag:s10] =	ssyncset.done $0x0  }
0x20: {  	[sflag:s10] =	ssyncadd.s32 $0xFFFFC000  }
0x21: {  	[spmem:s2] =	stream.indirect.scatter.add.f32 [tilespmem:s11], [sflag:$0x1], $0x10, s3, s11, $0xb8;
	[tilespmem:$0x1CC00] =	vst v63  }
0x22: {  	s14 =	simm.s32 $0x80;
	_ =	swait.ge [sflag:s10], $0x4000  }
0x23: {  	s15 =	simm.s32 $0x100;
	s13 =	sadd.s32 $0x800, s7;
	[sflag:s10] =	ssyncset.done $0x0  }
.LBB2_4:
0x24: {  	s16 =	sadd.s32 s14, s8  }
0x25: {  	[sflag:s10] =	ssyncadd.s32 $0xFFFFC000;
	s14 =	smov.u32 s15;
	s17 =	sadd.s32 $0x80, s15  }
0x26: {  	[tilespmem:s3], [sflag:$0x1] =	stream.linear.gather [hbm4b:s16+s3], $0x400, $0x38;
	[tilespmem:$0x1CC00] =	vst v63  }
0x27: {  	p0 =	sne.s32 s15, $0x1800;
	_ =	swait.ge [sflag:s10], $0x400  }
0x28: {  	[sflag:s10] =	ssyncset.done $0x0  }
0x29: {  	[sflag:s10] =	ssyncadd.s32 $0xFFFFFC00  }
0x2a: {  	[tilespmem:s11], [sflag:$0x1] =	stream.linear.gather [hbm4b:s13+s3], $0x4000, $0x38;
	[tilespmem:$0x1CC00] =	vst v63  }
0x2b: {  	_ =	swait.ge [sflag:s10], $0x4000  }
.Ltmp1:
0x2c: {  	[sflag:s10] =	ssyncset.done $0x0;
	(pc) =	sbr.rel @p0 .LBB2_4-.Ltmp1, $4  }
0x2d: {  	[sflag:s10] =	ssyncadd.s32 $0xFFFFC000  }
0x2e: {  	[spmem:s2] =	stream.indirect.scatter.add.f32 [tilespmem:s11], [sflag:$0x1], $0x10, s3, s11, $0xb8;
	[tilespmem:$0x1CC00] =	vst v63  }
0x2f: {  	_ =	swait.ge [sflag:s10], $0x4000  }
0x30: {  	s15 =	smov.u32 s17;
	s13 =	sadd.s32 $0x800, s13;
	[sflag:s10] =	ssyncset.done $0x0  }
0x31: {  	s14 =	sadd.s32 s14, s8;
	[sflag:s10] =	ssyncadd.s32 $0xFFFFC000  }
0x32: {  	[tilespmem:s3], [sflag:$0x1] =	stream.linear.gather [hbm4b:s14+s3], $0x400, $0x38;
	[tilespmem:$0x1CC00] =	vst v63  }
0x33: {  	_ =	swait.ge [sflag:s10], $0x400  }
0x34: {  	[sflag:s10] =	ssyncset.done $0x0  }
0x35: {  	[sflag:s10] =	ssyncadd.s32 $0xFFFFFC00  }
0x36: {  	[tilespmem:s11], [sflag:$0x1] =	stream.linear.gather [hbm4b:s13+s3], $0x4000, $0x38;
	[tilespmem:$0x1CC00] =	vst v63  }
0x37: {  	_ =	swait.ge [sflag:s10], $0x4000  }
0x38: {  	[sflag:s10] =	ssyncset.done $0x0  }
0x39: {  	[sflag:s10] =	ssyncadd.s32 $0xFFFFC000  }
0x3a: {  	[spmem:s2] =	stream.indirect.scatter.add.f32 [tilespmem:s11], [sflag:$0x1], $0x10, s3, s11, $0xb8;
	[tilespmem:$0x1CC00] =	vst v63  }
0x3b: {  	_ =	swait.ge [sflag:s10], $0x4000  }
0x3c: {  	[sflag:s10] =	ssyncset.done $0x0  }
0x3d: {  	[sflag:s10] =	ssyncadd.s32 $0xFFFFC000  }
0x3e: {  	[bflag:$0x0] =	sbarrier.arrive $0xFFFF  }
0x3f: {  	[tilespmem:s9], [sflag:$0x1] =	stream.linear.gather [spmem:s4], $0xC400, $0x38;
	[tilespmem:$0x1CC00] =	vst v63  }
0x40: {  	s12 =	sadd.s32 $0x1, s12;
	_ =	swait.ge [sflag:s10], $0xC400  }
0x41: {  	p0 =	sne.s32 s12, s6;
	[sflag:s10] =	ssyncset.done $0x0  }
.Ltmp2:
0x42: {  	[sflag:s10] =	ssyncadd.s32 $0xFFFF3C00;
	(pc) =	sbr.rel @p0 .LBB2_1-.Ltmp2, $4  }
0x43: {  	[hbm4b:s5+s3] =	stream.linear.scatter [tilespmem:s9], [sflag:$0x1], $0xC400, $0x38;
	[tilespmem:$0x1CC00] =	vst v63  }
0x44: {  	_ =	swait.ge [sflag:s10], $0xC400  }
0x45: {  	[sflag:s10] =	ssyncset.done $0x0  }
0x46: {  	[sflag:s10] =	ssyncadd.s32 $0xFFFF3C00  }
0x47: {  	_ =	sfence.sel $0x180000  }
0x48: {  	[bflag:$0x0] =	sbarrier.arrive $0xFFFF  }
0x49: {  	p0 =	sne.s32 s0, $0x0;
	_ =	strace $0x90000053  }
0x4a: {  	s0 =	sadd.s32 @!p0 $0x100000, s1;
	[bflag:$0x2] =	sbarrier.arrive $0xFFFF  }
0x4b: {  	[sflag:s0] =	ssyncadd.tile.s32 @!p0 $0x1;
	_ =	shalt  }
.Lfunc_end2:
_tile_overlayer_lowered:
.L_overlay_start_2:
0x4c: {  	(tag) =	ssettag $0x2  }
0x4d: {  	s0 =	rddreg [dreg:$0x0];
	s2 =	stileid.u32  }
0x4e: {  	s1 =	rddreg [dreg:$0x1];
	p0 =	sne.s32 s2, $0x0  }
0x4f: {  	s3 =	rddreg [dreg:$0x2];
	[bflag:$0x3] =	sbarrier.arrive $0xFFFF;
	s2 =	simm.s32 @!p0 $0x1C01  }
0x50: {  	[timem:s3], [sflag:s2] =	dma.local @!p0 [hbm:s0], s1  }
0x51: {  	s0 =	simm.s32 @!p0 $0x1  }
0x52: {  	_ =	swait.ge @!p0 [sflag:s0], s1  }
0x53: {  	s1 =	ssub.s32 @!p0 $0x0, s1;
	[sflag:s0] =	ssyncset.done @!p0 $0x0  }
0x54: {  	[sflag:s0] =	ssyncadd.s32 @!p0 s1  }
0x55: {  	[bflag:$0x3] =	sbarrier.arrive $0xFFFF  }
0x56: {  	_ =	shalt  }

// kernel: kernel.45.cloned.1.call-start
scs
__scs_entry_jumppad:
0x0: {  	(pc) =	sbr.rel $0x88, $3  }
0x1: {  	(tag) =	ssettag $0x0;
	lr =	simm.s32 $0x1  }
0x2: {  	[smem:$0x3F4F] =	sst lr;
	_ =	strace $0xD0000000  }
0x3: {  	_ = 	snop  }
0x4: {  	_ = 	snop  }
0x5: {  	_ = 	snop  }
0x6: {  	_ = 	snop  }
0x7: {  	_ = 	snop  }
__scs_overlays_trampoline_lowered:
0x8: {  	[smem:$0x3F5E] =	sst s0  }
0x9: {  	[smem:$0x3F5F] =	sst s1  }
0xa: {  	[smem:$0x3F60] =	sst s2  }
0xb: {  	[smem:$0x3F61] =	sst s3  }
0xc: {  	[smem:$0x3F62] =	sst s4  }
0xd: {  	[smem:$0x3F63] =	sst s5  }
0xe: {  	[smem:$0x3F64] =	sst s6  }
0xf: {  	[smem:$0x3F65] =	sst s7  }
0x10: {  	[smem:$0x3F66] =	sst s8  }
0x11: {  	[smem:$0x3F67] =	sst s9;
	s0 =	simm.s32 @!p0 $0x0  }
0x12: {  	s1 =	sld [smem:$0x3F4D];
	s0 =	simm.s32 @p0 $0x1  }
0x13: {  	[smem:$0x3F68] =	sst s0;
	s0 =	simm.s32 @!p1 $0x0  }
0x14: {  	s2 =	sld [smem:$0x3F4C];
	s0 =	simm.s32 @p1 $0x1  }
0x15: {  	[smem:$0x3F69] =	sst s0;
	s0 =	simm.s32 @!p2 $0x0  }
0x16: {  	s3 =	sld [smem:$0x3FDB];
	s0 =	simm.s32 @p2 $0x1  }
0x17: {  	s4 =	simm.s32 $0x1BF5;
	[smem:$0x3F6B] =	sst s0  }
0x18: {  	s0 =	sld [smem:$0x3F4E];
	_ =	swait.ge [sflag:s4], $0x0  }
0x19: {  	s7 =	sld [smem:$0x3F4F]  }
0x1a: {  	s8 =	sadd.s32 $0xFFFFE003, lr  }
0x1b: {  	s9 =	sadd.s32 $0xFFFFFEF7, lr;
	s5 =	simm.s32 $0xFFFFFFFF;
	p2 =	slt.u32 s8, $0xFFFFF086  }
0x1c: {  	p1 =	slt.u32 s9, $0xF7A;
	s5 =	simm.s32 @!p2 $0x0  }
0x1d: {  	s5 =	simm.s32 @p1 $0x1;
	p0 =	seq.s32 s7, s2  }
0x1e: {  	s7 =	smul.u32 @!p0 $0xF7A, s2;
	p2 =	seq.s32 @!p0 s5, $0x0  }
0x1f: {  	s9 =	smul.u32 $0xF7A, s1;
	s8 =	simm.s32 @!p0 $0x1BF5;
	p2 =	por !p2, p0  }
0x20: {  	[sflag:s8] =	ssyncset.s32 @!p0 $0xFFFFF086;
	s6 =	sadd.s32 @!p0 s3, s7;
	s7 =	simm.s32 @!p0 $0x108  }
0x21: {  	s3 =	sadd.s32 s3, s9;
	s6 =	sadd.s32 @!p0 $0x88, s6;
	s7 =	simm.s32 @p2 $0x1082  }
0x22: {  	[simem:s7], [sflag:s8] =	dma.local @!p0 [hbm:s6], $0xF7A  }
0x23: {  	s9 =	sor.u32 $0xD0000000, s2;
	s6 =	simm.s32 $0x108;
	_ =	swait.ge @!p0 [sflag:s8], $0x0  }
0x24: {  	s3 =	sadd.s32 $0x88, s3;
	s6 =	simm.s32 @!p1 $0x1082;
	[sflag:s4] =	ssyncset.s32 $0xFFFFF086  }
0x25: {  	[simem:s6], [sflag:s4] =	dma.local [hbm:s3], $0xF7A  }
0x26: {  	[smem:$0x3F4F] =	sst s1;
	(tag) =	ssettag s2;
	_ =	strace s9  }
0x27: {  	s1 =	sld [smem:$0x3F5F]  }
0x28: {  	s2 =	sld [smem:$0x3F60]  }
0x29: {  	s4 =	sld [smem:$0x3F62]  }
0x2a: {  	p0 =	seq.s32 s5, $0x0;
	s5 =	sld [smem:$0x3F63]  }
0x2b: {  	s6 =	sld [smem:$0x3F64]  }
0x2c: {  	s7 =	sld [smem:$0x3F65]  }
0x2d: {  	s3 =	simm.s32 $0x108;
	s8 =	sld [smem:$0x3F66]  }
0x2e: {  	s3 =	simm.s32 @!p0 $0x1082;
	s9 =	sld [smem:$0x3F67]  }
0x2f: {  	lr =	sadd.s32 s0, s3;
	s0 =	sld [smem:$0x3F5E]  }
0x30: {  	s3 =	sld [smem:$0x3F61]  }
0x31: {  	[smem:$0x3F6A] =	sst s10  }
0x32: {  	s10 =	sld [smem:$0x3F68];
	_ =	sdelay $0x3  }
0x33: {  	p0 =	seq.s32 s10, $0x1;
	s10 =	sld [smem:$0x3F6A];
	_ =	sdelay $0x3  }
0x34: {  	[smem:$0x3F6A] =	sst s10  }
0x35: {  	s10 =	sld [smem:$0x3F69];
	_ =	sdelay $0x3  }
0x36: {  	p1 =	seq.s32 s10, $0x1;
	s10 =	sld [smem:$0x3F6A];
	_ =	sdelay $0x3  }
0x37: {  	[smem:$0x3F6A] =	sst s10  }
0x38: {  	s10 =	sld [smem:$0x3F6B]  }
0x39: {  	_ = 	snop;
	(pc) =	sbr.ind lr, $3  }
0x3a: {  	_ = 	snop  }
0x3b: {  	_ = 	snop  }
0x3c: {  	p2 =	seq.s32 s10, $0x1;
	s10 =	sld [smem:$0x3F6A]  }
0x3d: {  	_ =	shalt  }
0x3e: {  	_ =	shalt  }
0x3f: {  	_ =	shalt  }
0x40: {  	_ =	shalt  }
0x41: {  	_ =	shalt  }
0x42: {  	_ =	shalt  }
0x43: {  	_ =	shalt  }
0x44: {  	_ =	shalt  }
0x45: {  	_ =	shalt  }
0x46: {  	_ =	shalt  }
0x47: {  	_ =	shalt  }
0x48: {  	_ =	shalt  }
0x49: {  	_ =	shalt  }
0x4a: {  	_ =	shalt  }
0x4b: {  	_ =	shalt  }
0x4c: {  	_ =	shalt  }
0x4d: {  	_ =	shalt  }
0x4e: {  	_ =	shalt  }
0x4f: {  	_ =	shalt  }
0x50: {  	_ =	shalt  }
0x51: {  	_ =	shalt  }
0x52: {  	_ =	shalt  }
0x53: {  	_ =	shalt  }
0x54: {  	_ =	shalt  }
0x55: {  	_ =	shalt  }
0x56: {  	_ =	shalt  }
0x57: {  	_ =	shalt  }
0x58: {  	_ =	shalt  }
0x59: {  	_ =	shalt  }
0x5a: {  	_ =	shalt  }
0x5b: {  	_ =	shalt  }
0x5c: {  	_ =	shalt  }
0x5d: {  	_ =	shalt  }
0x5e: {  	_ =	shalt  }
0x5f: {  	_ =	shalt  }
0x60: {  	_ =	shalt  }
0x61: {  	_ =	shalt  }
0x62: {  	_ =	shalt  }
0x63: {  	_ =	shalt  }
0x64: {  	_ =	shalt  }
0x65: {  	_ =	shalt  }
0x66: {  	_ =	shalt  }
0x67: {  	_ =	shalt  }
0x68: {  	_ =	shalt  }
0x69: {  	_ =	shalt  }
0x6a: {  	_ =	shalt  }
0x6b: {  	_ =	shalt  }
0x6c: {  	_ =	shalt  }
0x6d: {  	_ =	shalt  }
0x6e: {  	_ =	shalt  }
0x6f: {  	_ =	shalt  }
0x70: {  	_ =	shalt  }
0x71: {  	_ =	shalt  }
0x72: {  	_ =	shalt  }
0x73: {  	_ =	shalt  }
0x74: {  	_ =	shalt  }
0x75: {  	_ =	shalt  }
0x76: {  	_ =	shalt  }
0x77: {  	_ =	shalt  }
0x78: {  	_ =	shalt  }
0x79: {  	_ =	shalt  }
0x7a: {  	_ =	shalt  }
0x7b: {  	_ =	shalt  }
0x7c: {  	_ =	shalt  }
0x7d: {  	_ =	shalt  }
0x7e: {  	_ =	shalt  }
0x7f: {  	_ =	shalt  }
0x80: {  	_ =	shalt  }
0x81: {  	_ =	shalt  }
0x82: {  	_ =	shalt  }
0x83: {  	_ =	shalt  }
0x84: {  	_ =	shalt  }
0x85: {  	_ =	shalt  }
0x86: {  	_ =	shalt  }
0x87: {  	_ =	shalt  }
.Lfunc_end0:
.L_simem_size_0:
called_computation.5_lowered:
.L_overlay_start_0:
0x88: {  	s2 =	sld [smem:$0x3FD9]  }
0x89: {  	s3 =	sld [smem:$0x3FFE];
	_ =	sdelay $0x1  }
0x8a: {  	s1 =	srdreg.scid  }
0x8b: {  	s0 =	sand.u32 $0x1, s1  }
0x8c: {  	s17 =	sshll.u32 s0, $0xA;
	s2 =	sadd.s32 s3, s2  }
0x8d: {  	s2 =	sadd.s32 s2, s17  }
0x8e: {  	[smem:$0x3F76] =	sst s2  }
0x8f: {  	_ = 	snop  }
0x90: {  	(tm) =	ssettm $0x1  }
0x91: {  	s18 =	sld [smem:$0x3FFB];
	_ =	sdelay $0x3  }
0x92: {  	_ =	strace s18  }
0x93: {  	s2 =	sld [smem:$0x3FFC];
	_ =	sdelay $0x3  }
0x94: {  	_ =	strace s2  }
0x95: {  	s2 =	sld [smem:$0x3FFD];
	_ =	sdelay $0x3  }
0x96: {  	_ =	strace s2  }
0x97: {  	_ =	strace $0x8FFFFFFF  }
0x98: {  	s19 =	sld [smem:$0x3FDB];
	_ =	sdelay $0x1  }
0x99: {  	s20 =	simm.s32 $_scs_section_size  }
0x9a: {  	s4 =	simm.s32 $_size__tile_overlayer_lowered;
	s5 =	simm.s32 $_tile_overlayer_lowered  }
0x9b: {  	s6 =	simm.s32 $0x1BFF;
	s21 =	sshll.u32 s5, $0x1;
	s3 =	sadd.s32 s20, s19  }
0x9c: {  	s22 =	simm.s32 $0x0;
	s4 =	sshll.u32 s4, $0x1;
	s5 =	sadd.s32 s21, s3  }
0x9d: {  	[timem:s22], [sflag:s6] =	dma.local [hbm:s5], s4  }
0x9e: {  	_ =	swait.ge [sflag:s6], s4  }
0x9f: {  	s4 =	ssub.s32 $0x0, s4;
	[sflag:s6] =	ssyncset.done $0x0  }
0xa0: {  	[sflag:s6] =	ssyncadd.s32 s4;
	_ =	sdelay $0x1  }
0xa1: {  	s23 =	simm.s32 $0x1B8B  }
0xa2: {  	_ =	swait.ge [sflag:s23], $0x1  }
0xa3: {  	[sflag:s23] =	ssyncset.done $0x0  }
0xa4: {  	[sflag:s23] =	ssyncadd.s32 $0xFFFFFFFF  }
0xa5: {  	s4 =	sld [smem:$0x0]  }
0xa6: {  	s5 =	sand.u32 $0xFFFFFFFE, s1  }
0xa7: {  	p0 =	sne.s32 s1, s5  }
0xa8: {  	s5 =	sshll.u32 @p0 s5, $0xE  }
0xa9: {  	s5 =	sadd.s32 @p0 $0x11B8D, s5;
	s6 =	sshll.u32 @p0 s4, $0x11  }
0xaa: {  	s5 =	sor.u32 @p0 s6, s5  }
0xab: {  	[sflag:s5] =	ssyncadd.remote.s32 @p0 $0x1;
	_ =	sdelay $0x1  }
0xac: {  	s5 =	simm.s32 @p0 $0x1B8D  }
0xad: {  	_ =	swait.eq @p0 [sflag:s5], $0x1  }
0xae: {  	[sflag:s5] =	ssyncadd.s32 @p0 $0xFFFFFFFF  }
0xaf: {  	s6 =	sshll.u32 @!p0 s1, $0xE  }
0xb0: {  	s6 =	sor.u32 @!p0 $0x4000, s6;
	s5 =	simm.s32 @!p0 $0x1B8D  }
0xb1: {  	s4 =	sshll.u32 @!p0 s4, $0x11;
	s6 =	sadd.s32 @!p0 $0x11B8D, s6;
	_ =	swait.eq @!p0 [sflag:s5], $0x1  }
0xb2: {  	s4 =	sor.u32 @!p0 s4, s6;
	[sflag:s5] =	ssyncadd.s32 @!p0 $0xFFFFFFFF  }
0xb3: {  	s25 =	simm.s32 $0x1B8E;
	s24 =	sld [smem:$0x3FFE];
	[sflag:s4] =	ssyncadd.remote.s32 @!p0 $0x1  }
0xb4: {  	s26 =	simm.s32 $execute0_lowered;
	[smem:$0x3FD2] =	sst s25  }
0xb5: {  	s5 =	sshll.u32 s26, $0x1;
	_ =	strace $0x80000055;
	[dreg:$0x1] =	wrdreg $0xFFFFFFFF  }
0xb6: {  	s28 =	simm.s32 $_size_execute0_lowered;
	s3 =	sadd.s32 s3, s5;
	[dreg:$0x0] =	wrdreg $0x0  }
0xb7: {  	s5 =	sshll.u32 s28, $0x1;
	[dreg:$0x2] =	wrdreg s3  }
0xb8: {  	[dreg:$0x3] =	wrdreg s5  }
0xb9: {  	[dreg:$0x4] =	wrdreg $0xC0  }
0xba: {  	_ =	task [dreg:s22], $0x5FFFF  }
0xbb: {  	[dreg:$0x1] =	wrdreg $0xFFFFFFFF  }
0xbc: {  	[dreg:$0x0] =	wrdreg $0x60  }
0xbd: {  	[dreg:$0x2] =	wrdreg s24  }
0xbe: {  	[dreg:$0x3] =	wrdreg $0x108000  }
0xbf: {  	[dreg:$0x4] =	wrdreg $0xA  }
0xc0: {  	_ =	task.clear_ibuf [dreg:s22], $0x5FFFF;
	_ =	strace $0x90000055  }
0xc1: {  	s29 =	simm.s32 $0xA;
	_ =	strace $0x80000057  }
0xc2: {  	_ =	swait.ge [sflag:s29], $0x1  }
0xc3: {  	[sflag:s29] =	ssyncadd.s32 $0xFFFFFFFF  }
0xc4: {  	_ =	strace $0x90000057  }
0xc5: {  	_ =	sfence  }
0xc6: {  	s30 =	sld [smem:$0x0];
	_ =	sdelay $0x2  }
0xc7: {  	s31 =	sshll.u32 s1, $0xD;
	s1 =	sshrl.u32 s1, $0x2  }
0xc8: {  	s4 =	sand.u32 $0x4000, s31;
	s1 =	sadd.s32 s1, s30  }
0xc9: {  	s0 =	sor.u32 s4, s0;
	s1 =	sshll.u32 s1, $0x11  }
0xca: {  	s0 =	sor.u32 s1, s0  }
0xcb: {  	s0 =	sadd.s32 $0x8F2B, s0  }
0xcc: {  	[sflag:s0] =	ssyncadd.remote.s32 $0x1  }
0xcd: {  	_ =	sfence.sel $0xFFFF  }
0xce: {  	[dreg:$0x0] =	wrdreg $0xFFFFFFFF;
	(pc) =	sbr.abs _section_cstart, $3  }
0xcf: {  	[dreg:$0x1] =	wrdreg $0xFFFFFFFF  }
0xd0: {  	_ =	task.clear_ibuf [dreg:s22], $0x2FFFF;
	_ =	strace $0x9FFFFFFF  }
0xd1: {  	(tm) =	ssettm $0x7FFFFFFF  }
tec
execute0_lowered:
.L_overlay_start_1:
0x0: {  	(tag) =	ssettag $0x1  }
0x1: {  	s0 =	srdreg.scid  }
0x2: {  	s4 =	rddreg [dreg:$0x0];
	s5 =	sand.u32 $0x1, s0  }
0x3: {  	s0 =	stileid.u32;
	s6 =	smul.u32 $0xC40000, s5  }
0x4: {  	s2 =	rddreg [dreg:$0x1];
	s7 =	smul.u32 $0xC4000, s0  }
0x5: {  	s1 =	rddreg [dreg:$0x2];
	s8 =	smul.u32 $0xC400, s0  }
0x6: {  	s3 =	simm.s32 $0x0;
	s11 =	simm.s32 $0x400;
	s29 =	smul.u32 $0xC4000, s5  }
0x7: {  	[smem:$0x7FF] =	sst s3;
	s9 =	smul.u32 $0x1880, s0;
	s5 =	ssub.s32 $0x2, s5  }
0x8: {  	s12 =	simm.s32 $0x0;
	_ =	strace $0x80000056;
	s31 =	sshrl.u32 s5, $0x1  }
0x9: {  	s6 =	sadd.s32 s7, s6;
	s7 =	sadd.s32 s8, s29;
	s9 =	sadd.s32 s9, s4  }
0xa: {  	s6 =	sshrl.u32 s6, $0x3;
	s30 =	sshrl.u32 s7, $0x3;
	s7 =	ssub.s32 s5, s31  }
0xb: {  	s10 =	sadd.s32 s6, s4;
	s6 =	sadd.s32 s30, s4;
	s4 =	sadd.s32 s8, s2  }
0xc: {  	s8 =	sadd.s32 $0x14D000, s9;
	s9 =	simm.s32 $0x4400;
	s5 =	sadd.s32 $0x17E000, s6  }
0xd: {  	v0 =	vimm.f32 $0.0e+00;
	s6 =	smax.u32 s7, $0x1;
	s7 =	sadd.s32 $0xC65600, s10;
	s10 =	simm.s32 $0x1  }
.LBB2_1:
0xe: {  	s13 =	simm.s32 $0x40;
	s14 =	simm.s32 $0x0  }
.LBB2_2:
0xf: {  	p0 =	sne.s32 s13, $0x30FC0;
	[tilespmem:s14+$0x4400] =	vst v0;
	s14 =	smov.u32 s13;
	s13 =	sadd.s32 $0x40, s13  }
.Ltmp0:
0x10: {  	(pc) =	sbr.rel @p0 .LBB2_2-.Ltmp0, $2  }
0x11: {  	_ =	sdelay $0x2  }
0x12: {  	s14 =	sshra.s32 s14, $0x2  }
0x13: {  	[tilespmem:s14+$0x4400] =	vst v0  }
0x14: {  	[spmem:s4] =	stream.linear.scatter [tilespmem:s9], [sflag:$0x1], $0xC400, $0x38;
	[tilespmem:$0x1CC00] =	vst v63  }
0x15: {  	_ =	swait.ge [sflag:s10], $0xC400  }
0x16: {  	[sflag:s10] =	ssyncset.done $0x0  }
0x17: {  	[sflag:s10] =	ssyncadd.s32 $0xFFFF3C00  }
0x18: {  	s13 =	sadd.s32 $0x0, s8;
	[bflag:$0x0] =	sbarrier.arrive $0xFFFF  }
0x19: {  	[tilespmem:s3], [sflag:$0x1] =	stream.linear.gather [hbm4b:s13+s3], $0x400, $0x38;
	[tilespmem:$0x1CC00] =	vst v63  }
0x1a: {  	_ =	swait.ge [sflag:s10], $0x400  }
0x1b: {  	[sflag:s10] =	ssyncset.done $0x0  }
0x1c: {  	[sflag:s10] =	ssyncadd.s32 $0xFFFFFC00  }
0x1d: {  	[tilespmem:s11], [sflag:$0x1] =	stream.linear.gather [hbm4b:s7+s3], $0x4000, $0x38;
	[tilespmem:$0x1CC00] =	vst v63  }
0x1e: {  	_ =	swait.ge [sflag:s10], $0x4000  }
0x1f: {  	[sflag:s10] =	ssyncset.done $0x0  }
0x20: {  	[sflag:s10] =	ssyncadd.s32 $0xFFFFC000  }
0x21: {  	[spmem:s2] =	stream.indirect.scatter.add.f32 [tilespmem:s11], [sflag:$0x1], $0x10, s3, s11, $0xb8;
	[tilespmem:$0x1CC00] =	vst v63  }
0x22: {  	s14 =	simm.s32 $0x80;
	_ =	swait.ge [sflag:s10], $0x4000  }
0x23: {  	s15 =	simm.s32 $0x100;
	s13 =	sadd.s32 $0x800, s7;
	[sflag:s10] =	ssyncset.done $0x0  }
.LBB2_4:
0x24: {  	s16 =	sadd.s32 s14, s8  }
0x25: {  	[sflag:s10] =	ssyncadd.s32 $0xFFFFC000;
	s14 =	smov.u32 s15;
	s17 =	sadd.s32 $0x80, s15  }
0x26: {  	[tilespmem:s3], [sflag:$0x1] =	stream.linear.gather [hbm4b:s16+s3], $0x400, $0x38;
	[tilespmem:$0x1CC00] =	vst v63  }
0x27: {  	p0 =	sne.s32 s15, $0x1800;
	_ =	swait.ge [sflag:s10], $0x400  }
0x28: {  	[sflag:s10] =	ssyncset.done $0x0  }
0x29: {  	[sflag:s10] =	ssyncadd.s32 $0xFFFFFC00  }
0x2a: {  	[tilespmem:s11], [sflag:$0x1] =	stream.linear.gather [hbm4b:s13+s3], $0x4000, $0x38;
	[tilespmem:$0x1CC00] =	vst v63  }
0x2b: {  	_ =	swait.ge [sflag:s10], $0x4000  }
.Ltmp1:
0x2c: {  	[sflag:s10] =	ssyncset.done $0x0;
	(pc) =	sbr.rel @p0 .LBB2_4-.Ltmp1, $4  }
0x2d: {  	[sflag:s10] =	ssyncadd.s32 $0xFFFFC000  }
0x2e: {  	[spmem:s2] =	stream.indirect.scatter.add.f32 [tilespmem:s11], [sflag:$0x1], $0x10, s3, s11, $0xb8;
	[tilespmem:$0x1CC00] =	vst v63  }
0x2f: {  	_ =	swait.ge [sflag:s10], $0x4000  }
0x30: {  	s15 =	smov.u32 s17;
	s13 =	sadd.s32 $0x800, s13;
	[sflag:s10] =	ssyncset.done $0x0  }
0x31: {  	s14 =	sadd.s32 s14, s8;
	[sflag:s10] =	ssyncadd.s32 $0xFFFFC000  }
0x32: {  	[tilespmem:s3], [sflag:$0x1] =	stream.linear.gather [hbm4b:s14+s3], $0x400, $0x38;
	[tilespmem:$0x1CC00] =	vst v63  }
0x33: {  	_ =	swait.ge [sflag:s10], $0x400  }
0x34: {  	[sflag:s10] =	ssyncset.done $0x0  }
0x35: {  	[sflag:s10] =	ssyncadd.s32 $0xFFFFFC00  }
0x36: {  	[tilespmem:s11], [sflag:$0x1] =	stream.linear.gather [hbm4b:s13+s3], $0x4000, $0x38;
	[tilespmem:$0x1CC00] =	vst v63  }
0x37: {  	_ =	swait.ge [sflag:s10], $0x4000  }
0x38: {  	[sflag:s10] =	ssyncset.done $0x0  }
0x39: {  	[sflag:s10] =	ssyncadd.s32 $0xFFFFC000  }
0x3a: {  	[spmem:s2] =	stream.indirect.scatter.add.f32 [tilespmem:s11], [sflag:$0x1], $0x10, s3, s11, $0xb8;
	[tilespmem:$0x1CC00] =	vst v63  }
0x3b: {  	_ =	swait.ge [sflag:s10], $0x4000  }
0x3c: {  	[sflag:s10] =	ssyncset.done $0x0  }
0x3d: {  	[sflag:s10] =	ssyncadd.s32 $0xFFFFC000  }
0x3e: {  	[bflag:$0x0] =	sbarrier.arrive $0xFFFF  }
0x3f: {  	[tilespmem:s9], [sflag:$0x1] =	stream.linear.gather [spmem:s4], $0xC400, $0x38;
	[tilespmem:$0x1CC00] =	vst v63  }
0x40: {  	s12 =	sadd.s32 $0x1, s12;
	_ =	swait.ge [sflag:s10], $0xC400  }
0x41: {  	p0 =	sne.s32 s12, s6;
	[sflag:s10] =	ssyncset.done $0x0  }
.Ltmp2:
0x42: {  	[sflag:s10] =	ssyncadd.s32 $0xFFFF3C00;
	(pc) =	sbr.rel @p0 .LBB2_1-.Ltmp2, $4  }
0x43: {  	[hbm4b:s5+s3] =	stream.linear.scatter [tilespmem:s9], [sflag:$0x1], $0xC400, $0x38;
	[tilespmem:$0x1CC00] =	vst v63  }
0x44: {  	_ =	swait.ge [sflag:s10], $0xC400  }
0x45: {  	[sflag:s10] =	ssyncset.done $0x0  }
0x46: {  	[sflag:s10] =	ssyncadd.s32 $0xFFFF3C00  }
0x47: {  	_ =	sfence.sel $0x180000  }
0x48: {  	[bflag:$0x0] =	sbarrier.arrive $0xFFFF  }
0x49: {  	p0 =	sne.s32 s0, $0x0;
	_ =	strace $0x90000056  }
0x4a: {  	s0 =	sadd.s32 @!p0 $0x100000, s1;
	[bflag:$0x2] =	sbarrier.arrive $0xFFFF  }
0x4b: {  	[sflag:s0] =	ssyncadd.tile.s32 @!p0 $0x1;
	_ =	shalt  }
.Lfunc_end2:
_tile_overlayer_lowered:
.L_overlay_start_2:
0x4c: {  	(tag) =	ssettag $0x2  }
0x4d: {  	s0 =	rddreg [dreg:$0x0];
	s2 =	stileid.u32  }
0x4e: {  	s1 =	rddreg [dreg:$0x1];
	p0 =	sne.s32 s2, $0x0  }
0x4f: {  	s3 =	rddreg [dreg:$0x2];
	[bflag:$0x3] =	sbarrier.arrive $0xFFFF;
	s2 =	simm.s32 @!p0 $0x1C01  }
0x50: {  	[timem:s3], [sflag:s2] =	dma.local @!p0 [hbm:s0], s1  }
0x51: {  	s0 =	simm.s32 @!p0 $0x1  }
0x52: {  	_ =	swait.ge @!p0 [sflag:s0], s1  }
0x53: {  	s1 =	ssub.s32 @!p0 $0x0, s1;
	[sflag:s0] =	ssyncset.done @!p0 $0x0  }
0x54: {  	[sflag:s0] =	ssyncadd.s32 @!p0 s1  }
0x55: {  	[bflag:$0x3] =	sbarrier.arrive $0xFFFF  }
0x56: {  	_ =	shalt  }

// kernel: kernel.48.cloned.1.call-start
scs
__scs_entry_jumppad:
0x0: {  	(pc) =	sbr.rel $0x88, $3  }
0x1: {  	(tag) =	ssettag $0x0;
	lr =	simm.s32 $0x1  }
0x2: {  	[smem:$0x3F4F] =	sst lr;
	_ =	strace $0xD0000000  }
0x3: {  	_ = 	snop  }
0x4: {  	_ = 	snop  }
0x5: {  	_ = 	snop  }
0x6: {  	_ = 	snop  }
0x7: {  	_ = 	snop  }
__scs_overlays_trampoline_lowered:
0x8: {  	[smem:$0x3F5E] =	sst s0  }
0x9: {  	[smem:$0x3F5F] =	sst s1  }
0xa: {  	[smem:$0x3F60] =	sst s2  }
0xb: {  	[smem:$0x3F61] =	sst s3  }
0xc: {  	[smem:$0x3F62] =	sst s4  }
0xd: {  	[smem:$0x3F63] =	sst s5  }
0xe: {  	[smem:$0x3F64] =	sst s6  }
0xf: {  	[smem:$0x3F65] =	sst s7  }
0x10: {  	[smem:$0x3F66] =	sst s8  }
0x11: {  	[smem:$0x3F67] =	sst s9;
	s0 =	simm.s32 @!p0 $0x0  }
0x12: {  	s1 =	sld [smem:$0x3F4D];
	s0 =	simm.s32 @p0 $0x1  }
0x13: {  	[smem:$0x3F68] =	sst s0;
	s0 =	simm.s32 @!p1 $0x0  }
0x14: {  	s2 =	sld [smem:$0x3F4C];
	s0 =	simm.s32 @p1 $0x1  }
0x15: {  	[smem:$0x3F69] =	sst s0;
	s0 =	simm.s32 @!p2 $0x0  }
0x16: {  	s3 =	sld [smem:$0x3FDB];
	s0 =	simm.s32 @p2 $0x1  }
0x17: {  	s4 =	simm.s32 $0x1BF5;
	[smem:$0x3F6B] =	sst s0  }
0x18: {  	s0 =	sld [smem:$0x3F4E];
	_ =	swait.ge [sflag:s4], $0x0  }
0x19: {  	s7 =	sld [smem:$0x3F4F]  }
0x1a: {  	s8 =	sadd.s32 $0xFFFFE003, lr  }
0x1b: {  	s9 =	sadd.s32 $0xFFFFFEF7, lr;
	s5 =	simm.s32 $0xFFFFFFFF;
	p2 =	slt.u32 s8, $0xFFFFF086  }
0x1c: {  	p1 =	slt.u32 s9, $0xF7A;
	s5 =	simm.s32 @!p2 $0x0  }
0x1d: {  	s5 =	simm.s32 @p1 $0x1;
	p0 =	seq.s32 s7, s2  }
0x1e: {  	s7 =	smul.u32 @!p0 $0xF7A, s2;
	p2 =	seq.s32 @!p0 s5, $0x0  }
0x1f: {  	s9 =	smul.u32 $0xF7A, s1;
	s8 =	simm.s32 @!p0 $0x1BF5;
	p2 =	por !p2, p0  }
0x20: {  	[sflag:s8] =	ssyncset.s32 @!p0 $0xFFFFF086;
	s6 =	sadd.s32 @!p0 s3, s7;
	s7 =	simm.s32 @!p0 $0x108  }
0x21: {  	s3 =	sadd.s32 s3, s9;
	s6 =	sadd.s32 @!p0 $0x88, s6;
	s7 =	simm.s32 @p2 $0x1082  }
0x22: {  	[simem:s7], [sflag:s8] =	dma.local @!p0 [hbm:s6], $0xF7A  }
0x23: {  	s9 =	sor.u32 $0xD0000000, s2;
	s6 =	simm.s32 $0x108;
	_ =	swait.ge @!p0 [sflag:s8], $0x0  }
0x24: {  	s3 =	sadd.s32 $0x88, s3;
	s6 =	simm.s32 @!p1 $0x1082;
	[sflag:s4] =	ssyncset.s32 $0xFFFFF086  }
0x25: {  	[simem:s6], [sflag:s4] =	dma.local [hbm:s3], $0xF7A  }
0x26: {  	[smem:$0x3F4F] =	sst s1;
	(tag) =	ssettag s2;
	_ =	strace s9  }
0x27: {  	s1 =	sld [smem:$0x3F5F]  }
0x28: {  	s2 =	sld [smem:$0x3F60]  }
0x29: {  	s4 =	sld [smem:$0x3F62]  }
0x2a: {  	p0 =	seq.s32 s5, $0x0;
	s5 =	sld [smem:$0x3F63]  }
0x2b: {  	s6 =	sld [smem:$0x3F64]  }
0x2c: {  	s7 =	sld [smem:$0x3F65]  }
0x2d: {  	s3 =	simm.s32 $0x108;
	s8 =	sld [smem:$0x3F66]  }
0x2e: {  	s3 =	simm.s32 @!p0 $0x1082;
	s9 =	sld [smem:$0x3F67]  }
0x2f: {  	lr =	sadd.s32 s0, s3;
	s0 =	sld [smem:$0x3F5E]  }
0x30: {  	s3 =	sld [smem:$0x3F61]  }
0x31: {  	[smem:$0x3F6A] =	sst s10  }
0x32: {  	s10 =	sld [smem:$0x3F68];
	_ =	sdelay $0x3  }
0x33: {  	p0 =	seq.s32 s10, $0x1;
	s10 =	sld [smem:$0x3F6A];
	_ =	sdelay $0x3  }
0x34: {  	[smem:$0x3F6A] =	sst s10  }
0x35: {  	s10 =	sld [smem:$0x3F69];
	_ =	sdelay $0x3  }
0x36: {  	p1 =	seq.s32 s10, $0x1;
	s10 =	sld [smem:$0x3F6A];
	_ =	sdelay $0x3  }
0x37: {  	[smem:$0x3F6A] =	sst s10  }
0x38: {  	s10 =	sld [smem:$0x3F6B]  }
0x39: {  	_ = 	snop;
	(pc) =	sbr.ind lr, $3  }
0x3a: {  	_ = 	snop  }
0x3b: {  	_ = 	snop  }
0x3c: {  	p2 =	seq.s32 s10, $0x1;
	s10 =	sld [smem:$0x3F6A]  }
0x3d: {  	_ =	shalt  }
0x3e: {  	_ =	shalt  }
0x3f: {  	_ =	shalt  }
0x40: {  	_ =	shalt  }
0x41: {  	_ =	shalt  }
0x42: {  	_ =	shalt  }
0x43: {  	_ =	shalt  }
0x44: {  	_ =	shalt  }
0x45: {  	_ =	shalt  }
0x46: {  	_ =	shalt  }
0x47: {  	_ =	shalt  }
0x48: {  	_ =	shalt  }
0x49: {  	_ =	shalt  }
0x4a: {  	_ =	shalt  }
0x4b: {  	_ =	shalt  }
0x4c: {  	_ =	shalt  }
0x4d: {  	_ =	shalt  }
0x4e: {  	_ =	shalt  }
0x4f: {  	_ =	shalt  }
0x50: {  	_ =	shalt  }
0x51: {  	_ =	shalt  }
0x52: {  	_ =	shalt  }
0x53: {  	_ =	shalt  }
0x54: {  	_ =	shalt  }
0x55: {  	_ =	shalt  }
0x56: {  	_ =	shalt  }
0x57: {  	_ =	shalt  }
0x58: {  	_ =	shalt  }
0x59: {  	_ =	shalt  }
0x5a: {  	_ =	shalt  }
0x5b: {  	_ =	shalt  }
0x5c: {  	_ =	shalt  }
0x5d: {  	_ =	shalt  }
0x5e: {  	_ =	shalt  }
0x5f: {  	_ =	shalt  }
0x60: {  	_ =	shalt  }
0x61: {  	_ =	shalt  }
0x62: {  	_ =	shalt  }
0x63: {  	_ =	shalt  }
0x64: {  	_ =	shalt  }
0x65: {  	_ =	shalt  }
0x66: {  	_ =	shalt  }
0x67: {  	_ =	shalt  }
0x68: {  	_ =	shalt  }
0x69: {  	_ =	shalt  }
0x6a: {  	_ =	shalt  }
0x6b: {  	_ =	shalt  }
0x6c: {  	_ =	shalt  }
0x6d: {  	_ =	shalt  }
0x6e: {  	_ =	shalt  }
0x6f: {  	_ =	shalt  }
0x70: {  	_ =	shalt  }
0x71: {  	_ =	shalt  }
0x72: {  	_ =	shalt  }
0x73: {  	_ =	shalt  }
0x74: {  	_ =	shalt  }
0x75: {  	_ =	shalt  }
0x76: {  	_ =	shalt  }
0x77: {  	_ =	shalt  }
0x78: {  	_ =	shalt  }
0x79: {  	_ =	shalt  }
0x7a: {  	_ =	shalt  }
0x7b: {  	_ =	shalt  }
0x7c: {  	_ =	shalt  }
0x7d: {  	_ =	shalt  }
0x7e: {  	_ =	shalt  }
0x7f: {  	_ =	shalt  }
0x80: {  	_ =	shalt  }
0x81: {  	_ =	shalt  }
0x82: {  	_ =	shalt  }
0x83: {  	_ =	shalt  }
0x84: {  	_ =	shalt  }
0x85: {  	_ =	shalt  }
0x86: {  	_ =	shalt  }
0x87: {  	_ =	shalt  }
.Lfunc_end0:
.L_simem_size_0:
called_computation.6_lowered:
.L_overlay_start_0:
0x88: {  	s2 =	sld [smem:$0x3FD9]  }
0x89: {  	s3 =	sld [smem:$0x3FFE];
	_ =	sdelay $0x1  }
0x8a: {  	s1 =	srdreg.scid  }
0x8b: {  	s0 =	sand.u32 $0x1, s1  }
0x8c: {  	s16 =	sshll.u32 s0, $0xA;
	s2 =	sadd.s32 s3, s2  }
0x8d: {  	s2 =	sadd.s32 s2, s16  }
0x8e: {  	[smem:$0x3F76] =	sst s2  }
0x8f: {  	_ = 	snop  }
0x90: {  	(tm) =	ssettm $0x1  }
0x91: {  	s17 =	sld [smem:$0x3FFB];
	_ =	sdelay $0x3  }
0x92: {  	_ =	strace s17  }
0x93: {  	s2 =	sld [smem:$0x3FFC];
	_ =	sdelay $0x3  }
0x94: {  	_ =	strace s2  }
0x95: {  	s2 =	sld [smem:$0x3FFD];
	_ =	sdelay $0x3  }
0x96: {  	_ =	strace s2  }
0x97: {  	_ =	strace $0x8FFFFFFF  }
0x98: {  	s18 =	sld [smem:$0x3FDB];
	_ =	sdelay $0x1  }
0x99: {  	s19 =	simm.s32 $_scs_section_size  }
0x9a: {  	s4 =	simm.s32 $_size__tile_overlayer_lowered;
	s5 =	simm.s32 $_tile_overlayer_lowered  }
0x9b: {  	s22 =	simm.s32 $0x1BFF;
	s21 =	sshll.u32 s5, $0x1;
	s2 =	sadd.s32 s19, s18  }
0x9c: {  	s6 =	simm.s32 $0x0;
	s20 =	sshll.u32 s4, $0x1;
	s4 =	sadd.s32 s21, s2  }
0x9d: {  	[timem:s6], [sflag:s22] =	dma.local [hbm:s4], s20  }
0x9e: {  	_ =	swait.ge [sflag:s22], s20  }
0x9f: {  	s3 =	ssub.s32 $0x0, s20;
	[sflag:s22] =	ssyncset.done $0x0  }
0xa0: {  	[sflag:s22] =	ssyncadd.s32 s3;
	_ =	sdelay $0x1  }
0xa1: {  	s23 =	simm.s32 $0x1B8B  }
0xa2: {  	_ =	swait.ge [sflag:s23], $0x1  }
0xa3: {  	[sflag:s23] =	ssyncset.done $0x0  }
0xa4: {  	s25 =	simm.s32 $0x1B8E;
	s24 =	sld [smem:$0x3FFE];
	[sflag:s23] =	ssyncadd.s32 $0xFFFFFFFF  }
0xa5: {  	s26 =	simm.s32 $execute0_lowered;
	[smem:$0x3FD2] =	sst s25  }
0xa6: {  	s4 =	sshll.u32 s26, $0x1;
	_ =	strace $0x80000058;
	[dreg:$0x1] =	wrdreg $0xFFFFFFFF  }
0xa7: {  	s28 =	simm.s32 $_size_execute0_lowered;
	s2 =	sadd.s32 s2, s4;
	[dreg:$0x0] =	wrdreg $0x0  }
0xa8: {  	s4 =	sshll.u32 s28, $0x1;
	[dreg:$0x2] =	wrdreg s2  }
0xa9: {  	[dreg:$0x3] =	wrdreg s4  }
0xaa: {  	[dreg:$0x4] =	wrdreg $0xC0  }
0xab: {  	_ =	task [dreg:s6], $0x5FFFF  }
0xac: {  	[dreg:$0x1] =	wrdreg $0xFFFFFFFF  }
0xad: {  	[dreg:$0x0] =	wrdreg $0x60  }
0xae: {  	[dreg:$0x2] =	wrdreg s24  }
0xaf: {  	[dreg:$0x3] =	wrdreg $0x9  }
0xb0: {  	_ =	task.clear_ibuf [dreg:s6], $0x4FFFF;
	_ =	strace $0x90000058  }
0xb1: {  	s29 =	simm.s32 $0x9;
	_ =	strace $0x8000005A  }
0xb2: {  	_ =	swait.ge [sflag:s29], $0x1  }
0xb3: {  	[sflag:s29] =	ssyncadd.s32 $0xFFFFFFFF  }
0xb4: {  	_ =	strace $0x9000005A  }
0xb5: {  	_ =	sfence  }
0xb6: {  	s30 =	sld [smem:$0x0];
	_ =	sdelay $0x2  }
0xb7: {  	s31 =	sshll.u32 s1, $0xD;
	s1 =	sshrl.u32 s1, $0x2  }
0xb8: {  	s3 =	sand.u32 $0x4000, s31;
	s1 =	sadd.s32 s1, s30  }
0xb9: {  	s0 =	sor.u32 s3, s0;
	s1 =	sshll.u32 s1, $0x11  }
0xba: {  	s0 =	sor.u32 s1, s0  }
0xbb: {  	s0 =	sadd.s32 $0x8F2B, s0  }
0xbc: {  	[sflag:s0] =	ssyncadd.remote.s32 $0x1  }
0xbd: {  	_ =	sfence.sel $0xFFFF  }
0xbe: {  	[dreg:$0x0] =	wrdreg $0xFFFFFFFF;
	(pc) =	sbr.abs _section_cstart, $3  }
0xbf: {  	[dreg:$0x1] =	wrdreg $0xFFFFFFFF  }
0xc0: {  	_ =	task.clear_ibuf [dreg:s6], $0x2FFFF;
	_ =	strace $0x9FFFFFFF  }
0xc1: {  	(tm) =	ssettm $0x7FFFFFFF  }
tec
execute0_lowered:
.L_overlay_start_1:
0x0: {  	(tag) =	ssettag $0x1  }
0x1: {  	s7 =	rddreg [dreg:$0x0]  }
0x2: {  	s0 =	rddreg [dreg:$0x1]  }
0x3: {  	s1 =	simm.s32 $0x0;
	s2 =	srdreg.scid;
	s12 =	simm.s32 $0x400  }
0x4: {  	s13 =	simm.s32 $0x8400;
	s14 =	simm.s32 $0x1;
	s15 =	simm.s32 $0x0  }
0x5: {  	[smem:$0x7FF] =	sst s1;
	s3 =	sadd.s32 $0xD2C00, s7;
	s8 =	sand.u32 $0x1, s2  }
0x6: {  	s4 =	sadd.s32 $0xF600, s7;
	s2 =	stileid.u32;
	s5 =	sadd.s32 $0x259800, s7  }
0x7: {  	s6 =	sadd.s32 $0x165800, s7;
	s7 =	sadd.s32 $0x335600, s7;
	s9 =	ssub.s32 $0x2, s8  }
0x8: {  	_ =	strace $0x80000059;
	s11 =	sshll.u32 s2, $0x1;
	s10 =	sshrl.u32 s9, $0x1  }
0x9: {  	s8 =	sor.u32 s8, s11;
	s11 =	simm.s32 $0x200;
	s9 =	ssub.s32 s9, s10  }
0xa: {  	s8 =	smul.u32 $0x6200, s8;
	s10 =	simm.s32 $0x2;
	s9 =	smax.u32 s9, $0x1  }
.LBB2_1:
0xb: {  	s16 =	simm.s32 $0x0  }
.LBB2_2:
0xc: {  	s17 =	sshll.u32 s16, $0x9  }
0xd: {  	s17 =	sadd.s32 s8, s17  }
0xe: {  	s18 =	sshrl.u32 s17, $0x3  }
0xf: {  	s20 =	simm.s32 $0x0;
	s19 =	sadd.s32 s5, s18  }
0x10: {  	[tilespmem:s20], [sflag:$0x2] =	stream.linear.gather [hbm4b:s19+s20], $0x200, $0x38;
	[tilespmem:$0x10400] =	vst v63  }
0x11: {  	_ =	swait.ge [sflag:s10], $0x200  }
0x12: {  	[sflag:s10] =	ssyncset.done $0x0  }
0x13: {  	s18 =	sadd.s32 s6, s18;
	[sflag:s10] =	ssyncadd.s32 $0xFFFFFE00  }
0x14: {  	[tilespmem:s11], [sflag:$0x2] =	stream.linear.gather [hbm4b:s18+s20], $0x200, $0x38;
	[tilespmem:$0x10400] =	vst v63  }
0x15: {  	_ =	swait.ge [sflag:s10], $0x200  }
0x16: {  	[sflag:s10] =	ssyncset.done $0x0  }
0x17: {  	[sflag:s10] =	ssyncadd.s32 $0xFFFFFE00  }
0x18: {  	[tilespmem:s12], [sflag:$0x1] =	stream.indirect.gather [hbm4b:s3+s11], $0x40, s20, s11, $0xb8;
	[tilespmem:$0x10400] =	vst v63  }
0x19: {  	_ = 	snop  }
0x1a: {  	[tilespmem:s13], [sflag:$0x1] =	stream.indirect.gather [hbm4b:s4+s11], $0x40, s11, s11, $0xb8;
	[tilespmem:$0x10400] =	vst v63  }
0x1b: {  	_ =	swait.ge [sflag:s14], $0x8000  }
0x1c: {  	[sflag:s14] =	ssyncset.done $0x0  }
0x1d: {  	[sflag:s14] =	ssyncadd.s32 $0xFFFF8000  }
0x1e: {  	_ =	swait.ge [sflag:s14], $0x8000  }
0x1f: {  	[sflag:s14] =	ssyncset.done $0x0  }
0x20: {  	s18 =	simm.s32 $0x0;
	[sflag:s14] =	ssyncadd.s32 $0xFFFF8000  }
0x21: {  	v5 =	vld [tilespmem:s18+$0x8400]  }
0x22: {  	v6 =	vld [tilespmem:s18+$0x8410]  }
0x23: {  	v1 =	vld [tilespmem:s18+$0x8420]  }
0x24: {  	v0 =	vld [tilespmem:s18+$0x8430]  }
0x25: {  	v2 =	vld [tilespmem:s18+$0x400]  }
0x26: {  	v4 =	vld [tilespmem:s18+$0x410]  }
0x27: {  	s19 =	simm.s32 $0x100;
	v3 =	vld [tilespmem:s18+$0x420]  }
.LBB2_3:
0x28: {  	s20 =	sshra.s32 s19, $0x2;
	p0 =	sne.s32 s19, $0x1FF00;
	v7 =	vld [tilespmem:s18+$0x430];
	v8 =	vmov v1  }
0x29: {  	v9 =	vld [tilespmem:s20+$0x8400];
	v10 =	vmov v0  }
0x2a: {  	v11 =	vld [tilespmem:s20+$0x8410];
	v2 =	vadd.f32 v5, v2  }
.Ltmp0:
0x2b: {  	v1 =	vld [tilespmem:s20+$0x8420];
	v4 =	vadd.f32 v6, v4;
	(pc) =	sbr.rel @p0 .LBB2_3-.Ltmp0, $4  }
0x2c: {  	v0 =	vld [tilespmem:s20+$0x8430];
	[tilespmem:s18+$0x400] =	vst v2;
	v3 =	vadd.f32 v8, v3  }
0x2d: {  	v2 =	vld [tilespmem:s20+$0x400];
	[tilespmem:s18+$0x410] =	vst v4;
	v7 =	vadd.f32 v10, v7  }
0x2e: {  	v4 =	vld [tilespmem:s20+$0x410];
	[tilespmem:s18+$0x420] =	vst v3;
	v5 =	vmov v9  }
0x2f: {  	s19 =	sadd.s32 $0x100, s19;
	v3 =	vld [tilespmem:s20+$0x420];
	[tilespmem:s18+$0x430] =	vst v7;
	v6 =	vmov v11;
	s18 =	smov.u32 s20  }
0x30: {  	v7 =	vld [tilespmem:s18+$0x430];
	_ =	sdelay $0x1  }
0x31: {  	v2 =	vadd.f32 v5, v2  }
0x32: {  	v4 =	vadd.f32 v6, v4  }
0x33: {  	[tilespmem:s18+$0x400] =	vst v2;
	v1 =	vadd.f32 v1, v3  }
0x34: {  	s16 =	sadd.s32 $0x1, s16;
	[tilespmem:s18+$0x410] =	vst v4;
	v0 =	vadd.f32 v0, v7  }
0x35: {  	s17 =	sshll.u32 s17, $0x3;
	p0 =	sne.s32 s16, $0x31;
	[tilespmem:s18+$0x420] =	vst v1  }
.Ltmp1:
0x36: {  	s17 =	sadd.s32 s7, s17;
	[tilespmem:s18+$0x430] =	vst v0;
	(pc) =	sbr.rel @p0 .LBB2_2-.Ltmp1, $4  }
0x37: {  	[hbm4b:s17+s1] =	stream.linear.scatter [tilespmem:s12], [sflag:$0x2], $0x8000, $0x38;
	[tilespmem:$0x10400] =	vst v63  }
0x38: {  	_ =	swait.ge [sflag:s10], $0x8000  }
0x39: {  	[sflag:s10] =	ssyncset.done $0x0  }
0x3a: {  	[sflag:s10] =	ssyncadd.s32 $0xFFFF8000  }
0x3b: {  	s15 =	sadd.s32 $0x1, s15  }
0x3c: {  	p0 =	sne.s32 s15, s9  }
.Ltmp2:
0x3d: {  	_ = 	snop;
	(pc) =	sbr.rel @p0 .LBB2_1-.Ltmp2, $1  }
0x3e: {  	_ =	sdelay $0x3  }
0x3f: {  	_ =	sfence.sel $0x180000  }
0x40: {  	[bflag:$0x0] =	sbarrier.arrive $0xFFFF  }
0x41: {  	p0 =	sne.s32 s2, $0x0;
	_ =	strace $0x90000059  }
0x42: {  	s0 =	sadd.s32 @!p0 $0x100000, s0;
	[bflag:$0x2] =	sbarrier.arrive $0xFFFF  }
0x43: {  	[sflag:s0] =	ssyncadd.tile.s32 @!p0 $0x1;
	_ =	shalt  }
.Lfunc_end2:
_tile_overlayer_lowered:
.L_overlay_start_2:
0x44: {  	(tag) =	ssettag $0x2  }
0x45: {  	s0 =	rddreg [dreg:$0x0];
	s2 =	stileid.u32  }
0x46: {  	s1 =	rddreg [dreg:$0x1];
	p0 =	sne.s32 s2, $0x0  }
0x47: {  	s3 =	rddreg [dreg:$0x2];
	[bflag:$0x3] =	sbarrier.arrive $0xFFFF;
	s2 =	simm.s32 @!p0 $0x1C02  }
0x48: {  	[timem:s3], [sflag:s2] =	dma.local @!p0 [hbm:s0], s1  }
0x49: {  	s0 =	simm.s32 @!p0 $0x2  }
0x4a: {  	_ =	swait.ge @!p0 [sflag:s0], s1  }
0x4b: {  	s1 =	ssub.s32 @!p0 $0x0, s1;
	[sflag:s0] =	ssyncset.done @!p0 $0x0  }
0x4c: {  	[sflag:s0] =	ssyncadd.s32 @!p0 s1  }
0x4d: {  	[bflag:$0x3] =	sbarrier.arrive $0xFFFF  }
0x4e: {  	_ =	shalt  }

// kernel: kernel.51.cloned.1.call-start
scs
__scs_entry_jumppad:
0x0: {  	(pc) =	sbr.rel $0x88, $3  }
0x1: {  	(tag) =	ssettag $0x0;
	lr =	simm.s32 $0x1  }
0x2: {  	[smem:$0x3F4F] =	sst lr;
	_ =	strace $0xD0000000  }
0x3: {  	_ = 	snop  }
0x4: {  	_ = 	snop  }
0x5: {  	_ = 	snop  }
0x6: {  	_ = 	snop  }
0x7: {  	_ = 	snop  }
__scs_overlays_trampoline_lowered:
0x8: {  	[smem:$0x3F5E] =	sst s0  }
0x9: {  	[smem:$0x3F5F] =	sst s1  }
0xa: {  	[smem:$0x3F60] =	sst s2  }
0xb: {  	[smem:$0x3F61] =	sst s3  }
0xc: {  	[smem:$0x3F62] =	sst s4  }
0xd: {  	[smem:$0x3F63] =	sst s5  }
0xe: {  	[smem:$0x3F64] =	sst s6  }
0xf: {  	[smem:$0x3F65] =	sst s7  }
0x10: {  	[smem:$0x3F66] =	sst s8  }
0x11: {  	[smem:$0x3F67] =	sst s9;
	s0 =	simm.s32 @!p0 $0x0  }
0x12: {  	s1 =	sld [smem:$0x3F4D];
	s0 =	simm.s32 @p0 $0x1  }
0x13: {  	[smem:$0x3F68] =	sst s0;
	s0 =	simm.s32 @!p1 $0x0  }
0x14: {  	s2 =	sld [smem:$0x3F4C];
	s0 =	simm.s32 @p1 $0x1  }
0x15: {  	[smem:$0x3F69] =	sst s0;
	s0 =	simm.s32 @!p2 $0x0  }
0x16: {  	s3 =	sld [smem:$0x3FDB];
	s0 =	simm.s32 @p2 $0x1  }
0x17: {  	s4 =	simm.s32 $0x1BF5;
	[smem:$0x3F6B] =	sst s0  }
0x18: {  	s0 =	sld [smem:$0x3F4E];
	_ =	swait.ge [sflag:s4], $0x0  }
0x19: {  	s7 =	sld [smem:$0x3F4F]  }
0x1a: {  	s8 =	sadd.s32 $0xFFFFE003, lr  }
0x1b: {  	s9 =	sadd.s32 $0xFFFFFEF7, lr;
	s5 =	simm.s32 $0xFFFFFFFF;
	p2 =	slt.u32 s8, $0xFFFFF086  }
0x1c: {  	p1 =	slt.u32 s9, $0xF7A;
	s5 =	simm.s32 @!p2 $0x0  }
0x1d: {  	s5 =	simm.s32 @p1 $0x1;
	p0 =	seq.s32 s7, s2  }
0x1e: {  	s7 =	smul.u32 @!p0 $0xF7A, s2;
	p2 =	seq.s32 @!p0 s5, $0x0  }
0x1f: {  	s9 =	smul.u32 $0xF7A, s1;
	s8 =	simm.s32 @!p0 $0x1BF5;
	p2 =	por !p2, p0  }
0x20: {  	[sflag:s8] =	ssyncset.s32 @!p0 $0xFFFFF086;
	s6 =	sadd.s32 @!p0 s3, s7;
	s7 =	simm.s32 @!p0 $0x108  }
0x21: {  	s3 =	sadd.s32 s3, s9;
	s6 =	sadd.s32 @!p0 $0x88, s6;
	s7 =	simm.s32 @p2 $0x1082  }
0x22: {  	[simem:s7], [sflag:s8] =	dma.local @!p0 [hbm:s6], $0xF7A  }
0x23: {  	s9 =	sor.u32 $0xD0000000, s2;
	s6 =	simm.s32 $0x108;
	_ =	swait.ge @!p0 [sflag:s8], $0x0  }
0x24: {  	s3 =	sadd.s32 $0x88, s3;
	s6 =	simm.s32 @!p1 $0x1082;
	[sflag:s4] =	ssyncset.s32 $0xFFFFF086  }
0x25: {  	[simem:s6], [sflag:s4] =	dma.local [hbm:s3], $0xF7A  }
0x26: {  	[smem:$0x3F4F] =	sst s1;
	(tag) =	ssettag s2;
	_ =	strace s9  }
0x27: {  	s1 =	sld [smem:$0x3F5F]  }
0x28: {  	s2 =	sld [smem:$0x3F60]  }
0x29: {  	s4 =	sld [smem:$0x3F62]  }
0x2a: {  	p0 =	seq.s32 s5, $0x0;
	s5 =	sld [smem:$0x3F63]  }
0x2b: {  	s6 =	sld [smem:$0x3F64]  }
0x2c: {  	s7 =	sld [smem:$0x3F65]  }
0x2d: {  	s3 =	simm.s32 $0x108;
	s8 =	sld [smem:$0x3F66]  }
0x2e: {  	s3 =	simm.s32 @!p0 $0x1082;
	s9 =	sld [smem:$0x3F67]  }
0x2f: {  	lr =	sadd.s32 s0, s3;
	s0 =	sld [smem:$0x3F5E]  }
0x30: {  	s3 =	sld [smem:$0x3F61]  }
0x31: {  	[smem:$0x3F6A] =	sst s10  }
0x32: {  	s10 =	sld [smem:$0x3F68];
	_ =	sdelay $0x3  }
0x33: {  	p0 =	seq.s32 s10, $0x1;
	s10 =	sld [smem:$0x3F6A];
	_ =	sdelay $0x3  }
0x34: {  	[smem:$0x3F6A] =	sst s10  }
0x35: {  	s10 =	sld [smem:$0x3F69];
	_ =	sdelay $0x3  }
0x36: {  	p1 =	seq.s32 s10, $0x1;
	s10 =	sld [smem:$0x3F6A];
	_ =	sdelay $0x3  }
0x37: {  	[smem:$0x3F6A] =	sst s10  }
0x38: {  	s10 =	sld [smem:$0x3F6B]  }
0x39: {  	_ = 	snop;
	(pc) =	sbr.ind lr, $3  }
0x3a: {  	_ = 	snop  }
0x3b: {  	_ = 	snop  }
0x3c: {  	p2 =	seq.s32 s10, $0x1;
	s10 =	sld [smem:$0x3F6A]  }
0x3d: {  	_ =	shalt  }
0x3e: {  	_ =	shalt  }
0x3f: {  	_ =	shalt  }
0x40: {  	_ =	shalt  }
0x41: {  	_ =	shalt  }
0x42: {  	_ =	shalt  }
0x43: {  	_ =	shalt  }
0x44: {  	_ =	shalt  }
0x45: {  	_ =	shalt  }
0x46: {  	_ =	shalt  }
0x47: {  	_ =	shalt  }
0x48: {  	_ =	shalt  }
0x49: {  	_ =	shalt  }
0x4a: {  	_ =	shalt  }
0x4b: {  	_ =	shalt  }
0x4c: {  	_ =	shalt  }
0x4d: {  	_ =	shalt  }
0x4e: {  	_ =	shalt  }
0x4f: {  	_ =	shalt  }
0x50: {  	_ =	shalt  }
0x51: {  	_ =	shalt  }
0x52: {  	_ =	shalt  }
0x53: {  	_ =	shalt  }
0x54: {  	_ =	shalt  }
0x55: {  	_ =	shalt  }
0x56: {  	_ =	shalt  }
0x57: {  	_ =	shalt  }
0x58: {  	_ =	shalt  }
0x59: {  	_ =	shalt  }
0x5a: {  	_ =	shalt  }
0x5b: {  	_ =	shalt  }
0x5c: {  	_ =	shalt  }
0x5d: {  	_ =	shalt  }
0x5e: {  	_ =	shalt  }
0x5f: {  	_ =	shalt  }
0x60: {  	_ =	shalt  }
0x61: {  	_ =	shalt  }
0x62: {  	_ =	shalt  }
0x63: {  	_ =	shalt  }
0x64: {  	_ =	shalt  }
0x65: {  	_ =	shalt  }
0x66: {  	_ =	shalt  }
0x67: {  	_ =	shalt  }
0x68: {  	_ =	shalt  }
0x69: {  	_ =	shalt  }
0x6a: {  	_ =	shalt  }
0x6b: {  	_ =	shalt  }
0x6c: {  	_ =	shalt  }
0x6d: {  	_ =	shalt  }
0x6e: {  	_ =	shalt  }
0x6f: {  	_ =	shalt  }
0x70: {  	_ =	shalt  }
0x71: {  	_ =	shalt  }
0x72: {  	_ =	shalt  }
0x73: {  	_ =	shalt  }
0x74: {  	_ =	shalt  }
0x75: {  	_ =	shalt  }
0x76: {  	_ =	shalt  }
0x77: {  	_ =	shalt  }
0x78: {  	_ =	shalt  }
0x79: {  	_ =	shalt  }
0x7a: {  	_ =	shalt  }
0x7b: {  	_ =	shalt  }
0x7c: {  	_ =	shalt  }
0x7d: {  	_ =	shalt  }
0x7e: {  	_ =	shalt  }
0x7f: {  	_ =	shalt  }
0x80: {  	_ =	shalt  }
0x81: {  	_ =	shalt  }
0x82: {  	_ =	shalt  }
0x83: {  	_ =	shalt  }
0x84: {  	_ =	shalt  }
0x85: {  	_ =	shalt  }
0x86: {  	_ =	shalt  }
0x87: {  	_ =	shalt  }
.Lfunc_end0:
.L_simem_size_0:
called_computation.7_lowered:
.L_overlay_start_0:
0x88: {  	s2 =	sld [smem:$0x3FD9]  }
0x89: {  	s3 =	sld [smem:$0x3FFE];
	_ =	sdelay $0x1  }
0x8a: {  	s1 =	srdreg.scid  }
0x8b: {  	s0 =	sand.u32 $0x1, s1  }
0x8c: {  	s16 =	sshll.u32 s0, $0xA;
	s2 =	sadd.s32 s3, s2  }
0x8d: {  	s2 =	sadd.s32 s2, s16  }
0x8e: {  	[smem:$0x3F76] =	sst s2  }
0x8f: {  	_ = 	snop  }
0x90: {  	(tm) =	ssettm $0x1  }
0x91: {  	s17 =	sld [smem:$0x3FFB];
	_ =	sdelay $0x3  }
0x92: {  	_ =	strace s17  }
0x93: {  	s2 =	sld [smem:$0x3FFC];
	_ =	sdelay $0x3  }
0x94: {  	_ =	strace s2  }
0x95: {  	s2 =	sld [smem:$0x3FFD];
	_ =	sdelay $0x3  }
0x96: {  	_ =	strace s2  }
0x97: {  	_ =	strace $0x8FFFFFFF  }
0x98: {  	s18 =	sld [smem:$0x3FDB];
	_ =	sdelay $0x1  }
0x99: {  	s19 =	simm.s32 $_scs_section_size  }
0x9a: {  	s4 =	simm.s32 $_size__tile_overlayer_lowered;
	s5 =	simm.s32 $_tile_overlayer_lowered  }
0x9b: {  	s22 =	simm.s32 $0x1BFF;
	s21 =	sshll.u32 s5, $0x1;
	s2 =	sadd.s32 s19, s18  }
0x9c: {  	s6 =	simm.s32 $0x0;
	s20 =	sshll.u32 s4, $0x1;
	s4 =	sadd.s32 s21, s2  }
0x9d: {  	[timem:s6], [sflag:s22] =	dma.local [hbm:s4], s20  }
0x9e: {  	_ =	swait.ge [sflag:s22], s20  }
0x9f: {  	s3 =	ssub.s32 $0x0, s20;
	[sflag:s22] =	ssyncset.done $0x0  }
0xa0: {  	[sflag:s22] =	ssyncadd.s32 s3;
	_ =	sdelay $0x1  }
0xa1: {  	s23 =	simm.s32 $0x1B8B  }
0xa2: {  	_ =	swait.ge [sflag:s23], $0x1  }
0xa3: {  	[sflag:s23] =	ssyncset.done $0x0  }
0xa4: {  	s25 =	simm.s32 $0x1B8E;
	s24 =	sld [smem:$0x3FFE];
	[sflag:s23] =	ssyncadd.s32 $0xFFFFFFFF  }
0xa5: {  	s26 =	simm.s32 $execute0_lowered;
	[smem:$0x3FD2] =	sst s25  }
0xa6: {  	s4 =	sshll.u32 s26, $0x1;
	_ =	strace $0x8000005B;
	[dreg:$0x1] =	wrdreg $0xFFFFFFFF  }
0xa7: {  	s28 =	simm.s32 $_size_execute0_lowered;
	s2 =	sadd.s32 s2, s4;
	[dreg:$0x0] =	wrdreg $0x0  }
0xa8: {  	s4 =	sshll.u32 s28, $0x1;
	[dreg:$0x2] =	wrdreg s2  }
0xa9: {  	[dreg:$0x3] =	wrdreg s4  }
0xaa: {  	[dreg:$0x4] =	wrdreg $0xC0  }
0xab: {  	_ =	task [dreg:s6], $0x5FFFF  }
0xac: {  	[dreg:$0x1] =	wrdreg $0xFFFFFFFF  }
0xad: {  	[dreg:$0x0] =	wrdreg $0x60  }
0xae: {  	[dreg:$0x2] =	wrdreg s24  }
0xaf: {  	[dreg:$0x3] =	wrdreg $0x108000  }
0xb0: {  	[dreg:$0x4] =	wrdreg $0x9  }
0xb1: {  	_ =	task.clear_ibuf [dreg:s6], $0x5FFFF;
	_ =	strace $0x9000005B  }
0xb2: {  	s29 =	simm.s32 $0x9;
	_ =	strace $0x8000005D  }
0xb3: {  	_ =	swait.ge [sflag:s29], $0x1  }
0xb4: {  	[sflag:s29] =	ssyncadd.s32 $0xFFFFFFFF  }
0xb5: {  	_ =	strace $0x9000005D  }
0xb6: {  	_ =	sfence  }
0xb7: {  	s30 =	sld [smem:$0x0];
	_ =	sdelay $0x2  }
0xb8: {  	s31 =	sshll.u32 s1, $0xD;
	s1 =	sshrl.u32 s1, $0x2  }
0xb9: {  	s3 =	sand.u32 $0x4000, s31;
	s1 =	sadd.s32 s1, s30  }
0xba: {  	s0 =	sor.u32 s3, s0;
	s1 =	sshll.u32 s1, $0x11  }
0xbb: {  	s0 =	sor.u32 s1, s0  }
0xbc: {  	s0 =	sadd.s32 $0x8F2B, s0  }
0xbd: {  	[sflag:s0] =	ssyncadd.remote.s32 $0x1  }
0xbe: {  	_ =	sfence.sel $0xFFFF  }
0xbf: {  	[dreg:$0x0] =	wrdreg $0xFFFFFFFF;
	(pc) =	sbr.abs _section_cstart, $3  }
0xc0: {  	[dreg:$0x1] =	wrdreg $0xFFFFFFFF  }
0xc1: {  	_ =	task.clear_ibuf [dreg:s6], $0x2FFFF;
	_ =	strace $0x9FFFFFFF  }
0xc2: {  	(tm) =	ssettm $0x7FFFFFFF  }
0xc3: {  	_ =	shalt  }
tec
execute0_lowered:
.L_overlay_start_1:
0x0: {  	(tag) =	ssettag $0x1  }
0x1: {  	s0 =	srdreg.scid  }
0x2: {  	s4 =	rddreg [dreg:$0x0];
	s5 =	sand.u32 $0x1, s0  }
0x3: {  	s0 =	stileid.u32;
	s6 =	smul.u32 $0xC40000, s5  }
0x4: {  	s2 =	rddreg [dreg:$0x1];
	s7 =	smul.u32 $0xC4000, s0  }
0x5: {  	s1 =	rddreg [dreg:$0x2];
	s8 =	smul.u32 $0xC400, s0  }
0x6: {  	s3 =	simm.s32 $0x0;
	s11 =	simm.s32 $0x400;
	s31 =	smul.u32 $0xC4000, s5  }
0x7: {  	[smem:$0x7FF] =	sst s3;
	s9 =	smul.u32 $0x1880, s0;
	s5 =	ssub.s32 $0x2, s5  }
0x8: {  	s12 =	simm.s32 $0x0;
	_ =	strace $0x8000005C;
	s10 =	sshrl.u32 s5, $0x1  }
0x9: {  	s6 =	sadd.s32 s7, s6;
	s7 =	sadd.s32 s8, s31;
	s9 =	sadd.s32 s9, s4  }
0xa: {  	s10 =	ssub.s32 s5, s10;
	s6 =	sshrl.u32 s6, $0x3;
	s7 =	sshrl.u32 s7, $0x3  }
0xb: {  	s6 =	sadd.s32 s6, s4;
	s7 =	sadd.s32 s7, s4;
	s4 =	sadd.s32 s8, s2  }
0xc: {  	s8 =	sadd.s32 $0x134800, s9;
	s9 =	simm.s32 $0x4400;
	s5 =	sadd.s32 $0xF600, s7  }
0xd: {  	v0 =	vimm.f32 $0.0e+00;
	s6 =	sadd.s32 $0x955600, s6;
	s7 =	smax.u32 s10, $0x1;
	s10 =	simm.s32 $0x1  }
.LBB2_1:
0xe: {  	s13 =	simm.s32 $0x40;
	s14 =	simm.s32 $0x0  }
.LBB2_2:
0xf: {  	p0 =	sne.s32 s13, $0x30FC0;
	[tilespmem:s14+$0x4400] =	vst v0;
	s14 =	smov.u32 s13;
	s13 =	sadd.s32 $0x40, s13  }
.Ltmp0:
0x10: {  	(pc) =	sbr.rel @p0 .LBB2_2-.Ltmp0, $2  }
0x11: {  	_ =	sdelay $0x2  }
0x12: {  	s14 =	sshra.s32 s14, $0x2  }
0x13: {  	[tilespmem:s14+$0x4400] =	vst v0  }
0x14: {  	[spmem:s4] =	stream.linear.scatter [tilespmem:s9], [sflag:$0x1], $0xC400, $0x38;
	[tilespmem:$0x1CC00] =	vst v63  }
0x15: {  	_ =	swait.ge [sflag:s10], $0xC400  }
0x16: {  	[sflag:s10] =	ssyncset.done $0x0  }
0x17: {  	[sflag:s10] =	ssyncadd.s32 $0xFFFF3C00  }
0x18: {  	s13 =	sadd.s32 $0x0, s8;
	[bflag:$0x0] =	sbarrier.arrive $0xFFFF  }
0x19: {  	[tilespmem:s3], [sflag:$0x1] =	stream.linear.gather [hbm4b:s13+s3], $0x400, $0x38;
	[tilespmem:$0x1CC00] =	vst v63  }
0x1a: {  	_ =	swait.ge [sflag:s10], $0x400  }
0x1b: {  	[sflag:s10] =	ssyncset.done $0x0  }
0x1c: {  	[sflag:s10] =	ssyncadd.s32 $0xFFFFFC00  }
0x1d: {  	[tilespmem:s11], [sflag:$0x1] =	stream.linear.gather [hbm4b:s6+s3], $0x4000, $0x38;
	[tilespmem:$0x1CC00] =	vst v63  }
0x1e: {  	_ =	swait.ge [sflag:s10], $0x4000  }
0x1f: {  	[sflag:s10] =	ssyncset.done $0x0  }
0x20: {  	[sflag:s10] =	ssyncadd.s32 $0xFFFFC000  }
0x21: {  	[spmem:s2] =	stream.indirect.scatter.add.f32 [tilespmem:s11], [sflag:$0x1], $0x10, s3, s11, $0xb8;
	[tilespmem:$0x1CC00] =	vst v63  }
0x22: {  	s14 =	simm.s32 $0x80;
	_ =	swait.ge [sflag:s10], $0x4000  }
0x23: {  	s15 =	simm.s32 $0x100;
	s13 =	sadd.s32 $0x800, s6;
	[sflag:s10] =	ssyncset.done $0x0  }
.LBB2_4:
0x24: {  	s16 =	sadd.s32 s14, s8  }
0x25: {  	[sflag:s10] =	ssyncadd.s32 $0xFFFFC000;
	s14 =	smov.u32 s15;
	s17 =	sadd.s32 $0x80, s15  }
0x26: {  	[tilespmem:s3], [sflag:$0x1] =	stream.linear.gather [hbm4b:s16+s3], $0x400, $0x38;
	[tilespmem:$0x1CC00] =	vst v63  }
0x27: {  	p0 =	sne.s32 s15, $0x1800;
	_ =	swait.ge [sflag:s10], $0x400  }
0x28: {  	[sflag:s10] =	ssyncset.done $0x0  }
0x29: {  	[sflag:s10] =	ssyncadd.s32 $0xFFFFFC00  }
0x2a: {  	[tilespmem:s11], [sflag:$0x1] =	stream.linear.gather [hbm4b:s13+s3], $0x4000, $0x38;
	[tilespmem:$0x1CC00] =	vst v63  }
0x2b: {  	_ =	swait.ge [sflag:s10], $0x4000  }
.Ltmp1:
0x2c: {  	[sflag:s10] =	ssyncset.done $0x0;
	(pc) =	sbr.rel @p0 .LBB2_4-.Ltmp1, $4  }
0x2d: {  	[sflag:s10] =	ssyncadd.s32 $0xFFFFC000  }
0x2e: {  	[spmem:s2] =	stream.indirect.scatter.add.f32 [tilespmem:s11], [sflag:$0x1], $0x10, s3, s11, $0xb8;
	[tilespmem:$0x1CC00] =	vst v63  }
0x2f: {  	_ =	swait.ge [sflag:s10], $0x4000  }
0x30: {  	s15 =	smov.u32 s17;
	s13 =	sadd.s32 $0x800, s13;
	[sflag:s10] =	ssyncset.done $0x0  }
0x31: {  	s14 =	sadd.s32 s14, s8;
	[sflag:s10] =	ssyncadd.s32 $0xFFFFC000  }
0x32: {  	[tilespmem:s3], [sflag:$0x1] =	stream.linear.gather [hbm4b:s14+s3], $0x400, $0x38;
	[tilespmem:$0x1CC00] =	vst v63  }
0x33: {  	_ =	swait.ge [sflag:s10], $0x400  }
0x34: {  	[sflag:s10] =	ssyncset.done $0x0  }
0x35: {  	[sflag:s10] =	ssyncadd.s32 $0xFFFFFC00  }
0x36: {  	[tilespmem:s11], [sflag:$0x1] =	stream.linear.gather [hbm4b:s13+s3], $0x4000, $0x38;
	[tilespmem:$0x1CC00] =	vst v63  }
0x37: {  	_ =	swait.ge [sflag:s10], $0x4000  }
0x38: {  	[sflag:s10] =	ssyncset.done $0x0  }
0x39: {  	[sflag:s10] =	ssyncadd.s32 $0xFFFFC000  }
0x3a: {  	[spmem:s2] =	stream.indirect.scatter.add.f32 [tilespmem:s11], [sflag:$0x1], $0x10, s3, s11, $0xb8;
	[tilespmem:$0x1CC00] =	vst v63  }
0x3b: {  	_ =	swait.ge [sflag:s10], $0x4000  }
0x3c: {  	[sflag:s10] =	ssyncset.done $0x0  }
0x3d: {  	[sflag:s10] =	ssyncadd.s32 $0xFFFFC000  }
0x3e: {  	[bflag:$0x0] =	sbarrier.arrive $0xFFFF  }
0x3f: {  	[tilespmem:s9], [sflag:$0x1] =	stream.linear.gather [spmem:s4], $0xC400, $0x38;
	[tilespmem:$0x1CC00] =	vst v63  }
0x40: {  	s12 =	sadd.s32 $0x1, s12;
	_ =	swait.ge [sflag:s10], $0xC400  }
0x41: {  	p0 =	sne.s32 s12, s7;
	[sflag:s10] =	ssyncset.done $0x0  }
.Ltmp2:
0x42: {  	[sflag:s10] =	ssyncadd.s32 $0xFFFF3C00;
	(pc) =	sbr.rel @p0 .LBB2_1-.Ltmp2, $4  }
0x43: {  	[hbm4b:s5+s3] =	stream.linear.scatter [tilespmem:s9], [sflag:$0x1], $0xC400, $0x38;
	[tilespmem:$0x1CC00] =	vst v63  }
0x44: {  	_ =	swait.ge [sflag:s10], $0xC400  }
0x45: {  	[sflag:s10] =	ssyncset.done $0x0  }
0x46: {  	[sflag:s10] =	ssyncadd.s32 $0xFFFF3C00  }
0x47: {  	_ =	sfence.sel $0x180000  }
0x48: {  	[bflag:$0x0] =	sbarrier.arrive $0xFFFF  }
0x49: {  	p0 =	sne.s32 s0, $0x0;
	_ =	strace $0x9000005C  }
0x4a: {  	s0 =	sadd.s32 @!p0 $0x100000, s1;
	[bflag:$0x2] =	sbarrier.arrive $0xFFFF  }
0x4b: {  	[sflag:s0] =	ssyncadd.tile.s32 @!p0 $0x1;
	_ =	shalt  }
.Lfunc_end2:
_tile_overlayer_lowered:
.L_overlay_start_2:
0x4c: {  	(tag) =	ssettag $0x2  }
0x4d: {  	s0 =	rddreg [dreg:$0x0];
	s2 =	stileid.u32  }
0x4e: {  	s1 =	rddreg [dreg:$0x1];
	p0 =	sne.s32 s2, $0x0  }
0x4f: {  	s3 =	rddreg [dreg:$0x2];
	[bflag:$0x3] =	sbarrier.arrive $0xFFFF;
	s2 =	simm.s32 @!p0 $0x1C01  }
0x50: {  	[timem:s3], [sflag:s2] =	dma.local @!p0 [hbm:s0], s1  }
0x51: {  	s0 =	simm.s32 @!p0 $0x1  }
0x52: {  	_ =	swait.ge @!p0 [sflag:s0], s1  }
0x53: {  	s1 =	ssub.s32 @!p0 $0x0, s1;
	[sflag:s0] =	ssyncset.done @!p0 $0x0  }
0x54: {  	[sflag:s0] =	ssyncadd.s32 @!p0 s1  }
0x55: {  	[bflag:$0x3] =	sbarrier.arrive $0xFFFF  }
0x56: {  	_ =	shalt  }

// kernel: kernel.54.cloned.1.call-start
scs
__scs_entry_jumppad:
0x0: {  	(pc) =	sbr.rel $0x88, $3  }
0x1: {  	(tag) =	ssettag $0x0;
	lr =	simm.s32 $0x1  }
0x2: {  	[smem:$0x3F4F] =	sst lr;
	_ =	strace $0xD0000000  }
0x3: {  	_ = 	snop  }
0x4: {  	_ = 	snop  }
0x5: {  	_ = 	snop  }
0x6: {  	_ = 	snop  }
0x7: {  	_ = 	snop  }
__scs_overlays_trampoline_lowered:
0x8: {  	[smem:$0x3F5E] =	sst s0  }
0x9: {  	[smem:$0x3F5F] =	sst s1  }
0xa: {  	[smem:$0x3F60] =	sst s2  }
0xb: {  	[smem:$0x3F61] =	sst s3  }
0xc: {  	[smem:$0x3F62] =	sst s4  }
0xd: {  	[smem:$0x3F63] =	sst s5  }
0xe: {  	[smem:$0x3F64] =	sst s6  }
0xf: {  	[smem:$0x3F65] =	sst s7  }
0x10: {  	[smem:$0x3F66] =	sst s8  }
0x11: {  	[smem:$0x3F67] =	sst s9;
	s0 =	simm.s32 @!p0 $0x0  }
0x12: {  	s1 =	sld [smem:$0x3F4D];
	s0 =	simm.s32 @p0 $0x1  }
0x13: {  	[smem:$0x3F68] =	sst s0;
	s0 =	simm.s32 @!p1 $0x0  }
0x14: {  	s2 =	sld [smem:$0x3F4C];
	s0 =	simm.s32 @p1 $0x1  }
0x15: {  	[smem:$0x3F69] =	sst s0;
	s0 =	simm.s32 @!p2 $0x0  }
0x16: {  	s3 =	sld [smem:$0x3FDB];
	s0 =	simm.s32 @p2 $0x1  }
0x17: {  	s4 =	simm.s32 $0x1BF5;
	[smem:$0x3F6B] =	sst s0  }
0x18: {  	s0 =	sld [smem:$0x3F4E];
	_ =	swait.ge [sflag:s4], $0x0  }
0x19: {  	s7 =	sld [smem:$0x3F4F]  }
0x1a: {  	s8 =	sadd.s32 $0xFFFFE003, lr  }
0x1b: {  	s9 =	sadd.s32 $0xFFFFFEF7, lr;
	s5 =	simm.s32 $0xFFFFFFFF;
	p2 =	slt.u32 s8, $0xFFFFF086  }
0x1c: {  	p1 =	slt.u32 s9, $0xF7A;
	s5 =	simm.s32 @!p2 $0x0  }
0x1d: {  	s5 =	simm.s32 @p1 $0x1;
	p0 =	seq.s32 s7, s2  }
0x1e: {  	s7 =	smul.u32 @!p0 $0xF7A, s2;
	p2 =	seq.s32 @!p0 s5, $0x0  }
0x1f: {  	s9 =	smul.u32 $0xF7A, s1;
	s8 =	simm.s32 @!p0 $0x1BF5;
	p2 =	por !p2, p0  }
0x20: {  	[sflag:s8] =	ssyncset.s32 @!p0 $0xFFFFF086;
	s6 =	sadd.s32 @!p0 s3, s7;
	s7 =	simm.s32 @!p0 $0x108  }
0x21: {  	s3 =	sadd.s32 s3, s9;
	s6 =	sadd.s32 @!p0 $0x88, s6;
	s7 =	simm.s32 @p2 $0x1082  }
0x22: {  	[simem:s7], [sflag:s8] =	dma.local @!p0 [hbm:s6], $0xF7A  }
0x23: {  	s9 =	sor.u32 $0xD0000000, s2;
	s6 =	simm.s32 $0x108;
	_ =	swait.ge @!p0 [sflag:s8], $0x0  }
0x24: {  	s3 =	sadd.s32 $0x88, s3;
	s6 =	simm.s32 @!p1 $0x1082;
	[sflag:s4] =	ssyncset.s32 $0xFFFFF086  }
0x25: {  	[simem:s6], [sflag:s4] =	dma.local [hbm:s3], $0xF7A  }
0x26: {  	[smem:$0x3F4F] =	sst s1;
	(tag) =	ssettag s2;
	_ =	strace s9  }
0x27: {  	s1 =	sld [smem:$0x3F5F]  }
0x28: {  	s2 =	sld [smem:$0x3F60]  }
0x29: {  	s4 =	sld [smem:$0x3F62]  }
0x2a: {  	p0 =	seq.s32 s5, $0x0;
	s5 =	sld [smem:$0x3F63]  }
0x2b: {  	s6 =	sld [smem:$0x3F64]  }
0x2c: {  	s7 =	sld [smem:$0x3F65]  }
0x2d: {  	s3 =	simm.s32 $0x108;
	s8 =	sld [smem:$0x3F66]  }
0x2e: {  	s3 =	simm.s32 @!p0 $0x1082;
	s9 =	sld [smem:$0x3F67]  }
0x2f: {  	lr =	sadd.s32 s0, s3;
	s0 =	sld [smem:$0x3F5E]  }
0x30: {  	s3 =	sld [smem:$0x3F61]  }
0x31: {  	[smem:$0x3F6A] =	sst s10  }
0x32: {  	s10 =	sld [smem:$0x3F68];
	_ =	sdelay $0x3  }
0x33: {  	p0 =	seq.s32 s10, $0x1;
	s10 =	sld [smem:$0x3F6A];
	_ =	sdelay $0x3  }
0x34: {  	[smem:$0x3F6A] =	sst s10  }
0x35: {  	s10 =	sld [smem:$0x3F69];
	_ =	sdelay $0x3  }
0x36: {  	p1 =	seq.s32 s10, $0x1;
	s10 =	sld [smem:$0x3F6A];
	_ =	sdelay $0x3  }
0x37: {  	[smem:$0x3F6A] =	sst s10  }
0x38: {  	s10 =	sld [smem:$0x3F6B]  }
0x39: {  	_ = 	snop;
	(pc) =	sbr.ind lr, $3  }
0x3a: {  	_ = 	snop  }
0x3b: {  	_ = 	snop  }
0x3c: {  	p2 =	seq.s32 s10, $0x1;
	s10 =	sld [smem:$0x3F6A]  }
0x3d: {  	_ =	shalt  }
0x3e: {  	_ =	shalt  }
0x3f: {  	_ =	shalt  }
0x40: {  	_ =	shalt  }
0x41: {  	_ =	shalt  }
0x42: {  	_ =	shalt  }
0x43: {  	_ =	shalt  }
0x44: {  	_ =	shalt  }
0x45: {  	_ =	shalt  }
0x46: {  	_ =	shalt  }
0x47: {  	_ =	shalt  }
0x48: {  	_ =	shalt  }
0x49: {  	_ =	shalt  }
0x4a: {  	_ =	shalt  }
0x4b: {  	_ =	shalt  }
0x4c: {  	_ =	shalt  }
0x4d: {  	_ =	shalt  }
0x4e: {  	_ =	shalt  }
0x4f: {  	_ =	shalt  }
0x50: {  	_ =	shalt  }
0x51: {  	_ =	shalt  }
0x52: {  	_ =	shalt  }
0x53: {  	_ =	shalt  }
0x54: {  	_ =	shalt  }
0x55: {  	_ =	shalt  }
0x56: {  	_ =	shalt  }
0x57: {  	_ =	shalt  }
0x58: {  	_ =	shalt  }
0x59: {  	_ =	shalt  }
0x5a: {  	_ =	shalt  }
0x5b: {  	_ =	shalt  }
0x5c: {  	_ =	shalt  }
0x5d: {  	_ =	shalt  }
0x5e: {  	_ =	shalt  }
0x5f: {  	_ =	shalt  }
0x60: {  	_ =	shalt  }
0x61: {  	_ =	shalt  }
0x62: {  	_ =	shalt  }
0x63: {  	_ =	shalt  }
0x64: {  	_ =	shalt  }
0x65: {  	_ =	shalt  }
0x66: {  	_ =	shalt  }
0x67: {  	_ =	shalt  }
0x68: {  	_ =	shalt  }
0x69: {  	_ =	shalt  }
0x6a: {  	_ =	shalt  }
0x6b: {  	_ =	shalt  }
0x6c: {  	_ =	shalt  }
0x6d: {  	_ =	shalt  }
0x6e: {  	_ =	shalt  }
0x6f: {  	_ =	shalt  }
0x70: {  	_ =	shalt  }
0x71: {  	_ =	shalt  }
0x72: {  	_ =	shalt  }
0x73: {  	_ =	shalt  }
0x74: {  	_ =	shalt  }
0x75: {  	_ =	shalt  }
0x76: {  	_ =	shalt  }
0x77: {  	_ =	shalt  }
0x78: {  	_ =	shalt  }
0x79: {  	_ =	shalt  }
0x7a: {  	_ =	shalt  }
0x7b: {  	_ =	shalt  }
0x7c: {  	_ =	shalt  }
0x7d: {  	_ =	shalt  }
0x7e: {  	_ =	shalt  }
0x7f: {  	_ =	shalt  }
0x80: {  	_ =	shalt  }
0x81: {  	_ =	shalt  }
0x82: {  	_ =	shalt  }
0x83: {  	_ =	shalt  }
0x84: {  	_ =	shalt  }
0x85: {  	_ =	shalt  }
0x86: {  	_ =	shalt  }
0x87: {  	_ =	shalt  }
.Lfunc_end0:
.L_simem_size_0:
called_computation.8_lowered:
.L_overlay_start_0:
0x88: {  	s2 =	sld [smem:$0x3FD9]  }
0x89: {  	s3 =	sld [smem:$0x3FFE];
	_ =	sdelay $0x1  }
0x8a: {  	s1 =	srdreg.scid  }
0x8b: {  	s0 =	sand.u32 $0x1, s1  }
0x8c: {  	s17 =	sshll.u32 s0, $0xA;
	s2 =	sadd.s32 s3, s2  }
0x8d: {  	s2 =	sadd.s32 s2, s17  }
0x8e: {  	[smem:$0x3F76] =	sst s2  }
0x8f: {  	_ = 	snop  }
0x90: {  	(tm) =	ssettm $0x1  }
0x91: {  	s18 =	sld [smem:$0x3FFB];
	_ =	sdelay $0x3  }
0x92: {  	_ =	strace s18  }
0x93: {  	s2 =	sld [smem:$0x3FFC];
	_ =	sdelay $0x3  }
0x94: {  	_ =	strace s2  }
0x95: {  	s2 =	sld [smem:$0x3FFD];
	_ =	sdelay $0x3  }
0x96: {  	_ =	strace s2  }
0x97: {  	_ =	strace $0x8FFFFFFF  }
0x98: {  	s19 =	sld [smem:$0x3FDB];
	_ =	sdelay $0x1  }
0x99: {  	s20 =	simm.s32 $_scs_section_size  }
0x9a: {  	s4 =	simm.s32 $_size__tile_overlayer_lowered;
	s5 =	simm.s32 $_tile_overlayer_lowered  }
0x9b: {  	s6 =	simm.s32 $0x1BFF;
	s21 =	sshll.u32 s5, $0x1;
	s3 =	sadd.s32 s20, s19  }
0x9c: {  	s22 =	simm.s32 $0x0;
	s4 =	sshll.u32 s4, $0x1;
	s5 =	sadd.s32 s21, s3  }
0x9d: {  	[timem:s22], [sflag:s6] =	dma.local [hbm:s5], s4  }
0x9e: {  	_ =	swait.ge [sflag:s6], s4  }
0x9f: {  	s4 =	ssub.s32 $0x0, s4;
	[sflag:s6] =	ssyncset.done $0x0  }
0xa0: {  	[sflag:s6] =	ssyncadd.s32 s4;
	_ =	sdelay $0x1  }
0xa1: {  	s23 =	simm.s32 $0x1B8B  }
0xa2: {  	_ =	swait.ge [sflag:s23], $0x1  }
0xa3: {  	[sflag:s23] =	ssyncset.done $0x0  }
0xa4: {  	[sflag:s23] =	ssyncadd.s32 $0xFFFFFFFF  }
0xa5: {  	s4 =	sld [smem:$0x0]  }
0xa6: {  	s5 =	sand.u32 $0xFFFFFFFE, s1  }
0xa7: {  	p0 =	sne.s32 s1, s5  }
0xa8: {  	s5 =	sshll.u32 @p0 s5, $0xE  }
0xa9: {  	s5 =	sadd.s32 @p0 $0x11B8D, s5;
	s6 =	sshll.u32 @p0 s4, $0x11  }
0xaa: {  	s5 =	sor.u32 @p0 s6, s5  }
0xab: {  	[sflag:s5] =	ssyncadd.remote.s32 @p0 $0x1;
	_ =	sdelay $0x1  }
0xac: {  	s5 =	simm.s32 @p0 $0x1B8D  }
0xad: {  	_ =	swait.eq @p0 [sflag:s5], $0x1  }
0xae: {  	[sflag:s5] =	ssyncadd.s32 @p0 $0xFFFFFFFF  }
0xaf: {  	s6 =	sshll.u32 @!p0 s1, $0xE  }
0xb0: {  	s6 =	sor.u32 @!p0 $0x4000, s6;
	s5 =	simm.s32 @!p0 $0x1B8D  }
0xb1: {  	s4 =	sshll.u32 @!p0 s4, $0x11;
	s6 =	sadd.s32 @!p0 $0x11B8D, s6;
	_ =	swait.eq @!p0 [sflag:s5], $0x1  }
0xb2: {  	s4 =	sor.u32 @!p0 s4, s6;
	[sflag:s5] =	ssyncadd.s32 @!p0 $0xFFFFFFFF  }
0xb3: {  	s25 =	simm.s32 $0x1B8E;
	s24 =	sld [smem:$0x3FFE];
	[sflag:s4] =	ssyncadd.remote.s32 @!p0 $0x1  }
0xb4: {  	s26 =	simm.s32 $execute0_lowered;
	[smem:$0x3FD2] =	sst s25  }
0xb5: {  	s5 =	sshll.u32 s26, $0x1;
	_ =	strace $0x8000005E;
	[dreg:$0x1] =	wrdreg $0xFFFFFFFF  }
0xb6: {  	s28 =	simm.s32 $_size_execute0_lowered;
	s3 =	sadd.s32 s3, s5;
	[dreg:$0x0] =	wrdreg $0x0  }
0xb7: {  	s5 =	sshll.u32 s28, $0x1;
	[dreg:$0x2] =	wrdreg s3  }
0xb8: {  	[dreg:$0x3] =	wrdreg s5  }
0xb9: {  	[dreg:$0x4] =	wrdreg $0xC0  }
0xba: {  	_ =	task [dreg:s22], $0x5FFFF  }
0xbb: {  	[dreg:$0x1] =	wrdreg $0xFFFFFFFF  }
0xbc: {  	[dreg:$0x0] =	wrdreg $0x60  }
0xbd: {  	[dreg:$0x2] =	wrdreg s24  }
0xbe: {  	[dreg:$0x3] =	wrdreg $0x108000  }
0xbf: {  	[dreg:$0x4] =	wrdreg $0xA  }
0xc0: {  	_ =	task.clear_ibuf [dreg:s22], $0x5FFFF;
	_ =	strace $0x9000005E  }
0xc1: {  	s29 =	simm.s32 $0xA;
	_ =	strace $0x80000060  }
0xc2: {  	_ =	swait.ge [sflag:s29], $0x1  }
0xc3: {  	[sflag:s29] =	ssyncadd.s32 $0xFFFFFFFF  }
0xc4: {  	_ =	strace $0x90000060  }
0xc5: {  	_ =	sfence  }
0xc6: {  	s30 =	sld [smem:$0x0];
	_ =	sdelay $0x2  }
0xc7: {  	s31 =	sshll.u32 s1, $0xD;
	s1 =	sshrl.u32 s1, $0x2  }
0xc8: {  	s4 =	sand.u32 $0x4000, s31;
	s1 =	sadd.s32 s1, s30  }
0xc9: {  	s0 =	sor.u32 s4, s0;
	s1 =	sshll.u32 s1, $0x11  }
0xca: {  	s0 =	sor.u32 s1, s0  }
0xcb: {  	s0 =	sadd.s32 $0x8F2B, s0  }
0xcc: {  	[sflag:s0] =	ssyncadd.remote.s32 $0x1  }
0xcd: {  	_ =	sfence.sel $0xFFFF  }
0xce: {  	[dreg:$0x0] =	wrdreg $0xFFFFFFFF;
	(pc) =	sbr.abs _section_cstart, $3  }
0xcf: {  	[dreg:$0x1] =	wrdreg $0xFFFFFFFF  }
0xd0: {  	_ =	task.clear_ibuf [dreg:s22], $0x2FFFF;
	_ =	strace $0x9FFFFFFF  }
0xd1: {  	(tm) =	ssettm $0x7FFFFFFF  }
tec
execute0_lowered:
.L_overlay_start_1:
0x0: {  	(tag) =	ssettag $0x1  }
0x1: {  	s0 =	srdreg.scid  }
0x2: {  	s4 =	rddreg [dreg:$0x0];
	s5 =	sand.u32 $0x1, s0  }
0x3: {  	s0 =	stileid.u32;
	s6 =	smul.u32 $0xC40000, s5  }
0x4: {  	s2 =	rddreg [dreg:$0x1];
	s7 =	smul.u32 $0xC4000, s0  }
0x5: {  	s1 =	rddreg [dreg:$0x2];
	s8 =	smul.u32 $0xC400, s0  }
0x6: {  	s3 =	simm.s32 $0x0;
	s11 =	simm.s32 $0x400;
	s31 =	smul.u32 $0xC4000, s5  }
0x7: {  	[smem:$0x7FF] =	sst s3;
	s9 =	smul.u32 $0x1880, s0;
	s5 =	ssub.s32 $0x2, s5  }
0x8: {  	s12 =	simm.s32 $0x0;
	_ =	strace $0x8000005F;
	s10 =	sshrl.u32 s5, $0x1  }
0x9: {  	s6 =	sadd.s32 s7, s6;
	s7 =	sadd.s32 s8, s31;
	s9 =	sadd.s32 s9, s4  }
0xa: {  	s10 =	ssub.s32 s5, s10;
	s6 =	sshrl.u32 s6, $0x3;
	s7 =	sshrl.u32 s7, $0x3  }
0xb: {  	s6 =	sadd.s32 s6, s4;
	s7 =	sadd.s32 s7, s4;
	s4 =	sadd.s32 s8, s2  }
0xc: {  	s8 =	sadd.s32 $0x134800, s9;
	s9 =	simm.s32 $0x4400;
	s5 =	sadd.s32 $0x40600, s7  }
0xd: {  	v0 =	vimm.f32 $0.0e+00;
	s6 =	sadd.s32 $0xC65600, s6;
	s7 =	smax.u32 s10, $0x1;
	s10 =	simm.s32 $0x1  }
.LBB2_1:
0xe: {  	s13 =	simm.s32 $0x40;
	s14 =	simm.s32 $0x0  }
.LBB2_2:
0xf: {  	p0 =	sne.s32 s13, $0x30FC0;
	[tilespmem:s14+$0x4400] =	vst v0;
	s14 =	smov.u32 s13;
	s13 =	sadd.s32 $0x40, s13  }
.Ltmp0:
0x10: {  	(pc) =	sbr.rel @p0 .LBB2_2-.Ltmp0, $2  }
0x11: {  	_ =	sdelay $0x2  }
0x12: {  	s14 =	sshra.s32 s14, $0x2  }
0x13: {  	[tilespmem:s14+$0x4400] =	vst v0  }
0x14: {  	[spmem:s4] =	stream.linear.scatter [tilespmem:s9], [sflag:$0x1], $0xC400, $0x38;
	[tilespmem:$0x1CC00] =	vst v63  }
0x15: {  	_ =	swait.ge [sflag:s10], $0xC400  }
0x16: {  	[sflag:s10] =	ssyncset.done $0x0  }
0x17: {  	[sflag:s10] =	ssyncadd.s32 $0xFFFF3C00  }
0x18: {  	s13 =	sadd.s32 $0x0, s8;
	[bflag:$0x0] =	sbarrier.arrive $0xFFFF  }
0x19: {  	[tilespmem:s3], [sflag:$0x1] =	stream.linear.gather [hbm4b:s13+s3], $0x400, $0x38;
	[tilespmem:$0x1CC00] =	vst v63  }
0x1a: {  	_ =	swait.ge [sflag:s10], $0x400  }
0x1b: {  	[sflag:s10] =	ssyncset.done $0x0  }
0x1c: {  	[sflag:s10] =	ssyncadd.s32 $0xFFFFFC00  }
0x1d: {  	[tilespmem:s11], [sflag:$0x1] =	stream.linear.gather [hbm4b:s6+s3], $0x4000, $0x38;
	[tilespmem:$0x1CC00] =	vst v63  }
0x1e: {  	_ =	swait.ge [sflag:s10], $0x4000  }
0x1f: {  	[sflag:s10] =	ssyncset.done $0x0  }
0x20: {  	[sflag:s10] =	ssyncadd.s32 $0xFFFFC000  }
0x21: {  	[spmem:s2] =	stream.indirect.scatter.add.f32 [tilespmem:s11], [sflag:$0x1], $0x10, s3, s11, $0xb8;
	[tilespmem:$0x1CC00] =	vst v63  }
0x22: {  	s14 =	simm.s32 $0x80;
	_ =	swait.ge [sflag:s10], $0x4000  }
0x23: {  	s15 =	simm.s32 $0x100;
	s13 =	sadd.s32 $0x800, s6;
	[sflag:s10] =	ssyncset.done $0x0  }
.LBB2_4:
0x24: {  	s16 =	sadd.s32 s14, s8  }
0x25: {  	[sflag:s10] =	ssyncadd.s32 $0xFFFFC000;
	s14 =	smov.u32 s15;
	s17 =	sadd.s32 $0x80, s15  }
0x26: {  	[tilespmem:s3], [sflag:$0x1] =	stream.linear.gather [hbm4b:s16+s3], $0x400, $0x38;
	[tilespmem:$0x1CC00] =	vst v63  }
0x27: {  	p0 =	sne.s32 s15, $0x1800;
	_ =	swait.ge [sflag:s10], $0x400  }
0x28: {  	[sflag:s10] =	ssyncset.done $0x0  }
0x29: {  	[sflag:s10] =	ssyncadd.s32 $0xFFFFFC00  }
0x2a: {  	[tilespmem:s11], [sflag:$0x1] =	stream.linear.gather [hbm4b:s13+s3], $0x4000, $0x38;
	[tilespmem:$0x1CC00] =	vst v63  }
0x2b: {  	_ =	swait.ge [sflag:s10], $0x4000  }
.Ltmp1:
0x2c: {  	[sflag:s10] =	ssyncset.done $0x0;
	(pc) =	sbr.rel @p0 .LBB2_4-.Ltmp1, $4  }
0x2d: {  	[sflag:s10] =	ssyncadd.s32 $0xFFFFC000  }
0x2e: {  	[spmem:s2] =	stream.indirect.scatter.add.f32 [tilespmem:s11], [sflag:$0x1], $0x10, s3, s11, $0xb8;
	[tilespmem:$0x1CC00] =	vst v63  }
0x2f: {  	_ =	swait.ge [sflag:s10], $0x4000  }
0x30: {  	s15 =	smov.u32 s17;
	s13 =	sadd.s32 $0x800, s13;
	[sflag:s10] =	ssyncset.done $0x0  }
0x31: {  	s14 =	sadd.s32 s14, s8;
	[sflag:s10] =	ssyncadd.s32 $0xFFFFC000  }
0x32: {  	[tilespmem:s3], [sflag:$0x1] =	stream.linear.gather [hbm4b:s14+s3], $0x400, $0x38;
	[tilespmem:$0x1CC00] =	vst v63  }
0x33: {  	_ =	swait.ge [sflag:s10], $0x400  }
0x34: {  	[sflag:s10] =	ssyncset.done $0x0  }
0x35: {  	[sflag:s10] =	ssyncadd.s32 $0xFFFFFC00  }
0x36: {  	[tilespmem:s11], [sflag:$0x1] =	stream.linear.gather [hbm4b:s13+s3], $0x4000, $0x38;
	[tilespmem:$0x1CC00] =	vst v63  }
0x37: {  	_ =	swait.ge [sflag:s10], $0x4000  }
0x38: {  	[sflag:s10] =	ssyncset.done $0x0  }
0x39: {  	[sflag:s10] =	ssyncadd.s32 $0xFFFFC000  }
0x3a: {  	[spmem:s2] =	stream.indirect.scatter.add.f32 [tilespmem:s11], [sflag:$0x1], $0x10, s3, s11, $0xb8;
	[tilespmem:$0x1CC00] =	vst v63  }
0x3b: {  	_ =	swait.ge [sflag:s10], $0x4000  }
0x3c: {  	[sflag:s10] =	ssyncset.done $0x0  }
0x3d: {  	[sflag:s10] =	ssyncadd.s32 $0xFFFFC000  }
0x3e: {  	[bflag:$0x0] =	sbarrier.arrive $0xFFFF  }
0x3f: {  	[tilespmem:s9], [sflag:$0x1] =	stream.linear.gather [spmem:s4], $0xC400, $0x38;
	[tilespmem:$0x1CC00] =	vst v63  }
0x40: {  	s12 =	sadd.s32 $0x1, s12;
	_ =	swait.ge [sflag:s10], $0xC400  }
0x41: {  	p0 =	sne.s32 s12, s7;
	[sflag:s10] =	ssyncset.done $0x0  }
.Ltmp2:
0x42: {  	[sflag:s10] =	ssyncadd.s32 $0xFFFF3C00;
	(pc) =	sbr.rel @p0 .LBB2_1-.Ltmp2, $4  }
0x43: {  	[hbm4b:s5+s3] =	stream.linear.scatter [tilespmem:s9], [sflag:$0x1], $0xC400, $0x38;
	[tilespmem:$0x1CC00] =	vst v63  }
0x44: {  	_ =	swait.ge [sflag:s10], $0xC400  }
0x45: {  	[sflag:s10] =	ssyncset.done $0x0  }
0x46: {  	[sflag:s10] =	ssyncadd.s32 $0xFFFF3C00  }
0x47: {  	_ =	sfence.sel $0x180000  }
0x48: {  	[bflag:$0x0] =	sbarrier.arrive $0xFFFF  }
0x49: {  	p0 =	sne.s32 s0, $0x0;
	_ =	strace $0x9000005F  }
0x4a: {  	s0 =	sadd.s32 @!p0 $0x100000, s1;
	[bflag:$0x2] =	sbarrier.arrive $0xFFFF  }
0x4b: {  	[sflag:s0] =	ssyncadd.tile.s32 @!p0 $0x1;
	_ =	shalt  }
.Lfunc_end2:
_tile_overlayer_lowered:
.L_overlay_start_2:
0x4c: {  	(tag) =	ssettag $0x2  }
0x4d: {  	s0 =	rddreg [dreg:$0x0];
	s2 =	stileid.u32  }
0x4e: {  	s1 =	rddreg [dreg:$0x1];
	p0 =	sne.s32 s2, $0x0  }
0x4f: {  	s3 =	rddreg [dreg:$0x2];
	[bflag:$0x3] =	sbarrier.arrive $0xFFFF;
	s2 =	simm.s32 @!p0 $0x1C01  }
0x50: {  	[timem:s3], [sflag:s2] =	dma.local @!p0 [hbm:s0], s1  }
0x51: {  	s0 =	simm.s32 @!p0 $0x1  }
0x52: {  	_ =	swait.ge @!p0 [sflag:s0], s1  }
0x53: {  	s1 =	ssub.s32 @!p0 $0x0, s1;
	[sflag:s0] =	ssyncset.done @!p0 $0x0  }
0x54: {  	[sflag:s0] =	ssyncadd.s32 @!p0 s1  }
0x55: {  	[bflag:$0x3] =	sbarrier.arrive $0xFFFF  }
0x56: {  	_ =	shalt  }

// kernel: kernel.57.cloned.1.call-start
scs
__scs_entry_jumppad:
0x0: {  	(pc) =	sbr.rel $0x88, $3  }
0x1: {  	(tag) =	ssettag $0x0;
	lr =	simm.s32 $0x1  }
0x2: {  	[smem:$0x3F4F] =	sst lr;
	_ =	strace $0xD0000000  }
0x3: {  	_ = 	snop  }
0x4: {  	_ = 	snop  }
0x5: {  	_ = 	snop  }
0x6: {  	_ = 	snop  }
0x7: {  	_ = 	snop  }
__scs_overlays_trampoline_lowered:
0x8: {  	[smem:$0x3F5E] =	sst s0  }
0x9: {  	[smem:$0x3F5F] =	sst s1  }
0xa: {  	[smem:$0x3F60] =	sst s2  }
0xb: {  	[smem:$0x3F61] =	sst s3  }
0xc: {  	[smem:$0x3F62] =	sst s4  }
0xd: {  	[smem:$0x3F63] =	sst s5  }
0xe: {  	[smem:$0x3F64] =	sst s6  }
0xf: {  	[smem:$0x3F65] =	sst s7  }
0x10: {  	[smem:$0x3F66] =	sst s8  }
0x11: {  	[smem:$0x3F67] =	sst s9;
	s0 =	simm.s32 @!p0 $0x0  }
0x12: {  	s1 =	sld [smem:$0x3F4D];
	s0 =	simm.s32 @p0 $0x1  }
0x13: {  	[smem:$0x3F68] =	sst s0;
	s0 =	simm.s32 @!p1 $0x0  }
0x14: {  	s2 =	sld [smem:$0x3F4C];
	s0 =	simm.s32 @p1 $0x1  }
0x15: {  	[smem:$0x3F69] =	sst s0;
	s0 =	simm.s32 @!p2 $0x0  }
0x16: {  	s3 =	sld [smem:$0x3FDB];
	s0 =	simm.s32 @p2 $0x1  }
0x17: {  	s4 =	simm.s32 $0x1BF5;
	[smem:$0x3F6B] =	sst s0  }
0x18: {  	s0 =	sld [smem:$0x3F4E];
	_ =	swait.ge [sflag:s4], $0x0  }
0x19: {  	s7 =	sld [smem:$0x3F4F]  }
0x1a: {  	s8 =	sadd.s32 $0xFFFFE003, lr  }
0x1b: {  	s9 =	sadd.s32 $0xFFFFFEF7, lr;
	s5 =	simm.s32 $0xFFFFFFFF;
	p2 =	slt.u32 s8, $0xFFFFF086  }
0x1c: {  	p1 =	slt.u32 s9, $0xF7A;
	s5 =	simm.s32 @!p2 $0x0  }
0x1d: {  	s5 =	simm.s32 @p1 $0x1;
	p0 =	seq.s32 s7, s2  }
0x1e: {  	s7 =	smul.u32 @!p0 $0xF7A, s2;
	p2 =	seq.s32 @!p0 s5, $0x0  }
0x1f: {  	s9 =	smul.u32 $0xF7A, s1;
	s8 =	simm.s32 @!p0 $0x1BF5;
	p2 =	por !p2, p0  }
0x20: {  	[sflag:s8] =	ssyncset.s32 @!p0 $0xFFFFF086;
	s6 =	sadd.s32 @!p0 s3, s7;
	s7 =	simm.s32 @!p0 $0x108  }
0x21: {  	s3 =	sadd.s32 s3, s9;
	s6 =	sadd.s32 @!p0 $0x88, s6;
	s7 =	simm.s32 @p2 $0x1082  }
0x22: {  	[simem:s7], [sflag:s8] =	dma.local @!p0 [hbm:s6], $0xF7A  }
0x23: {  	s9 =	sor.u32 $0xD0000000, s2;
	s6 =	simm.s32 $0x108;
	_ =	swait.ge @!p0 [sflag:s8], $0x0  }
0x24: {  	s3 =	sadd.s32 $0x88, s3;
	s6 =	simm.s32 @!p1 $0x1082;
	[sflag:s4] =	ssyncset.s32 $0xFFFFF086  }
0x25: {  	[simem:s6], [sflag:s4] =	dma.local [hbm:s3], $0xF7A  }
0x26: {  	[smem:$0x3F4F] =	sst s1;
	(tag) =	ssettag s2;
	_ =	strace s9  }
0x27: {  	s1 =	sld [smem:$0x3F5F]  }
0x28: {  	s2 =	sld [smem:$0x3F60]  }
0x29: {  	s4 =	sld [smem:$0x3F62]  }
0x2a: {  	p0 =	seq.s32 s5, $0x0;
	s5 =	sld [smem:$0x3F63]  }
0x2b: {  	s6 =	sld [smem:$0x3F64]  }
0x2c: {  	s7 =	sld [smem:$0x3F65]  }
0x2d: {  	s3 =	simm.s32 $0x108;
	s8 =	sld [smem:$0x3F66]  }
0x2e: {  	s3 =	simm.s32 @!p0 $0x1082;
	s9 =	sld [smem:$0x3F67]  }
0x2f: {  	lr =	sadd.s32 s0, s3;
	s0 =	sld [smem:$0x3F5E]  }
0x30: {  	s3 =	sld [smem:$0x3F61]  }
0x31: {  	[smem:$0x3F6A] =	sst s10  }
0x32: {  	s10 =	sld [smem:$0x3F68];
	_ =	sdelay $0x3  }
0x33: {  	p0 =	seq.s32 s10, $0x1;
	s10 =	sld [smem:$0x3F6A];
	_ =	sdelay $0x3  }
0x34: {  	[smem:$0x3F6A] =	sst s10  }
0x35: {  	s10 =	sld [smem:$0x3F69];
	_ =	sdelay $0x3  }
0x36: {  	p1 =	seq.s32 s10, $0x1;
	s10 =	sld [smem:$0x3F6A];
	_ =	sdelay $0x3  }
0x37: {  	[smem:$0x3F6A] =	sst s10  }
0x38: {  	s10 =	sld [smem:$0x3F6B]  }
0x39: {  	_ = 	snop;
	(pc) =	sbr.ind lr, $3  }
0x3a: {  	_ = 	snop  }
0x3b: {  	_ = 	snop  }
0x3c: {  	p2 =	seq.s32 s10, $0x1;
	s10 =	sld [smem:$0x3F6A]  }
0x3d: {  	_ =	shalt  }
0x3e: {  	_ =	shalt  }
0x3f: {  	_ =	shalt  }
0x40: {  	_ =	shalt  }
0x41: {  	_ =	shalt  }
0x42: {  	_ =	shalt  }
0x43: {  	_ =	shalt  }
0x44: {  	_ =	shalt  }
0x45: {  	_ =	shalt  }
0x46: {  	_ =	shalt  }
0x47: {  	_ =	shalt  }
0x48: {  	_ =	shalt  }
0x49: {  	_ =	shalt  }
0x4a: {  	_ =	shalt  }
0x4b: {  	_ =	shalt  }
0x4c: {  	_ =	shalt  }
0x4d: {  	_ =	shalt  }
0x4e: {  	_ =	shalt  }
0x4f: {  	_ =	shalt  }
0x50: {  	_ =	shalt  }
0x51: {  	_ =	shalt  }
0x52: {  	_ =	shalt  }
0x53: {  	_ =	shalt  }
0x54: {  	_ =	shalt  }
0x55: {  	_ =	shalt  }
0x56: {  	_ =	shalt  }
0x57: {  	_ =	shalt  }
0x58: {  	_ =	shalt  }
0x59: {  	_ =	shalt  }
0x5a: {  	_ =	shalt  }
0x5b: {  	_ =	shalt  }
0x5c: {  	_ =	shalt  }
0x5d: {  	_ =	shalt  }
0x5e: {  	_ =	shalt  }
0x5f: {  	_ =	shalt  }
0x60: {  	_ =	shalt  }
0x61: {  	_ =	shalt  }
0x62: {  	_ =	shalt  }
0x63: {  	_ =	shalt  }
0x64: {  	_ =	shalt  }
0x65: {  	_ =	shalt  }
0x66: {  	_ =	shalt  }
0x67: {  	_ =	shalt  }
0x68: {  	_ =	shalt  }
0x69: {  	_ =	shalt  }
0x6a: {  	_ =	shalt  }
0x6b: {  	_ =	shalt  }
0x6c: {  	_ =	shalt  }
0x6d: {  	_ =	shalt  }
0x6e: {  	_ =	shalt  }
0x6f: {  	_ =	shalt  }
0x70: {  	_ =	shalt  }
0x71: {  	_ =	shalt  }
0x72: {  	_ =	shalt  }
0x73: {  	_ =	shalt  }
0x74: {  	_ =	shalt  }
0x75: {  	_ =	shalt  }
0x76: {  	_ =	shalt  }
0x77: {  	_ =	shalt  }
0x78: {  	_ =	shalt  }
0x79: {  	_ =	shalt  }
0x7a: {  	_ =	shalt  }
0x7b: {  	_ =	shalt  }
0x7c: {  	_ =	shalt  }
0x7d: {  	_ =	shalt  }
0x7e: {  	_ =	shalt  }
0x7f: {  	_ =	shalt  }
0x80: {  	_ =	shalt  }
0x81: {  	_ =	shalt  }
0x82: {  	_ =	shalt  }
0x83: {  	_ =	shalt  }
0x84: {  	_ =	shalt  }
0x85: {  	_ =	shalt  }
0x86: {  	_ =	shalt  }
0x87: {  	_ =	shalt  }
.Lfunc_end0:
.L_simem_size_0:
called_computation.9_lowered:
.L_overlay_start_0:
0x88: {  	s2 =	sld [smem:$0x3FD9]  }
0x89: {  	s3 =	sld [smem:$0x3FFE];
	_ =	sdelay $0x1  }
0x8a: {  	s1 =	srdreg.scid  }
0x8b: {  	s0 =	sand.u32 $0x1, s1  }
0x8c: {  	s16 =	sshll.u32 s0, $0xA;
	s2 =	sadd.s32 s3, s2  }
0x8d: {  	s2 =	sadd.s32 s2, s16  }
0x8e: {  	[smem:$0x3F76] =	sst s2  }
0x8f: {  	_ = 	snop  }
0x90: {  	(tm) =	ssettm $0x1  }
0x91: {  	s17 =	sld [smem:$0x3FFB];
	_ =	sdelay $0x3  }
0x92: {  	_ =	strace s17  }
0x93: {  	s2 =	sld [smem:$0x3FFC];
	_ =	sdelay $0x3  }
0x94: {  	_ =	strace s2  }
0x95: {  	s2 =	sld [smem:$0x3FFD];
	_ =	sdelay $0x3  }
0x96: {  	_ =	strace s2  }
0x97: {  	_ =	strace $0x8FFFFFFF  }
0x98: {  	s18 =	sld [smem:$0x3FDB];
	_ =	sdelay $0x1  }
0x99: {  	s19 =	simm.s32 $_scs_section_size  }
0x9a: {  	s4 =	simm.s32 $_size__tile_overlayer_lowered;
	s5 =	simm.s32 $_tile_overlayer_lowered  }
0x9b: {  	s22 =	simm.s32 $0x1BFF;
	s21 =	sshll.u32 s5, $0x1;
	s2 =	sadd.s32 s19, s18  }
0x9c: {  	s6 =	simm.s32 $0x0;
	s20 =	sshll.u32 s4, $0x1;
	s4 =	sadd.s32 s21, s2  }
0x9d: {  	[timem:s6], [sflag:s22] =	dma.local [hbm:s4], s20  }
0x9e: {  	_ =	swait.ge [sflag:s22], s20  }
0x9f: {  	s3 =	ssub.s32 $0x0, s20;
	[sflag:s22] =	ssyncset.done $0x0  }
0xa0: {  	[sflag:s22] =	ssyncadd.s32 s3;
	_ =	sdelay $0x1  }
0xa1: {  	s23 =	simm.s32 $0x1B8B  }
0xa2: {  	_ =	swait.ge [sflag:s23], $0x1  }
0xa3: {  	[sflag:s23] =	ssyncset.done $0x0  }
0xa4: {  	s25 =	simm.s32 $0x1B8E;
	s24 =	sld [smem:$0x3FFE];
	[sflag:s23] =	ssyncadd.s32 $0xFFFFFFFF  }
0xa5: {  	s26 =	simm.s32 $execute0_lowered;
	[smem:$0x3FD2] =	sst s25  }
0xa6: {  	s4 =	sshll.u32 s26, $0x1;
	_ =	strace $0x80000061;
	[dreg:$0x1] =	wrdreg $0xFFFFFFFF  }
0xa7: {  	s28 =	simm.s32 $_size_execute0_lowered;
	s2 =	sadd.s32 s2, s4;
	[dreg:$0x0] =	wrdreg $0x0  }
0xa8: {  	s4 =	sshll.u32 s28, $0x1;
	[dreg:$0x2] =	wrdreg s2  }
0xa9: {  	[dreg:$0x3] =	wrdreg s4  }
0xaa: {  	[dreg:$0x4] =	wrdreg $0xC0  }
0xab: {  	_ =	task [dreg:s6], $0x5FFFF  }
0xac: {  	[dreg:$0x1] =	wrdreg $0xFFFFFFFF  }
0xad: {  	[dreg:$0x0] =	wrdreg $0x60  }
0xae: {  	[dreg:$0x2] =	wrdreg s24  }
0xaf: {  	[dreg:$0x3] =	wrdreg $0x9  }
0xb0: {  	_ =	task.clear_ibuf [dreg:s6], $0x4FFFF;
	_ =	strace $0x90000061  }
0xb1: {  	s29 =	simm.s32 $0x9;
	_ =	strace $0x80000063  }
0xb2: {  	_ =	swait.ge [sflag:s29], $0x1  }
0xb3: {  	[sflag:s29] =	ssyncadd.s32 $0xFFFFFFFF  }
0xb4: {  	_ =	strace $0x90000063  }
0xb5: {  	_ =	sfence  }
0xb6: {  	s30 =	sld [smem:$0x0];
	_ =	sdelay $0x2  }
0xb7: {  	s31 =	sshll.u32 s1, $0xD;
	s1 =	sshrl.u32 s1, $0x2  }
0xb8: {  	s3 =	sand.u32 $0x4000, s31;
	s1 =	sadd.s32 s1, s30  }
0xb9: {  	s0 =	sor.u32 s3, s0;
	s1 =	sshll.u32 s1, $0x11  }
0xba: {  	s0 =	sor.u32 s1, s0  }
0xbb: {  	s0 =	sadd.s32 $0x8F2B, s0  }
0xbc: {  	[sflag:s0] =	ssyncadd.remote.s32 $0x1  }
0xbd: {  	_ =	sfence.sel $0xFFFF  }
0xbe: {  	[dreg:$0x0] =	wrdreg $0xFFFFFFFF;
	(pc) =	sbr.abs _section_cstart, $3  }
0xbf: {  	[dreg:$0x1] =	wrdreg $0xFFFFFFFF  }
0xc0: {  	_ =	task.clear_ibuf [dreg:s6], $0x2FFFF;
	_ =	strace $0x9FFFFFFF  }
0xc1: {  	(tm) =	ssettm $0x7FFFFFFF  }
tec
execute0_lowered:
.L_overlay_start_1:
0x0: {  	(tag) =	ssettag $0x1  }
0x1: {  	s7 =	rddreg [dreg:$0x0]  }
0x2: {  	s0 =	rddreg [dreg:$0x1]  }
0x3: {  	s1 =	simm.s32 $0x0;
	s2 =	srdreg.scid;
	s12 =	simm.s32 $0x400  }
0x4: {  	s13 =	simm.s32 $0x8400;
	s14 =	simm.s32 $0x1;
	s15 =	simm.s32 $0x0  }
0x5: {  	[smem:$0x7FF] =	sst s1;
	s3 =	sadd.s32 $0xD2C00, s7;
	s8 =	sand.u32 $0x1, s2  }
0x6: {  	s4 =	sadd.s32 $0x272000, s7;
	s2 =	stileid.u32;
	s5 =	sadd.s32 $0x165800, s7  }
0x7: {  	s6 =	sadd.s32 $0x259800, s7;
	s7 =	sadd.s32 $0x2D3C00, s7;
	s9 =	ssub.s32 $0x2, s8  }
0x8: {  	_ =	strace $0x80000062;
	s11 =	sshll.u32 s2, $0x1;
	s10 =	sshrl.u32 s9, $0x1  }
0x9: {  	s8 =	sor.u32 s8, s11;
	s11 =	simm.s32 $0x200;
	s9 =	ssub.s32 s9, s10  }
0xa: {  	s8 =	smul.u32 $0x6200, s8;
	s10 =	simm.s32 $0x2;
	s9 =	smax.u32 s9, $0x1  }
.LBB2_1:
0xb: {  	s16 =	simm.s32 $0x0  }
.LBB2_2:
0xc: {  	s17 =	sshll.u32 s16, $0x9  }
0xd: {  	s17 =	sadd.s32 s8, s17  }
0xe: {  	s18 =	sshrl.u32 s17, $0x3  }
0xf: {  	s20 =	simm.s32 $0x0;
	s19 =	sadd.s32 s5, s18  }
0x10: {  	[tilespmem:s20], [sflag:$0x2] =	stream.linear.gather [hbm4b:s19+s20], $0x200, $0x38;
	[tilespmem:$0x10400] =	vst v63  }
0x11: {  	_ =	swait.ge [sflag:s10], $0x200  }
0x12: {  	[sflag:s10] =	ssyncset.done $0x0  }
0x13: {  	s18 =	sadd.s32 s6, s18;
	[sflag:s10] =	ssyncadd.s32 $0xFFFFFE00  }
0x14: {  	[tilespmem:s11], [sflag:$0x2] =	stream.linear.gather [hbm4b:s18+s20], $0x200, $0x38;
	[tilespmem:$0x10400] =	vst v63  }
0x15: {  	_ =	swait.ge [sflag:s10], $0x200  }
0x16: {  	[sflag:s10] =	ssyncset.done $0x0  }
0x17: {  	[sflag:s10] =	ssyncadd.s32 $0xFFFFFE00  }
0x18: {  	[tilespmem:s12], [sflag:$0x1] =	stream.indirect.gather [hbm4b:s3+s11], $0x40, s20, s11, $0xb8;
	[tilespmem:$0x10400] =	vst v63  }
0x19: {  	_ = 	snop  }
0x1a: {  	[tilespmem:s13], [sflag:$0x1] =	stream.indirect.gather [hbm4b:s4+s11], $0x40, s11, s11, $0xb8;
	[tilespmem:$0x10400] =	vst v63  }
0x1b: {  	_ =	swait.ge [sflag:s14], $0x8000  }
0x1c: {  	[sflag:s14] =	ssyncset.done $0x0  }
0x1d: {  	[sflag:s14] =	ssyncadd.s32 $0xFFFF8000  }
0x1e: {  	_ =	swait.ge [sflag:s14], $0x8000  }
0x1f: {  	[sflag:s14] =	ssyncset.done $0x0  }
0x20: {  	s18 =	simm.s32 $0x0;
	[sflag:s14] =	ssyncadd.s32 $0xFFFF8000  }
0x21: {  	v5 =	vld [tilespmem:s18+$0x8400]  }
0x22: {  	v6 =	vld [tilespmem:s18+$0x8410]  }
0x23: {  	v1 =	vld [tilespmem:s18+$0x8420]  }
0x24: {  	v0 =	vld [tilespmem:s18+$0x8430]  }
0x25: {  	v2 =	vld [tilespmem:s18+$0x400]  }
0x26: {  	v4 =	vld [tilespmem:s18+$0x410]  }
0x27: {  	s19 =	simm.s32 $0x100;
	v3 =	vld [tilespmem:s18+$0x420]  }
.LBB2_3:
0x28: {  	s20 =	sshra.s32 s19, $0x2;
	p0 =	sne.s32 s19, $0x1FF00;
	v7 =	vld [tilespmem:s18+$0x430];
	v8 =	vmov v1  }
0x29: {  	v9 =	vld [tilespmem:s20+$0x8400];
	v10 =	vmov v0  }
0x2a: {  	v11 =	vld [tilespmem:s20+$0x8410];
	v2 =	vadd.f32 v5, v2  }
.Ltmp0:
0x2b: {  	v1 =	vld [tilespmem:s20+$0x8420];
	v4 =	vadd.f32 v6, v4;
	(pc) =	sbr.rel @p0 .LBB2_3-.Ltmp0, $4  }
0x2c: {  	v0 =	vld [tilespmem:s20+$0x8430];
	[tilespmem:s18+$0x400] =	vst v2;
	v3 =	vadd.f32 v8, v3  }
0x2d: {  	v2 =	vld [tilespmem:s20+$0x400];
	[tilespmem:s18+$0x410] =	vst v4;
	v7 =	vadd.f32 v10, v7  }
0x2e: {  	v4 =	vld [tilespmem:s20+$0x410];
	[tilespmem:s18+$0x420] =	vst v3;
	v5 =	vmov v9  }
0x2f: {  	s19 =	sadd.s32 $0x100, s19;
	v3 =	vld [tilespmem:s20+$0x420];
	[tilespmem:s18+$0x430] =	vst v7;
	v6 =	vmov v11;
	s18 =	smov.u32 s20  }
0x30: {  	v7 =	vld [tilespmem:s18+$0x430];
	_ =	sdelay $0x1  }
0x31: {  	v2 =	vadd.f32 v5, v2  }
0x32: {  	v4 =	vadd.f32 v6, v4  }
0x33: {  	[tilespmem:s18+$0x400] =	vst v2;
	v1 =	vadd.f32 v1, v3  }
0x34: {  	s16 =	sadd.s32 $0x1, s16;
	[tilespmem:s18+$0x410] =	vst v4;
	v0 =	vadd.f32 v0, v7  }
0x35: {  	s17 =	sshll.u32 s17, $0x3;
	p0 =	sne.s32 s16, $0x31;
	[tilespmem:s18+$0x420] =	vst v1  }
.Ltmp1:
0x36: {  	s17 =	sadd.s32 s7, s17;
	[tilespmem:s18+$0x430] =	vst v0;
	(pc) =	sbr.rel @p0 .LBB2_2-.Ltmp1, $4  }
0x37: {  	[hbm4b:s17+s1] =	stream.linear.scatter [tilespmem:s12], [sflag:$0x2], $0x8000, $0x38;
	[tilespmem:$0x10400] =	vst v63  }
0x38: {  	_ =	swait.ge [sflag:s10], $0x8000  }
0x39: {  	[sflag:s10] =	ssyncset.done $0x0  }
0x3a: {  	[sflag:s10] =	ssyncadd.s32 $0xFFFF8000  }
0x3b: {  	s15 =	sadd.s32 $0x1, s15  }
0x3c: {  	p0 =	sne.s32 s15, s9  }
.Ltmp2:
0x3d: {  	_ = 	snop;
	(pc) =	sbr.rel @p0 .LBB2_1-.Ltmp2, $1  }
0x3e: {  	_ =	sdelay $0x3  }
0x3f: {  	_ =	sfence.sel $0x180000  }
0x40: {  	[bflag:$0x0] =	sbarrier.arrive $0xFFFF  }
0x41: {  	p0 =	sne.s32 s2, $0x0;
	_ =	strace $0x90000062  }
0x42: {  	s0 =	sadd.s32 @!p0 $0x100000, s0;
	[bflag:$0x2] =	sbarrier.arrive $0xFFFF  }
0x43: {  	[sflag:s0] =	ssyncadd.tile.s32 @!p0 $0x1;
	_ =	shalt  }
.Lfunc_end2:
_tile_overlayer_lowered:
.L_overlay_start_2:
0x44: {  	(tag) =	ssettag $0x2  }
0x45: {  	s0 =	rddreg [dreg:$0x0];
	s2 =	stileid.u32  }
0x46: {  	s1 =	rddreg [dreg:$0x1];
	p0 =	sne.s32 s2, $0x0  }
0x47: {  	s3 =	rddreg [dreg:$0x2];
	[bflag:$0x3] =	sbarrier.arrive $0xFFFF;
	s2 =	simm.s32 @!p0 $0x1C02  }
0x48: {  	[timem:s3], [sflag:s2] =	dma.local @!p0 [hbm:s0], s1  }
0x49: {  	s0 =	simm.s32 @!p0 $0x2  }
0x4a: {  	_ =	swait.ge @!p0 [sflag:s0], s1  }
0x4b: {  	s1 =	ssub.s32 @!p0 $0x0, s1;
	[sflag:s0] =	ssyncset.done @!p0 $0x0  }
0x4c: {  	[sflag:s0] =	ssyncadd.s32 @!p0 s1  }
0x4d: {  	[bflag:$0x3] =	sbarrier.arrive $0xFFFF  }
0x4e: {  	_ =	shalt  }

// kernel: kernel.60.cloned.1.call-start
scs
__scs_entry_jumppad:
0x0: {  	(pc) =	sbr.rel $0x88, $3  }
0x1: {  	(tag) =	ssettag $0x0;
	lr =	simm.s32 $0x1  }
0x2: {  	[smem:$0x3F4F] =	sst lr;
	_ =	strace $0xD0000000  }
0x3: {  	_ = 	snop  }
0x4: {  	_ = 	snop  }
0x5: {  	_ = 	snop  }
0x6: {  	_ = 	snop  }
0x7: {  	_ = 	snop  }
__scs_overlays_trampoline_lowered:
0x8: {  	[smem:$0x3F5E] =	sst s0  }
0x9: {  	[smem:$0x3F5F] =	sst s1  }
0xa: {  	[smem:$0x3F60] =	sst s2  }
0xb: {  	[smem:$0x3F61] =	sst s3  }
0xc: {  	[smem:$0x3F62] =	sst s4  }
0xd: {  	[smem:$0x3F63] =	sst s5  }
0xe: {  	[smem:$0x3F64] =	sst s6  }
0xf: {  	[smem:$0x3F65] =	sst s7  }
0x10: {  	[smem:$0x3F66] =	sst s8  }
0x11: {  	[smem:$0x3F67] =	sst s9;
	s0 =	simm.s32 @!p0 $0x0  }
0x12: {  	s1 =	sld [smem:$0x3F4D];
	s0 =	simm.s32 @p0 $0x1  }
0x13: {  	[smem:$0x3F68] =	sst s0;
	s0 =	simm.s32 @!p1 $0x0  }
0x14: {  	s2 =	sld [smem:$0x3F4C];
	s0 =	simm.s32 @p1 $0x1  }
0x15: {  	[smem:$0x3F69] =	sst s0;
	s0 =	simm.s32 @!p2 $0x0  }
0x16: {  	s3 =	sld [smem:$0x3FDB];
	s0 =	simm.s32 @p2 $0x1  }
0x17: {  	s4 =	simm.s32 $0x1BF5;
	[smem:$0x3F6B] =	sst s0  }
0x18: {  	s0 =	sld [smem:$0x3F4E];
	_ =	swait.ge [sflag:s4], $0x0  }
0x19: {  	s7 =	sld [smem:$0x3F4F]  }
0x1a: {  	s8 =	sadd.s32 $0xFFFFE003, lr  }
0x1b: {  	s9 =	sadd.s32 $0xFFFFFEF7, lr;
	s5 =	simm.s32 $0xFFFFFFFF;
	p2 =	slt.u32 s8, $0xFFFFF086  }
0x1c: {  	p1 =	slt.u32 s9, $0xF7A;
	s5 =	simm.s32 @!p2 $0x0  }
0x1d: {  	s5 =	simm.s32 @p1 $0x1;
	p0 =	seq.s32 s7, s2  }
0x1e: {  	s7 =	smul.u32 @!p0 $0xF7A, s2;
	p2 =	seq.s32 @!p0 s5, $0x0  }
0x1f: {  	s9 =	smul.u32 $0xF7A, s1;
	s8 =	simm.s32 @!p0 $0x1BF5;
	p2 =	por !p2, p0  }
0x20: {  	[sflag:s8] =	ssyncset.s32 @!p0 $0xFFFFF086;
	s6 =	sadd.s32 @!p0 s3, s7;
	s7 =	simm.s32 @!p0 $0x108  }
0x21: {  	s3 =	sadd.s32 s3, s9;
	s6 =	sadd.s32 @!p0 $0x88, s6;
	s7 =	simm.s32 @p2 $0x1082  }
0x22: {  	[simem:s7], [sflag:s8] =	dma.local @!p0 [hbm:s6], $0xF7A  }
0x23: {  	s9 =	sor.u32 $0xD0000000, s2;
	s6 =	simm.s32 $0x108;
	_ =	swait.ge @!p0 [sflag:s8], $0x0  }
0x24: {  	s3 =	sadd.s32 $0x88, s3;
	s6 =	simm.s32 @!p1 $0x1082;
	[sflag:s4] =	ssyncset.s32 $0xFFFFF086  }
0x25: {  	[simem:s6], [sflag:s4] =	dma.local [hbm:s3], $0xF7A  }
0x26: {  	[smem:$0x3F4F] =	sst s1;
	(tag) =	ssettag s2;
	_ =	strace s9  }
0x27: {  	s1 =	sld [smem:$0x3F5F]  }
0x28: {  	s2 =	sld [smem:$0x3F60]  }
0x29: {  	s4 =	sld [smem:$0x3F62]  }
0x2a: {  	p0 =	seq.s32 s5, $0x0;
	s5 =	sld [smem:$0x3F63]  }
0x2b: {  	s6 =	sld [smem:$0x3F64]  }
0x2c: {  	s7 =	sld [smem:$0x3F65]  }
0x2d: {  	s3 =	simm.s32 $0x108;
	s8 =	sld [smem:$0x3F66]  }
0x2e: {  	s3 =	simm.s32 @!p0 $0x1082;
	s9 =	sld [smem:$0x3F67]  }
0x2f: {  	lr =	sadd.s32 s0, s3;
	s0 =	sld [smem:$0x3F5E]  }
0x30: {  	s3 =	sld [smem:$0x3F61]  }
0x31: {  	[smem:$0x3F6A] =	sst s10  }
0x32: {  	s10 =	sld [smem:$0x3F68];
	_ =	sdelay $0x3  }
0x33: {  	p0 =	seq.s32 s10, $0x1;
	s10 =	sld [smem:$0x3F6A];
	_ =	sdelay $0x3  }
0x34: {  	[smem:$0x3F6A] =	sst s10  }
0x35: {  	s10 =	sld [smem:$0x3F69];
	_ =	sdelay $0x3  }
0x36: {  	p1 =	seq.s32 s10, $0x1;
	s10 =	sld [smem:$0x3F6A];
	_ =	sdelay $0x3  }
0x37: {  	[smem:$0x3F6A] =	sst s10  }
0x38: {  	s10 =	sld [smem:$0x3F6B]  }
0x39: {  	_ = 	snop;
	(pc) =	sbr.ind lr, $3  }
0x3a: {  	_ = 	snop  }
0x3b: {  	_ = 	snop  }
0x3c: {  	p2 =	seq.s32 s10, $0x1;
	s10 =	sld [smem:$0x3F6A]  }
0x3d: {  	_ =	shalt  }
0x3e: {  	_ =	shalt  }
0x3f: {  	_ =	shalt  }
0x40: {  	_ =	shalt  }
0x41: {  	_ =	shalt  }
0x42: {  	_ =	shalt  }
0x43: {  	_ =	shalt  }
0x44: {  	_ =	shalt  }
0x45: {  	_ =	shalt  }
0x46: {  	_ =	shalt  }
0x47: {  	_ =	shalt  }
0x48: {  	_ =	shalt  }
0x49: {  	_ =	shalt  }
0x4a: {  	_ =	shalt  }
0x4b: {  	_ =	shalt  }
0x4c: {  	_ =	shalt  }
0x4d: {  	_ =	shalt  }
0x4e: {  	_ =	shalt  }
0x4f: {  	_ =	shalt  }
0x50: {  	_ =	shalt  }
0x51: {  	_ =	shalt  }
0x52: {  	_ =	shalt  }
0x53: {  	_ =	shalt  }
0x54: {  	_ =	shalt  }
0x55: {  	_ =	shalt  }
0x56: {  	_ =	shalt  }
0x57: {  	_ =	shalt  }
0x58: {  	_ =	shalt  }
0x59: {  	_ =	shalt  }
0x5a: {  	_ =	shalt  }
0x5b: {  	_ =	shalt  }
0x5c: {  	_ =	shalt  }
0x5d: {  	_ =	shalt  }
0x5e: {  	_ =	shalt  }
0x5f: {  	_ =	shalt  }
0x60: {  	_ =	shalt  }
0x61: {  	_ =	shalt  }
0x62: {  	_ =	shalt  }
0x63: {  	_ =	shalt  }
0x64: {  	_ =	shalt  }
0x65: {  	_ =	shalt  }
0x66: {  	_ =	shalt  }
0x67: {  	_ =	shalt  }
0x68: {  	_ =	shalt  }
0x69: {  	_ =	shalt  }
0x6a: {  	_ =	shalt  }
0x6b: {  	_ =	shalt  }
0x6c: {  	_ =	shalt  }
0x6d: {  	_ =	shalt  }
0x6e: {  	_ =	shalt  }
0x6f: {  	_ =	shalt  }
0x70: {  	_ =	shalt  }
0x71: {  	_ =	shalt  }
0x72: {  	_ =	shalt  }
0x73: {  	_ =	shalt  }
0x74: {  	_ =	shalt  }
0x75: {  	_ =	shalt  }
0x76: {  	_ =	shalt  }
0x77: {  	_ =	shalt  }
0x78: {  	_ =	shalt  }
0x79: {  	_ =	shalt  }
0x7a: {  	_ =	shalt  }
0x7b: {  	_ =	shalt  }
0x7c: {  	_ =	shalt  }
0x7d: {  	_ =	shalt  }
0x7e: {  	_ =	shalt  }
0x7f: {  	_ =	shalt  }
0x80: {  	_ =	shalt  }
0x81: {  	_ =	shalt  }
0x82: {  	_ =	shalt  }
0x83: {  	_ =	shalt  }
0x84: {  	_ =	shalt  }
0x85: {  	_ =	shalt  }
0x86: {  	_ =	shalt  }
0x87: {  	_ =	shalt  }
.Lfunc_end0:
.L_simem_size_0:
called_computation.10_lowered:
.L_overlay_start_0:
0x88: {  	s2 =	sld [smem:$0x3FD9]  }
0x89: {  	s3 =	sld [smem:$0x3FFE];
	_ =	sdelay $0x1  }
0x8a: {  	s1 =	srdreg.scid  }
0x8b: {  	s0 =	sand.u32 $0x1, s1  }
0x8c: {  	s16 =	sshll.u32 s0, $0xA;
	s2 =	sadd.s32 s3, s2  }
0x8d: {  	s2 =	sadd.s32 s2, s16  }
0x8e: {  	[smem:$0x3F76] =	sst s2  }
0x8f: {  	_ = 	snop  }
0x90: {  	(tm) =	ssettm $0x1  }
0x91: {  	s17 =	sld [smem:$0x3FFB];
	_ =	sdelay $0x3  }
0x92: {  	_ =	strace s17  }
0x93: {  	s2 =	sld [smem:$0x3FFC];
	_ =	sdelay $0x3  }
0x94: {  	_ =	strace s2  }
0x95: {  	s2 =	sld [smem:$0x3FFD];
	_ =	sdelay $0x3  }
0x96: {  	_ =	strace s2  }
0x97: {  	_ =	strace $0x8FFFFFFF  }
0x98: {  	s18 =	sld [smem:$0x3FDB];
	_ =	sdelay $0x1  }
0x99: {  	s19 =	simm.s32 $_scs_section_size  }
0x9a: {  	s4 =	simm.s32 $_size__tile_overlayer_lowered;
	s5 =	simm.s32 $_tile_overlayer_lowered  }
0x9b: {  	s22 =	simm.s32 $0x1BFF;
	s21 =	sshll.u32 s5, $0x1;
	s2 =	sadd.s32 s19, s18  }
0x9c: {  	s6 =	simm.s32 $0x0;
	s20 =	sshll.u32 s4, $0x1;
	s4 =	sadd.s32 s21, s2  }
0x9d: {  	[timem:s6], [sflag:s22] =	dma.local [hbm:s4], s20  }
0x9e: {  	_ =	swait.ge [sflag:s22], s20  }
0x9f: {  	s3 =	ssub.s32 $0x0, s20;
	[sflag:s22] =	ssyncset.done $0x0  }
0xa0: {  	[sflag:s22] =	ssyncadd.s32 s3;
	_ =	sdelay $0x1  }
0xa1: {  	s23 =	simm.s32 $0x1B8B  }
0xa2: {  	_ =	swait.ge [sflag:s23], $0x1  }
0xa3: {  	[sflag:s23] =	ssyncset.done $0x0  }
0xa4: {  	s25 =	simm.s32 $0x1B8E;
	s24 =	sld [smem:$0x3FFE];
	[sflag:s23] =	ssyncadd.s32 $0xFFFFFFFF  }
0xa5: {  	s26 =	simm.s32 $execute0_lowered;
	[smem:$0x3FD2] =	sst s25  }
0xa6: {  	s4 =	sshll.u32 s26, $0x1;
	_ =	strace $0x80000064;
	[dreg:$0x1] =	wrdreg $0xFFFFFFFF  }
0xa7: {  	s28 =	simm.s32 $_size_execute0_lowered;
	s2 =	sadd.s32 s2, s4;
	[dreg:$0x0] =	wrdreg $0x0  }
0xa8: {  	s4 =	sshll.u32 s28, $0x1;
	[dreg:$0x2] =	wrdreg s2  }
0xa9: {  	[dreg:$0x3] =	wrdreg s4  }
0xaa: {  	[dreg:$0x4] =	wrdreg $0xC0  }
0xab: {  	_ =	task [dreg:s6], $0x5FFFF  }
0xac: {  	[dreg:$0x1] =	wrdreg $0xFFFFFFFF  }
0xad: {  	[dreg:$0x0] =	wrdreg $0x60  }
0xae: {  	[dreg:$0x2] =	wrdreg s24  }
0xaf: {  	[dreg:$0x3] =	wrdreg $0x108000  }
0xb0: {  	[dreg:$0x4] =	wrdreg $0x9  }
0xb1: {  	_ =	task.clear_ibuf [dreg:s6], $0x5FFFF;
	_ =	strace $0x90000064  }
0xb2: {  	s29 =	simm.s32 $0x9;
	_ =	strace $0x80000066  }
0xb3: {  	_ =	swait.ge [sflag:s29], $0x1  }
0xb4: {  	[sflag:s29] =	ssyncadd.s32 $0xFFFFFFFF  }
0xb5: {  	_ =	strace $0x90000066  }
0xb6: {  	_ =	sfence  }
0xb7: {  	s30 =	sld [smem:$0x0];
	_ =	sdelay $0x2  }
0xb8: {  	s31 =	sshll.u32 s1, $0xD;
	s1 =	sshrl.u32 s1, $0x2  }
0xb9: {  	s3 =	sand.u32 $0x4000, s31;
	s1 =	sadd.s32 s1, s30  }
0xba: {  	s0 =	sor.u32 s3, s0;
	s1 =	sshll.u32 s1, $0x11  }
0xbb: {  	s0 =	sor.u32 s1, s0  }
0xbc: {  	s0 =	sadd.s32 $0x8F2B, s0  }
0xbd: {  	[sflag:s0] =	ssyncadd.remote.s32 $0x1  }
0xbe: {  	_ =	sfence.sel $0xFFFF  }
0xbf: {  	[dreg:$0x0] =	wrdreg $0xFFFFFFFF;
	(pc) =	sbr.abs _section_cstart, $3  }
0xc0: {  	[dreg:$0x1] =	wrdreg $0xFFFFFFFF  }
0xc1: {  	_ =	task.clear_ibuf [dreg:s6], $0x2FFFF;
	_ =	strace $0x9FFFFFFF  }
0xc2: {  	(tm) =	ssettm $0x7FFFFFFF  }
0xc3: {  	_ =	shalt  }
tec
execute0_lowered:
.L_overlay_start_1:
0x0: {  	(tag) =	ssettag $0x1  }
0x1: {  	s0 =	srdreg.scid  }
0x2: {  	s4 =	rddreg [dreg:$0x0];
	s5 =	sand.u32 $0x1, s0  }
0x3: {  	s0 =	stileid.u32;
	s6 =	smul.u32 $0xC40000, s5  }
0x4: {  	s2 =	rddreg [dreg:$0x1];
	s7 =	smul.u32 $0xC4000, s0  }
0x5: {  	s1 =	rddreg [dreg:$0x2];
	s8 =	smul.u32 $0xC400, s0  }
0x6: {  	s3 =	simm.s32 $0x0;
	s11 =	simm.s32 $0x400;
	s29 =	smul.u32 $0xC4000, s5  }
0x7: {  	[smem:$0x7FF] =	sst s3;
	s9 =	smul.u32 $0x1880, s0;
	s5 =	ssub.s32 $0x2, s5  }
0x8: {  	s12 =	simm.s32 $0x0;
	_ =	strace $0x80000065;
	s31 =	sshrl.u32 s5, $0x1  }
0x9: {  	s6 =	sadd.s32 s7, s6;
	s7 =	sadd.s32 s8, s29;
	s9 =	sadd.s32 s9, s4  }
0xa: {  	s6 =	sshrl.u32 s6, $0x3;
	s30 =	sshrl.u32 s7, $0x3;
	s7 =	ssub.s32 s5, s31  }
0xb: {  	s10 =	sadd.s32 s6, s4;
	s6 =	sadd.s32 s30, s4;
	s4 =	sadd.s32 s8, s2  }
0xc: {  	s8 =	sadd.s32 $0x14D000, s9;
	s9 =	simm.s32 $0x4400;
	s5 =	sadd.s32 $0xD2C00, s6  }
0xd: {  	v0 =	vimm.f32 $0.0e+00;
	s6 =	smax.u32 s7, $0x1;
	s7 =	sadd.s32 $0x8F3C00, s10;
	s10 =	simm.s32 $0x1  }
.LBB2_1:
0xe: {  	s13 =	simm.s32 $0x40;
	s14 =	simm.s32 $0x0  }
.LBB2_2:
0xf: {  	p0 =	sne.s32 s13, $0x30FC0;
	[tilespmem:s14+$0x4400] =	vst v0;
	s14 =	smov.u32 s13;
	s13 =	sadd.s32 $0x40, s13  }
.Ltmp0:
0x10: {  	(pc) =	sbr.rel @p0 .LBB2_2-.Ltmp0, $2  }
0x11: {  	_ =	sdelay $0x2  }
0x12: {  	s14 =	sshra.s32 s14, $0x2  }
0x13: {  	[tilespmem:s14+$0x4400] =	vst v0  }
0x14: {  	[spmem:s4] =	stream.linear.scatter [tilespmem:s9], [sflag:$0x1], $0xC400, $0x38;
	[tilespmem:$0x1CC00] =	vst v63  }
0x15: {  	_ =	swait.ge [sflag:s10], $0xC400  }
0x16: {  	[sflag:s10] =	ssyncset.done $0x0  }
0x17: {  	[sflag:s10] =	ssyncadd.s32 $0xFFFF3C00  }
0x18: {  	s13 =	sadd.s32 $0x0, s8;
	[bflag:$0x0] =	sbarrier.arrive $0xFFFF  }
0x19: {  	[tilespmem:s3], [sflag:$0x1] =	stream.linear.gather [hbm4b:s13+s3], $0x400, $0x38;
	[tilespmem:$0x1CC00] =	vst v63  }
0x1a: {  	_ =	swait.ge [sflag:s10], $0x400  }
0x1b: {  	[sflag:s10] =	ssyncset.done $0x0  }
0x1c: {  	[sflag:s10] =	ssyncadd.s32 $0xFFFFFC00  }
0x1d: {  	[tilespmem:s11], [sflag:$0x1] =	stream.linear.gather [hbm4b:s7+s3], $0x4000, $0x38;
	[tilespmem:$0x1CC00] =	vst v63  }
0x1e: {  	_ =	swait.ge [sflag:s10], $0x4000  }
0x1f: {  	[sflag:s10] =	ssyncset.done $0x0  }
0x20: {  	[sflag:s10] =	ssyncadd.s32 $0xFFFFC000  }
0x21: {  	[spmem:s2] =	stream.indirect.scatter.add.f32 [tilespmem:s11], [sflag:$0x1], $0x10, s3, s11, $0xb8;
	[tilespmem:$0x1CC00] =	vst v63  }
0x22: {  	s14 =	simm.s32 $0x80;
	_ =	swait.ge [sflag:s10], $0x4000  }
0x23: {  	s15 =	simm.s32 $0x100;
	s13 =	sadd.s32 $0x800, s7;
	[sflag:s10] =	ssyncset.done $0x0  }
.LBB2_4:
0x24: {  	s16 =	sadd.s32 s14, s8  }
0x25: {  	[sflag:s10] =	ssyncadd.s32 $0xFFFFC000;
	s14 =	smov.u32 s15;
	s17 =	sadd.s32 $0x80, s15  }
0x26: {  	[tilespmem:s3], [sflag:$0x1] =	stream.linear.gather [hbm4b:s16+s3], $0x400, $0x38;
	[tilespmem:$0x1CC00] =	vst v63  }
0x27: {  	p0 =	sne.s32 s15, $0x1800;
	_ =	swait.ge [sflag:s10], $0x400  }
0x28: {  	[sflag:s10] =	ssyncset.done $0x0  }
0x29: {  	[sflag:s10] =	ssyncadd.s32 $0xFFFFFC00  }
0x2a: {  	[tilespmem:s11], [sflag:$0x1] =	stream.linear.gather [hbm4b:s13+s3], $0x4000, $0x38;
	[tilespmem:$0x1CC00] =	vst v63  }
0x2b: {  	_ =	swait.ge [sflag:s10], $0x4000  }
.Ltmp1:
0x2c: {  	[sflag:s10] =	ssyncset.done $0x0;
	(pc) =	sbr.rel @p0 .LBB2_4-.Ltmp1, $4  }
0x2d: {  	[sflag:s10] =	ssyncadd.s32 $0xFFFFC000  }
0x2e: {  	[spmem:s2] =	stream.indirect.scatter.add.f32 [tilespmem:s11], [sflag:$0x1], $0x10, s3, s11, $0xb8;
	[tilespmem:$0x1CC00] =	vst v63  }
0x2f: {  	_ =	swait.ge [sflag:s10], $0x4000  }
0x30: {  	s15 =	smov.u32 s17;
	s13 =	sadd.s32 $0x800, s13;
	[sflag:s10] =	ssyncset.done $0x0  }
0x31: {  	s14 =	sadd.s32 s14, s8;
	[sflag:s10] =	ssyncadd.s32 $0xFFFFC000  }
0x32: {  	[tilespmem:s3], [sflag:$0x1] =	stream.linear.gather [hbm4b:s14+s3], $0x400, $0x38;
	[tilespmem:$0x1CC00] =	vst v63  }
0x33: {  	_ =	swait.ge [sflag:s10], $0x400  }
0x34: {  	[sflag:s10] =	ssyncset.done $0x0  }
0x35: {  	[sflag:s10] =	ssyncadd.s32 $0xFFFFFC00  }
0x36: {  	[tilespmem:s11], [sflag:$0x1] =	stream.linear.gather [hbm4b:s13+s3], $0x4000, $0x38;
	[tilespmem:$0x1CC00] =	vst v63  }
0x37: {  	_ =	swait.ge [sflag:s10], $0x4000  }
0x38: {  	[sflag:s10] =	ssyncset.done $0x0  }
0x39: {  	[sflag:s10] =	ssyncadd.s32 $0xFFFFC000  }
0x3a: {  	[spmem:s2] =	stream.indirect.scatter.add.f32 [tilespmem:s11], [sflag:$0x1], $0x10, s3, s11, $0xb8;
	[tilespmem:$0x1CC00] =	vst v63  }
0x3b: {  	_ =	swait.ge [sflag:s10], $0x4000  }
0x3c: {  	[sflag:s10] =	ssyncset.done $0x0  }
0x3d: {  	[sflag:s10] =	ssyncadd.s32 $0xFFFFC000  }
0x3e: {  	[bflag:$0x0] =	sbarrier.arrive $0xFFFF  }
0x3f: {  	[tilespmem:s9], [sflag:$0x1] =	stream.linear.gather [spmem:s4], $0xC400, $0x38;
	[tilespmem:$0x1CC00] =	vst v63  }
0x40: {  	s12 =	sadd.s32 $0x1, s12;
	_ =	swait.ge [sflag:s10], $0xC400  }
0x41: {  	p0 =	sne.s32 s12, s6;
	[sflag:s10] =	ssyncset.done $0x0  }
.Ltmp2:
0x42: {  	[sflag:s10] =	ssyncadd.s32 $0xFFFF3C00;
	(pc) =	sbr.rel @p0 .LBB2_1-.Ltmp2, $4  }
0x43: {  	[hbm4b:s5+s3] =	stream.linear.scatter [tilespmem:s9], [sflag:$0x1], $0xC400, $0x38;
	[tilespmem:$0x1CC00] =	vst v63  }
0x44: {  	_ =	swait.ge [sflag:s10], $0xC400  }
0x45: {  	[sflag:s10] =	ssyncset.done $0x0  }
0x46: {  	[sflag:s10] =	ssyncadd.s32 $0xFFFF3C00  }
0x47: {  	_ =	sfence.sel $0x180000  }
0x48: {  	[bflag:$0x0] =	sbarrier.arrive $0xFFFF  }
0x49: {  	p0 =	sne.s32 s0, $0x0;
	_ =	strace $0x90000065  }
0x4a: {  	s0 =	sadd.s32 @!p0 $0x100000, s1;
	[bflag:$0x2] =	sbarrier.arrive $0xFFFF  }
0x4b: {  	[sflag:s0] =	ssyncadd.tile.s32 @!p0 $0x1;
	_ =	shalt  }
.Lfunc_end2:
_tile_overlayer_lowered:
.L_overlay_start_2:
0x4c: {  	(tag) =	ssettag $0x2  }
0x4d: {  	s0 =	rddreg [dreg:$0x0];
	s2 =	stileid.u32  }
0x4e: {  	s1 =	rddreg [dreg:$0x1];
	p0 =	sne.s32 s2, $0x0  }
0x4f: {  	s3 =	rddreg [dreg:$0x2];
	[bflag:$0x3] =	sbarrier.arrive $0xFFFF;
	s2 =	simm.s32 @!p0 $0x1C01  }
0x50: {  	[timem:s3], [sflag:s2] =	dma.local @!p0 [hbm:s0], s1  }
0x51: {  	s0 =	simm.s32 @!p0 $0x1  }
0x52: {  	_ =	swait.ge @!p0 [sflag:s0], s1  }
0x53: {  	s1 =	ssub.s32 @!p0 $0x0, s1;
	[sflag:s0] =	ssyncset.done @!p0 $0x0  }
0x54: {  	[sflag:s0] =	ssyncadd.s32 @!p0 s1  }
0x55: {  	[bflag:$0x3] =	sbarrier.arrive $0xFFFF  }
0x56: {  	_ =	shalt  }

// kernel: kernel.63.cloned.1.call-start
scs
__scs_entry_jumppad:
0x0: {  	(pc) =	sbr.rel $0x88, $3  }
0x1: {  	(tag) =	ssettag $0x0;
	lr =	simm.s32 $0x1  }
0x2: {  	[smem:$0x3F4F] =	sst lr;
	_ =	strace $0xD0000000  }
0x3: {  	_ = 	snop  }
0x4: {  	_ = 	snop  }
0x5: {  	_ = 	snop  }
0x6: {  	_ = 	snop  }
0x7: {  	_ = 	snop  }
__scs_overlays_trampoline_lowered:
0x8: {  	[smem:$0x3F5E] =	sst s0  }
0x9: {  	[smem:$0x3F5F] =	sst s1  }
0xa: {  	[smem:$0x3F60] =	sst s2  }
0xb: {  	[smem:$0x3F61] =	sst s3  }
0xc: {  	[smem:$0x3F62] =	sst s4  }
0xd: {  	[smem:$0x3F63] =	sst s5  }
0xe: {  	[smem:$0x3F64] =	sst s6  }
0xf: {  	[smem:$0x3F65] =	sst s7  }
0x10: {  	[smem:$0x3F66] =	sst s8  }
0x11: {  	[smem:$0x3F67] =	sst s9;
	s0 =	simm.s32 @!p0 $0x0  }
0x12: {  	s1 =	sld [smem:$0x3F4D];
	s0 =	simm.s32 @p0 $0x1  }
0x13: {  	[smem:$0x3F68] =	sst s0;
	s0 =	simm.s32 @!p1 $0x0  }
0x14: {  	s2 =	sld [smem:$0x3F4C];
	s0 =	simm.s32 @p1 $0x1  }
0x15: {  	[smem:$0x3F69] =	sst s0;
	s0 =	simm.s32 @!p2 $0x0  }
0x16: {  	s3 =	sld [smem:$0x3FDB];
	s0 =	simm.s32 @p2 $0x1  }
0x17: {  	s4 =	simm.s32 $0x1BF5;
	[smem:$0x3F6B] =	sst s0  }
0x18: {  	s0 =	sld [smem:$0x3F4E];
	_ =	swait.ge [sflag:s4], $0x0  }
0x19: {  	s7 =	sld [smem:$0x3F4F]  }
0x1a: {  	s8 =	sadd.s32 $0xFFFFE003, lr  }
0x1b: {  	s9 =	sadd.s32 $0xFFFFFEF7, lr;
	s5 =	simm.s32 $0xFFFFFFFF;
	p2 =	slt.u32 s8, $0xFFFFF086  }
0x1c: {  	p1 =	slt.u32 s9, $0xF7A;
	s5 =	simm.s32 @!p2 $0x0  }
0x1d: {  	s5 =	simm.s32 @p1 $0x1;
	p0 =	seq.s32 s7, s2  }
0x1e: {  	s7 =	smul.u32 @!p0 $0xF7A, s2;
	p2 =	seq.s32 @!p0 s5, $0x0  }
0x1f: {  	s9 =	smul.u32 $0xF7A, s1;
	s8 =	simm.s32 @!p0 $0x1BF5;
	p2 =	por !p2, p0  }
0x20: {  	[sflag:s8] =	ssyncset.s32 @!p0 $0xFFFFF086;
	s6 =	sadd.s32 @!p0 s3, s7;
	s7 =	simm.s32 @!p0 $0x108  }
0x21: {  	s3 =	sadd.s32 s3, s9;
	s6 =	sadd.s32 @!p0 $0x88, s6;
	s7 =	simm.s32 @p2 $0x1082  }
0x22: {  	[simem:s7], [sflag:s8] =	dma.local @!p0 [hbm:s6], $0xF7A  }
0x23: {  	s9 =	sor.u32 $0xD0000000, s2;
	s6 =	simm.s32 $0x108;
	_ =	swait.ge @!p0 [sflag:s8], $0x0  }
0x24: {  	s3 =	sadd.s32 $0x88, s3;
	s6 =	simm.s32 @!p1 $0x1082;
	[sflag:s4] =	ssyncset.s32 $0xFFFFF086  }
0x25: {  	[simem:s6], [sflag:s4] =	dma.local [hbm:s3], $0xF7A  }
0x26: {  	[smem:$0x3F4F] =	sst s1;
	(tag) =	ssettag s2;
	_ =	strace s9  }
0x27: {  	s1 =	sld [smem:$0x3F5F]  }
0x28: {  	s2 =	sld [smem:$0x3F60]  }
0x29: {  	s4 =	sld [smem:$0x3F62]  }
0x2a: {  	p0 =	seq.s32 s5, $0x0;
	s5 =	sld [smem:$0x3F63]  }
0x2b: {  	s6 =	sld [smem:$0x3F64]  }
0x2c: {  	s7 =	sld [smem:$0x3F65]  }
0x2d: {  	s3 =	simm.s32 $0x108;
	s8 =	sld [smem:$0x3F66]  }
0x2e: {  	s3 =	simm.s32 @!p0 $0x1082;
	s9 =	sld [smem:$0x3F67]  }
0x2f: {  	lr =	sadd.s32 s0, s3;
	s0 =	sld [smem:$0x3F5E]  }
0x30: {  	s3 =	sld [smem:$0x3F61]  }
0x31: {  	[smem:$0x3F6A] =	sst s10  }
0x32: {  	s10 =	sld [smem:$0x3F68];
	_ =	sdelay $0x3  }
0x33: {  	p0 =	seq.s32 s10, $0x1;
	s10 =	sld [smem:$0x3F6A];
	_ =	sdelay $0x3  }
0x34: {  	[smem:$0x3F6A] =	sst s10  }
0x35: {  	s10 =	sld [smem:$0x3F69];
	_ =	sdelay $0x3  }
0x36: {  	p1 =	seq.s32 s10, $0x1;
	s10 =	sld [smem:$0x3F6A];
	_ =	sdelay $0x3  }
0x37: {  	[smem:$0x3F6A] =	sst s10  }
0x38: {  	s10 =	sld [smem:$0x3F6B]  }
0x39: {  	_ = 	snop;
	(pc) =	sbr.ind lr, $3  }
0x3a: {  	_ = 	snop  }
0x3b: {  	_ = 	snop  }
0x3c: {  	p2 =	seq.s32 s10, $0x1;
	s10 =	sld [smem:$0x3F6A]  }
0x3d: {  	_ =	shalt  }
0x3e: {  	_ =	shalt  }
0x3f: {  	_ =	shalt  }
0x40: {  	_ =	shalt  }
0x41: {  	_ =	shalt  }
0x42: {  	_ =	shalt  }
0x43: {  	_ =	shalt  }
0x44: {  	_ =	shalt  }
0x45: {  	_ =	shalt  }
0x46: {  	_ =	shalt  }
0x47: {  	_ =	shalt  }
0x48: {  	_ =	shalt  }
0x49: {  	_ =	shalt  }
0x4a: {  	_ =	shalt  }
0x4b: {  	_ =	shalt  }
0x4c: {  	_ =	shalt  }
0x4d: {  	_ =	shalt  }
0x4e: {  	_ =	shalt  }
0x4f: {  	_ =	shalt  }
0x50: {  	_ =	shalt  }
0x51: {  	_ =	shalt  }
0x52: {  	_ =	shalt  }
0x53: {  	_ =	shalt  }
0x54: {  	_ =	shalt  }
0x55: {  	_ =	shalt  }
0x56: {  	_ =	shalt  }
0x57: {  	_ =	shalt  }
0x58: {  	_ =	shalt  }
0x59: {  	_ =	shalt  }
0x5a: {  	_ =	shalt  }
0x5b: {  	_ =	shalt  }
0x5c: {  	_ =	shalt  }
0x5d: {  	_ =	shalt  }
0x5e: {  	_ =	shalt  }
0x5f: {  	_ =	shalt  }
0x60: {  	_ =	shalt  }
0x61: {  	_ =	shalt  }
0x62: {  	_ =	shalt  }
0x63: {  	_ =	shalt  }
0x64: {  	_ =	shalt  }
0x65: {  	_ =	shalt  }
0x66: {  	_ =	shalt  }
0x67: {  	_ =	shalt  }
0x68: {  	_ =	shalt  }
0x69: {  	_ =	shalt  }
0x6a: {  	_ =	shalt  }
0x6b: {  	_ =	shalt  }
0x6c: {  	_ =	shalt  }
0x6d: {  	_ =	shalt  }
0x6e: {  	_ =	shalt  }
0x6f: {  	_ =	shalt  }
0x70: {  	_ =	shalt  }
0x71: {  	_ =	shalt  }
0x72: {  	_ =	shalt  }
0x73: {  	_ =	shalt  }
0x74: {  	_ =	shalt  }
0x75: {  	_ =	shalt  }
0x76: {  	_ =	shalt  }
0x77: {  	_ =	shalt  }
0x78: {  	_ =	shalt  }
0x79: {  	_ =	shalt  }
0x7a: {  	_ =	shalt  }
0x7b: {  	_ =	shalt  }
0x7c: {  	_ =	shalt  }
0x7d: {  	_ =	shalt  }
0x7e: {  	_ =	shalt  }
0x7f: {  	_ =	shalt  }
0x80: {  	_ =	shalt  }
0x81: {  	_ =	shalt  }
0x82: {  	_ =	shalt  }
0x83: {  	_ =	shalt  }
0x84: {  	_ =	shalt  }
0x85: {  	_ =	shalt  }
0x86: {  	_ =	shalt  }
0x87: {  	_ =	shalt  }
.Lfunc_end0:
.L_simem_size_0:
called_computation.11_lowered:
.L_overlay_start_0:
0x88: {  	s2 =	sld [smem:$0x3FD9]  }
0x89: {  	s3 =	sld [smem:$0x3FFE];
	_ =	sdelay $0x1  }
0x8a: {  	s1 =	srdreg.scid  }
0x8b: {  	s0 =	sand.u32 $0x1, s1  }
0x8c: {  	s17 =	sshll.u32 s0, $0xA;
	s2 =	sadd.s32 s3, s2  }
0x8d: {  	s2 =	sadd.s32 s2, s17  }
0x8e: {  	[smem:$0x3F76] =	sst s2  }
0x8f: {  	_ = 	snop  }
0x90: {  	(tm) =	ssettm $0x1  }
0x91: {  	s18 =	sld [smem:$0x3FFB];
	_ =	sdelay $0x3  }
0x92: {  	_ =	strace s18  }
0x93: {  	s2 =	sld [smem:$0x3FFC];
	_ =	sdelay $0x3  }
0x94: {  	_ =	strace s2  }
0x95: {  	s2 =	sld [smem:$0x3FFD];
	_ =	sdelay $0x3  }
0x96: {  	_ =	strace s2  }
0x97: {  	_ =	strace $0x8FFFFFFF  }
0x98: {  	s19 =	sld [smem:$0x3FDB];
	_ =	sdelay $0x1  }
0x99: {  	s20 =	simm.s32 $_scs_section_size  }
0x9a: {  	s4 =	simm.s32 $_size__tile_overlayer_lowered;
	s5 =	simm.s32 $_tile_overlayer_lowered  }
0x9b: {  	s6 =	simm.s32 $0x1BFF;
	s21 =	sshll.u32 s5, $0x1;
	s3 =	sadd.s32 s20, s19  }
0x9c: {  	s22 =	simm.s32 $0x0;
	s4 =	sshll.u32 s4, $0x1;
	s5 =	sadd.s32 s21, s3  }
0x9d: {  	[timem:s22], [sflag:s6] =	dma.local [hbm:s5], s4  }
0x9e: {  	_ =	swait.ge [sflag:s6], s4  }
0x9f: {  	s4 =	ssub.s32 $0x0, s4;
	[sflag:s6] =	ssyncset.done $0x0  }
0xa0: {  	[sflag:s6] =	ssyncadd.s32 s4;
	_ =	sdelay $0x1  }
0xa1: {  	s23 =	simm.s32 $0x1B8B  }
0xa2: {  	_ =	swait.ge [sflag:s23], $0x1  }
0xa3: {  	[sflag:s23] =	ssyncset.done $0x0  }
0xa4: {  	[sflag:s23] =	ssyncadd.s32 $0xFFFFFFFF  }
0xa5: {  	s4 =	sld [smem:$0x0]  }
0xa6: {  	s5 =	sand.u32 $0xFFFFFFFE, s1  }
0xa7: {  	p0 =	sne.s32 s1, s5  }
0xa8: {  	s5 =	sshll.u32 @p0 s5, $0xE  }
0xa9: {  	s5 =	sadd.s32 @p0 $0x11B8D, s5;
	s6 =	sshll.u32 @p0 s4, $0x11  }
0xaa: {  	s5 =	sor.u32 @p0 s6, s5  }
0xab: {  	[sflag:s5] =	ssyncadd.remote.s32 @p0 $0x1;
	_ =	sdelay $0x1  }
0xac: {  	s5 =	simm.s32 @p0 $0x1B8D  }
0xad: {  	_ =	swait.eq @p0 [sflag:s5], $0x1  }
0xae: {  	[sflag:s5] =	ssyncadd.s32 @p0 $0xFFFFFFFF  }
0xaf: {  	s6 =	sshll.u32 @!p0 s1, $0xE  }
0xb0: {  	s6 =	sor.u32 @!p0 $0x4000, s6;
	s5 =	simm.s32 @!p0 $0x1B8D  }
0xb1: {  	s4 =	sshll.u32 @!p0 s4, $0x11;
	s6 =	sadd.s32 @!p0 $0x11B8D, s6;
	_ =	swait.eq @!p0 [sflag:s5], $0x1  }
0xb2: {  	s4 =	sor.u32 @!p0 s4, s6;
	[sflag:s5] =	ssyncadd.s32 @!p0 $0xFFFFFFFF  }
0xb3: {  	s25 =	simm.s32 $0x1B8E;
	s24 =	sld [smem:$0x3FFE];
	[sflag:s4] =	ssyncadd.remote.s32 @!p0 $0x1  }
0xb4: {  	s26 =	simm.s32 $execute0_lowered;
	[smem:$0x3FD2] =	sst s25  }
0xb5: {  	s5 =	sshll.u32 s26, $0x1;
	_ =	strace $0x80000067;
	[dreg:$0x1] =	wrdreg $0xFFFFFFFF  }
0xb6: {  	s28 =	simm.s32 $_size_execute0_lowered;
	s3 =	sadd.s32 s3, s5;
	[dreg:$0x0] =	wrdreg $0x0  }
0xb7: {  	s5 =	sshll.u32 s28, $0x1;
	[dreg:$0x2] =	wrdreg s3  }
0xb8: {  	[dreg:$0x3] =	wrdreg s5  }
0xb9: {  	[dreg:$0x4] =	wrdreg $0xC0  }
0xba: {  	_ =	task [dreg:s22], $0x5FFFF  }
0xbb: {  	[dreg:$0x1] =	wrdreg $0xFFFFFFFF  }
0xbc: {  	[dreg:$0x0] =	wrdreg $0x60  }
0xbd: {  	[dreg:$0x2] =	wrdreg s24  }
0xbe: {  	[dreg:$0x3] =	wrdreg $0x108000  }
0xbf: {  	[dreg:$0x4] =	wrdreg $0xA  }
0xc0: {  	_ =	task.clear_ibuf [dreg:s22], $0x5FFFF;
	_ =	strace $0x90000067  }
0xc1: {  	s29 =	simm.s32 $0xA;
	_ =	strace $0x80000069  }
0xc2: {  	_ =	swait.ge [sflag:s29], $0x1  }
0xc3: {  	[sflag:s29] =	ssyncadd.s32 $0xFFFFFFFF  }
0xc4: {  	_ =	strace $0x90000069  }
0xc5: {  	_ =	sfence  }
0xc6: {  	s30 =	sld [smem:$0x0];
	_ =	sdelay $0x2  }
0xc7: {  	s31 =	sshll.u32 s1, $0xD;
	s1 =	sshrl.u32 s1, $0x2  }
0xc8: {  	s4 =	sand.u32 $0x4000, s31;
	s1 =	sadd.s32 s1, s30  }
0xc9: {  	s0 =	sor.u32 s4, s0;
	s1 =	sshll.u32 s1, $0x11  }
0xca: {  	s0 =	sor.u32 s1, s0  }
0xcb: {  	s0 =	sadd.s32 $0x8F2B, s0  }
0xcc: {  	[sflag:s0] =	ssyncadd.remote.s32 $0x1  }
0xcd: {  	_ =	sfence.sel $0xFFFF  }
0xce: {  	[dreg:$0x0] =	wrdreg $0xFFFFFFFF;
	(pc) =	sbr.abs _section_cstart, $3  }
0xcf: {  	[dreg:$0x1] =	wrdreg $0xFFFFFFFF  }
0xd0: {  	_ =	task.clear_ibuf [dreg:s22], $0x2FFFF;
	_ =	strace $0x9FFFFFFF  }
0xd1: {  	(tm) =	ssettm $0x7FFFFFFF  }
tec
execute0_lowered:
.L_overlay_start_1:
0x0: {  	(tag) =	ssettag $0x1  }
0x1: {  	s0 =	srdreg.scid  }
0x2: {  	s4 =	rddreg [dreg:$0x0];
	s5 =	sand.u32 $0x1, s0  }
0x3: {  	s0 =	stileid.u32;
	s6 =	smul.u32 $0xC40000, s5  }
0x4: {  	s2 =	rddreg [dreg:$0x1];
	s7 =	smul.u32 $0xC4000, s0  }
0x5: {  	s1 =	rddreg [dreg:$0x2];
	s8 =	smul.u32 $0xC400, s0  }
0x6: {  	s3 =	simm.s32 $0x0;
	s11 =	simm.s32 $0x400;
	s29 =	smul.u32 $0xC4000, s5  }
0x7: {  	[smem:$0x7FF] =	sst s3;
	s9 =	smul.u32 $0x1880, s0;
	s5 =	ssub.s32 $0x2, s5  }
0x8: {  	s12 =	simm.s32 $0x0;
	_ =	strace $0x80000068;
	s31 =	sshrl.u32 s5, $0x1  }
0x9: {  	s6 =	sadd.s32 s7, s6;
	s7 =	sadd.s32 s8, s29;
	s9 =	sadd.s32 s9, s4  }
0xa: {  	s6 =	sshrl.u32 s6, $0x3;
	s30 =	sshrl.u32 s7, $0x3;
	s7 =	ssub.s32 s5, s31  }
0xb: {  	s10 =	sadd.s32 s6, s4;
	s6 =	sadd.s32 s30, s4;
	s4 =	sadd.s32 s8, s2  }
0xc: {  	s8 =	sadd.s32 $0x14D000, s9;
	s9 =	simm.s32 $0x4400;
	s5 =	sadd.s32 $0x103C00, s6  }
0xd: {  	v0 =	vimm.f32 $0.0e+00;
	s6 =	smax.u32 s7, $0x1;
	s7 =	sadd.s32 $0xC03C00, s10;
	s10 =	simm.s32 $0x1  }
.LBB2_1:
0xe: {  	s13 =	simm.s32 $0x40;
	s14 =	simm.s32 $0x0  }
.LBB2_2:
0xf: {  	p0 =	sne.s32 s13, $0x30FC0;
	[tilespmem:s14+$0x4400] =	vst v0;
	s14 =	smov.u32 s13;
	s13 =	sadd.s32 $0x40, s13  }
.Ltmp0:
0x10: {  	(pc) =	sbr.rel @p0 .LBB2_2-.Ltmp0, $2  }
0x11: {  	_ =	sdelay $0x2  }
0x12: {  	s14 =	sshra.s32 s14, $0x2  }
0x13: {  	[tilespmem:s14+$0x4400] =	vst v0  }
0x14: {  	[spmem:s4] =	stream.linear.scatter [tilespmem:s9], [sflag:$0x1], $0xC400, $0x38;
	[tilespmem:$0x1CC00] =	vst v63  }
0x15: {  	_ =	swait.ge [sflag:s10], $0xC400  }
0x16: {  	[sflag:s10] =	ssyncset.done $0x0  }
0x17: {  	[sflag:s10] =	ssyncadd.s32 $0xFFFF3C00  }
0x18: {  	s13 =	sadd.s32 $0x0, s8;
	[bflag:$0x0] =	sbarrier.arrive $0xFFFF  }
0x19: {  	[tilespmem:s3], [sflag:$0x1] =	stream.linear.gather [hbm4b:s13+s3], $0x400, $0x38;
	[tilespmem:$0x1CC00] =	vst v63  }
0x1a: {  	_ =	swait.ge [sflag:s10], $0x400  }
0x1b: {  	[sflag:s10] =	ssyncset.done $0x0  }
0x1c: {  	[sflag:s10] =	ssyncadd.s32 $0xFFFFFC00  }
0x1d: {  	[tilespmem:s11], [sflag:$0x1] =	stream.linear.gather [hbm4b:s7+s3], $0x4000, $0x38;
	[tilespmem:$0x1CC00] =	vst v63  }
0x1e: {  	_ =	swait.ge [sflag:s10], $0x4000  }
0x1f: {  	[sflag:s10] =	ssyncset.done $0x0  }
0x20: {  	[sflag:s10] =	ssyncadd.s32 $0xFFFFC000  }
0x21: {  	[spmem:s2] =	stream.indirect.scatter.add.f32 [tilespmem:s11], [sflag:$0x1], $0x10, s3, s11, $0xb8;
	[tilespmem:$0x1CC00] =	vst v63  }
0x22: {  	s14 =	simm.s32 $0x80;
	_ =	swait.ge [sflag:s10], $0x4000  }
0x23: {  	s15 =	simm.s32 $0x100;
	s13 =	sadd.s32 $0x800, s7;
	[sflag:s10] =	ssyncset.done $0x0  }
.LBB2_4:
0x24: {  	s16 =	sadd.s32 s14, s8  }
0x25: {  	[sflag:s10] =	ssyncadd.s32 $0xFFFFC000;
	s14 =	smov.u32 s15;
	s17 =	sadd.s32 $0x80, s15  }
0x26: {  	[tilespmem:s3], [sflag:$0x1] =	stream.linear.gather [hbm4b:s16+s3], $0x400, $0x38;
	[tilespmem:$0x1CC00] =	vst v63  }
0x27: {  	p0 =	sne.s32 s15, $0x1800;
	_ =	swait.ge [sflag:s10], $0x400  }
0x28: {  	[sflag:s10] =	ssyncset.done $0x0  }
0x29: {  	[sflag:s10] =	ssyncadd.s32 $0xFFFFFC00  }
0x2a: {  	[tilespmem:s11], [sflag:$0x1] =	stream.linear.gather [hbm4b:s13+s3], $0x4000, $0x38;
	[tilespmem:$0x1CC00] =	vst v63  }
0x2b: {  	_ =	swait.ge [sflag:s10], $0x4000  }
.Ltmp1:
0x2c: {  	[sflag:s10] =	ssyncset.done $0x0;
	(pc) =	sbr.rel @p0 .LBB2_4-.Ltmp1, $4  }
0x2d: {  	[sflag:s10] =	ssyncadd.s32 $0xFFFFC000  }
0x2e: {  	[spmem:s2] =	stream.indirect.scatter.add.f32 [tilespmem:s11], [sflag:$0x1], $0x10, s3, s11, $0xb8;
	[tilespmem:$0x1CC00] =	vst v63  }
0x2f: {  	_ =	swait.ge [sflag:s10], $0x4000  }
0x30: {  	s15 =	smov.u32 s17;
	s13 =	sadd.s32 $0x800, s13;
	[sflag:s10] =	ssyncset.done $0x0  }
0x31: {  	s14 =	sadd.s32 s14, s8;
	[sflag:s10] =	ssyncadd.s32 $0xFFFFC000  }
0x32: {  	[tilespmem:s3], [sflag:$0x1] =	stream.linear.gather [hbm4b:s14+s3], $0x400, $0x38;
	[tilespmem:$0x1CC00] =	vst v63  }
0x33: {  	_ =	swait.ge [sflag:s10], $0x400  }
0x34: {  	[sflag:s10] =	ssyncset.done $0x0  }
0x35: {  	[sflag:s10] =	ssyncadd.s32 $0xFFFFFC00  }
0x36: {  	[tilespmem:s11], [sflag:$0x1] =	stream.linear.gather [hbm4b:s13+s3], $0x4000, $0x38;
	[tilespmem:$0x1CC00] =	vst v63  }
0x37: {  	_ =	swait.ge [sflag:s10], $0x4000  }
0x38: {  	[sflag:s10] =	ssyncset.done $0x0  }
0x39: {  	[sflag:s10] =	ssyncadd.s32 $0xFFFFC000  }
0x3a: {  	[spmem:s2] =	stream.indirect.scatter.add.f32 [tilespmem:s11], [sflag:$0x1], $0x10, s3, s11, $0xb8;
	[tilespmem:$0x1CC00] =	vst v63  }
0x3b: {  	_ =	swait.ge [sflag:s10], $0x4000  }
0x3c: {  	[sflag:s10] =	ssyncset.done $0x0  }
0x3d: {  	[sflag:s10] =	ssyncadd.s32 $0xFFFFC000  }
0x3e: {  	[bflag:$0x0] =	sbarrier.arrive $0xFFFF  }
0x3f: {  	[tilespmem:s9], [sflag:$0x1] =	stream.linear.gather [spmem:s4], $0xC400, $0x38;
	[tilespmem:$0x1CC00] =	vst v63  }
0x40: {  	s12 =	sadd.s32 $0x1, s12;
	_ =	swait.ge [sflag:s10], $0xC400  }
0x41: {  	p0 =	sne.s32 s12, s6;
	[sflag:s10] =	ssyncset.done $0x0  }
.Ltmp2:
0x42: {  	[sflag:s10] =	ssyncadd.s32 $0xFFFF3C00;
	(pc) =	sbr.rel @p0 .LBB2_1-.Ltmp2, $4  }
0x43: {  	[hbm4b:s5+s3] =	stream.linear.scatter [tilespmem:s9], [sflag:$0x1], $0xC400, $0x38;
	[tilespmem:$0x1CC00] =	vst v63  }
0x44: {  	_ =	swait.ge [sflag:s10], $0xC400  }
0x45: {  	[sflag:s10] =	ssyncset.done $0x0  }
0x46: {  	[sflag:s10] =	ssyncadd.s32 $0xFFFF3C00  }
0x47: {  	_ =	sfence.sel $0x180000  }
0x48: {  	[bflag:$0x0] =	sbarrier.arrive $0xFFFF  }
0x49: {  	p0 =	sne.s32 s0, $0x0;
	_ =	strace $0x90000068  }
0x4a: {  	s0 =	sadd.s32 @!p0 $0x100000, s1;
	[bflag:$0x2] =	sbarrier.arrive $0xFFFF  }
0x4b: {  	[sflag:s0] =	ssyncadd.tile.s32 @!p0 $0x1;
	_ =	shalt  }
.Lfunc_end2:
_tile_overlayer_lowered:
.L_overlay_start_2:
0x4c: {  	(tag) =	ssettag $0x2  }
0x4d: {  	s0 =	rddreg [dreg:$0x0];
	s2 =	stileid.u32  }
0x4e: {  	s1 =	rddreg [dreg:$0x1];
	p0 =	sne.s32 s2, $0x0  }
0x4f: {  	s3 =	rddreg [dreg:$0x2];
	[bflag:$0x3] =	sbarrier.arrive $0xFFFF;
	s2 =	simm.s32 @!p0 $0x1C01  }
0x50: {  	[timem:s3], [sflag:s2] =	dma.local @!p0 [hbm:s0], s1  }
0x51: {  	s0 =	simm.s32 @!p0 $0x1  }
0x52: {  	_ =	swait.ge @!p0 [sflag:s0], s1  }
0x53: {  	s1 =	ssub.s32 @!p0 $0x0, s1;
	[sflag:s0] =	ssyncset.done @!p0 $0x0  }
0x54: {  	[sflag:s0] =	ssyncadd.s32 @!p0 s1  }
0x55: {  	[bflag:$0x3] =	sbarrier.arrive $0xFFFF  }
0x56: {  	_ =	shalt  }

</sc_bundles>
